<compile_context>
chip_gen: v7x
topology: tpu7x:2x2x1
jax: 0.10.2.dev20260603
libtpu: 0.0.44.dev20260713+nightly
codegen_flags: <defaults>
</compile_context>

<pallas_src>
import functools

import jax
import jax.numpy as jnp
from jax import lax
from jax.experimental import pallas as pl
from jax.experimental.pallas import tpu as pltpu
from jax.experimental.pallas import tpu_sc as plsc

N = 10000
D = 128
E = 320000
NC = 2
NS = 16
LANES = 16
CK = 128
NCHUNK = 160
EPT = NCHUNK * CK
E2 = NS * EPT
GRP = 8
NGRP = 160 // GRP
BLK = 80
NBLK = N // BLK

_mesh = plsc.VectorSubcoreMesh(
    core_axis_name="c", subcore_axis_name="s", num_cores=NC, num_subcores=NS
)


@functools.partial(
    pl.kernel,
    out_type=jax.ShapeDtypeStruct((NC * NS * N,), jnp.float32),
    mesh=_mesh,
    compiler_params=pltpu.CompilerParams(needs_layout_passes=False),
    scratch_types=[
        pltpu.VMEM((NCHUNK, CK), jnp.int32),
        pltpu.VMEM((NCHUNK, CK), jnp.float32),
        pltpu.VMEM((N,), jnp.float32),
    ],
)
def _deg_kernel(row_hbm, w_hbm, out_hbm, row_v, w_v, deg_v):
    c = lax.axis_index("c")
    s = lax.axis_index("s")
    pltpu.sync_copy(row_hbm.at[c, pl.ds(s * NCHUNK, NCHUNK)], row_v)
    pltpu.sync_copy(w_hbm.at[c, pl.ds(s * NCHUNK, NCHUNK)], w_v)

    def zero_body(i, _):
        deg_v[pl.ds(i * LANES, LANES)] = jnp.zeros((LANES,), jnp.float32)
        return 0

    lax.fori_loop(0, N // LANES, zero_body, 0)

    def body(i, _):
        for k in range(CK // LANES):
            idx = row_v[i, pl.ds(k * LANES, LANES)]
            val = w_v[i, pl.ds(k * LANES, LANES)]
            plsc.addupdate_scatter(deg_v, [idx], val)
        return 0

    lax.fori_loop(0, NCHUNK, body, 0)
    base = pl.multiple_of((c * NS + s) * N, N)
    pltpu.sync_copy(deg_v, out_hbm.at[pl.ds(base, N)])


@functools.partial(
    pl.kernel,
    out_type=jax.ShapeDtypeStruct((NC, N, D), jnp.float32),
    mesh=_mesh,
    compiler_params=pltpu.CompilerParams(needs_layout_passes=False),
    scratch_types=[
        pltpu.VMEM((2, GRP, CK), jnp.int32),
        pltpu.VMEM((2, GRP, CK), jnp.int32),
        pltpu.VMEM((2, GRP, CK), jnp.float32),
        pltpu.VMEM((CK, D), jnp.float32),
        pltpu.VMEM((CK, D), jnp.float32),
        pltpu.VMEM_SHARED((N, D), jnp.float32),
        pltpu.SemaphoreType.DMA,
        pltpu.SemaphoreType.DMA,
        pltpu.SemaphoreType.DMA,
        pltpu.SemaphoreType.DMA,
        pltpu.SemaphoreType.DMA,
    ],
)
def _agg_kernel(g_hbm, row_hbm, col_hbm, w_hbm, out_hbm,
                row_v, col_v, w_v, buf_a, buf_b, acc_sh,
                gsem_a, gsem_b, ssem_a, ssem_b, isem):
    c = lax.axis_index("c")
    s = lax.axis_index("s")
    ebase = s * NCHUNK

    def stage(gidx, sel):
        g0 = ebase + gidx * GRP
        pltpu.async_copy(row_hbm.at[c, pl.ds(g0, GRP)], row_v.at[sel], isem)
        pltpu.async_copy(col_hbm.at[c, pl.ds(g0, GRP)], col_v.at[sel], isem)
        pltpu.async_copy(w_hbm.at[c, pl.ds(g0, GRP)], w_v.at[sel], isem)

    def drain_stage(gidx, sel):
        g0 = ebase + gidx * GRP
        pltpu.make_async_copy(row_hbm.at[c, pl.ds(g0, GRP)], row_v.at[sel], isem).wait()
        pltpu.make_async_copy(col_hbm.at[c, pl.ds(g0, GRP)], col_v.at[sel], isem).wait()
        pltpu.make_async_copy(w_hbm.at[c, pl.ds(g0, GRP)], w_v.at[sel], isem).wait()

    def gather(gidx, jj, buf, sem):
        pltpu.async_copy(g_hbm.at[c].at[col_v.at[gidx, jj]], buf, sem)

    def gather_wait(gidx, jj, buf, sem):
        pltpu.make_async_copy(g_hbm.at[c].at[col_v.at[gidx, jj]], buf, sem).wait()

    def zbuf_body(i, _):
        for k in range(D // LANES):
            buf_a[i, pl.ds(k * LANES, LANES)] = jnp.zeros((LANES,), jnp.float32)
        return 0

    lax.fori_loop(0, BLK, zbuf_body, 0)
    for k in range((NBLK + NS - 1) // NS):
        b = k * NS + s

        @pl.when(b < NBLK)
        def _():
            r0 = pl.multiple_of(b * BLK, BLK)
            pltpu.sync_copy(buf_a.at[pl.ds(0, BLK)], acc_sh.at[pl.ds(r0, BLK)])

    plsc.subcore_barrier()

    stage(0, 0)
    drain_stage(0, 0)
    gather(0, 0, buf_a, gsem_a)

    def half_body(i, _):
        for par, (buf, gsem, ssem, obuf, ogsem, ossem) in enumerate((
            (buf_a, gsem_a, ssem_a, buf_b, gsem_b, ssem_b),
            (buf_b, gsem_b, ssem_b, buf_a, gsem_a, ssem_a),
        )):
            j = 2 * i + par
            gi = j // GRP
            sel = gi % 2
            jj = j % GRP
            j1 = j + 1

            @pl.when(j1 < NCHUNK)
            def _():
                @pl.when(j >= 1)
                def _():
                    pltpu.make_async_copy(
                        obuf, acc_sh.at[row_v.at[0, 0]], ossem
                    ).wait()

                gi1 = j1 // GRP
                sel1 = gi1 % 2
                jj1 = j1 % GRP

                @pl.when(jj1 == 0)
                def _():
                    drain_stage(gi1, sel1)

                gather(sel1, jj1, obuf, ogsem)

            @pl.when(jnp.logical_and(jj == 0, gi + 1 < NGRP))
            def _():
                stage(gi + 1, (gi + 1) % 2)

            gather_wait(sel, jj, buf, gsem)

            def scale_body(grp, _):
                w16 = w_v[sel, jj, pl.ds(grp * LANES, LANES)]
                for lane in range(LANES):
                    ws = w16[lane]
                    e = grp * LANES + lane
                    for k in range(D // LANES):
                        buf[e, pl.ds(k * LANES, LANES)] = (
                            buf[e, pl.ds(k * LANES, LANES)] * ws
                        )
                return 0

            lax.fori_loop(0, CK // LANES, scale_body, 0)
            pltpu.async_copy(buf, acc_sh.at[row_v.at[sel, jj]], ssem, add=True)

        return 0

    lax.fori_loop(0, NCHUNK // 2, half_body, 0)
    pltpu.make_async_copy(buf_a, acc_sh.at[row_v.at[0, 0]], ssem_a).wait()
    pltpu.make_async_copy(buf_b, acc_sh.at[row_v.at[0, 0]], ssem_b).wait()
    plsc.subcore_barrier()

    for k in range((NBLK + NS - 1) // NS):
        b = k * NS + s

        @pl.when(b < NBLK)
        def _():
            r0 = pl.multiple_of(b * BLK, BLK)
            pltpu.sync_copy(acc_sh.at[pl.ds(r0, BLK)], buf_a.at[pl.ds(0, BLK)])
            pltpu.sync_copy(buf_a.at[pl.ds(0, BLK)], out_hbm.at[c, pl.ds(r0, BLK)])


def _prep_body(x_ref, w_ref, degp_ref, g_ref, dinv_ref):
    deg = jnp.sum(degp_ref[0], axis=0) + 1.0
    dinv = lax.rsqrt(deg)
    h = jnp.dot(x_ref[0], w_ref[0], preferred_element_type=jnp.float32)
    g_ref[0] = h * dinv[:, None]
    dinv_ref[0] = dinv[:, None]


def _fin_body(s_ref, g_ref, dinv_ref, b_ref, o_ref):
    o_ref[0] = jnp.maximum(dinv_ref[0] * (s_ref[0] + g_ref[0]) + b_ref[0], 0.0)


def _prep_call(x, w, degp):
    return pl.pallas_call(
        _prep_body,
        grid=(NC,),
        in_specs=[
            pl.BlockSpec((1, N, D), lambda i: (i, 0, 0)),
            pl.BlockSpec((1, D, D), lambda i: (i, 0, 0)),
            pl.BlockSpec((1, NS, N), lambda i: (i, 0, 0)),
        ],
        out_specs=[
            pl.BlockSpec((1, N, D), lambda i: (i, 0, 0)),
            pl.BlockSpec((1, N, 1), lambda i: (i, 0, 0)),
        ],
        out_shape=[
            jax.ShapeDtypeStruct((NC, N, D), jnp.float32),
            jax.ShapeDtypeStruct((NC, N, 1), jnp.float32),
        ],
    )(x, w, degp)


def _fin_call(s, g, dinv, b):
    return pl.pallas_call(
        _fin_body,
        grid=(NC,),
        in_specs=[
            pl.BlockSpec((1, N, D), lambda i: (i, 0, 0)),
            pl.BlockSpec((1, N, D), lambda i: (i, 0, 0)),
            pl.BlockSpec((1, N, 1), lambda i: (i, 0, 0)),
            pl.BlockSpec((1, 1, D), lambda i: (i, 0, 0)),
        ],
        out_specs=pl.BlockSpec((1, N, D), lambda i: (i, 0, 0)),
        out_shape=jax.ShapeDtypeStruct((NC, N, D), jnp.float32),
    )(s, g, dinv, b)


def kernel(user_x, user_edge_index, user_edge_weight,
           item_x, item_edge_index, item_edge_weight, Wu, bu, Wi, bi):
    row = jnp.stack([user_edge_index[0], item_edge_index[0]]).astype(jnp.int32)
    col = jnp.stack([user_edge_index[1], item_edge_index[1]]).astype(jnp.int32)
    w = jnp.stack([user_edge_weight, item_edge_weight]).astype(jnp.float32)
    pad = E2 - E
    row2 = jnp.pad(row, ((0, 0), (0, pad))).reshape(NC, NS * NCHUNK, CK)
    col2 = jnp.pad(col, ((0, 0), (0, pad))).reshape(NC, NS * NCHUNK, CK)
    w2 = jnp.pad(w, ((0, 0), (0, pad))).reshape(NC, NS * NCHUNK, CK)

    x = jnp.stack([user_x, item_x])
    wmat = jnp.stack([Wu, Wi])
    bias = jnp.stack([bu, bi])[:, None, :]

    degp = _deg_kernel(row2, w2).reshape(NC, NS, N)
    g, dinv = _prep_call(x, wmat, degp)
    s = _agg_kernel(g, row2, col2, w2)
    out = _fin_call(s, g, dinv, bias)
    return (out[0], out[1])

# --- scband reference (transcript-rebuilt; emitter-appended) ---
"""Pipeline reference for scband-uigcn-83202106458211 (READ-ONLY COPY).

The authoritative reference and input builder live on the scoring server;
editing this copy changes nothing except your own understanding.
"""

import jax, jax.numpy as jnp
import numpy as np

NUM_USERS = 10000
NUM_ITEMS = 10000
D_FEAT = 128
EMB_DIM = 128
E_U = 320000
E_I = 320000


def setup_inputs(seed: int = 0) -> dict:
    key = jax.random.key(seed)
    ks = jax.random.split(key, 10)
    user_x = jax.random.normal(ks[0], (NUM_USERS, D_FEAT), dtype=jnp.float32)
    user_edge_index = jax.random.randint(ks[1], (2, E_U), 0, NUM_USERS, dtype=jnp.int64)
    user_edge_weight = jax.random.uniform(ks[2], (E_U,), dtype=jnp.float32)
    item_x = jax.random.normal(ks[3], (NUM_ITEMS, D_FEAT), dtype=jnp.float32)
    item_edge_index = jax.random.randint(ks[4], (2, E_I), 0, NUM_ITEMS, dtype=jnp.int64)
    item_edge_weight = jax.random.uniform(ks[5], (E_I,), dtype=jnp.float32)
    Wu = jax.random.normal(ks[6], (D_FEAT, EMB_DIM), dtype=jnp.float32) * (1.0 / np.sqrt(D_FEAT))
    bu = jnp.zeros((EMB_DIM,), dtype=jnp.float32)
    Wi = jax.random.normal(ks[7], (D_FEAT, EMB_DIM), dtype=jnp.float32) * (1.0 / np.sqrt(D_FEAT))
    bi = jnp.zeros((EMB_DIM,), dtype=jnp.float32)
    return {
        "user_x": user_x,
        "user_edge_index": user_edge_index,
        "user_edge_weight": user_edge_weight,
        "item_x": item_x,
        "item_edge_index": item_edge_index,
        "item_edge_weight": item_edge_weight,
        "Wu": Wu,
        "bu": bu,
        "Wi": Wi,
        "bi": bi,
    }


def _gcn_layer(x, edge_index, edge_weight, W, b, num_nodes):
    # tf_geometric-style GCN with renormalization trick: add self-loops,
    # symmetric degree normalization, then aggregate transformed features.
    row = edge_index[0]
    col = edge_index[1]
    loop = jnp.arange(num_nodes, dtype=row.dtype)
    row = jnp.concatenate([row, loop])
    col = jnp.concatenate([col, loop])
    w = jnp.concatenate([edge_weight, jnp.ones((num_nodes,), dtype=edge_weight.dtype)])
    deg = jax.ops.segment_sum(w, row, num_segments=num_nodes)
    dinv = jnp.where(deg > 0, jax.lax.rsqrt(jnp.maximum(deg, 1e-12)), 0.0)
    norm = dinv[row] * w * dinv[col]
    h = x @ W  # linear transform first (fewer flops when emb_dim <= d_feat)
    msg = jnp.take(h, col, axis=0) * norm[:, None]  # gather
    agg = jax.ops.segment_sum(msg, row, num_segments=num_nodes)  # scatter-add
    return jax.nn.relu(agg + b)


def reference(user_x, user_edge_index, user_edge_weight, item_x, item_edge_index, item_edge_weight, Wu, bu, Wi, bi):
    # Dropout is identity at inference (training=None)
    user_h = _gcn_layer(user_x, user_edge_index, user_edge_weight, Wu, bu, NUM_USERS)
    item_h = _gcn_layer(item_x, item_edge_index, item_edge_weight, Wi, bi, NUM_ITEMS)
    return (user_h, item_h)

if __name__ == "__main__":
    import jax
    _d = setup_inputs()
    print(jax.jit(kernel)(*tuple(_d.values())))

</pallas_src>

<mosaic_0001>
#map = affine_map<(d0, d1) -> (0, 0, 0)>
#map1 = affine_map<(d0, d1) -> (0)>
module attributes {stable_mosaic.version = 14 : i64} {
  func.func @_deg_kernel(%arg0: i32, %arg1: i32, %arg2: memref<2x2560x128xi32, #tpu.memory_space<hbm>>, %arg3: memref<2x2560x128xf32, #tpu.memory_space<hbm>>, %arg4: memref<320000xf32, #tpu.memory_space<hbm>>, %arg5: memref<160x128xi32, #tpu.memory_space<vmem>>, %arg6: memref<160x128xf32, #tpu.memory_space<vmem>>, %arg7: memref<10000xf32, #tpu.memory_space<vmem>>) attributes {dimension_semantics = [#tpu.dimension_semantics<core_parallel>, #tpu.dimension_semantics<subcore_parallel>], iteration_bounds = array<i64: 2, 16>, scalar_prefetch = 0 : i64, scratch_operands = 3 : i64, tpu.core_type = #tpu.core_type<sc_vector_subcore>, window_params = [{transform_indices = #map}, {transform_indices = #map}, {transform_indices = #map1}]} {
    %mul3A = arith.constant 160 : i32
    %mul3A_0 = arith.muli %arg1, %mul3A : i32
    "tpu.region"() ({
      %run_scoped3A = tpu.sem_alloc : memref<!tpu.dma_semaphore, #tpu.memory_space<semaphore_mem>>
      %dma_start3A = arith.constant 0 : i32
      %dma_start3A_20 = tpu.memref_slice %arg2[%arg0, %mul3A_0, %dma_start3A] : memref<2x2560x128xi32, #tpu.memory_space<hbm>> -> memref<1x160x128xi32, #tpu.memory_space<hbm>>
      %dma_start3A_21 = tpu.memref_squeeze %dma_start3A_20 : memref<1x160x128xi32, #tpu.memory_space<hbm>> -> memref<160x128xi32, #tpu.memory_space<hbm>>
      %dma_start3A_22 = arith.constant 0 : i32
      %dma_start3A_23 = tpu.memref_slice %arg2[%arg0, %mul3A_0, %dma_start3A_22] : memref<2x2560x128xi32, #tpu.memory_space<hbm>> -> memref<1x160x128xi32, #tpu.memory_space<hbm>>
      %dma_start3A_24 = tpu.memref_squeeze %dma_start3A_23 : memref<1x160x128xi32, #tpu.memory_space<hbm>> -> memref<160x128xi32, #tpu.memory_space<hbm>>
      tpu.enqueue_dma source(%dma_start3A_24 : memref<160x128xi32, #tpu.memory_space<hbm>>) target(%arg5 : memref<160x128xi32, #tpu.memory_space<vmem>>) target_semaphore(%run_scoped3A : memref<!tpu.dma_semaphore, #tpu.memory_space<semaphore_mem>>)
      %dma_wait3A = arith.constant 0 : i32
      %dma_wait3A_25 = tpu.memref_slice %arg2[%arg0, %mul3A_0, %dma_wait3A] : memref<2x2560x128xi32, #tpu.memory_space<hbm>> -> memref<1x160x128xi32, #tpu.memory_space<hbm>>
      %dma_wait3A_26 = tpu.memref_squeeze %dma_wait3A_25 : memref<1x160x128xi32, #tpu.memory_space<hbm>> -> memref<160x128xi32, #tpu.memory_space<hbm>>
      %dma_wait3A_27 = arith.constant 0 : i32
      %dma_wait3A_28 = tpu.memref_slice %arg2[%arg0, %mul3A_0, %dma_wait3A_27] : memref<2x2560x128xi32, #tpu.memory_space<hbm>> -> memref<1x160x128xi32, #tpu.memory_space<hbm>>
      %dma_wait3A_29 = tpu.memref_squeeze %dma_wait3A_28 : memref<1x160x128xi32, #tpu.memory_space<hbm>> -> memref<160x128xi32, #tpu.memory_space<hbm>>
      tpu.wait_dma2 semaphore(%run_scoped3A : memref<!tpu.dma_semaphore, #tpu.memory_space<semaphore_mem>>) src(%dma_wait3A_29 : memref<160x128xi32, #tpu.memory_space<hbm>>) dst(%arg5 : memref<160x128xi32, #tpu.memory_space<vmem>>)
      tpu.yield
    }) : () -> ()
    %mul3A_1 = arith.constant 160 : i32
    %mul3A_2 = arith.muli %arg1, %mul3A_1 : i32
    "tpu.region"() ({
      %run_scoped3A = tpu.sem_alloc : memref<!tpu.dma_semaphore, #tpu.memory_space<semaphore_mem>>
      %dma_start3A = arith.constant 0 : i32
      %dma_start3A_20 = tpu.memref_slice %arg3[%arg0, %mul3A_2, %dma_start3A] : memref<2x2560x128xf32, #tpu.memory_space<hbm>> -> memref<1x160x128xf32, #tpu.memory_space<hbm>>
      %dma_start3A_21 = tpu.memref_squeeze %dma_start3A_20 : memref<1x160x128xf32, #tpu.memory_space<hbm>> -> memref<160x128xf32, #tpu.memory_space<hbm>>
      %dma_start3A_22 = arith.constant 0 : i32
      %dma_start3A_23 = tpu.memref_slice %arg3[%arg0, %mul3A_2, %dma_start3A_22] : memref<2x2560x128xf32, #tpu.memory_space<hbm>> -> memref<1x160x128xf32, #tpu.memory_space<hbm>>
      %dma_start3A_24 = tpu.memref_squeeze %dma_start3A_23 : memref<1x160x128xf32, #tpu.memory_space<hbm>> -> memref<160x128xf32, #tpu.memory_space<hbm>>
      tpu.enqueue_dma source(%dma_start3A_24 : memref<160x128xf32, #tpu.memory_space<hbm>>) target(%arg6 : memref<160x128xf32, #tpu.memory_space<vmem>>) target_semaphore(%run_scoped3A : memref<!tpu.dma_semaphore, #tpu.memory_space<semaphore_mem>>)
      %dma_wait3A = arith.constant 0 : i32
      %dma_wait3A_25 = tpu.memref_slice %arg3[%arg0, %mul3A_2, %dma_wait3A] : memref<2x2560x128xf32, #tpu.memory_space<hbm>> -> memref<1x160x128xf32, #tpu.memory_space<hbm>>
      %dma_wait3A_26 = tpu.memref_squeeze %dma_wait3A_25 : memref<1x160x128xf32, #tpu.memory_space<hbm>> -> memref<160x128xf32, #tpu.memory_space<hbm>>
      %dma_wait3A_27 = arith.constant 0 : i32
      %dma_wait3A_28 = tpu.memref_slice %arg3[%arg0, %mul3A_2, %dma_wait3A_27] : memref<2x2560x128xf32, #tpu.memory_space<hbm>> -> memref<1x160x128xf32, #tpu.memory_space<hbm>>
      %dma_wait3A_29 = tpu.memref_squeeze %dma_wait3A_28 : memref<1x160x128xf32, #tpu.memory_space<hbm>> -> memref<160x128xf32, #tpu.memory_space<hbm>>
      tpu.wait_dma2 semaphore(%run_scoped3A : memref<!tpu.dma_semaphore, #tpu.memory_space<semaphore_mem>>) src(%dma_wait3A_29 : memref<160x128xf32, #tpu.memory_space<hbm>>) dst(%arg6 : memref<160x128xf32, #tpu.memory_space<vmem>>)
      tpu.yield
    }) : () -> ()
    %scan3A = arith.constant 0 : i32
    %scan3A_3 = arith.constant 0 : i32
    %scan3A_4 = arith.constant 625 : i32
    %scan3A_5 = arith.addi %scan3A_3, %scan3A_4 : i32
    %scan3A_6 = arith.constant 1 : i32
    %scan3A_7 = scf.for %scan3A_20 = %scan3A_3 to %scan3A_5 step %scan3A_6 iter_args(%scan3A_21 = %scan3A) -> (i32)  : i32 {
      %broadcast_in_dim3A = arith.constant 0.000000e+00 : f32
      %broadcast_in_dim3A_22 = vector.broadcast %broadcast_in_dim3A : f32 to vector<16xf32>
      %mul3A_23 = arith.constant 16 : i32
      %mul3A_24 = arith.muli %scan3A_20, %mul3A_23 : i32
      %swap3A = arith.index_cast %mul3A_24 : i32 to index
      %swap3A_25 = tpu.vector_load %arg7[%swap3A] {strides = array<i32>} : memref<10000xf32, #tpu.memory_space<vmem>>, vector<16xf32>,
      tpu.vector_store %arg7[%swap3A], %broadcast_in_dim3A_22 {strides = array<i32>} : memref<10000xf32, #tpu.memory_space<vmem>>, vector<16xf32>,
      %scan3A_26 = arith.constant 0 : i32
      scf.yield %scan3A_26 : i32
    }
    %scan3A_8 = arith.constant 625 : i32
    %scan3A_9 = arith.constant 0 : i32
    %scan3A_10 = arith.constant 0 : i32
    %scan3A_11 = arith.constant 160 : i32
    %scan3A_12 = arith.addi %scan3A_10, %scan3A_11 : i32
    %scan3A_13 = arith.constant 1 : i32
    %scan3A_14 = scf.for %scan3A_20 = %scan3A_10 to %scan3A_12 step %scan3A_13 iter_args(%scan3A_21 = %scan3A_9) -> (i32)  : i32 {
      %get3A = arith.index_cast %scan3A_20 : i32 to index
      %get3A_22 = arith.constant 0 : index
      %get3A_23 = tpu.vector_load %arg5[%get3A, %get3A_22] {strides = array<i32>} : memref<160x128xi32, #tpu.memory_space<vmem>>, vector<16xi32>,
      %get3A_24 = arith.index_cast %scan3A_20 : i32 to index
      %get3A_25 = arith.constant 0 : index
      %get3A_26 = tpu.vector_load %arg6[%get3A_24, %get3A_25] {strides = array<i32>} : memref<160x128xf32, #tpu.memory_space<vmem>>, vector<16xf32>,
      tpu.vector_store_idx %arg7[%get3A_23], %get3A_26 {add = true} : memref<10000xf32, #tpu.memory_space<vmem>>[vector<16xi32>], vector<16xf32>,
      %get3A_27 = arith.index_cast %scan3A_20 : i32 to index
      %get3A_28 = arith.constant 16 : index
      %get3A_29 = tpu.vector_load %arg5[%get3A_27, %get3A_28] {strides = array<i32>} : memref<160x128xi32, #tpu.memory_space<vmem>>, vector<16xi32>,
      %get3A_30 = arith.index_cast %scan3A_20 : i32 to index
      %get3A_31 = arith.constant 16 : index
      %get3A_32 = tpu.vector_load %arg6[%get3A_30, %get3A_31] {strides = array<i32>} : memref<160x128xf32, #tpu.memory_space<vmem>>, vector<16xf32>,
      tpu.vector_store_idx %arg7[%get3A_29], %get3A_32 {add = true} : memref<10000xf32, #tpu.memory_space<vmem>>[vector<16xi32>], vector<16xf32>,
      %get3A_33 = arith.index_cast %scan3A_20 : i32 to index
      %get3A_34 = arith.constant 32 : index
      %get3A_35 = tpu.vector_load %arg5[%get3A_33, %get3A_34] {strides = array<i32>} : memref<160x128xi32, #tpu.memory_space<vmem>>, vector<16xi32>,
      %get3A_36 = arith.index_cast %scan3A_20 : i32 to index
      %get3A_37 = arith.constant 32 : index
      %get3A_38 = tpu.vector_load %arg6[%get3A_36, %get3A_37] {strides = array<i32>} : memref<160x128xf32, #tpu.memory_space<vmem>>, vector<16xf32>,
      tpu.vector_store_idx %arg7[%get3A_35], %get3A_38 {add = true} : memref<10000xf32, #tpu.memory_space<vmem>>[vector<16xi32>], vector<16xf32>,
      %get3A_39 = arith.index_cast %scan3A_20 : i32 to index
      %get3A_40 = arith.constant 48 : index
      %get3A_41 = tpu.vector_load %arg5[%get3A_39, %get3A_40] {strides = array<i32>} : memref<160x128xi32, #tpu.memory_space<vmem>>, vector<16xi32>,
      %get3A_42 = arith.index_cast %scan3A_20 : i32 to index
      %get3A_43 = arith.constant 48 : index
      %get3A_44 = tpu.vector_load %arg6[%get3A_42, %get3A_43] {strides = array<i32>} : memref<160x128xf32, #tpu.memory_space<vmem>>, vector<16xf32>,
      tpu.vector_store_idx %arg7[%get3A_41], %get3A_44 {add = true} : memref<10000xf32, #tpu.memory_space<vmem>>[vector<16xi32>], vector<16xf32>,
      %get3A_45 = arith.index_cast %scan3A_20 : i32 to index
      %get3A_46 = arith.constant 64 : index
      %get3A_47 = tpu.vector_load %arg5[%get3A_45, %get3A_46] {strides = array<i32>} : memref<160x128xi32, #tpu.memory_space<vmem>>, vector<16xi32>,
      %get3A_48 = arith.index_cast %scan3A_20 : i32 to index
      %get3A_49 = arith.constant 64 : index
      %get3A_50 = tpu.vector_load %arg6[%get3A_48, %get3A_49] {strides = array<i32>} : memref<160x128xf32, #tpu.memory_space<vmem>>, vector<16xf32>,
      tpu.vector_store_idx %arg7[%get3A_47], %get3A_50 {add = true} : memref<10000xf32, #tpu.memory_space<vmem>>[vector<16xi32>], vector<16xf32>,
      %get3A_51 = arith.index_cast %scan3A_20 : i32 to index
      %get3A_52 = arith.constant 80 : index
      %get3A_53 = tpu.vector_load %arg5[%get3A_51, %get3A_52] {strides = array<i32>} : memref<160x128xi32, #tpu.memory_space<vmem>>, vector<16xi32>,
      %get3A_54 = arith.index_cast %scan3A_20 : i32 to index
      %get3A_55 = arith.constant 80 : index
      %get3A_56 = tpu.vector_load %arg6[%get3A_54, %get3A_55] {strides = array<i32>} : memref<160x128xf32, #tpu.memory_space<vmem>>, vector<16xf32>,
      tpu.vector_store_idx %arg7[%get3A_53], %get3A_56 {add = true} : memref<10000xf32, #tpu.memory_space<vmem>>[vector<16xi32>], vector<16xf32>,
      %get3A_57 = arith.index_cast %scan3A_20 : i32 to index
      %get3A_58 = arith.constant 96 : index
      %get3A_59 = tpu.vector_load %arg5[%get3A_57, %get3A_58] {strides = array<i32>} : memref<160x128xi32, #tpu.memory_space<vmem>>, vector<16xi32>,
      %get3A_60 = arith.index_cast %scan3A_20 : i32 to index
      %get3A_61 = arith.constant 96 : index
      %get3A_62 = tpu.vector_load %arg6[%get3A_60, %get3A_61] {strides = array<i32>} : memref<160x128xf32, #tpu.memory_space<vmem>>, vector<16xf32>,
      tpu.vector_store_idx %arg7[%get3A_59], %get3A_62 {add = true} : memref<10000xf32, #tpu.memory_space<vmem>>[vector<16xi32>], vector<16xf32>,
      %get3A_63 = arith.index_cast %scan3A_20 : i32 to index
      %get3A_64 = arith.constant 112 : index
      %get3A_65 = tpu.vector_load %arg5[%get3A_63, %get3A_64] {strides = array<i32>} : memref<160x128xi32, #tpu.memory_space<vmem>>, vector<16xi32>,
      %get3A_66 = arith.index_cast %scan3A_20 : i32 to index
      %get3A_67 = arith.constant 112 : index
      %get3A_68 = tpu.vector_load %arg6[%get3A_66, %get3A_67] {strides = array<i32>} : memref<160x128xf32, #tpu.memory_space<vmem>>, vector<16xf32>,
      tpu.vector_store_idx %arg7[%get3A_65], %get3A_68 {add = true} : memref<10000xf32, #tpu.memory_space<vmem>>[vector<16xi32>], vector<16xf32>,
      %scan3A_69 = arith.constant 0 : i32
      scf.yield %scan3A_69 : i32
    }
    %scan3A_15 = arith.constant 160 : i32
    %mul3A_16 = arith.constant 16 : i32
    %mul3A_17 = arith.muli %arg0, %mul3A_16 : i32
    %add3A = arith.addi %mul3A_17, %arg1 : i32
    %mul3A_18 = arith.constant 10000 : i32
    %mul3A_19 = arith.muli %add3A, %mul3A_18 : i32
    %multiple_of3A = tpu.assume_multiple %mul3A_19, 10000 : i32
    "tpu.region"() ({
      %run_scoped3A = tpu.sem_alloc : memref<!tpu.dma_semaphore, #tpu.memory_space<semaphore_mem>>
      %dma_start3A = tpu.memref_slice %arg4[%multiple_of3A] : memref<320000xf32, #tpu.memory_space<hbm>> -> memref<10000xf32, #tpu.memory_space<hbm>>
      %dma_start3A_20 = tpu.memref_slice %arg4[%multiple_of3A] : memref<320000xf32, #tpu.memory_space<hbm>> -> memref<10000xf32, #tpu.memory_space<hbm>>
      tpu.enqueue_dma source(%arg7 : memref<10000xf32, #tpu.memory_space<vmem>>) target(%dma_start3A_20 : memref<10000xf32, #tpu.memory_space<hbm>>) target_semaphore(%run_scoped3A : memref<!tpu.dma_semaphore, #tpu.memory_space<semaphore_mem>>)
      %dma_wait3A = tpu.memref_slice %arg4[%multiple_of3A] : memref<320000xf32, #tpu.memory_space<hbm>> -> memref<10000xf32, #tpu.memory_space<hbm>>
      %dma_wait3A_21 = tpu.memref_slice %arg4[%multiple_of3A] : memref<320000xf32, #tpu.memory_space<hbm>> -> memref<10000xf32, #tpu.memory_space<hbm>>
      tpu.wait_dma2 semaphore(%run_scoped3A : memref<!tpu.dma_semaphore, #tpu.memory_space<semaphore_mem>>) src(%arg7 : memref<10000xf32, #tpu.memory_space<vmem>>) dst(%dma_wait3A_21 : memref<10000xf32, #tpu.memory_space<hbm>>)
      tpu.yield
    }) : () -> ()
    return
  }
}

#map = affine_map<(d0, d1) -> (0, 0, 0)>
module attributes {stable_mosaic.version = 14 : i64} {
  func.func @_agg_kernel(%arg0: i32, %arg1: i32, %arg2: memref<2x10000x128xf32, #tpu.memory_space<hbm>>, %arg3: memref<2x2560x128xi32, #tpu.memory_space<hbm>>, %arg4: memref<2x2560x128xi32, #tpu.memory_space<hbm>>, %arg5: memref<2x2560x128xf32, #tpu.memory_space<hbm>>, %arg6: memref<2x10000x128xf32, #tpu.memory_space<hbm>>, %arg7: memref<2x8x128xi32, #tpu.memory_space<vmem>>, %arg8: memref<2x8x128xi32, #tpu.memory_space<vmem>>, %arg9: memref<2x8x128xf32, #tpu.memory_space<vmem>>, %arg10: memref<128x128xf32, #tpu.memory_space<vmem>>, %arg11: memref<128x128xf32, #tpu.memory_space<vmem>>, %arg12: memref<10000x128xf32, #tpu.memory_space<vmem_shared>>, %arg13: memref<!tpu.dma_semaphore, #tpu.memory_space<semaphore_mem>>, %arg14: memref<!tpu.dma_semaphore, #tpu.memory_space<semaphore_mem>>, %arg15: memref<!tpu.dma_semaphore, #tpu.memory_space<semaphore_mem>>, %arg16: memref<!tpu.dma_semaphore, #tpu.memory_space<semaphore_mem>>, %arg17: memref<!tpu.dma_semaphore, #tpu.memory_space<semaphore_mem>>) attributes {dimension_semantics = [#tpu.dimension_semantics<core_parallel>, #tpu.dimension_semantics<subcore_parallel>], iteration_bounds = array<i64: 2, 16>, scalar_prefetch = 0 : i64, scratch_operands = 11 : i64, tpu.core_type = #tpu.core_type<sc_vector_subcore>, window_params = [{transform_indices = #map}, {transform_indices = #map}, {transform_indices = #map}, {transform_indices = #map}, {transform_indices = #map}]} {
    %mul3A = arith.constant 160 : i32
    %mul3A_0 = arith.muli %arg1, %mul3A : i32
    %scan3A = arith.constant 0 : i32
    %scan3A_1 = arith.constant 0 : i32
    %scan3A_2 = arith.constant 80 : i32
    %scan3A_3 = arith.addi %scan3A_1, %scan3A_2 : i32
    %scan3A_4 = arith.constant 1 : i32
    %scan3A_5 = scf.for %scan3A_243 = %scan3A_1 to %scan3A_3 step %scan3A_4 iter_args(%scan3A_244 = %scan3A) -> (i32)  : i32 {
      %broadcast_in_dim3A = arith.constant 0.000000e+00 : f32
      %broadcast_in_dim3A_245 = vector.broadcast %broadcast_in_dim3A : f32 to vector<16xf32>
      %swap3A = arith.index_cast %scan3A_243 : i32 to index
      %swap3A_246 = arith.constant 0 : index
      %swap3A_247 = tpu.vector_load %arg10[%swap3A, %swap3A_246] {strides = array<i32>} : memref<128x128xf32, #tpu.memory_space<vmem>>, vector<16xf32>,
      tpu.vector_store %arg10[%swap3A, %swap3A_246], %broadcast_in_dim3A_245 {strides = array<i32>} : memref<128x128xf32, #tpu.memory_space<vmem>>, vector<16xf32>,
      %broadcast_in_dim3A_248 = arith.constant 0.000000e+00 : f32
      %broadcast_in_dim3A_249 = vector.broadcast %broadcast_in_dim3A_248 : f32 to vector<16xf32>
      %swap3A_250 = arith.index_cast %scan3A_243 : i32 to index
      %swap3A_251 = arith.constant 16 : index
      %swap3A_252 = tpu.vector_load %arg10[%swap3A_250, %swap3A_251] {strides = array<i32>} : memref<128x128xf32, #tpu.memory_space<vmem>>, vector<16xf32>,
      tpu.vector_store %arg10[%swap3A_250, %swap3A_251], %broadcast_in_dim3A_249 {strides = array<i32>} : memref<128x128xf32, #tpu.memory_space<vmem>>, vector<16xf32>,
      %broadcast_in_dim3A_253 = arith.constant 0.000000e+00 : f32
      %broadcast_in_dim3A_254 = vector.broadcast %broadcast_in_dim3A_253 : f32 to vector<16xf32>
      %swap3A_255 = arith.index_cast %scan3A_243 : i32 to index
      %swap3A_256 = arith.constant 32 : index
      %swap3A_257 = tpu.vector_load %arg10[%swap3A_255, %swap3A_256] {strides = array<i32>} : memref<128x128xf32, #tpu.memory_space<vmem>>, vector<16xf32>,
      tpu.vector_store %arg10[%swap3A_255, %swap3A_256], %broadcast_in_dim3A_254 {strides = array<i32>} : memref<128x128xf32, #tpu.memory_space<vmem>>, vector<16xf32>,
      %broadcast_in_dim3A_258 = arith.constant 0.000000e+00 : f32
      %broadcast_in_dim3A_259 = vector.broadcast %broadcast_in_dim3A_258 : f32 to vector<16xf32>
      %swap3A_260 = arith.index_cast %scan3A_243 : i32 to index
      %swap3A_261 = arith.constant 48 : index
      %swap3A_262 = tpu.vector_load %arg10[%swap3A_260, %swap3A_261] {strides = array<i32>} : memref<128x128xf32, #tpu.memory_space<vmem>>, vector<16xf32>,
      tpu.vector_store %arg10[%swap3A_260, %swap3A_261], %broadcast_in_dim3A_259 {strides = array<i32>} : memref<128x128xf32, #tpu.memory_space<vmem>>, vector<16xf32>,
      %broadcast_in_dim3A_263 = arith.constant 0.000000e+00 : f32
      %broadcast_in_dim3A_264 = vector.broadcast %broadcast_in_dim3A_263 : f32 to vector<16xf32>
      %swap3A_265 = arith.index_cast %scan3A_243 : i32 to index
      %swap3A_266 = arith.constant 64 : index
      %swap3A_267 = tpu.vector_load %arg10[%swap3A_265, %swap3A_266] {strides = array<i32>} : memref<128x128xf32, #tpu.memory_space<vmem>>, vector<16xf32>,
      tpu.vector_store %arg10[%swap3A_265, %swap3A_266], %broadcast_in_dim3A_264 {strides = array<i32>} : memref<128x128xf32, #tpu.memory_space<vmem>>, vector<16xf32>,
      %broadcast_in_dim3A_268 = arith.constant 0.000000e+00 : f32
      %broadcast_in_dim3A_269 = vector.broadcast %broadcast_in_dim3A_268 : f32 to vector<16xf32>
      %swap3A_270 = arith.index_cast %scan3A_243 : i32 to index
      %swap3A_271 = arith.constant 80 : index
      %swap3A_272 = tpu.vector_load %arg10[%swap3A_270, %swap3A_271] {strides = array<i32>} : memref<128x128xf32, #tpu.memory_space<vmem>>, vector<16xf32>,
      tpu.vector_store %arg10[%swap3A_270, %swap3A_271], %broadcast_in_dim3A_269 {strides = array<i32>} : memref<128x128xf32, #tpu.memory_space<vmem>>, vector<16xf32>,
      %broadcast_in_dim3A_273 = arith.constant 0.000000e+00 : f32
      %broadcast_in_dim3A_274 = vector.broadcast %broadcast_in_dim3A_273 : f32 to vector<16xf32>
      %swap3A_275 = arith.index_cast %scan3A_243 : i32 to index
      %swap3A_276 = arith.constant 96 : index
      %swap3A_277 = tpu.vector_load %arg10[%swap3A_275, %swap3A_276] {strides = array<i32>} : memref<128x128xf32, #tpu.memory_space<vmem>>, vector<16xf32>,
      tpu.vector_store %arg10[%swap3A_275, %swap3A_276], %broadcast_in_dim3A_274 {strides = array<i32>} : memref<128x128xf32, #tpu.memory_space<vmem>>, vector<16xf32>,
      %broadcast_in_dim3A_278 = arith.constant 0.000000e+00 : f32
      %broadcast_in_dim3A_279 = vector.broadcast %broadcast_in_dim3A_278 : f32 to vector<16xf32>
      %swap3A_280 = arith.index_cast %scan3A_243 : i32 to index
      %swap3A_281 = arith.constant 112 : index
      %swap3A_282 = tpu.vector_load %arg10[%swap3A_280, %swap3A_281] {strides = array<i32>} : memref<128x128xf32, #tpu.memory_space<vmem>>, vector<16xf32>,
      tpu.vector_store %arg10[%swap3A_280, %swap3A_281], %broadcast_in_dim3A_279 {strides = array<i32>} : memref<128x128xf32, #tpu.memory_space<vmem>>, vector<16xf32>,
      %scan3A_283 = arith.constant 0 : i32
      scf.yield %scan3A_283 : i32
    }
    %scan3A_6 = arith.constant 80 : i32
    %add3A = arith.constant 0 : i32
    %add3A_7 = arith.addi %add3A, %arg1 : i32
    %lt3A = arith.constant 125 : i32
    %lt3A_8 = arith.cmpi slt, %add3A_7, %lt3A : i32
    %convert_element_type3A = arith.extui %lt3A_8 : i1 to i32
    %cond3A = arith.constant 0 : i32
    %cond3A_9 = arith.cmpi ne, %convert_element_type3A, %cond3A : i32
    scf.if %cond3A_9 {
      %mul3A_243 = arith.constant 80 : i32
      %mul3A_244 = arith.muli %add3A_7, %mul3A_243 : i32
      %multiple_of3A = tpu.assume_multiple %mul3A_244, 80 : i32
      "tpu.region"() ({
        %run_scoped3A = tpu.sem_alloc : memref<!tpu.dma_semaphore, #tpu.memory_space<semaphore_mem>>
        %dma_start3A_245 = arith.constant 0 : i32
        %dma_start3A_246 = arith.constant 0 : i32
        %dma_start3A_247 = tpu.memref_slice %arg10[%dma_start3A_245, %dma_start3A_246] : memref<128x128xf32, #tpu.memory_space<vmem>> -> memref<80x128xf32, #tpu.memory_space<vmem>>
        %dma_start3A_248 = arith.constant 0 : i32
        %dma_start3A_249 = tpu.memref_slice %arg12[%multiple_of3A, %dma_start3A_248] : memref<10000x128xf32, #tpu.memory_space<vmem_shared>> -> memref<80x128xf32, #tpu.memory_space<vmem_shared>>
        %dma_start3A_250 = arith.constant 0 : i32
        %dma_start3A_251 = tpu.memref_slice %arg12[%multiple_of3A, %dma_start3A_250] : memref<10000x128xf32, #tpu.memory_space<vmem_shared>> -> memref<80x128xf32, #tpu.memory_space<vmem_shared>>
        %dma_start3A_252 = arith.constant 0 : i32
        %dma_start3A_253 = arith.constant 0 : i32
        %dma_start3A_254 = tpu.memref_slice %arg10[%dma_start3A_252, %dma_start3A_253] : memref<128x128xf32, #tpu.memory_space<vmem>> -> memref<80x128xf32, #tpu.memory_space<vmem>>
        tpu.enqueue_dma source(%dma_start3A_254 : memref<80x128xf32, #tpu.memory_space<vmem>>) target(%dma_start3A_251 : memref<80x128xf32, #tpu.memory_space<vmem_shared>>) target_semaphore(%run_scoped3A : memref<!tpu.dma_semaphore, #tpu.memory_space<semaphore_mem>>)
        %dma_wait3A_255 = arith.constant 0 : i32
        %dma_wait3A_256 = arith.constant 0 : i32
        %dma_wait3A_257 = tpu.memref_slice %arg10[%dma_wait3A_255, %dma_wait3A_256] : memref<128x128xf32, #tpu.memory_space<vmem>> -> memref<80x128xf32, #tpu.memory_space<vmem>>
        %dma_wait3A_258 = arith.constant 0 : i32
        %dma_wait3A_259 = tpu.memref_slice %arg12[%multiple_of3A, %dma_wait3A_258] : memref<10000x128xf32, #tpu.memory_space<vmem_shared>> -> memref<80x128xf32, #tpu.memory_space<vmem_shared>>
        %dma_wait3A_260 = arith.constant 0 : i32
        %dma_wait3A_261 = tpu.memref_slice %arg12[%multiple_of3A, %dma_wait3A_260] : memref<10000x128xf32, #tpu.memory_space<vmem_shared>> -> memref<80x128xf32, #tpu.memory_space<vmem_shared>>
        %dma_wait3A_262 = arith.constant 0 : i32
        %dma_wait3A_263 = arith.constant 0 : i32
        %dma_wait3A_264 = tpu.memref_slice %arg10[%dma_wait3A_262, %dma_wait3A_263] : memref<128x128xf32, #tpu.memory_space<vmem>> -> memref<80x128xf32, #tpu.memory_space<vmem>>
        tpu.wait_dma2 semaphore(%run_scoped3A : memref<!tpu.dma_semaphore, #tpu.memory_space<semaphore_mem>>) src(%dma_wait3A_264 : memref<80x128xf32, #tpu.memory_space<vmem>>) dst(%dma_wait3A_261 : memref<80x128xf32, #tpu.memory_space<vmem_shared>>)
        tpu.yield
      }) : () -> ()
    } else {
    }
    %add3A_10 = arith.constant 16 : i32
    %add3A_11 = arith.addi %add3A_10, %arg1 : i32
    %lt3A_12 = arith.constant 125 : i32
    %lt3A_13 = arith.cmpi slt, %add3A_11, %lt3A_12 : i32
    %convert_element_type3A_14 = arith.extui %lt3A_13 : i1 to i32
    %cond3A_15 = arith.constant 0 : i32
    %cond3A_16 = arith.cmpi ne, %convert_element_type3A_14, %cond3A_15 : i32
    scf.if %cond3A_16 {
      %mul3A_243 = arith.constant 80 : i32
      %mul3A_244 = arith.muli %add3A_11, %mul3A_243 : i32
      %multiple_of3A = tpu.assume_multiple %mul3A_244, 80 : i32
      "tpu.region"() ({
        %run_scoped3A = tpu.sem_alloc : memref<!tpu.dma_semaphore, #tpu.memory_space<semaphore_mem>>
        %dma_start3A_245 = arith.constant 0 : i32
        %dma_start3A_246 = arith.constant 0 : i32
        %dma_start3A_247 = tpu.memref_slice %arg10[%dma_start3A_245, %dma_start3A_246] : memref<128x128xf32, #tpu.memory_space<vmem>> -> memref<80x128xf32, #tpu.memory_space<vmem>>
        %dma_start3A_248 = arith.constant 0 : i32
        %dma_start3A_249 = tpu.memref_slice %arg12[%multiple_of3A, %dma_start3A_248] : memref<10000x128xf32, #tpu.memory_space<vmem_shared>> -> memref<80x128xf32, #tpu.memory_space<vmem_shared>>
        %dma_start3A_250 = arith.constant 0 : i32
        %dma_start3A_251 = tpu.memref_slice %arg12[%multiple_of3A, %dma_start3A_250] : memref<10000x128xf32, #tpu.memory_space<vmem_shared>> -> memref<80x128xf32, #tpu.memory_space<vmem_shared>>
        %dma_start3A_252 = arith.constant 0 : i32
        %dma_start3A_253 = arith.constant 0 : i32
        %dma_start3A_254 = tpu.memref_slice %arg10[%dma_start3A_252, %dma_start3A_253] : memref<128x128xf32, #tpu.memory_space<vmem>> -> memref<80x128xf32, #tpu.memory_space<vmem>>
        tpu.enqueue_dma source(%dma_start3A_254 : memref<80x128xf32, #tpu.memory_space<vmem>>) target(%dma_start3A_251 : memref<80x128xf32, #tpu.memory_space<vmem_shared>>) target_semaphore(%run_scoped3A : memref<!tpu.dma_semaphore, #tpu.memory_space<semaphore_mem>>)
        %dma_wait3A_255 = arith.constant 0 : i32
        %dma_wait3A_256 = arith.constant 0 : i32
        %dma_wait3A_257 = tpu.memref_slice %arg10[%dma_wait3A_255, %dma_wait3A_256] : memref<128x128xf32, #tpu.memory_space<vmem>> -> memref<80x128xf32, #tpu.memory_space<vmem>>
        %dma_wait3A_258 = arith.constant 0 : i32
        %dma_wait3A_259 = tpu.memref_slice %arg12[%multiple_of3A, %dma_wait3A_258] : memref<10000x128xf32, #tpu.memory_space<vmem_shared>> -> memref<80x128xf32, #tpu.memory_space<vmem_shared>>
        %dma_wait3A_260 = arith.constant 0 : i32
        %dma_wait3A_261 = tpu.memref_slice %arg12[%multiple_of3A, %dma_wait3A_260] : memref<10000x128xf32, #tpu.memory_space<vmem_shared>> -> memref<80x128xf32, #tpu.memory_space<vmem_shared>>
        %dma_wait3A_262 = arith.constant 0 : i32
        %dma_wait3A_263 = arith.constant 0 : i32
        %dma_wait3A_264 = tpu.memref_slice %arg10[%dma_wait3A_262, %dma_wait3A_263] : memref<128x128xf32, #tpu.memory_space<vmem>> -> memref<80x128xf32, #tpu.memory_space<vmem>>
        tpu.wait_dma2 semaphore(%run_scoped3A : memref<!tpu.dma_semaphore, #tpu.memory_space<semaphore_mem>>) src(%dma_wait3A_264 : memref<80x128xf32, #tpu.memory_space<vmem>>) dst(%dma_wait3A_261 : memref<80x128xf32, #tpu.memory_space<vmem_shared>>)
        tpu.yield
      }) : () -> ()
    } else {
    }
    %add3A_17 = arith.constant 32 : i32
    %add3A_18 = arith.addi %add3A_17, %arg1 : i32
    %lt3A_19 = arith.constant 125 : i32
    %lt3A_20 = arith.cmpi slt, %add3A_18, %lt3A_19 : i32
    %convert_element_type3A_21 = arith.extui %lt3A_20 : i1 to i32
    %cond3A_22 = arith.constant 0 : i32
    %cond3A_23 = arith.cmpi ne, %convert_element_type3A_21, %cond3A_22 : i32
    scf.if %cond3A_23 {
      %mul3A_243 = arith.constant 80 : i32
      %mul3A_244 = arith.muli %add3A_18, %mul3A_243 : i32
      %multiple_of3A = tpu.assume_multiple %mul3A_244, 80 : i32
      "tpu.region"() ({
        %run_scoped3A = tpu.sem_alloc : memref<!tpu.dma_semaphore, #tpu.memory_space<semaphore_mem>>
        %dma_start3A_245 = arith.constant 0 : i32
        %dma_start3A_246 = arith.constant 0 : i32
        %dma_start3A_247 = tpu.memref_slice %arg10[%dma_start3A_245, %dma_start3A_246] : memref<128x128xf32, #tpu.memory_space<vmem>> -> memref<80x128xf32, #tpu.memory_space<vmem>>
        %dma_start3A_248 = arith.constant 0 : i32
        %dma_start3A_249 = tpu.memref_slice %arg12[%multiple_of3A, %dma_start3A_248] : memref<10000x128xf32, #tpu.memory_space<vmem_shared>> -> memref<80x128xf32, #tpu.memory_space<vmem_shared>>
        %dma_start3A_250 = arith.constant 0 : i32
        %dma_start3A_251 = tpu.memref_slice %arg12[%multiple_of3A, %dma_start3A_250] : memref<10000x128xf32, #tpu.memory_space<vmem_shared>> -> memref<80x128xf32, #tpu.memory_space<vmem_shared>>
        %dma_start3A_252 = arith.constant 0 : i32
        %dma_start3A_253 = arith.constant 0 : i32
        %dma_start3A_254 = tpu.memref_slice %arg10[%dma_start3A_252, %dma_start3A_253] : memref<128x128xf32, #tpu.memory_space<vmem>> -> memref<80x128xf32, #tpu.memory_space<vmem>>
        tpu.enqueue_dma source(%dma_start3A_254 : memref<80x128xf32, #tpu.memory_space<vmem>>) target(%dma_start3A_251 : memref<80x128xf32, #tpu.memory_space<vmem_shared>>) target_semaphore(%run_scoped3A : memref<!tpu.dma_semaphore, #tpu.memory_space<semaphore_mem>>)
        %dma_wait3A_255 = arith.constant 0 : i32
        %dma_wait3A_256 = arith.constant 0 : i32
        %dma_wait3A_257 = tpu.memref_slice %arg10[%dma_wait3A_255, %dma_wait3A_256] : memref<128x128xf32, #tpu.memory_space<vmem>> -> memref<80x128xf32, #tpu.memory_space<vmem>>
        %dma_wait3A_258 = arith.constant 0 : i32
        %dma_wait3A_259 = tpu.memref_slice %arg12[%multiple_of3A, %dma_wait3A_258] : memref<10000x128xf32, #tpu.memory_space<vmem_shared>> -> memref<80x128xf32, #tpu.memory_space<vmem_shared>>
        %dma_wait3A_260 = arith.constant 0 : i32
        %dma_wait3A_261 = tpu.memref_slice %arg12[%multiple_of3A, %dma_wait3A_260] : memref<10000x128xf32, #tpu.memory_space<vmem_shared>> -> memref<80x128xf32, #tpu.memory_space<vmem_shared>>
        %dma_wait3A_262 = arith.constant 0 : i32
        %dma_wait3A_263 = arith.constant 0 : i32
        %dma_wait3A_264 = tpu.memref_slice %arg10[%dma_wait3A_262, %dma_wait3A_263] : memref<128x128xf32, #tpu.memory_space<vmem>> -> memref<80x128xf32, #tpu.memory_space<vmem>>
        tpu.wait_dma2 semaphore(%run_scoped3A : memref<!tpu.dma_semaphore, #tpu.memory_space<semaphore_mem>>) src(%dma_wait3A_264 : memref<80x128xf32, #tpu.memory_space<vmem>>) dst(%dma_wait3A_261 : memref<80x128xf32, #tpu.memory_space<vmem_shared>>)
        tpu.yield
      }) : () -> ()
    } else {
    }
    %add3A_24 = arith.constant 48 : i32
    %add3A_25 = arith.addi %add3A_24, %arg1 : i32
    %lt3A_26 = arith.constant 125 : i32
    %lt3A_27 = arith.cmpi slt, %add3A_25, %lt3A_26 : i32
    %convert_element_type3A_28 = arith.extui %lt3A_27 : i1 to i32
    %cond3A_29 = arith.constant 0 : i32
    %cond3A_30 = arith.cmpi ne, %convert_element_type3A_28, %cond3A_29 : i32
    scf.if %cond3A_30 {
      %mul3A_243 = arith.constant 80 : i32
      %mul3A_244 = arith.muli %add3A_25, %mul3A_243 : i32
      %multiple_of3A = tpu.assume_multiple %mul3A_244, 80 : i32
      "tpu.region"() ({
        %run_scoped3A = tpu.sem_alloc : memref<!tpu.dma_semaphore, #tpu.memory_space<semaphore_mem>>
        %dma_start3A_245 = arith.constant 0 : i32
        %dma_start3A_246 = arith.constant 0 : i32
        %dma_start3A_247 = tpu.memref_slice %arg10[%dma_start3A_245, %dma_start3A_246] : memref<128x128xf32, #tpu.memory_space<vmem>> -> memref<80x128xf32, #tpu.memory_space<vmem>>
        %dma_start3A_248 = arith.constant 0 : i32
        %dma_start3A_249 = tpu.memref_slice %arg12[%multiple_of3A, %dma_start3A_248] : memref<10000x128xf32, #tpu.memory_space<vmem_shared>> -> memref<80x128xf32, #tpu.memory_space<vmem_shared>>
        %dma_start3A_250 = arith.constant 0 : i32
        %dma_start3A_251 = tpu.memref_slice %arg12[%multiple_of3A, %dma_start3A_250] : memref<10000x128xf32, #tpu.memory_space<vmem_shared>> -> memref<80x128xf32, #tpu.memory_space<vmem_shared>>
        %dma_start3A_252 = arith.constant 0 : i32
        %dma_start3A_253 = arith.constant 0 : i32
        %dma_start3A_254 = tpu.memref_slice %arg10[%dma_start3A_252, %dma_start3A_253] : memref<128x128xf32, #tpu.memory_space<vmem>> -> memref<80x128xf32, #tpu.memory_space<vmem>>
        tpu.enqueue_dma source(%dma_start3A_254 : memref<80x128xf32, #tpu.memory_space<vmem>>) target(%dma_start3A_251 : memref<80x128xf32, #tpu.memory_space<vmem_shared>>) target_semaphore(%run_scoped3A : memref<!tpu.dma_semaphore, #tpu.memory_space<semaphore_mem>>)
        %dma_wait3A_255 = arith.constant 0 : i32
        %dma_wait3A_256 = arith.constant 0 : i32
        %dma_wait3A_257 = tpu.memref_slice %arg10[%dma_wait3A_255, %dma_wait3A_256] : memref<128x128xf32, #tpu.memory_space<vmem>> -> memref<80x128xf32, #tpu.memory_space<vmem>>
        %dma_wait3A_258 = arith.constant 0 : i32
        %dma_wait3A_259 = tpu.memref_slice %arg12[%multiple_of3A, %dma_wait3A_258] : memref<10000x128xf32, #tpu.memory_space<vmem_shared>> -> memref<80x128xf32, #tpu.memory_space<vmem_shared>>
        %dma_wait3A_260 = arith.constant 0 : i32
        %dma_wait3A_261 = tpu.memref_slice %arg12[%multiple_of3A, %dma_wait3A_260] : memref<10000x128xf32, #tpu.memory_space<vmem_shared>> -> memref<80x128xf32, #tpu.memory_space<vmem_shared>>
        %dma_wait3A_262 = arith.constant 0 : i32
        %dma_wait3A_263 = arith.constant 0 : i32
        %dma_wait3A_264 = tpu.memref_slice %arg10[%dma_wait3A_262, %dma_wait3A_263] : memref<128x128xf32, #tpu.memory_space<vmem>> -> memref<80x128xf32, #tpu.memory_space<vmem>>
        tpu.wait_dma2 semaphore(%run_scoped3A : memref<!tpu.dma_semaphore, #tpu.memory_space<semaphore_mem>>) src(%dma_wait3A_264 : memref<80x128xf32, #tpu.memory_space<vmem>>) dst(%dma_wait3A_261 : memref<80x128xf32, #tpu.memory_space<vmem_shared>>)
        tpu.yield
      }) : () -> ()
    } else {
    }
    %add3A_31 = arith.constant 64 : i32
    %add3A_32 = arith.addi %add3A_31, %arg1 : i32
    %lt3A_33 = arith.constant 125 : i32
    %lt3A_34 = arith.cmpi slt, %add3A_32, %lt3A_33 : i32
    %convert_element_type3A_35 = arith.extui %lt3A_34 : i1 to i32
    %cond3A_36 = arith.constant 0 : i32
    %cond3A_37 = arith.cmpi ne, %convert_element_type3A_35, %cond3A_36 : i32
    scf.if %cond3A_37 {
      %mul3A_243 = arith.constant 80 : i32
      %mul3A_244 = arith.muli %add3A_32, %mul3A_243 : i32
      %multiple_of3A = tpu.assume_multiple %mul3A_244, 80 : i32
      "tpu.region"() ({
        %run_scoped3A = tpu.sem_alloc : memref<!tpu.dma_semaphore, #tpu.memory_space<semaphore_mem>>
        %dma_start3A_245 = arith.constant 0 : i32
        %dma_start3A_246 = arith.constant 0 : i32
        %dma_start3A_247 = tpu.memref_slice %arg10[%dma_start3A_245, %dma_start3A_246] : memref<128x128xf32, #tpu.memory_space<vmem>> -> memref<80x128xf32, #tpu.memory_space<vmem>>
        %dma_start3A_248 = arith.constant 0 : i32
        %dma_start3A_249 = tpu.memref_slice %arg12[%multiple_of3A, %dma_start3A_248] : memref<10000x128xf32, #tpu.memory_space<vmem_shared>> -> memref<80x128xf32, #tpu.memory_space<vmem_shared>>
        %dma_start3A_250 = arith.constant 0 : i32
        %dma_start3A_251 = tpu.memref_slice %arg12[%multiple_of3A, %dma_start3A_250] : memref<10000x128xf32, #tpu.memory_space<vmem_shared>> -> memref<80x128xf32, #tpu.memory_space<vmem_shared>>
        %dma_start3A_252 = arith.constant 0 : i32
        %dma_start3A_253 = arith.constant 0 : i32
        %dma_start3A_254 = tpu.memref_slice %arg10[%dma_start3A_252, %dma_start3A_253] : memref<128x128xf32, #tpu.memory_space<vmem>> -> memref<80x128xf32, #tpu.memory_space<vmem>>
        tpu.enqueue_dma source(%dma_start3A_254 : memref<80x128xf32, #tpu.memory_space<vmem>>) target(%dma_start3A_251 : memref<80x128xf32, #tpu.memory_space<vmem_shared>>) target_semaphore(%run_scoped3A : memref<!tpu.dma_semaphore, #tpu.memory_space<semaphore_mem>>)
        %dma_wait3A_255 = arith.constant 0 : i32
        %dma_wait3A_256 = arith.constant 0 : i32
        %dma_wait3A_257 = tpu.memref_slice %arg10[%dma_wait3A_255, %dma_wait3A_256] : memref<128x128xf32, #tpu.memory_space<vmem>> -> memref<80x128xf32, #tpu.memory_space<vmem>>
        %dma_wait3A_258 = arith.constant 0 : i32
        %dma_wait3A_259 = tpu.memref_slice %arg12[%multiple_of3A, %dma_wait3A_258] : memref<10000x128xf32, #tpu.memory_space<vmem_shared>> -> memref<80x128xf32, #tpu.memory_space<vmem_shared>>
        %dma_wait3A_260 = arith.constant 0 : i32
        %dma_wait3A_261 = tpu.memref_slice %arg12[%multiple_of3A, %dma_wait3A_260] : memref<10000x128xf32, #tpu.memory_space<vmem_shared>> -> memref<80x128xf32, #tpu.memory_space<vmem_shared>>
        %dma_wait3A_262 = arith.constant 0 : i32
        %dma_wait3A_263 = arith.constant 0 : i32
        %dma_wait3A_264 = tpu.memref_slice %arg10[%dma_wait3A_262, %dma_wait3A_263] : memref<128x128xf32, #tpu.memory_space<vmem>> -> memref<80x128xf32, #tpu.memory_space<vmem>>
        tpu.wait_dma2 semaphore(%run_scoped3A : memref<!tpu.dma_semaphore, #tpu.memory_space<semaphore_mem>>) src(%dma_wait3A_264 : memref<80x128xf32, #tpu.memory_space<vmem>>) dst(%dma_wait3A_261 : memref<80x128xf32, #tpu.memory_space<vmem_shared>>)
        tpu.yield
      }) : () -> ()
    } else {
    }
    %add3A_38 = arith.constant 80 : i32
    %add3A_39 = arith.addi %add3A_38, %arg1 : i32
    %lt3A_40 = arith.constant 125 : i32
    %lt3A_41 = arith.cmpi slt, %add3A_39, %lt3A_40 : i32
    %convert_element_type3A_42 = arith.extui %lt3A_41 : i1 to i32
    %cond3A_43 = arith.constant 0 : i32
    %cond3A_44 = arith.cmpi ne, %convert_element_type3A_42, %cond3A_43 : i32
    scf.if %cond3A_44 {
      %mul3A_243 = arith.constant 80 : i32
      %mul3A_244 = arith.muli %add3A_39, %mul3A_243 : i32
      %multiple_of3A = tpu.assume_multiple %mul3A_244, 80 : i32
      "tpu.region"() ({
        %run_scoped3A = tpu.sem_alloc : memref<!tpu.dma_semaphore, #tpu.memory_space<semaphore_mem>>
        %dma_start3A_245 = arith.constant 0 : i32
        %dma_start3A_246 = arith.constant 0 : i32
        %dma_start3A_247 = tpu.memref_slice %arg10[%dma_start3A_245, %dma_start3A_246] : memref<128x128xf32, #tpu.memory_space<vmem>> -> memref<80x128xf32, #tpu.memory_space<vmem>>
        %dma_start3A_248 = arith.constant 0 : i32
        %dma_start3A_249 = tpu.memref_slice %arg12[%multiple_of3A, %dma_start3A_248] : memref<10000x128xf32, #tpu.memory_space<vmem_shared>> -> memref<80x128xf32, #tpu.memory_space<vmem_shared>>
        %dma_start3A_250 = arith.constant 0 : i32
        %dma_start3A_251 = tpu.memref_slice %arg12[%multiple_of3A, %dma_start3A_250] : memref<10000x128xf32, #tpu.memory_space<vmem_shared>> -> memref<80x128xf32, #tpu.memory_space<vmem_shared>>
        %dma_start3A_252 = arith.constant 0 : i32
        %dma_start3A_253 = arith.constant 0 : i32
        %dma_start3A_254 = tpu.memref_slice %arg10[%dma_start3A_252, %dma_start3A_253] : memref<128x128xf32, #tpu.memory_space<vmem>> -> memref<80x128xf32, #tpu.memory_space<vmem>>
        tpu.enqueue_dma source(%dma_start3A_254 : memref<80x128xf32, #tpu.memory_space<vmem>>) target(%dma_start3A_251 : memref<80x128xf32, #tpu.memory_space<vmem_shared>>) target_semaphore(%run_scoped3A : memref<!tpu.dma_semaphore, #tpu.memory_space<semaphore_mem>>)
        %dma_wait3A_255 = arith.constant 0 : i32
        %dma_wait3A_256 = arith.constant 0 : i32
        %dma_wait3A_257 = tpu.memref_slice %arg10[%dma_wait3A_255, %dma_wait3A_256] : memref<128x128xf32, #tpu.memory_space<vmem>> -> memref<80x128xf32, #tpu.memory_space<vmem>>
        %dma_wait3A_258 = arith.constant 0 : i32
        %dma_wait3A_259 = tpu.memref_slice %arg12[%multiple_of3A, %dma_wait3A_258] : memref<10000x128xf32, #tpu.memory_space<vmem_shared>> -> memref<80x128xf32, #tpu.memory_space<vmem_shared>>
        %dma_wait3A_260 = arith.constant 0 : i32
        %dma_wait3A_261 = tpu.memref_slice %arg12[%multiple_of3A, %dma_wait3A_260] : memref<10000x128xf32, #tpu.memory_space<vmem_shared>> -> memref<80x128xf32, #tpu.memory_space<vmem_shared>>
        %dma_wait3A_262 = arith.constant 0 : i32
        %dma_wait3A_263 = arith.constant 0 : i32
        %dma_wait3A_264 = tpu.memref_slice %arg10[%dma_wait3A_262, %dma_wait3A_263] : memref<128x128xf32, #tpu.memory_space<vmem>> -> memref<80x128xf32, #tpu.memory_space<vmem>>
        tpu.wait_dma2 semaphore(%run_scoped3A : memref<!tpu.dma_semaphore, #tpu.memory_space<semaphore_mem>>) src(%dma_wait3A_264 : memref<80x128xf32, #tpu.memory_space<vmem>>) dst(%dma_wait3A_261 : memref<80x128xf32, #tpu.memory_space<vmem_shared>>)
        tpu.yield
      }) : () -> ()
    } else {
    }
    %add3A_45 = arith.constant 96 : i32
    %add3A_46 = arith.addi %add3A_45, %arg1 : i32
    %lt3A_47 = arith.constant 125 : i32
    %lt3A_48 = arith.cmpi slt, %add3A_46, %lt3A_47 : i32
    %convert_element_type3A_49 = arith.extui %lt3A_48 : i1 to i32
    %cond3A_50 = arith.constant 0 : i32
    %cond3A_51 = arith.cmpi ne, %convert_element_type3A_49, %cond3A_50 : i32
    scf.if %cond3A_51 {
      %mul3A_243 = arith.constant 80 : i32
      %mul3A_244 = arith.muli %add3A_46, %mul3A_243 : i32
      %multiple_of3A = tpu.assume_multiple %mul3A_244, 80 : i32
      "tpu.region"() ({
        %run_scoped3A = tpu.sem_alloc : memref<!tpu.dma_semaphore, #tpu.memory_space<semaphore_mem>>
        %dma_start3A_245 = arith.constant 0 : i32
        %dma_start3A_246 = arith.constant 0 : i32
        %dma_start3A_247 = tpu.memref_slice %arg10[%dma_start3A_245, %dma_start3A_246] : memref<128x128xf32, #tpu.memory_space<vmem>> -> memref<80x128xf32, #tpu.memory_space<vmem>>
        %dma_start3A_248 = arith.constant 0 : i32
        %dma_start3A_249 = tpu.memref_slice %arg12[%multiple_of3A, %dma_start3A_248] : memref<10000x128xf32, #tpu.memory_space<vmem_shared>> -> memref<80x128xf32, #tpu.memory_space<vmem_shared>>
        %dma_start3A_250 = arith.constant 0 : i32
        %dma_start3A_251 = tpu.memref_slice %arg12[%multiple_of3A, %dma_start3A_250] : memref<10000x128xf32, #tpu.memory_space<vmem_shared>> -> memref<80x128xf32, #tpu.memory_space<vmem_shared>>
        %dma_start3A_252 = arith.constant 0 : i32
        %dma_start3A_253 = arith.constant 0 : i32
        %dma_start3A_254 = tpu.memref_slice %arg10[%dma_start3A_252, %dma_start3A_253] : memref<128x128xf32, #tpu.memory_space<vmem>> -> memref<80x128xf32, #tpu.memory_space<vmem>>
        tpu.enqueue_dma source(%dma_start3A_254 : memref<80x128xf32, #tpu.memory_space<vmem>>) target(%dma_start3A_251 : memref<80x128xf32, #tpu.memory_space<vmem_shared>>) target_semaphore(%run_scoped3A : memref<!tpu.dma_semaphore, #tpu.memory_space<semaphore_mem>>)
        %dma_wait3A_255 = arith.constant 0 : i32
        %dma_wait3A_256 = arith.constant 0 : i32
        %dma_wait3A_257 = tpu.memref_slice %arg10[%dma_wait3A_255, %dma_wait3A_256] : memref<128x128xf32, #tpu.memory_space<vmem>> -> memref<80x128xf32, #tpu.memory_space<vmem>>
        %dma_wait3A_258 = arith.constant 0 : i32
        %dma_wait3A_259 = tpu.memref_slice %arg12[%multiple_of3A, %dma_wait3A_258] : memref<10000x128xf32, #tpu.memory_space<vmem_shared>> -> memref<80x128xf32, #tpu.memory_space<vmem_shared>>
        %dma_wait3A_260 = arith.constant 0 : i32
        %dma_wait3A_261 = tpu.memref_slice %arg12[%multiple_of3A, %dma_wait3A_260] : memref<10000x128xf32, #tpu.memory_space<vmem_shared>> -> memref<80x128xf32, #tpu.memory_space<vmem_shared>>
        %dma_wait3A_262 = arith.constant 0 : i32
        %dma_wait3A_263 = arith.constant 0 : i32
        %dma_wait3A_264 = tpu.memref_slice %arg10[%dma_wait3A_262, %dma_wait3A_263] : memref<128x128xf32, #tpu.memory_space<vmem>> -> memref<80x128xf32, #tpu.memory_space<vmem>>
        tpu.wait_dma2 semaphore(%run_scoped3A : memref<!tpu.dma_semaphore, #tpu.memory_space<semaphore_mem>>) src(%dma_wait3A_264 : memref<80x128xf32, #tpu.memory_space<vmem>>) dst(%dma_wait3A_261 : memref<80x128xf32, #tpu.memory_space<vmem_shared>>)
        tpu.yield
      }) : () -> ()
    } else {
    }
    %add3A_52 = arith.constant 112 : i32
    %add3A_53 = arith.addi %add3A_52, %arg1 : i32
    %lt3A_54 = arith.constant 125 : i32
    %lt3A_55 = arith.cmpi slt, %add3A_53, %lt3A_54 : i32
    %convert_element_type3A_56 = arith.extui %lt3A_55 : i1 to i32
    %cond3A_57 = arith.constant 0 : i32
    %cond3A_58 = arith.cmpi ne, %convert_element_type3A_56, %cond3A_57 : i32
    scf.if %cond3A_58 {
      %mul3A_243 = arith.constant 80 : i32
      %mul3A_244 = arith.muli %add3A_53, %mul3A_243 : i32
      %multiple_of3A = tpu.assume_multiple %mul3A_244, 80 : i32
      "tpu.region"() ({
        %run_scoped3A = tpu.sem_alloc : memref<!tpu.dma_semaphore, #tpu.memory_space<semaphore_mem>>
        %dma_start3A_245 = arith.constant 0 : i32
        %dma_start3A_246 = arith.constant 0 : i32
        %dma_start3A_247 = tpu.memref_slice %arg10[%dma_start3A_245, %dma_start3A_246] : memref<128x128xf32, #tpu.memory_space<vmem>> -> memref<80x128xf32, #tpu.memory_space<vmem>>
        %dma_start3A_248 = arith.constant 0 : i32
        %dma_start3A_249 = tpu.memref_slice %arg12[%multiple_of3A, %dma_start3A_248] : memref<10000x128xf32, #tpu.memory_space<vmem_shared>> -> memref<80x128xf32, #tpu.memory_space<vmem_shared>>
        %dma_start3A_250 = arith.constant 0 : i32
        %dma_start3A_251 = tpu.memref_slice %arg12[%multiple_of3A, %dma_start3A_250] : memref<10000x128xf32, #tpu.memory_space<vmem_shared>> -> memref<80x128xf32, #tpu.memory_space<vmem_shared>>
        %dma_start3A_252 = arith.constant 0 : i32
        %dma_start3A_253 = arith.constant 0 : i32
        %dma_start3A_254 = tpu.memref_slice %arg10[%dma_start3A_252, %dma_start3A_253] : memref<128x128xf32, #tpu.memory_space<vmem>> -> memref<80x128xf32, #tpu.memory_space<vmem>>
        tpu.enqueue_dma source(%dma_start3A_254 : memref<80x128xf32, #tpu.memory_space<vmem>>) target(%dma_start3A_251 : memref<80x128xf32, #tpu.memory_space<vmem_shared>>) target_semaphore(%run_scoped3A : memref<!tpu.dma_semaphore, #tpu.memory_space<semaphore_mem>>)
        %dma_wait3A_255 = arith.constant 0 : i32
        %dma_wait3A_256 = arith.constant 0 : i32
        %dma_wait3A_257 = tpu.memref_slice %arg10[%dma_wait3A_255, %dma_wait3A_256] : memref<128x128xf32, #tpu.memory_space<vmem>> -> memref<80x128xf32, #tpu.memory_space<vmem>>
        %dma_wait3A_258 = arith.constant 0 : i32
        %dma_wait3A_259 = tpu.memref_slice %arg12[%multiple_of3A, %dma_wait3A_258] : memref<10000x128xf32, #tpu.memory_space<vmem_shared>> -> memref<80x128xf32, #tpu.memory_space<vmem_shared>>
        %dma_wait3A_260 = arith.constant 0 : i32
        %dma_wait3A_261 = tpu.memref_slice %arg12[%multiple_of3A, %dma_wait3A_260] : memref<10000x128xf32, #tpu.memory_space<vmem_shared>> -> memref<80x128xf32, #tpu.memory_space<vmem_shared>>
        %dma_wait3A_262 = arith.constant 0 : i32
        %dma_wait3A_263 = arith.constant 0 : i32
        %dma_wait3A_264 = tpu.memref_slice %arg10[%dma_wait3A_262, %dma_wait3A_263] : memref<128x128xf32, #tpu.memory_space<vmem>> -> memref<80x128xf32, #tpu.memory_space<vmem>>
        tpu.wait_dma2 semaphore(%run_scoped3A : memref<!tpu.dma_semaphore, #tpu.memory_space<semaphore_mem>>) src(%dma_wait3A_264 : memref<80x128xf32, #tpu.memory_space<vmem>>) dst(%dma_wait3A_261 : memref<80x128xf32, #tpu.memory_space<vmem_shared>>)
        tpu.yield
      }) : () -> ()
    } else {
    }
    %barrier3A = arith.constant 0 : index
    tpu.barrier barrier_id(%barrier3A)
    %add3A_59 = arith.constant 0 : i32
    %add3A_60 = arith.addi %mul3A_0, %add3A_59 : i32
    %dma_start3A = arith.constant 0 : i32
    %dma_start3A_61 = arith.constant 0 : i32
    %dma_start3A_62 = arith.constant 0 : i32
    %dma_start3A_63 = tpu.memref_slice %arg7[%dma_start3A, %dma_start3A_61, %dma_start3A_62] : memref<2x8x128xi32, #tpu.memory_space<vmem>> -> memref<1x8x128xi32, #tpu.memory_space<vmem>>
    %dma_start3A_64 = tpu.memref_squeeze %dma_start3A_63 : memref<1x8x128xi32, #tpu.memory_space<vmem>> -> memref<8x128xi32, #tpu.memory_space<vmem>>
    %dma_start3A_65 = arith.constant 0 : i32
    %dma_start3A_66 = tpu.memref_slice %arg3[%arg0, %add3A_60, %dma_start3A_65] : memref<2x2560x128xi32, #tpu.memory_space<hbm>> -> memref<1x8x128xi32, #tpu.memory_space<hbm>>
    %dma_start3A_67 = tpu.memref_squeeze %dma_start3A_66 : memref<1x8x128xi32, #tpu.memory_space<hbm>> -> memref<8x128xi32, #tpu.memory_space<hbm>>
    %dma_start3A_68 = arith.constant 0 : i32
    %dma_start3A_69 = arith.constant 0 : i32
    %dma_start3A_70 = tpu.memref_slice %arg7[%dma_start3A, %dma_start3A_68, %dma_start3A_69] : memref<2x8x128xi32, #tpu.memory_space<vmem>> -> memref<1x8x128xi32, #tpu.memory_space<vmem>>
    %dma_start3A_71 = tpu.memref_squeeze %dma_start3A_70 : memref<1x8x128xi32, #tpu.memory_space<vmem>> -> memref<8x128xi32, #tpu.memory_space<vmem>>
    %dma_start3A_72 = arith.constant 0 : i32
    %dma_start3A_73 = tpu.memref_slice %arg3[%arg0, %add3A_60, %dma_start3A_72] : memref<2x2560x128xi32, #tpu.memory_space<hbm>> -> memref<1x8x128xi32, #tpu.memory_space<hbm>>
    %dma_start3A_74 = tpu.memref_squeeze %dma_start3A_73 : memref<1x8x128xi32, #tpu.memory_space<hbm>> -> memref<8x128xi32, #tpu.memory_space<hbm>>
    tpu.enqueue_dma source(%dma_start3A_74 : memref<8x128xi32, #tpu.memory_space<hbm>>) target(%dma_start3A_71 : memref<8x128xi32, #tpu.memory_space<vmem>>) target_semaphore(%arg17 : memref<!tpu.dma_semaphore, #tpu.memory_space<semaphore_mem>>)
    %dma_start3A_75 = arith.constant 0 : i32
    %dma_start3A_76 = arith.constant 0 : i32
    %dma_start3A_77 = arith.constant 0 : i32
    %dma_start3A_78 = tpu.memref_slice %arg8[%dma_start3A_75, %dma_start3A_76, %dma_start3A_77] : memref<2x8x128xi32, #tpu.memory_space<vmem>> -> memref<1x8x128xi32, #tpu.memory_space<vmem>>
    %dma_start3A_79 = tpu.memref_squeeze %dma_start3A_78 : memref<1x8x128xi32, #tpu.memory_space<vmem>> -> memref<8x128xi32, #tpu.memory_space<vmem>>
    %dma_start3A_80 = arith.constant 0 : i32
    %dma_start3A_81 = tpu.memref_slice %arg4[%arg0, %add3A_60, %dma_start3A_80] : memref<2x2560x128xi32, #tpu.memory_space<hbm>> -> memref<1x8x128xi32, #tpu.memory_space<hbm>>
    %dma_start3A_82 = tpu.memref_squeeze %dma_start3A_81 : memref<1x8x128xi32, #tpu.memory_space<hbm>> -> memref<8x128xi32, #tpu.memory_space<hbm>>
    %dma_start3A_83 = arith.constant 0 : i32
    %dma_start3A_84 = arith.constant 0 : i32
    %dma_start3A_85 = tpu.memref_slice %arg8[%dma_start3A_75, %dma_start3A_83, %dma_start3A_84] : memref<2x8x128xi32, #tpu.memory_space<vmem>> -> memref<1x8x128xi32, #tpu.memory_space<vmem>>
    %dma_start3A_86 = tpu.memref_squeeze %dma_start3A_85 : memref<1x8x128xi32, #tpu.memory_space<vmem>> -> memref<8x128xi32, #tpu.memory_space<vmem>>
    %dma_start3A_87 = arith.constant 0 : i32
    %dma_start3A_88 = tpu.memref_slice %arg4[%arg0, %add3A_60, %dma_start3A_87] : memref<2x2560x128xi32, #tpu.memory_space<hbm>> -> memref<1x8x128xi32, #tpu.memory_space<hbm>>
    %dma_start3A_89 = tpu.memref_squeeze %dma_start3A_88 : memref<1x8x128xi32, #tpu.memory_space<hbm>> -> memref<8x128xi32, #tpu.memory_space<hbm>>
    tpu.enqueue_dma source(%dma_start3A_89 : memref<8x128xi32, #tpu.memory_space<hbm>>) target(%dma_start3A_86 : memref<8x128xi32, #tpu.memory_space<vmem>>) target_semaphore(%arg17 : memref<!tpu.dma_semaphore, #tpu.memory_space<semaphore_mem>>)
    %dma_start3A_90 = arith.constant 0 : i32
    %dma_start3A_91 = arith.constant 0 : i32
    %dma_start3A_92 = arith.constant 0 : i32
    %dma_start3A_93 = tpu.memref_slice %arg9[%dma_start3A_90, %dma_start3A_91, %dma_start3A_92] : memref<2x8x128xf32, #tpu.memory_space<vmem>> -> memref<1x8x128xf32, #tpu.memory_space<vmem>>
    %dma_start3A_94 = tpu.memref_squeeze %dma_start3A_93 : memref<1x8x128xf32, #tpu.memory_space<vmem>> -> memref<8x128xf32, #tpu.memory_space<vmem>>
    %dma_start3A_95 = arith.constant 0 : i32
    %dma_start3A_96 = tpu.memref_slice %arg5[%arg0, %add3A_60, %dma_start3A_95] : memref<2x2560x128xf32, #tpu.memory_space<hbm>> -> memref<1x8x128xf32, #tpu.memory_space<hbm>>
    %dma_start3A_97 = tpu.memref_squeeze %dma_start3A_96 : memref<1x8x128xf32, #tpu.memory_space<hbm>> -> memref<8x128xf32, #tpu.memory_space<hbm>>
    %dma_start3A_98 = arith.constant 0 : i32
    %dma_start3A_99 = arith.constant 0 : i32
    %dma_start3A_100 = tpu.memref_slice %arg9[%dma_start3A_90, %dma_start3A_98, %dma_start3A_99] : memref<2x8x128xf32, #tpu.memory_space<vmem>> -> memref<1x8x128xf32, #tpu.memory_space<vmem>>
    %dma_start3A_101 = tpu.memref_squeeze %dma_start3A_100 : memref<1x8x128xf32, #tpu.memory_space<vmem>> -> memref<8x128xf32, #tpu.memory_space<vmem>>
    %dma_start3A_102 = arith.constant 0 : i32
    %dma_start3A_103 = tpu.memref_slice %arg5[%arg0, %add3A_60, %dma_start3A_102] : memref<2x2560x128xf32, #tpu.memory_space<hbm>> -> memref<1x8x128xf32, #tpu.memory_space<hbm>>
    %dma_start3A_104 = tpu.memref_squeeze %dma_start3A_103 : memref<1x8x128xf32, #tpu.memory_space<hbm>> -> memref<8x128xf32, #tpu.memory_space<hbm>>
    tpu.enqueue_dma source(%dma_start3A_104 : memref<8x128xf32, #tpu.memory_space<hbm>>) target(%dma_start3A_101 : memref<8x128xf32, #tpu.memory_space<vmem>>) target_semaphore(%arg17 : memref<!tpu.dma_semaphore, #tpu.memory_space<semaphore_mem>>)
    %add3A_105 = arith.constant 0 : i32
    %add3A_106 = arith.addi %mul3A_0, %add3A_105 : i32
    %dma_wait3A = arith.constant 0 : i32
    %dma_wait3A_107 = arith.constant 0 : i32
    %dma_wait3A_108 = arith.constant 0 : i32
    %dma_wait3A_109 = tpu.memref_slice %arg7[%dma_wait3A, %dma_wait3A_107, %dma_wait3A_108] : memref<2x8x128xi32, #tpu.memory_space<vmem>> -> memref<1x8x128xi32, #tpu.memory_space<vmem>>
    %dma_wait3A_110 = tpu.memref_squeeze %dma_wait3A_109 : memref<1x8x128xi32, #tpu.memory_space<vmem>> -> memref<8x128xi32, #tpu.memory_space<vmem>>
    %dma_wait3A_111 = arith.constant 0 : i32
    %dma_wait3A_112 = tpu.memref_slice %arg3[%arg0, %add3A_106, %dma_wait3A_111] : memref<2x2560x128xi32, #tpu.memory_space<hbm>> -> memref<1x8x128xi32, #tpu.memory_space<hbm>>
    %dma_wait3A_113 = tpu.memref_squeeze %dma_wait3A_112 : memref<1x8x128xi32, #tpu.memory_space<hbm>> -> memref<8x128xi32, #tpu.memory_space<hbm>>
    %dma_wait3A_114 = arith.constant 0 : i32
    %dma_wait3A_115 = arith.constant 0 : i32
    %dma_wait3A_116 = tpu.memref_slice %arg7[%dma_wait3A, %dma_wait3A_114, %dma_wait3A_115] : memref<2x8x128xi32, #tpu.memory_space<vmem>> -> memref<1x8x128xi32, #tpu.memory_space<vmem>>
    %dma_wait3A_117 = tpu.memref_squeeze %dma_wait3A_116 : memref<1x8x128xi32, #tpu.memory_space<vmem>> -> memref<8x128xi32, #tpu.memory_space<vmem>>
    %dma_wait3A_118 = arith.constant 0 : i32
    %dma_wait3A_119 = tpu.memref_slice %arg3[%arg0, %add3A_106, %dma_wait3A_118] : memref<2x2560x128xi32, #tpu.memory_space<hbm>> -> memref<1x8x128xi32, #tpu.memory_space<hbm>>
    %dma_wait3A_120 = tpu.memref_squeeze %dma_wait3A_119 : memref<1x8x128xi32, #tpu.memory_space<hbm>> -> memref<8x128xi32, #tpu.memory_space<hbm>>
    tpu.wait_dma2 semaphore(%arg17 : memref<!tpu.dma_semaphore, #tpu.memory_space<semaphore_mem>>) src(%dma_wait3A_120 : memref<8x128xi32, #tpu.memory_space<hbm>>) dst(%dma_wait3A_117 : memref<8x128xi32, #tpu.memory_space<vmem>>)
    %dma_wait3A_121 = arith.constant 0 : i32
    %dma_wait3A_122 = arith.constant 0 : i32
    %dma_wait3A_123 = arith.constant 0 : i32
    %dma_wait3A_124 = tpu.memref_slice %arg8[%dma_wait3A_121, %dma_wait3A_122, %dma_wait3A_123] : memref<2x8x128xi32, #tpu.memory_space<vmem>> -> memref<1x8x128xi32, #tpu.memory_space<vmem>>
    %dma_wait3A_125 = tpu.memref_squeeze %dma_wait3A_124 : memref<1x8x128xi32, #tpu.memory_space<vmem>> -> memref<8x128xi32, #tpu.memory_space<vmem>>
    %dma_wait3A_126 = arith.constant 0 : i32
    %dma_wait3A_127 = tpu.memref_slice %arg4[%arg0, %add3A_106, %dma_wait3A_126] : memref<2x2560x128xi32, #tpu.memory_space<hbm>> -> memref<1x8x128xi32, #tpu.memory_space<hbm>>
    %dma_wait3A_128 = tpu.memref_squeeze %dma_wait3A_127 : memref<1x8x128xi32, #tpu.memory_space<hbm>> -> memref<8x128xi32, #tpu.memory_space<hbm>>
    %dma_wait3A_129 = arith.constant 0 : i32
    %dma_wait3A_130 = arith.constant 0 : i32
    %dma_wait3A_131 = tpu.memref_slice %arg8[%dma_wait3A_121, %dma_wait3A_129, %dma_wait3A_130] : memref<2x8x128xi32, #tpu.memory_space<vmem>> -> memref<1x8x128xi32, #tpu.memory_space<vmem>>
    %dma_wait3A_132 = tpu.memref_squeeze %dma_wait3A_131 : memref<1x8x128xi32, #tpu.memory_space<vmem>> -> memref<8x128xi32, #tpu.memory_space<vmem>>
    %dma_wait3A_133 = arith.constant 0 : i32
    %dma_wait3A_134 = tpu.memref_slice %arg4[%arg0, %add3A_106, %dma_wait3A_133] : memref<2x2560x128xi32, #tpu.memory_space<hbm>> -> memref<1x8x128xi32, #tpu.memory_space<hbm>>
    %dma_wait3A_135 = tpu.memref_squeeze %dma_wait3A_134 : memref<1x8x128xi32, #tpu.memory_space<hbm>> -> memref<8x128xi32, #tpu.memory_space<hbm>>
    tpu.wait_dma2 semaphore(%arg17 : memref<!tpu.dma_semaphore, #tpu.memory_space<semaphore_mem>>) src(%dma_wait3A_135 : memref<8x128xi32, #tpu.memory_space<hbm>>) dst(%dma_wait3A_132 : memref<8x128xi32, #tpu.memory_space<vmem>>)
    %dma_wait3A_136 = arith.constant 0 : i32
    %dma_wait3A_137 = arith.constant 0 : i32
    %dma_wait3A_138 = arith.constant 0 : i32
    %dma_wait3A_139 = tpu.memref_slice %arg9[%dma_wait3A_136, %dma_wait3A_137, %dma_wait3A_138] : memref<2x8x128xf32, #tpu.memory_space<vmem>> -> memref<1x8x128xf32, #tpu.memory_space<vmem>>
    %dma_wait3A_140 = tpu.memref_squeeze %dma_wait3A_139 : memref<1x8x128xf32, #tpu.memory_space<vmem>> -> memref<8x128xf32, #tpu.memory_space<vmem>>
    %dma_wait3A_141 = arith.constant 0 : i32
    %dma_wait3A_142 = tpu.memref_slice %arg5[%arg0, %add3A_106, %dma_wait3A_141] : memref<2x2560x128xf32, #tpu.memory_space<hbm>> -> memref<1x8x128xf32, #tpu.memory_space<hbm>>
    %dma_wait3A_143 = tpu.memref_squeeze %dma_wait3A_142 : memref<1x8x128xf32, #tpu.memory_space<hbm>> -> memref<8x128xf32, #tpu.memory_space<hbm>>
    %dma_wait3A_144 = arith.constant 0 : i32
    %dma_wait3A_145 = arith.constant 0 : i32
    %dma_wait3A_146 = tpu.memref_slice %arg9[%dma_wait3A_136, %dma_wait3A_144, %dma_wait3A_145] : memref<2x8x128xf32, #tpu.memory_space<vmem>> -> memref<1x8x128xf32, #tpu.memory_space<vmem>>
    %dma_wait3A_147 = tpu.memref_squeeze %dma_wait3A_146 : memref<1x8x128xf32, #tpu.memory_space<vmem>> -> memref<8x128xf32, #tpu.memory_space<vmem>>
    %dma_wait3A_148 = arith.constant 0 : i32
    %dma_wait3A_149 = tpu.memref_slice %arg5[%arg0, %add3A_106, %dma_wait3A_148] : memref<2x2560x128xf32, #tpu.memory_space<hbm>> -> memref<1x8x128xf32, #tpu.memory_space<hbm>>
    %dma_wait3A_150 = tpu.memref_squeeze %dma_wait3A_149 : memref<1x8x128xf32, #tpu.memory_space<hbm>> -> memref<8x128xf32, #tpu.memory_space<hbm>>
    tpu.wait_dma2 semaphore(%arg17 : memref<!tpu.dma_semaphore, #tpu.memory_space<semaphore_mem>>) src(%dma_wait3A_150 : memref<8x128xf32, #tpu.memory_space<hbm>>) dst(%dma_wait3A_147 : memref<8x128xf32, #tpu.memory_space<vmem>>)
    %dma_start3A_151 = arith.constant 0 : i32
    %dma_start3A_152 = arith.constant 0 : i32
    %dma_start3A_153 = arith.constant 0 : i32
    %dma_start3A_154 = tpu.memref_slice %arg8[%dma_start3A_151, %dma_start3A_152, %dma_start3A_153] : memref<2x8x128xi32, #tpu.memory_space<vmem>> -> memref<1x1x128xi32, #tpu.memory_space<vmem>>
    %dma_start3A_155 = tpu.memref_squeeze %dma_start3A_154 : memref<1x1x128xi32, #tpu.memory_space<vmem>> -> memref<128xi32, #tpu.memory_space<vmem>>
    %dma_start3A_156 = arith.constant 0 : i32
    %dma_start3A_157 = arith.constant 0 : i32
    %dma_start3A_158 = tpu.memref_slice %arg2[%arg0, %dma_start3A_156, %dma_start3A_157] : memref<2x10000x128xf32, #tpu.memory_space<hbm>> -> memref<1x10000x128xf32, #tpu.memory_space<hbm>>
    %dma_start3A_159 = tpu.memref_squeeze %dma_start3A_158 : memref<1x10000x128xf32, #tpu.memory_space<hbm>> -> memref<10000x128xf32, #tpu.memory_space<hbm>>
    %dma_start3A_160 = arith.constant 0 : i32
    %dma_start3A_161 = arith.constant 0 : i32
    %dma_start3A_162 = tpu.memref_slice %dma_start3A_159[%dma_start3A_160, %dma_start3A_161] : memref<10000x128xf32, #tpu.memory_space<hbm>> -> memref<10000x128xf32, #tpu.memory_space<hbm>>
    tpu.enqueue_indirect_dma source(%dma_start3A_162 : memref<10000x128xf32, #tpu.memory_space<hbm>>) target(%arg10 : memref<128x128xf32, #tpu.memory_space<vmem>>) offsets(%dma_start3A_155 : memref<128xi32, #tpu.memory_space<vmem>>) semaphore(%arg13 : memref<!tpu.dma_semaphore, #tpu.memory_space<semaphore_mem>>)
    %scan3A_163 = arith.constant 0 : i32
    %scan3A_164 = arith.constant 0 : i32
    %scan3A_165 = arith.constant 80 : i32
    %scan3A_166 = arith.addi %scan3A_164, %scan3A_165 : i32
    %scan3A_167 = arith.constant 1 : i32
    %scan3A_168 = scf.for %scan3A_243 = %scan3A_164 to %scan3A_166 step %scan3A_167 iter_args(%scan3A_244 = %scan3A_163) -> (i32)  : i32 {
      %mul3A_245 = arith.constant 2 : i32
      %mul3A_246 = arith.muli %mul3A_245, %scan3A_243 : i32
      %add3A_247 = arith.constant 0 : i32
      %add3A_248 = arith.addi %mul3A_246, %add3A_247 : i32
      %jit3A = arith.constant 8 : i32
      %div3A = arith.divsi %add3A_248, %jit3A : i32
      %sign3A = arith.constant 0 : i32
      %sign3A_249 = arith.cmpi sgt, %add3A_248, %sign3A : i32
      %sign3A_250 = arith.extui %sign3A_249 : i1 to i32
      %sign3A_251 = arith.constant 0 : i32
      %sign3A_252 = arith.cmpi slt, %add3A_248, %sign3A_251 : i32
      %sign3A_253 = arith.extui %sign3A_252 : i1 to i32
      %sign3A_254 = arith.subi %sign3A_250, %sign3A_253 : i32
      %sign3A_255 = arith.constant 0 : i32
      %sign3A_256 = arith.cmpi sgt, %jit3A, %sign3A_255 : i32
      %sign3A_257 = arith.extui %sign3A_256 : i1 to i32
      %sign3A_258 = arith.constant 0 : i32
      %sign3A_259 = arith.cmpi slt, %jit3A, %sign3A_258 : i32
      %sign3A_260 = arith.extui %sign3A_259 : i1 to i32
      %sign3A_261 = arith.subi %sign3A_257, %sign3A_260 : i32
      %ne3A = arith.cmpi ne, %sign3A_254, %sign3A_261 : i32
      %rem3A = arith.remsi %add3A_248, %jit3A : i32
      %ne3A_262 = arith.constant 0 : i32
      %ne3A_263 = arith.cmpi ne, %rem3A, %ne3A_262 : i32
      %and3A = arith.andi %ne3A, %ne3A_263 : i1
      %sub3A = arith.constant 1 : i32
      %sub3A_264 = arith.subi %div3A, %sub3A : i32
      %select_n3A = arith.select %and3A, %sub3A_264, %div3A : i32
      %jit3A_265 = arith.constant 2 : i32
      %eq3A = arith.constant 0 : i32
      %eq3A_266 = arith.cmpi eq, %jit3A_265, %eq3A : i32
      %jit3A_267 = arith.constant 1 : i32
      %select_n3A_268 = arith.select %eq3A_266, %jit3A_267, %jit3A_265 : i32
      %rem3A_269 = arith.remsi %select_n3A, %select_n3A_268 : i32
      %ne3A_270 = arith.constant 0 : i32
      %ne3A_271 = arith.cmpi ne, %rem3A_269, %ne3A_270 : i32
      %lt3A_272 = arith.constant 0 : i32
      %lt3A_273 = arith.cmpi slt, %rem3A_269, %lt3A_272 : i32
      %lt3A_274 = arith.constant 0 : i32
      %lt3A_275 = arith.cmpi slt, %select_n3A_268, %lt3A_274 : i32
      %ne3A_276 = arith.xori %lt3A_273, %lt3A_275 : i1
      %and3A_277 = arith.andi %ne3A_276, %ne3A_271 : i1
      %add3A_278 = arith.addi %rem3A_269, %select_n3A_268 : i32
      %select_n3A_279 = arith.select %and3A_277, %add3A_278, %rem3A_269 : i32
      %jit3A_280 = arith.constant 8 : i32
      %eq3A_281 = arith.constant 0 : i32
      %eq3A_282 = arith.cmpi eq, %jit3A_280, %eq3A_281 : i32
      %jit3A_283 = arith.constant 1 : i32
      %select_n3A_284 = arith.select %eq3A_282, %jit3A_283, %jit3A_280 : i32
      %rem3A_285 = arith.remsi %add3A_248, %select_n3A_284 : i32
      %ne3A_286 = arith.constant 0 : i32
      %ne3A_287 = arith.cmpi ne, %rem3A_285, %ne3A_286 : i32
      %lt3A_288 = arith.constant 0 : i32
      %lt3A_289 = arith.cmpi slt, %rem3A_285, %lt3A_288 : i32
      %lt3A_290 = arith.constant 0 : i32
      %lt3A_291 = arith.cmpi slt, %select_n3A_284, %lt3A_290 : i32
      %ne3A_292 = arith.xori %lt3A_289, %lt3A_291 : i1
      %and3A_293 = arith.andi %ne3A_292, %ne3A_287 : i1
      %add3A_294 = arith.addi %rem3A_285, %select_n3A_284 : i32
      %select_n3A_295 = arith.select %and3A_293, %add3A_294, %rem3A_285 : i32
      %add3A_296 = arith.constant 1 : i32
      %add3A_297 = arith.addi %add3A_248, %add3A_296 : i32
      %lt3A_298 = arith.constant 160 : i32
      %lt3A_299 = arith.cmpi slt, %add3A_297, %lt3A_298 : i32
      %convert_element_type3A_300 = arith.extui %lt3A_299 : i1 to i32
      %cond3A_301 = arith.constant 0 : i32
      %cond3A_302 = arith.cmpi ne, %convert_element_type3A_300, %cond3A_301 : i32
      scf.if %cond3A_302 {
        %ge3A = arith.constant 1 : i32
        %ge3A_437 = arith.cmpi sge, %add3A_248, %ge3A : i32
        %convert_element_type3A_438 = arith.extui %ge3A_437 : i1 to i32
        %cond3A_439 = arith.constant 0 : i32
        %cond3A_440 = arith.cmpi ne, %convert_element_type3A_438, %cond3A_439 : i32
        scf.if %cond3A_440 {
          %dma_wait3A_512 = arith.constant 0 : i32
          %dma_wait3A_513 = arith.constant 0 : i32
          %dma_wait3A_514 = arith.constant 0 : i32
          %dma_wait3A_515 = tpu.memref_slice %arg7[%dma_wait3A_512, %dma_wait3A_513, %dma_wait3A_514] : memref<2x8x128xi32, #tpu.memory_space<vmem>> -> memref<1x1x128xi32, #tpu.memory_space<vmem>>
          %dma_wait3A_516 = tpu.memref_squeeze %dma_wait3A_515 : memref<1x1x128xi32, #tpu.memory_space<vmem>> -> memref<128xi32, #tpu.memory_space<vmem>>
          %dma_wait3A_517 = arith.constant 0 : i32
          %dma_wait3A_518 = arith.constant 0 : i32
          %dma_wait3A_519 = tpu.memref_slice %arg12[%dma_wait3A_517, %dma_wait3A_518] : memref<10000x128xf32, #tpu.memory_space<vmem_shared>> -> memref<10000x128xf32, #tpu.memory_space<vmem_shared>>
          tpu.wait_indirect_dma semaphore(%arg16 : memref<!tpu.dma_semaphore, #tpu.memory_space<semaphore_mem>>) src(%arg11 : memref<128x128xf32, #tpu.memory_space<vmem>>) dst(%dma_wait3A_519 : memref<10000x128xf32, #tpu.memory_space<vmem_shared>>)
        } else {
        }
        %jit3A_441 = arith.constant 8 : i32
        %div3A_442 = arith.divsi %add3A_297, %jit3A_441 : i32
        %sign3A_443 = arith.constant 0 : i32
        %sign3A_444 = arith.cmpi sgt, %add3A_297, %sign3A_443 : i32
        %sign3A_445 = arith.extui %sign3A_444 : i1 to i32
        %sign3A_446 = arith.constant 0 : i32
        %sign3A_447 = arith.cmpi slt, %add3A_297, %sign3A_446 : i32
        %sign3A_448 = arith.extui %sign3A_447 : i1 to i32
        %sign3A_449 = arith.subi %sign3A_445, %sign3A_448 : i32
        %sign3A_450 = arith.constant 0 : i32
        %sign3A_451 = arith.cmpi sgt, %jit3A_441, %sign3A_450 : i32
        %sign3A_452 = arith.extui %sign3A_451 : i1 to i32
        %sign3A_453 = arith.constant 0 : i32
        %sign3A_454 = arith.cmpi slt, %jit3A_441, %sign3A_453 : i32
        %sign3A_455 = arith.extui %sign3A_454 : i1 to i32
        %sign3A_456 = arith.subi %sign3A_452, %sign3A_455 : i32
        %ne3A_457 = arith.cmpi ne, %sign3A_449, %sign3A_456 : i32
        %rem3A_458 = arith.remsi %add3A_297, %jit3A_441 : i32
        %ne3A_459 = arith.constant 0 : i32
        %ne3A_460 = arith.cmpi ne, %rem3A_458, %ne3A_459 : i32
        %and3A_461 = arith.andi %ne3A_457, %ne3A_460 : i1
        %sub3A_462 = arith.constant 1 : i32
        %sub3A_463 = arith.subi %div3A_442, %sub3A_462 : i32
        %select_n3A_464 = arith.select %and3A_461, %sub3A_463, %div3A_442 : i32
        %jit3A_465 = arith.constant 2 : i32
        %eq3A_466 = arith.constant 0 : i32
        %eq3A_467 = arith.cmpi eq, %jit3A_465, %eq3A_466 : i32
        %jit3A_468 = arith.constant 1 : i32
        %select_n3A_469 = arith.select %eq3A_467, %jit3A_468, %jit3A_465 : i32
        %rem3A_470 = arith.remsi %select_n3A_464, %select_n3A_469 : i32
        %ne3A_471 = arith.constant 0 : i32
        %ne3A_472 = arith.cmpi ne, %rem3A_470, %ne3A_471 : i32
        %lt3A_473 = arith.constant 0 : i32
        %lt3A_474 = arith.cmpi slt, %rem3A_470, %lt3A_473 : i32
        %lt3A_475 = arith.constant 0 : i32
        %lt3A_476 = arith.cmpi slt, %select_n3A_469, %lt3A_475 : i32
        %ne3A_477 = arith.xori %lt3A_474, %lt3A_476 : i1
        %and3A_478 = arith.andi %ne3A_477, %ne3A_472 : i1
        %add3A_479 = arith.addi %rem3A_470, %select_n3A_469 : i32
        %select_n3A_480 = arith.select %and3A_478, %add3A_479, %rem3A_470 : i32
        %jit3A_481 = arith.constant 8 : i32
        %eq3A_482 = arith.constant 0 : i32
        %eq3A_483 = arith.cmpi eq, %jit3A_481, %eq3A_482 : i32
        %jit3A_484 = arith.constant 1 : i32
        %select_n3A_485 = arith.select %eq3A_483, %jit3A_484, %jit3A_481 : i32
        %rem3A_486 = arith.remsi %add3A_297, %select_n3A_485 : i32
        %ne3A_487 = arith.constant 0 : i32
        %ne3A_488 = arith.cmpi ne, %rem3A_486, %ne3A_487 : i32
        %lt3A_489 = arith.constant 0 : i32
        %lt3A_490 = arith.cmpi slt, %rem3A_486, %lt3A_489 : i32
        %lt3A_491 = arith.constant 0 : i32
        %lt3A_492 = arith.cmpi slt, %select_n3A_485, %lt3A_491 : i32
        %ne3A_493 = arith.xori %lt3A_490, %lt3A_492 : i1
        %and3A_494 = arith.andi %ne3A_493, %ne3A_488 : i1
        %add3A_495 = arith.addi %rem3A_486, %select_n3A_485 : i32
        %select_n3A_496 = arith.select %and3A_494, %add3A_495, %rem3A_486 : i32
        %eq3A_497 = arith.constant 0 : i32
        %eq3A_498 = arith.cmpi eq, %select_n3A_496, %eq3A_497 : i32
        %convert_element_type3A_499 = arith.extui %eq3A_498 : i1 to i32
        %cond3A_500 = arith.constant 0 : i32
        %cond3A_501 = arith.cmpi ne, %convert_element_type3A_499, %cond3A_500 : i32
        scf.if %cond3A_501 {
          %mul3A_512 = arith.constant 8 : i32
          %mul3A_513 = arith.muli %select_n3A_464, %mul3A_512 : i32
          %add3A_514 = arith.addi %mul3A_0, %mul3A_513 : i32
          %dma_wait3A_515 = arith.constant 0 : i32
          %dma_wait3A_516 = arith.constant 0 : i32
          %dma_wait3A_517 = tpu.memref_slice %arg7[%select_n3A_480, %dma_wait3A_515, %dma_wait3A_516] : memref<2x8x128xi32, #tpu.memory_space<vmem>> -> memref<1x8x128xi32, #tpu.memory_space<vmem>>
          %dma_wait3A_518 = tpu.memref_squeeze %dma_wait3A_517 : memref<1x8x128xi32, #tpu.memory_space<vmem>> -> memref<8x128xi32, #tpu.memory_space<vmem>>
          %dma_wait3A_519 = arith.constant 0 : i32
          %dma_wait3A_520 = tpu.memref_slice %arg3[%arg0, %add3A_514, %dma_wait3A_519] : memref<2x2560x128xi32, #tpu.memory_space<hbm>> -> memref<1x8x128xi32, #tpu.memory_space<hbm>>
          %dma_wait3A_521 = tpu.memref_squeeze %dma_wait3A_520 : memref<1x8x128xi32, #tpu.memory_space<hbm>> -> memref<8x128xi32, #tpu.memory_space<hbm>>
          %dma_wait3A_522 = arith.constant 0 : i32
          %dma_wait3A_523 = arith.constant 0 : i32
          %dma_wait3A_524 = tpu.memref_slice %arg7[%select_n3A_480, %dma_wait3A_522, %dma_wait3A_523] : memref<2x8x128xi32, #tpu.memory_space<vmem>> -> memref<1x8x128xi32, #tpu.memory_space<vmem>>
          %dma_wait3A_525 = tpu.memref_squeeze %dma_wait3A_524 : memref<1x8x128xi32, #tpu.memory_space<vmem>> -> memref<8x128xi32, #tpu.memory_space<vmem>>
          %dma_wait3A_526 = arith.constant 0 : i32
          %dma_wait3A_527 = tpu.memref_slice %arg3[%arg0, %add3A_514, %dma_wait3A_526] : memref<2x2560x128xi32, #tpu.memory_space<hbm>> -> memref<1x8x128xi32, #tpu.memory_space<hbm>>
          %dma_wait3A_528 = tpu.memref_squeeze %dma_wait3A_527 : memref<1x8x128xi32, #tpu.memory_space<hbm>> -> memref<8x128xi32, #tpu.memory_space<hbm>>
          tpu.wait_dma2 semaphore(%arg17 : memref<!tpu.dma_semaphore, #tpu.memory_space<semaphore_mem>>) src(%dma_wait3A_528 : memref<8x128xi32, #tpu.memory_space<hbm>>) dst(%dma_wait3A_525 : memref<8x128xi32, #tpu.memory_space<vmem>>)
          %dma_wait3A_529 = arith.constant 0 : i32
          %dma_wait3A_530 = arith.constant 0 : i32
          %dma_wait3A_531 = tpu.memref_slice %arg8[%select_n3A_480, %dma_wait3A_529, %dma_wait3A_530] : memref<2x8x128xi32, #tpu.memory_space<vmem>> -> memref<1x8x128xi32, #tpu.memory_space<vmem>>
          %dma_wait3A_532 = tpu.memref_squeeze %dma_wait3A_531 : memref<1x8x128xi32, #tpu.memory_space<vmem>> -> memref<8x128xi32, #tpu.memory_space<vmem>>
          %dma_wait3A_533 = arith.constant 0 : i32
          %dma_wait3A_534 = tpu.memref_slice %arg4[%arg0, %add3A_514, %dma_wait3A_533] : memref<2x2560x128xi32, #tpu.memory_space<hbm>> -> memref<1x8x128xi32, #tpu.memory_space<hbm>>
          %dma_wait3A_535 = tpu.memref_squeeze %dma_wait3A_534 : memref<1x8x128xi32, #tpu.memory_space<hbm>> -> memref<8x128xi32, #tpu.memory_space<hbm>>
          %dma_wait3A_536 = arith.constant 0 : i32
          %dma_wait3A_537 = arith.constant 0 : i32
          %dma_wait3A_538 = tpu.memref_slice %arg8[%select_n3A_480, %dma_wait3A_536, %dma_wait3A_537] : memref<2x8x128xi32, #tpu.memory_space<vmem>> -> memref<1x8x128xi32, #tpu.memory_space<vmem>>
          %dma_wait3A_539 = tpu.memref_squeeze %dma_wait3A_538 : memref<1x8x128xi32, #tpu.memory_space<vmem>> -> memref<8x128xi32, #tpu.memory_space<vmem>>
          %dma_wait3A_540 = arith.constant 0 : i32
          %dma_wait3A_541 = tpu.memref_slice %arg4[%arg0, %add3A_514, %dma_wait3A_540] : memref<2x2560x128xi32, #tpu.memory_space<hbm>> -> memref<1x8x128xi32, #tpu.memory_space<hbm>>
          %dma_wait3A_542 = tpu.memref_squeeze %dma_wait3A_541 : memref<1x8x128xi32, #tpu.memory_space<hbm>> -> memref<8x128xi32, #tpu.memory_space<hbm>>
          tpu.wait_dma2 semaphore(%arg17 : memref<!tpu.dma_semaphore, #tpu.memory_space<semaphore_mem>>) src(%dma_wait3A_542 : memref<8x128xi32, #tpu.memory_space<hbm>>) dst(%dma_wait3A_539 : memref<8x128xi32, #tpu.memory_space<vmem>>)
          %dma_wait3A_543 = arith.constant 0 : i32
          %dma_wait3A_544 = arith.constant 0 : i32
          %dma_wait3A_545 = tpu.memref_slice %arg9[%select_n3A_480, %dma_wait3A_543, %dma_wait3A_544] : memref<2x8x128xf32, #tpu.memory_space<vmem>> -> memref<1x8x128xf32, #tpu.memory_space<vmem>>
          %dma_wait3A_546 = tpu.memref_squeeze %dma_wait3A_545 : memref<1x8x128xf32, #tpu.memory_space<vmem>> -> memref<8x128xf32, #tpu.memory_space<vmem>>
          %dma_wait3A_547 = arith.constant 0 : i32
          %dma_wait3A_548 = tpu.memref_slice %arg5[%arg0, %add3A_514, %dma_wait3A_547] : memref<2x2560x128xf32, #tpu.memory_space<hbm>> -> memref<1x8x128xf32, #tpu.memory_space<hbm>>
          %dma_wait3A_549 = tpu.memref_squeeze %dma_wait3A_548 : memref<1x8x128xf32, #tpu.memory_space<hbm>> -> memref<8x128xf32, #tpu.memory_space<hbm>>
          %dma_wait3A_550 = arith.constant 0 : i32
          %dma_wait3A_551 = arith.constant 0 : i32
          %dma_wait3A_552 = tpu.memref_slice %arg9[%select_n3A_480, %dma_wait3A_550, %dma_wait3A_551] : memref<2x8x128xf32, #tpu.memory_space<vmem>> -> memref<1x8x128xf32, #tpu.memory_space<vmem>>
          %dma_wait3A_553 = tpu.memref_squeeze %dma_wait3A_552 : memref<1x8x128xf32, #tpu.memory_space<vmem>> -> memref<8x128xf32, #tpu.memory_space<vmem>>
          %dma_wait3A_554 = arith.constant 0 : i32
          %dma_wait3A_555 = tpu.memref_slice %arg5[%arg0, %add3A_514, %dma_wait3A_554] : memref<2x2560x128xf32, #tpu.memory_space<hbm>> -> memref<1x8x128xf32, #tpu.memory_space<hbm>>
          %dma_wait3A_556 = tpu.memref_squeeze %dma_wait3A_555 : memref<1x8x128xf32, #tpu.memory_space<hbm>> -> memref<8x128xf32, #tpu.memory_space<hbm>>
          tpu.wait_dma2 semaphore(%arg17 : memref<!tpu.dma_semaphore, #tpu.memory_space<semaphore_mem>>) src(%dma_wait3A_556 : memref<8x128xf32, #tpu.memory_space<hbm>>) dst(%dma_wait3A_553 : memref<8x128xf32, #tpu.memory_space<vmem>>)
        } else {
        }
        %dma_start3A_502 = arith.constant 0 : i32
        %dma_start3A_503 = tpu.memref_slice %arg8[%select_n3A_480, %select_n3A_496, %dma_start3A_502] : memref<2x8x128xi32, #tpu.memory_space<vmem>> -> memref<1x1x128xi32, #tpu.memory_space<vmem>>
        %dma_start3A_504 = tpu.memref_squeeze %dma_start3A_503 : memref<1x1x128xi32, #tpu.memory_space<vmem>> -> memref<128xi32, #tpu.memory_space<vmem>>
        %dma_start3A_505 = arith.constant 0 : i32
        %dma_start3A_506 = arith.constant 0 : i32
        %dma_start3A_507 = tpu.memref_slice %arg2[%arg0, %dma_start3A_505, %dma_start3A_506] : memref<2x10000x128xf32, #tpu.memory_space<hbm>> -> memref<1x10000x128xf32, #tpu.memory_space<hbm>>
        %dma_start3A_508 = tpu.memref_squeeze %dma_start3A_507 : memref<1x10000x128xf32, #tpu.memory_space<hbm>> -> memref<10000x128xf32, #tpu.memory_space<hbm>>
        %dma_start3A_509 = arith.constant 0 : i32
        %dma_start3A_510 = arith.constant 0 : i32
        %dma_start3A_511 = tpu.memref_slice %dma_start3A_508[%dma_start3A_509, %dma_start3A_510] : memref<10000x128xf32, #tpu.memory_space<hbm>> -> memref<10000x128xf32, #tpu.memory_space<hbm>>
        tpu.enqueue_indirect_dma source(%dma_start3A_511 : memref<10000x128xf32, #tpu.memory_space<hbm>>) target(%arg11 : memref<128x128xf32, #tpu.memory_space<vmem>>) offsets(%dma_start3A_504 : memref<128xi32, #tpu.memory_space<vmem>>) semaphore(%arg14 : memref<!tpu.dma_semaphore, #tpu.memory_space<semaphore_mem>>)
      } else {
      }
      %eq3A_303 = arith.constant 0 : i32
      %eq3A_304 = arith.cmpi eq, %select_n3A_295, %eq3A_303 : i32
      %add3A_305 = arith.constant 1 : i32
      %add3A_306 = arith.addi %select_n3A, %add3A_305 : i32
      %lt3A_307 = arith.constant 20 : i32
      %lt3A_308 = arith.cmpi slt, %add3A_306, %lt3A_307 : i32
      %and3A_309 = arith.andi %eq3A_304, %lt3A_308 : i1
      %convert_element_type3A_310 = arith.extui %and3A_309 : i1 to i32
      %cond3A_311 = arith.constant 0 : i32
      %cond3A_312 = arith.cmpi ne, %convert_element_type3A_310, %cond3A_311 : i32
      scf.if %cond3A_312 {
        %add3A_437 = arith.constant 1 : i32
        %add3A_438 = arith.addi %select_n3A, %add3A_437 : i32
        %add3A_439 = arith.constant 1 : i32
        %add3A_440 = arith.addi %select_n3A, %add3A_439 : i32
        %jit3A_441 = arith.constant 2 : i32
        %eq3A_442 = arith.constant 0 : i32
        %eq3A_443 = arith.cmpi eq, %jit3A_441, %eq3A_442 : i32
        %jit3A_444 = arith.constant 1 : i32
        %select_n3A_445 = arith.select %eq3A_443, %jit3A_444, %jit3A_441 : i32
        %rem3A_446 = arith.remsi %add3A_440, %select_n3A_445 : i32
        %ne3A_447 = arith.constant 0 : i32
        %ne3A_448 = arith.cmpi ne, %rem3A_446, %ne3A_447 : i32
        %lt3A_449 = arith.constant 0 : i32
        %lt3A_450 = arith.cmpi slt, %rem3A_446, %lt3A_449 : i32
        %lt3A_451 = arith.constant 0 : i32
        %lt3A_452 = arith.cmpi slt, %select_n3A_445, %lt3A_451 : i32
        %ne3A_453 = arith.xori %lt3A_450, %lt3A_452 : i1
        %and3A_454 = arith.andi %ne3A_453, %ne3A_448 : i1
        %add3A_455 = arith.addi %rem3A_446, %select_n3A_445 : i32
        %select_n3A_456 = arith.select %and3A_454, %add3A_455, %rem3A_446 : i32
        %mul3A_457 = arith.constant 8 : i32
        %mul3A_458 = arith.muli %add3A_438, %mul3A_457 : i32
        %add3A_459 = arith.addi %mul3A_0, %mul3A_458 : i32
        %dma_start3A_460 = arith.constant 0 : i32
        %dma_start3A_461 = arith.constant 0 : i32
        %dma_start3A_462 = tpu.memref_slice %arg7[%select_n3A_456, %dma_start3A_460, %dma_start3A_461] : memref<2x8x128xi32, #tpu.memory_space<vmem>> -> memref<1x8x128xi32, #tpu.memory_space<vmem>>
        %dma_start3A_463 = tpu.memref_squeeze %dma_start3A_462 : memref<1x8x128xi32, #tpu.memory_space<vmem>> -> memref<8x128xi32, #tpu.memory_space<vmem>>
        %dma_start3A_464 = arith.constant 0 : i32
        %dma_start3A_465 = tpu.memref_slice %arg3[%arg0, %add3A_459, %dma_start3A_464] : memref<2x2560x128xi32, #tpu.memory_space<hbm>> -> memref<1x8x128xi32, #tpu.memory_space<hbm>>
        %dma_start3A_466 = tpu.memref_squeeze %dma_start3A_465 : memref<1x8x128xi32, #tpu.memory_space<hbm>> -> memref<8x128xi32, #tpu.memory_space<hbm>>
        %dma_start3A_467 = arith.constant 0 : i32
        %dma_start3A_468 = arith.constant 0 : i32
        %dma_start3A_469 = tpu.memref_slice %arg7[%select_n3A_456, %dma_start3A_467, %dma_start3A_468] : memref<2x8x128xi32, #tpu.memory_space<vmem>> -> memref<1x8x128xi32, #tpu.memory_space<vmem>>
        %dma_start3A_470 = tpu.memref_squeeze %dma_start3A_469 : memref<1x8x128xi32, #tpu.memory_space<vmem>> -> memref<8x128xi32, #tpu.memory_space<vmem>>
        %dma_start3A_471 = arith.constant 0 : i32
        %dma_start3A_472 = tpu.memref_slice %arg3[%arg0, %add3A_459, %dma_start3A_471] : memref<2x2560x128xi32, #tpu.memory_space<hbm>> -> memref<1x8x128xi32, #tpu.memory_space<hbm>>
        %dma_start3A_473 = tpu.memref_squeeze %dma_start3A_472 : memref<1x8x128xi32, #tpu.memory_space<hbm>> -> memref<8x128xi32, #tpu.memory_space<hbm>>
        tpu.enqueue_dma source(%dma_start3A_473 : memref<8x128xi32, #tpu.memory_space<hbm>>) target(%dma_start3A_470 : memref<8x128xi32, #tpu.memory_space<vmem>>) target_semaphore(%arg17 : memref<!tpu.dma_semaphore, #tpu.memory_space<semaphore_mem>>)
        %dma_start3A_474 = arith.constant 0 : i32
        %dma_start3A_475 = arith.constant 0 : i32
        %dma_start3A_476 = tpu.memref_slice %arg8[%select_n3A_456, %dma_start3A_474, %dma_start3A_475] : memref<2x8x128xi32, #tpu.memory_space<vmem>> -> memref<1x8x128xi32, #tpu.memory_space<vmem>>
        %dma_start3A_477 = tpu.memref_squeeze %dma_start3A_476 : memref<1x8x128xi32, #tpu.memory_space<vmem>> -> memref<8x128xi32, #tpu.memory_space<vmem>>
        %dma_start3A_478 = arith.constant 0 : i32
        %dma_start3A_479 = tpu.memref_slice %arg4[%arg0, %add3A_459, %dma_start3A_478] : memref<2x2560x128xi32, #tpu.memory_space<hbm>> -> memref<1x8x128xi32, #tpu.memory_space<hbm>>
        %dma_start3A_480 = tpu.memref_squeeze %dma_start3A_479 : memref<1x8x128xi32, #tpu.memory_space<hbm>> -> memref<8x128xi32, #tpu.memory_space<hbm>>
        %dma_start3A_481 = arith.constant 0 : i32
        %dma_start3A_482 = arith.constant 0 : i32
        %dma_start3A_483 = tpu.memref_slice %arg8[%select_n3A_456, %dma_start3A_481, %dma_start3A_482] : memref<2x8x128xi32, #tpu.memory_space<vmem>> -> memref<1x8x128xi32, #tpu.memory_space<vmem>>
        %dma_start3A_484 = tpu.memref_squeeze %dma_start3A_483 : memref<1x8x128xi32, #tpu.memory_space<vmem>> -> memref<8x128xi32, #tpu.memory_space<vmem>>
        %dma_start3A_485 = arith.constant 0 : i32
        %dma_start3A_486 = tpu.memref_slice %arg4[%arg0, %add3A_459, %dma_start3A_485] : memref<2x2560x128xi32, #tpu.memory_space<hbm>> -> memref<1x8x128xi32, #tpu.memory_space<hbm>>
        %dma_start3A_487 = tpu.memref_squeeze %dma_start3A_486 : memref<1x8x128xi32, #tpu.memory_space<hbm>> -> memref<8x128xi32, #tpu.memory_space<hbm>>
        tpu.enqueue_dma source(%dma_start3A_487 : memref<8x128xi32, #tpu.memory_space<hbm>>) target(%dma_start3A_484 : memref<8x128xi32, #tpu.memory_space<vmem>>) target_semaphore(%arg17 : memref<!tpu.dma_semaphore, #tpu.memory_space<semaphore_mem>>)
        %dma_start3A_488 = arith.constant 0 : i32
        %dma_start3A_489 = arith.constant 0 : i32
        %dma_start3A_490 = tpu.memref_slice %arg9[%select_n3A_456, %dma_start3A_488, %dma_start3A_489] : memref<2x8x128xf32, #tpu.memory_space<vmem>> -> memref<1x8x128xf32, #tpu.memory_space<vmem>>
        %dma_start3A_491 = tpu.memref_squeeze %dma_start3A_490 : memref<1x8x128xf32, #tpu.memory_space<vmem>> -> memref<8x128xf32, #tpu.memory_space<vmem>>
        %dma_start3A_492 = arith.constant 0 : i32
        %dma_start3A_493 = tpu.memref_slice %arg5[%arg0, %add3A_459, %dma_start3A_492] : memref<2x2560x128xf32, #tpu.memory_space<hbm>> -> memref<1x8x128xf32, #tpu.memory_space<hbm>>
        %dma_start3A_494 = tpu.memref_squeeze %dma_start3A_493 : memref<1x8x128xf32, #tpu.memory_space<hbm>> -> memref<8x128xf32, #tpu.memory_space<hbm>>
        %dma_start3A_495 = arith.constant 0 : i32
        %dma_start3A_496 = arith.constant 0 : i32
        %dma_start3A_497 = tpu.memref_slice %arg9[%select_n3A_456, %dma_start3A_495, %dma_start3A_496] : memref<2x8x128xf32, #tpu.memory_space<vmem>> -> memref<1x8x128xf32, #tpu.memory_space<vmem>>
        %dma_start3A_498 = tpu.memref_squeeze %dma_start3A_497 : memref<1x8x128xf32, #tpu.memory_space<vmem>> -> memref<8x128xf32, #tpu.memory_space<vmem>>
        %dma_start3A_499 = arith.constant 0 : i32
        %dma_start3A_500 = tpu.memref_slice %arg5[%arg0, %add3A_459, %dma_start3A_499] : memref<2x2560x128xf32, #tpu.memory_space<hbm>> -> memref<1x8x128xf32, #tpu.memory_space<hbm>>
        %dma_start3A_501 = tpu.memref_squeeze %dma_start3A_500 : memref<1x8x128xf32, #tpu.memory_space<hbm>> -> memref<8x128xf32, #tpu.memory_space<hbm>>
        tpu.enqueue_dma source(%dma_start3A_501 : memref<8x128xf32, #tpu.memory_space<hbm>>) target(%dma_start3A_498 : memref<8x128xf32, #tpu.memory_space<vmem>>) target_semaphore(%arg17 : memref<!tpu.dma_semaphore, #tpu.memory_space<semaphore_mem>>)
      } else {
      }
      %dma_wait3A_313 = arith.constant 0 : i32
      %dma_wait3A_314 = tpu.memref_slice %arg8[%select_n3A_279, %select_n3A_295, %dma_wait3A_313] : memref<2x8x128xi32, #tpu.memory_space<vmem>> -> memref<1x1x128xi32, #tpu.memory_space<vmem>>
      %dma_wait3A_315 = tpu.memref_squeeze %dma_wait3A_314 : memref<1x1x128xi32, #tpu.memory_space<vmem>> -> memref<128xi32, #tpu.memory_space<vmem>>
      %dma_wait3A_316 = arith.constant 0 : i32
      %dma_wait3A_317 = arith.constant 0 : i32
      %dma_wait3A_318 = tpu.memref_slice %arg2[%arg0, %dma_wait3A_316, %dma_wait3A_317] : memref<2x10000x128xf32, #tpu.memory_space<hbm>> -> memref<1x10000x128xf32, #tpu.memory_space<hbm>>
      %dma_wait3A_319 = tpu.memref_squeeze %dma_wait3A_318 : memref<1x10000x128xf32, #tpu.memory_space<hbm>> -> memref<10000x128xf32, #tpu.memory_space<hbm>>
      %dma_wait3A_320 = arith.constant 0 : i32
      %dma_wait3A_321 = arith.constant 0 : i32
      %dma_wait3A_322 = tpu.memref_slice %dma_wait3A_319[%dma_wait3A_320, %dma_wait3A_321] : memref<10000x128xf32, #tpu.memory_space<hbm>> -> memref<10000x128xf32, #tpu.memory_space<hbm>>
      tpu.wait_indirect_dma semaphore(%arg13 : memref<!tpu.dma_semaphore, #tpu.memory_space<semaphore_mem>>) src(%dma_wait3A_322 : memref<10000x128xf32, #tpu.memory_space<hbm>>) dst(%arg10 : memref<128x128xf32, #tpu.memory_space<vmem>>)
      %scan3A_323 = arith.constant 0 : i32
      %scan3A_324 = arith.constant 0 : i32
      %scan3A_325 = arith.constant 8 : i32
      %scan3A_326 = arith.addi %scan3A_324, %scan3A_325 : i32
      %scan3A_327 = arith.constant 1 : i32
      %scan3A_328 = scf.for %scan3A_437 = %scan3A_324 to %scan3A_326 step %scan3A_327 iter_args(%scan3A_438 = %scan3A_323) -> (i32)  : i32 {
        %mul3A_439 = arith.constant 16 : i32
        %mul3A_440 = arith.muli %scan3A_437, %mul3A_439 : i32
        %get3A = arith.index_cast %select_n3A_279 : i32 to index
        %get3A_441 = arith.index_cast %select_n3A_295 : i32 to index
        %get3A_442 = arith.index_cast %mul3A_440 : i32 to index
        %get3A_443 = tpu.vector_load %arg9[%get3A, %get3A_441, %get3A_442] {strides = array<i32>} : memref<2x8x128xf32, #tpu.memory_space<vmem>>, vector<16xf32>,
        %slice3A = vector.extract_strided_slice %get3A_443 {offsets = [0], sizes = [1], strides = [1]} : vector<16xf32> to vector<1xf32>
        %squeeze3A = vector.extract %slice3A[0] : f32 from vector<1xf32>
        %mul3A_444 = arith.constant 16 : i32
        %mul3A_445 = arith.muli %scan3A_437, %mul3A_444 : i32
        %add3A_446 = arith.constant 0 : i32
        %add3A_447 = arith.addi %mul3A_445, %add3A_446 : i32
        %get3A_448 = arith.index_cast %add3A_447 : i32 to index
        %get3A_449 = arith.constant 0 : index
        %get3A_450 = tpu.vector_load %arg10[%get3A_448, %get3A_449] {strides = array<i32>} : memref<128x128xf32, #tpu.memory_space<vmem>>, vector<16xf32>,
        %mul3A_451 = vector.broadcast %squeeze3A : f32 to vector<16xf32>
        %mul3A_452 = arith.mulf %get3A_450, %mul3A_451 : vector<16xf32>
        %swap3A = arith.index_cast %add3A_447 : i32 to index
        %swap3A_453 = arith.constant 0 : index
        %swap3A_454 = tpu.vector_load %arg10[%swap3A, %swap3A_453] {strides = array<i32>} : memref<128x128xf32, #tpu.memory_space<vmem>>, vector<16xf32>,
        tpu.vector_store %arg10[%swap3A, %swap3A_453], %mul3A_452 {strides = array<i32>} : memref<128x128xf32, #tpu.memory_space<vmem>>, vector<16xf32>,
        %get3A_455 = arith.index_cast %add3A_447 : i32 to index
        %get3A_456 = arith.constant 16 : index
        %get3A_457 = tpu.vector_load %arg10[%get3A_455, %get3A_456] {strides = array<i32>} : memref<128x128xf32, #tpu.memory_space<vmem>>, vector<16xf32>,
        %mul3A_458 = vector.broadcast %squeeze3A : f32 to vector<16xf32>
        %mul3A_459 = arith.mulf %get3A_457, %mul3A_458 : vector<16xf32>
        %swap3A_460 = arith.index_cast %add3A_447 : i32 to index
        %swap3A_461 = arith.constant 16 : index
        %swap3A_462 = tpu.vector_load %arg10[%swap3A_460, %swap3A_461] {strides = array<i32>} : memref<128x128xf32, #tpu.memory_space<vmem>>, vector<16xf32>,
        tpu.vector_store %arg10[%swap3A_460, %swap3A_461], %mul3A_459 {strides = array<i32>} : memref<128x128xf32, #tpu.memory_space<vmem>>, vector<16xf32>,
        %get3A_463 = arith.index_cast %add3A_447 : i32 to index
        %get3A_464 = arith.constant 32 : index
        %get3A_465 = tpu.vector_load %arg10[%get3A_463, %get3A_464] {strides = array<i32>} : memref<128x128xf32, #tpu.memory_space<vmem>>, vector<16xf32>,
        %mul3A_466 = vector.broadcast %squeeze3A : f32 to vector<16xf32>
        %mul3A_467 = arith.mulf %get3A_465, %mul3A_466 : vector<16xf32>
        %swap3A_468 = arith.index_cast %add3A_447 : i32 to index
        %swap3A_469 = arith.constant 32 : index
        %swap3A_470 = tpu.vector_load %arg10[%swap3A_468, %swap3A_469] {strides = array<i32>} : memref<128x128xf32, #tpu.memory_space<vmem>>, vector<16xf32>,
        tpu.vector_store %arg10[%swap3A_468, %swap3A_469], %mul3A_467 {strides = array<i32>} : memref<128x128xf32, #tpu.memory_space<vmem>>, vector<16xf32>,
        %get3A_471 = arith.index_cast %add3A_447 : i32 to index
        %get3A_472 = arith.constant 48 : index
        %get3A_473 = tpu.vector_load %arg10[%get3A_471, %get3A_472] {strides = array<i32>} : memref<128x128xf32, #tpu.memory_space<vmem>>, vector<16xf32>,
        %mul3A_474 = vector.broadcast %squeeze3A : f32 to vector<16xf32>
        %mul3A_475 = arith.mulf %get3A_473, %mul3A_474 : vector<16xf32>
        %swap3A_476 = arith.index_cast %add3A_447 : i32 to index
        %swap3A_477 = arith.constant 48 : index
        %swap3A_478 = tpu.vector_load %arg10[%swap3A_476, %swap3A_477] {strides = array<i32>} : memref<128x128xf32, #tpu.memory_space<vmem>>, vector<16xf32>,
        tpu.vector_store %arg10[%swap3A_476, %swap3A_477], %mul3A_475 {strides = array<i32>} : memref<128x128xf32, #tpu.memory_space<vmem>>, vector<16xf32>,
        %get3A_479 = arith.index_cast %add3A_447 : i32 to index
        %get3A_480 = arith.constant 64 : index
        %get3A_481 = tpu.vector_load %arg10[%get3A_479, %get3A_480] {strides = array<i32>} : memref<128x128xf32, #tpu.memory_space<vmem>>, vector<16xf32>,
        %mul3A_482 = vector.broadcast %squeeze3A : f32 to vector<16xf32>
        %mul3A_483 = arith.mulf %get3A_481, %mul3A_482 : vector<16xf32>
        %swap3A_484 = arith.index_cast %add3A_447 : i32 to index
        %swap3A_485 = arith.constant 64 : index
        %swap3A_486 = tpu.vector_load %arg10[%swap3A_484, %swap3A_485] {strides = array<i32>} : memref<128x128xf32, #tpu.memory_space<vmem>>, vector<16xf32>,
        tpu.vector_store %arg10[%swap3A_484, %swap3A_485], %mul3A_483 {strides = array<i32>} : memref<128x128xf32, #tpu.memory_space<vmem>>, vector<16xf32>,
        %get3A_487 = arith.index_cast %add3A_447 : i32 to index
        %get3A_488 = arith.constant 80 : index
        %get3A_489 = tpu.vector_load %arg10[%get3A_487, %get3A_488] {strides = array<i32>} : memref<128x128xf32, #tpu.memory_space<vmem>>, vector<16xf32>,
        %mul3A_490 = vector.broadcast %squeeze3A : f32 to vector<16xf32>
        %mul3A_491 = arith.mulf %get3A_489, %mul3A_490 : vector<16xf32>
        %swap3A_492 = arith.index_cast %add3A_447 : i32 to index
        %swap3A_493 = arith.constant 80 : index
        %swap3A_494 = tpu.vector_load %arg10[%swap3A_492, %swap3A_493] {strides = array<i32>} : memref<128x128xf32, #tpu.memory_space<vmem>>, vector<16xf32>,
        tpu.vector_store %arg10[%swap3A_492, %swap3A_493], %mul3A_491 {strides = array<i32>} : memref<128x128xf32, #tpu.memory_space<vmem>>, vector<16xf32>,
        %get3A_495 = arith.index_cast %add3A_447 : i32 to index
        %get3A_496 = arith.constant 96 : index
        %get3A_497 = tpu.vector_load %arg10[%get3A_495, %get3A_496] {strides = array<i32>} : memref<128x128xf32, #tpu.memory_space<vmem>>, vector<16xf32>,
        %mul3A_498 = vector.broadcast %squeeze3A : f32 to vector<16xf32>
        %mul3A_499 = arith.mulf %get3A_497, %mul3A_498 : vector<16xf32>
        %swap3A_500 = arith.index_cast %add3A_447 : i32 to index
        %swap3A_501 = arith.constant 96 : index
        %swap3A_502 = tpu.vector_load %arg10[%swap3A_500, %swap3A_501] {strides = array<i32>} : memref<128x128xf32, #tpu.memory_space<vmem>>, vector<16xf32>,
        tpu.vector_store %arg10[%swap3A_500, %swap3A_501], %mul3A_499 {strides = array<i32>} : memref<128x128xf32, #tpu.memory_space<vmem>>, vector<16xf32>,
        %get3A_503 = arith.index_cast %add3A_447 : i32 to index
        %get3A_504 = arith.constant 112 : index
        %get3A_505 = tpu.vector_load %arg10[%get3A_503, %get3A_504] {strides = array<i32>} : memref<128x128xf32, #tpu.memory_space<vmem>>, vector<16xf32>,
        %mul3A_506 = vector.broadcast %squeeze3A : f32 to vector<16xf32>
        %mul3A_507 = arith.mulf %get3A_505, %mul3A_506 : vector<16xf32>
        %swap3A_508 = arith.index_cast %add3A_447 : i32 to index
        %swap3A_509 = arith.constant 112 : index
        %swap3A_510 = tpu.vector_load %arg10[%swap3A_508, %swap3A_509] {strides = array<i32>} : memref<128x128xf32, #tpu.memory_space<vmem>>, vector<16xf32>,
        tpu.vector_store %arg10[%swap3A_508, %swap3A_509], %mul3A_507 {strides = array<i32>} : memref<128x128xf32, #tpu.memory_space<vmem>>, vector<16xf32>,
        %slice3A_511 = vector.extract_strided_slice %get3A_443 {offsets = [1], sizes = [1], strides = [1]} : vector<16xf32> to vector<1xf32>
        %squeeze3A_512 = vector.extract %slice3A_511[0] : f32 from vector<1xf32>
        %mul3A_513 = arith.constant 16 : i32
        %mul3A_514 = arith.muli %scan3A_437, %mul3A_513 : i32
        %add3A_515 = arith.constant 1 : i32
        %add3A_516 = arith.addi %mul3A_514, %add3A_515 : i32
        %get3A_517 = arith.index_cast %add3A_516 : i32 to index
        %get3A_518 = arith.constant 0 : index
        %get3A_519 = tpu.vector_load %arg10[%get3A_517, %get3A_518] {strides = array<i32>} : memref<128x128xf32, #tpu.memory_space<vmem>>, vector<16xf32>,
        %mul3A_520 = vector.broadcast %squeeze3A_512 : f32 to vector<16xf32>
        %mul3A_521 = arith.mulf %get3A_519, %mul3A_520 : vector<16xf32>
        %swap3A_522 = arith.index_cast %add3A_516 : i32 to index
        %swap3A_523 = arith.constant 0 : index
        %swap3A_524 = tpu.vector_load %arg10[%swap3A_522, %swap3A_523] {strides = array<i32>} : memref<128x128xf32, #tpu.memory_space<vmem>>, vector<16xf32>,
        tpu.vector_store %arg10[%swap3A_522, %swap3A_523], %mul3A_521 {strides = array<i32>} : memref<128x128xf32, #tpu.memory_space<vmem>>, vector<16xf32>,
        %get3A_525 = arith.index_cast %add3A_516 : i32 to index
        %get3A_526 = arith.constant 16 : index
        %get3A_527 = tpu.vector_load %arg10[%get3A_525, %get3A_526] {strides = array<i32>} : memref<128x128xf32, #tpu.memory_space<vmem>>, vector<16xf32>,
        %mul3A_528 = vector.broadcast %squeeze3A_512 : f32 to vector<16xf32>
        %mul3A_529 = arith.mulf %get3A_527, %mul3A_528 : vector<16xf32>
        %swap3A_530 = arith.index_cast %add3A_516 : i32 to index
        %swap3A_531 = arith.constant 16 : index
        %swap3A_532 = tpu.vector_load %arg10[%swap3A_530, %swap3A_531] {strides = array<i32>} : memref<128x128xf32, #tpu.memory_space<vmem>>, vector<16xf32>,
        tpu.vector_store %arg10[%swap3A_530, %swap3A_531], %mul3A_529 {strides = array<i32>} : memref<128x128xf32, #tpu.memory_space<vmem>>, vector<16xf32>,
        %get3A_533 = arith.index_cast %add3A_516 : i32 to index
        %get3A_534 = arith.constant 32 : index
        %get3A_535 = tpu.vector_load %arg10[%get3A_533, %get3A_534] {strides = array<i32>} : memref<128x128xf32, #tpu.memory_space<vmem>>, vector<16xf32>,
        %mul3A_536 = vector.broadcast %squeeze3A_512 : f32 to vector<16xf32>
        %mul3A_537 = arith.mulf %get3A_535, %mul3A_536 : vector<16xf32>
        %swap3A_538 = arith.index_cast %add3A_516 : i32 to index
        %swap3A_539 = arith.constant 32 : index
        %swap3A_540 = tpu.vector_load %arg10[%swap3A_538, %swap3A_539] {strides = array<i32>} : memref<128x128xf32, #tpu.memory_space<vmem>>, vector<16xf32>,
        tpu.vector_store %arg10[%swap3A_538, %swap3A_539], %mul3A_537 {strides = array<i32>} : memref<128x128xf32, #tpu.memory_space<vmem>>, vector<16xf32>,
        %get3A_541 = arith.index_cast %add3A_516 : i32 to index
        %get3A_542 = arith.constant 48 : index
        %get3A_543 = tpu.vector_load %arg10[%get3A_541, %get3A_542] {strides = array<i32>} : memref<128x128xf32, #tpu.memory_space<vmem>>, vector<16xf32>,
        %mul3A_544 = vector.broadcast %squeeze3A_512 : f32 to vector<16xf32>
        %mul3A_545 = arith.mulf %get3A_543, %mul3A_544 : vector<16xf32>
        %swap3A_546 = arith.index_cast %add3A_516 : i32 to index
        %swap3A_547 = arith.constant 48 : index
        %swap3A_548 = tpu.vector_load %arg10[%swap3A_546, %swap3A_547] {strides = array<i32>} : memref<128x128xf32, #tpu.memory_space<vmem>>, vector<16xf32>,
        tpu.vector_store %arg10[%swap3A_546, %swap3A_547], %mul3A_545 {strides = array<i32>} : memref<128x128xf32, #tpu.memory_space<vmem>>, vector<16xf32>,
        %get3A_549 = arith.index_cast %add3A_516 : i32 to index
        %get3A_550 = arith.constant 64 : index
        %get3A_551 = tpu.vector_load %arg10[%get3A_549, %get3A_550] {strides = array<i32>} : memref<128x128xf32, #tpu.memory_space<vmem>>, vector<16xf32>,
        %mul3A_552 = vector.broadcast %squeeze3A_512 : f32 to vector<16xf32>
        %mul3A_553 = arith.mulf %get3A_551, %mul3A_552 : vector<16xf32>
        %swap3A_554 = arith.index_cast %add3A_516 : i32 to index
        %swap3A_555 = arith.constant 64 : index
        %swap3A_556 = tpu.vector_load %arg10[%swap3A_554, %swap3A_555] {strides = array<i32>} : memref<128x128xf32, #tpu.memory_space<vmem>>, vector<16xf32>,
        tpu.vector_store %arg10[%swap3A_554, %swap3A_555], %mul3A_553 {strides = array<i32>} : memref<128x128xf32, #tpu.memory_space<vmem>>, vector<16xf32>,
        %get3A_557 = arith.index_cast %add3A_516 : i32 to index
        %get3A_558 = arith.constant 80 : index
        %get3A_559 = tpu.vector_load %arg10[%get3A_557, %get3A_558] {strides = array<i32>} : memref<128x128xf32, #tpu.memory_space<vmem>>, vector<16xf32>,
        %mul3A_560 = vector.broadcast %squeeze3A_512 : f32 to vector<16xf32>
        %mul3A_561 = arith.mulf %get3A_559, %mul3A_560 : vector<16xf32>
        %swap3A_562 = arith.index_cast %add3A_516 : i32 to index
        %swap3A_563 = arith.constant 80 : index
        %swap3A_564 = tpu.vector_load %arg10[%swap3A_562, %swap3A_563] {strides = array<i32>} : memref<128x128xf32, #tpu.memory_space<vmem>>, vector<16xf32>,
        tpu.vector_store %arg10[%swap3A_562, %swap3A_563], %mul3A_561 {strides = array<i32>} : memref<128x128xf32, #tpu.memory_space<vmem>>, vector<16xf32>,
        %get3A_565 = arith.index_cast %add3A_516 : i32 to index
        %get3A_566 = arith.constant 96 : index
        %get3A_567 = tpu.vector_load %arg10[%get3A_565, %get3A_566] {strides = array<i32>} : memref<128x128xf32, #tpu.memory_space<vmem>>, vector<16xf32>,
        %mul3A_568 = vector.broadcast %squeeze3A_512 : f32 to vector<16xf32>
        %mul3A_569 = arith.mulf %get3A_567, %mul3A_568 : vector<16xf32>
        %swap3A_570 = arith.index_cast %add3A_516 : i32 to index
        %swap3A_571 = arith.constant 96 : index
        %swap3A_572 = tpu.vector_load %arg10[%swap3A_570, %swap3A_571] {strides = array<i32>} : memref<128x128xf32, #tpu.memory_space<vmem>>, vector<16xf32>,
        tpu.vector_store %arg10[%swap3A_570, %swap3A_571], %mul3A_569 {strides = array<i32>} : memref<128x128xf32, #tpu.memory_space<vmem>>, vector<16xf32>,
        %get3A_573 = arith.index_cast %add3A_516 : i32 to index
        %get3A_574 = arith.constant 112 : index
        %get3A_575 = tpu.vector_load %arg10[%get3A_573, %get3A_574] {strides = array<i32>} : memref<128x128xf32, #tpu.memory_space<vmem>>, vector<16xf32>,
        %mul3A_576 = vector.broadcast %squeeze3A_512 : f32 to vector<16xf32>
        %mul3A_577 = arith.mulf %get3A_575, %mul3A_576 : vector<16xf32>
        %swap3A_578 = arith.index_cast %add3A_516 : i32 to index
        %swap3A_579 = arith.constant 112 : index
        %swap3A_580 = tpu.vector_load %arg10[%swap3A_578, %swap3A_579] {strides = array<i32>} : memref<128x128xf32, #tpu.memory_space<vmem>>, vector<16xf32>,
        tpu.vector_store %arg10[%swap3A_578, %swap3A_579], %mul3A_577 {strides = array<i32>} : memref<128x128xf32, #tpu.memory_space<vmem>>, vector<16xf32>,
        %slice3A_581 = vector.extract_strided_slice %get3A_443 {offsets = [2], sizes = [1], strides = [1]} : vector<16xf32> to vector<1xf32>
        %squeeze3A_582 = vector.extract %slice3A_581[0] : f32 from vector<1xf32>
        %mul3A_583 = arith.constant 16 : i32
        %mul3A_584 = arith.muli %scan3A_437, %mul3A_583 : i32
        %add3A_585 = arith.constant 2 : i32
        %add3A_586 = arith.addi %mul3A_584, %add3A_585 : i32
        %get3A_587 = arith.index_cast %add3A_586 : i32 to index
        %get3A_588 = arith.constant 0 : index
        %get3A_589 = tpu.vector_load %arg10[%get3A_587, %get3A_588] {strides = array<i32>} : memref<128x128xf32, #tpu.memory_space<vmem>>, vector<16xf32>,
        %mul3A_590 = vector.broadcast %squeeze3A_582 : f32 to vector<16xf32>
        %mul3A_591 = arith.mulf %get3A_589, %mul3A_590 : vector<16xf32>
        %swap3A_592 = arith.index_cast %add3A_586 : i32 to index
        %swap3A_593 = arith.constant 0 : index
        %swap3A_594 = tpu.vector_load %arg10[%swap3A_592, %swap3A_593] {strides = array<i32>} : memref<128x128xf32, #tpu.memory_space<vmem>>, vector<16xf32>,
        tpu.vector_store %arg10[%swap3A_592, %swap3A_593], %mul3A_591 {strides = array<i32>} : memref<128x128xf32, #tpu.memory_space<vmem>>, vector<16xf32>,
        %get3A_595 = arith.index_cast %add3A_586 : i32 to index
        %get3A_596 = arith.constant 16 : index
        %get3A_597 = tpu.vector_load %arg10[%get3A_595, %get3A_596] {strides = array<i32>} : memref<128x128xf32, #tpu.memory_space<vmem>>, vector<16xf32>,
        %mul3A_598 = vector.broadcast %squeeze3A_582 : f32 to vector<16xf32>
        %mul3A_599 = arith.mulf %get3A_597, %mul3A_598 : vector<16xf32>
        %swap3A_600 = arith.index_cast %add3A_586 : i32 to index
        %swap3A_601 = arith.constant 16 : index
        %swap3A_602 = tpu.vector_load %arg10[%swap3A_600, %swap3A_601] {strides = array<i32>} : memref<128x128xf32, #tpu.memory_space<vmem>>, vector<16xf32>,
        tpu.vector_store %arg10[%swap3A_600, %swap3A_601], %mul3A_599 {strides = array<i32>} : memref<128x128xf32, #tpu.memory_space<vmem>>, vector<16xf32>,
        %get3A_603 = arith.index_cast %add3A_586 : i32 to index
        %get3A_604 = arith.constant 32 : index
        %get3A_605 = tpu.vector_load %arg10[%get3A_603, %get3A_604] {strides = array<i32>} : memref<128x128xf32, #tpu.memory_space<vmem>>, vector<16xf32>,
        %mul3A_606 = vector.broadcast %squeeze3A_582 : f32 to vector<16xf32>
        %mul3A_607 = arith.mulf %get3A_605, %mul3A_606 : vector<16xf32>
        %swap3A_608 = arith.index_cast %add3A_586 : i32 to index
        %swap3A_609 = arith.constant 32 : index
        %swap3A_610 = tpu.vector_load %arg10[%swap3A_608, %swap3A_609] {strides = array<i32>} : memref<128x128xf32, #tpu.memory_space<vmem>>, vector<16xf32>,
        tpu.vector_store %arg10[%swap3A_608, %swap3A_609], %mul3A_607 {strides = array<i32>} : memref<128x128xf32, #tpu.memory_space<vmem>>, vector<16xf32>,
        %get3A_611 = arith.index_cast %add3A_586 : i32 to index
        %get3A_612 = arith.constant 48 : index
        %get3A_613 = tpu.vector_load %arg10[%get3A_611, %get3A_612] {strides = array<i32>} : memref<128x128xf32, #tpu.memory_space<vmem>>, vector<16xf32>,
        %mul3A_614 = vector.broadcast %squeeze3A_582 : f32 to vector<16xf32>
        %mul3A_615 = arith.mulf %get3A_613, %mul3A_614 : vector<16xf32>
        %swap3A_616 = arith.index_cast %add3A_586 : i32 to index
        %swap3A_617 = arith.constant 48 : index
        %swap3A_618 = tpu.vector_load %arg10[%swap3A_616, %swap3A_617] {strides = array<i32>} : memref<128x128xf32, #tpu.memory_space<vmem>>, vector<16xf32>,
        tpu.vector_store %arg10[%swap3A_616, %swap3A_617], %mul3A_615 {strides = array<i32>} : memref<128x128xf32, #tpu.memory_space<vmem>>, vector<16xf32>,
        %get3A_619 = arith.index_cast %add3A_586 : i32 to index
        %get3A_620 = arith.constant 64 : index
        %get3A_621 = tpu.vector_load %arg10[%get3A_619, %get3A_620] {strides = array<i32>} : memref<128x128xf32, #tpu.memory_space<vmem>>, vector<16xf32>,
        %mul3A_622 = vector.broadcast %squeeze3A_582 : f32 to vector<16xf32>
        %mul3A_623 = arith.mulf %get3A_621, %mul3A_622 : vector<16xf32>
        %swap3A_624 = arith.index_cast %add3A_586 : i32 to index
        %swap3A_625 = arith.constant 64 : index
        %swap3A_626 = tpu.vector_load %arg10[%swap3A_624, %swap3A_625] {strides = array<i32>} : memref<128x128xf32, #tpu.memory_space<vmem>>, vector<16xf32>,
        tpu.vector_store %arg10[%swap3A_624, %swap3A_625], %mul3A_623 {strides = array<i32>} : memref<128x128xf32, #tpu.memory_space<vmem>>, vector<16xf32>,
        %get3A_627 = arith.index_cast %add3A_586 : i32 to index
        %get3A_628 = arith.constant 80 : index
        %get3A_629 = tpu.vector_load %arg10[%get3A_627, %get3A_628] {strides = array<i32>} : memref<128x128xf32, #tpu.memory_space<vmem>>, vector<16xf32>,
        %mul3A_630 = vector.broadcast %squeeze3A_582 : f32 to vector<16xf32>
        %mul3A_631 = arith.mulf %get3A_629, %mul3A_630 : vector<16xf32>
        %swap3A_632 = arith.index_cast %add3A_586 : i32 to index
        %swap3A_633 = arith.constant 80 : index
        %swap3A_634 = tpu.vector_load %arg10[%swap3A_632, %swap3A_633] {strides = array<i32>} : memref<128x128xf32, #tpu.memory_space<vmem>>, vector<16xf32>,
        tpu.vector_store %arg10[%swap3A_632, %swap3A_633], %mul3A_631 {strides = array<i32>} : memref<128x128xf32, #tpu.memory_space<vmem>>, vector<16xf32>,
        %get3A_635 = arith.index_cast %add3A_586 : i32 to index
        %get3A_636 = arith.constant 96 : index
        %get3A_637 = tpu.vector_load %arg10[%get3A_635, %get3A_636] {strides = array<i32>} : memref<128x128xf32, #tpu.memory_space<vmem>>, vector<16xf32>,
        %mul3A_638 = vector.broadcast %squeeze3A_582 : f32 to vector<16xf32>
        %mul3A_639 = arith.mulf %get3A_637, %mul3A_638 : vector<16xf32>
        %swap3A_640 = arith.index_cast %add3A_586 : i32 to index
        %swap3A_641 = arith.constant 96 : index
        %swap3A_642 = tpu.vector_load %arg10[%swap3A_640, %swap3A_641] {strides = array<i32>} : memref<128x128xf32, #tpu.memory_space<vmem>>, vector<16xf32>,
        tpu.vector_store %arg10[%swap3A_640, %swap3A_641], %mul3A_639 {strides = array<i32>} : memref<128x128xf32, #tpu.memory_space<vmem>>, vector<16xf32>,
        %get3A_643 = arith.index_cast %add3A_586 : i32 to index
        %get3A_644 = arith.constant 112 : index
        %get3A_645 = tpu.vector_load %arg10[%get3A_643, %get3A_644] {strides = array<i32>} : memref<128x128xf32, #tpu.memory_space<vmem>>, vector<16xf32>,
        %mul3A_646 = vector.broadcast %squeeze3A_582 : f32 to vector<16xf32>
        %mul3A_647 = arith.mulf %get3A_645, %mul3A_646 : vector<16xf32>
        %swap3A_648 = arith.index_cast %add3A_586 : i32 to index
        %swap3A_649 = arith.constant 112 : index
        %swap3A_650 = tpu.vector_load %arg10[%swap3A_648, %swap3A_649] {strides = array<i32>} : memref<128x128xf32, #tpu.memory_space<vmem>>, vector<16xf32>,
        tpu.vector_store %arg10[%swap3A_648, %swap3A_649], %mul3A_647 {strides = array<i32>} : memref<128x128xf32, #tpu.memory_space<vmem>>, vector<16xf32>,
        %slice3A_651 = vector.extract_strided_slice %get3A_443 {offsets = [3], sizes = [1], strides = [1]} : vector<16xf32> to vector<1xf32>
        %squeeze3A_652 = vector.extract %slice3A_651[0] : f32 from vector<1xf32>
        %mul3A_653 = arith.constant 16 : i32
        %mul3A_654 = arith.muli %scan3A_437, %mul3A_653 : i32
        %add3A_655 = arith.constant 3 : i32
        %add3A_656 = arith.addi %mul3A_654, %add3A_655 : i32
        %get3A_657 = arith.index_cast %add3A_656 : i32 to index
        %get3A_658 = arith.constant 0 : index
        %get3A_659 = tpu.vector_load %arg10[%get3A_657, %get3A_658] {strides = array<i32>} : memref<128x128xf32, #tpu.memory_space<vmem>>, vector<16xf32>,
        %mul3A_660 = vector.broadcast %squeeze3A_652 : f32 to vector<16xf32>
        %mul3A_661 = arith.mulf %get3A_659, %mul3A_660 : vector<16xf32>
        %swap3A_662 = arith.index_cast %add3A_656 : i32 to index
        %swap3A_663 = arith.constant 0 : index
        %swap3A_664 = tpu.vector_load %arg10[%swap3A_662, %swap3A_663] {strides = array<i32>} : memref<128x128xf32, #tpu.memory_space<vmem>>, vector<16xf32>,
        tpu.vector_store %arg10[%swap3A_662, %swap3A_663], %mul3A_661 {strides = array<i32>} : memref<128x128xf32, #tpu.memory_space<vmem>>, vector<16xf32>,
        %get3A_665 = arith.index_cast %add3A_656 : i32 to index
        %get3A_666 = arith.constant 16 : index
        %get3A_667 = tpu.vector_load %arg10[%get3A_665, %get3A_666] {strides = array<i32>} : memref<128x128xf32, #tpu.memory_space<vmem>>, vector<16xf32>,
        %mul3A_668 = vector.broadcast %squeeze3A_652 : f32 to vector<16xf32>
        %mul3A_669 = arith.mulf %get3A_667, %mul3A_668 : vector<16xf32>
        %swap3A_670 = arith.index_cast %add3A_656 : i32 to index
        %swap3A_671 = arith.constant 16 : index
        %swap3A_672 = tpu.vector_load %arg10[%swap3A_670, %swap3A_671] {strides = array<i32>} : memref<128x128xf32, #tpu.memory_space<vmem>>, vector<16xf32>,
        tpu.vector_store %arg10[%swap3A_670, %swap3A_671], %mul3A_669 {strides = array<i32>} : memref<128x128xf32, #tpu.memory_space<vmem>>, vector<16xf32>,
        %get3A_673 = arith.index_cast %add3A_656 : i32 to index
        %get3A_674 = arith.constant 32 : index
        %get3A_675 = tpu.vector_load %arg10[%get3A_673, %get3A_674] {strides = array<i32>} : memref<128x128xf32, #tpu.memory_space<vmem>>, vector<16xf32>,
        %mul3A_676 = vector.broadcast %squeeze3A_652 : f32 to vector<16xf32>
        %mul3A_677 = arith.mulf %get3A_675, %mul3A_676 : vector<16xf32>
        %swap3A_678 = arith.index_cast %add3A_656 : i32 to index
        %swap3A_679 = arith.constant 32 : index
        %swap3A_680 = tpu.vector_load %arg10[%swap3A_678, %swap3A_679] {strides = array<i32>} : memref<128x128xf32, #tpu.memory_space<vmem>>, vector<16xf32>,
        tpu.vector_store %arg10[%swap3A_678, %swap3A_679], %mul3A_677 {strides = array<i32>} : memref<128x128xf32, #tpu.memory_space<vmem>>, vector<16xf32>,
        %get3A_681 = arith.index_cast %add3A_656 : i32 to index
        %get3A_682 = arith.constant 48 : index
        %get3A_683 = tpu.vector_load %arg10[%get3A_681, %get3A_682] {strides = array<i32>} : memref<128x128xf32, #tpu.memory_space<vmem>>, vector<16xf32>,
        %mul3A_684 = vector.broadcast %squeeze3A_652 : f32 to vector<16xf32>
        %mul3A_685 = arith.mulf %get3A_683, %mul3A_684 : vector<16xf32>
        %swap3A_686 = arith.index_cast %add3A_656 : i32 to index
        %swap3A_687 = arith.constant 48 : index
        %swap3A_688 = tpu.vector_load %arg10[%swap3A_686, %swap3A_687] {strides = array<i32>} : memref<128x128xf32, #tpu.memory_space<vmem>>, vector<16xf32>,
        tpu.vector_store %arg10[%swap3A_686, %swap3A_687], %mul3A_685 {strides = array<i32>} : memref<128x128xf32, #tpu.memory_space<vmem>>, vector<16xf32>,
        %get3A_689 = arith.index_cast %add3A_656 : i32 to index
        %get3A_690 = arith.constant 64 : index
        %get3A_691 = tpu.vector_load %arg10[%get3A_689, %get3A_690] {strides = array<i32>} : memref<128x128xf32, #tpu.memory_space<vmem>>, vector<16xf32>,
        %mul3A_692 = vector.broadcast %squeeze3A_652 : f32 to vector<16xf32>
        %mul3A_693 = arith.mulf %get3A_691, %mul3A_692 : vector<16xf32>
        %swap3A_694 = arith.index_cast %add3A_656 : i32 to index
        %swap3A_695 = arith.constant 64 : index
        %swap3A_696 = tpu.vector_load %arg10[%swap3A_694, %swap3A_695] {strides = array<i32>} : memref<128x128xf32, #tpu.memory_space<vmem>>, vector<16xf32>,
        tpu.vector_store %arg10[%swap3A_694, %swap3A_695], %mul3A_693 {strides = array<i32>} : memref<128x128xf32, #tpu.memory_space<vmem>>, vector<16xf32>,
        %get3A_697 = arith.index_cast %add3A_656 : i32 to index
        %get3A_698 = arith.constant 80 : index
        %get3A_699 = tpu.vector_load %arg10[%get3A_697, %get3A_698] {strides = array<i32>} : memref<128x128xf32, #tpu.memory_space<vmem>>, vector<16xf32>,
        %mul3A_700 = vector.broadcast %squeeze3A_652 : f32 to vector<16xf32>
        %mul3A_701 = arith.mulf %get3A_699, %mul3A_700 : vector<16xf32>
        %swap3A_702 = arith.index_cast %add3A_656 : i32 to index
        %swap3A_703 = arith.constant 80 : index
        %swap3A_704 = tpu.vector_load %arg10[%swap3A_702, %swap3A_703] {strides = array<i32>} : memref<128x128xf32, #tpu.memory_space<vmem>>, vector<16xf32>,
        tpu.vector_store %arg10[%swap3A_702, %swap3A_703], %mul3A_701 {strides = array<i32>} : memref<128x128xf32, #tpu.memory_space<vmem>>, vector<16xf32>,
        %get3A_705 = arith.index_cast %add3A_656 : i32 to index
        %get3A_706 = arith.constant 96 : index
        %get3A_707 = tpu.vector_load %arg10[%get3A_705, %get3A_706] {strides = array<i32>} : memref<128x128xf32, #tpu.memory_space<vmem>>, vector<16xf32>,
        %mul3A_708 = vector.broadcast %squeeze3A_652 : f32 to vector<16xf32>
        %mul3A_709 = arith.mulf %get3A_707, %mul3A_708 : vector<16xf32>
        %swap3A_710 = arith.index_cast %add3A_656 : i32 to index
        %swap3A_711 = arith.constant 96 : index
        %swap3A_712 = tpu.vector_load %arg10[%swap3A_710, %swap3A_711] {strides = array<i32>} : memref<128x128xf32, #tpu.memory_space<vmem>>, vector<16xf32>,
        tpu.vector_store %arg10[%swap3A_710, %swap3A_711], %mul3A_709 {strides = array<i32>} : memref<128x128xf32, #tpu.memory_space<vmem>>, vector<16xf32>,
        %get3A_713 = arith.index_cast %add3A_656 : i32 to index
        %get3A_714 = arith.constant 112 : index
        %get3A_715 = tpu.vector_load %arg10[%get3A_713, %get3A_714] {strides = array<i32>} : memref<128x128xf32, #tpu.memory_space<vmem>>, vector<16xf32>,
        %mul3A_716 = vector.broadcast %squeeze3A_652 : f32 to vector<16xf32>
        %mul3A_717 = arith.mulf %get3A_715, %mul3A_716 : vector<16xf32>
        %swap3A_718 = arith.index_cast %add3A_656 : i32 to index
        %swap3A_719 = arith.constant 112 : index
        %swap3A_720 = tpu.vector_load %arg10[%swap3A_718, %swap3A_719] {strides = array<i32>} : memref<128x128xf32, #tpu.memory_space<vmem>>, vector<16xf32>,
        tpu.vector_store %arg10[%swap3A_718, %swap3A_719], %mul3A_717 {strides = array<i32>} : memref<128x128xf32, #tpu.memory_space<vmem>>, vector<16xf32>,
        %slice3A_721 = vector.extract_strided_slice %get3A_443 {offsets = [4], sizes = [1], strides = [1]} : vector<16xf32> to vector<1xf32>
        %squeeze3A_722 = vector.extract %slice3A_721[0] : f32 from vector<1xf32>
        %mul3A_723 = arith.constant 16 : i32
        %mul3A_724 = arith.muli %scan3A_437, %mul3A_723 : i32
        %add3A_725 = arith.constant 4 : i32
        %add3A_726 = arith.addi %mul3A_724, %add3A_725 : i32
        %get3A_727 = arith.index_cast %add3A_726 : i32 to index
        %get3A_728 = arith.constant 0 : index
        %get3A_729 = tpu.vector_load %arg10[%get3A_727, %get3A_728] {strides = array<i32>} : memref<128x128xf32, #tpu.memory_space<vmem>>, vector<16xf32>,
        %mul3A_730 = vector.broadcast %squeeze3A_722 : f32 to vector<16xf32>
        %mul3A_731 = arith.mulf %get3A_729, %mul3A_730 : vector<16xf32>
        %swap3A_732 = arith.index_cast %add3A_726 : i32 to index
        %swap3A_733 = arith.constant 0 : index
        %swap3A_734 = tpu.vector_load %arg10[%swap3A_732, %swap3A_733] {strides = array<i32>} : memref<128x128xf32, #tpu.memory_space<vmem>>, vector<16xf32>,
        tpu.vector_store %arg10[%swap3A_732, %swap3A_733], %mul3A_731 {strides = array<i32>} : memref<128x128xf32, #tpu.memory_space<vmem>>, vector<16xf32>,
        %get3A_735 = arith.index_cast %add3A_726 : i32 to index
        %get3A_736 = arith.constant 16 : index
        %get3A_737 = tpu.vector_load %arg10[%get3A_735, %get3A_736] {strides = array<i32>} : memref<128x128xf32, #tpu.memory_space<vmem>>, vector<16xf32>,
        %mul3A_738 = vector.broadcast %squeeze3A_722 : f32 to vector<16xf32>
        %mul3A_739 = arith.mulf %get3A_737, %mul3A_738 : vector<16xf32>
        %swap3A_740 = arith.index_cast %add3A_726 : i32 to index
        %swap3A_741 = arith.constant 16 : index
        %swap3A_742 = tpu.vector_load %arg10[%swap3A_740, %swap3A_741] {strides = array<i32>} : memref<128x128xf32, #tpu.memory_space<vmem>>, vector<16xf32>,
        tpu.vector_store %arg10[%swap3A_740, %swap3A_741], %mul3A_739 {strides = array<i32>} : memref<128x128xf32, #tpu.memory_space<vmem>>, vector<16xf32>,
        %get3A_743 = arith.index_cast %add3A_726 : i32 to index
        %get3A_744 = arith.constant 32 : index
        %get3A_745 = tpu.vector_load %arg10[%get3A_743, %get3A_744] {strides = array<i32>} : memref<128x128xf32, #tpu.memory_space<vmem>>, vector<16xf32>,
        %mul3A_746 = vector.broadcast %squeeze3A_722 : f32 to vector<16xf32>
        %mul3A_747 = arith.mulf %get3A_745, %mul3A_746 : vector<16xf32>
        %swap3A_748 = arith.index_cast %add3A_726 : i32 to index
        %swap3A_749 = arith.constant 32 : index
        %swap3A_750 = tpu.vector_load %arg10[%swap3A_748, %swap3A_749] {strides = array<i32>} : memref<128x128xf32, #tpu.memory_space<vmem>>, vector<16xf32>,
        tpu.vector_store %arg10[%swap3A_748, %swap3A_749], %mul3A_747 {strides = array<i32>} : memref<128x128xf32, #tpu.memory_space<vmem>>, vector<16xf32>,
        %get3A_751 = arith.index_cast %add3A_726 : i32 to index
        %get3A_752 = arith.constant 48 : index
        %get3A_753 = tpu.vector_load %arg10[%get3A_751, %get3A_752] {strides = array<i32>} : memref<128x128xf32, #tpu.memory_space<vmem>>, vector<16xf32>,
        %mul3A_754 = vector.broadcast %squeeze3A_722 : f32 to vector<16xf32>
        %mul3A_755 = arith.mulf %get3A_753, %mul3A_754 : vector<16xf32>
        %swap3A_756 = arith.index_cast %add3A_726 : i32 to index
        %swap3A_757 = arith.constant 48 : index
        %swap3A_758 = tpu.vector_load %arg10[%swap3A_756, %swap3A_757] {strides = array<i32>} : memref<128x128xf32, #tpu.memory_space<vmem>>, vector<16xf32>,
        tpu.vector_store %arg10[%swap3A_756, %swap3A_757], %mul3A_755 {strides = array<i32>} : memref<128x128xf32, #tpu.memory_space<vmem>>, vector<16xf32>,
        %get3A_759 = arith.index_cast %add3A_726 : i32 to index
        %get3A_760 = arith.constant 64 : index
        %get3A_761 = tpu.vector_load %arg10[%get3A_759, %get3A_760] {strides = array<i32>} : memref<128x128xf32, #tpu.memory_space<vmem>>, vector<16xf32>,
        %mul3A_762 = vector.broadcast %squeeze3A_722 : f32 to vector<16xf32>
        %mul3A_763 = arith.mulf %get3A_761, %mul3A_762 : vector<16xf32>
        %swap3A_764 = arith.index_cast %add3A_726 : i32 to index
        %swap3A_765 = arith.constant 64 : index
        %swap3A_766 = tpu.vector_load %arg10[%swap3A_764, %swap3A_765] {strides = array<i32>} : memref<128x128xf32, #tpu.memory_space<vmem>>, vector<16xf32>,
        tpu.vector_store %arg10[%swap3A_764, %swap3A_765], %mul3A_763 {strides = array<i32>} : memref<128x128xf32, #tpu.memory_space<vmem>>, vector<16xf32>,
        %get3A_767 = arith.index_cast %add3A_726 : i32 to index
        %get3A_768 = arith.constant 80 : index
        %get3A_769 = tpu.vector_load %arg10[%get3A_767, %get3A_768] {strides = array<i32>} : memref<128x128xf32, #tpu.memory_space<vmem>>, vector<16xf32>,
        %mul3A_770 = vector.broadcast %squeeze3A_722 : f32 to vector<16xf32>
        %mul3A_771 = arith.mulf %get3A_769, %mul3A_770 : vector<16xf32>
        %swap3A_772 = arith.index_cast %add3A_726 : i32 to index
        %swap3A_773 = arith.constant 80 : index
        %swap3A_774 = tpu.vector_load %arg10[%swap3A_772, %swap3A_773] {strides = array<i32>} : memref<128x128xf32, #tpu.memory_space<vmem>>, vector<16xf32>,
        tpu.vector_store %arg10[%swap3A_772, %swap3A_773], %mul3A_771 {strides = array<i32>} : memref<128x128xf32, #tpu.memory_space<vmem>>, vector<16xf32>,
        %get3A_775 = arith.index_cast %add3A_726 : i32 to index
        %get3A_776 = arith.constant 96 : index
        %get3A_777 = tpu.vector_load %arg10[%get3A_775, %get3A_776] {strides = array<i32>} : memref<128x128xf32, #tpu.memory_space<vmem>>, vector<16xf32>,
        %mul3A_778 = vector.broadcast %squeeze3A_722 : f32 to vector<16xf32>
        %mul3A_779 = arith.mulf %get3A_777, %mul3A_778 : vector<16xf32>
        %swap3A_780 = arith.index_cast %add3A_726 : i32 to index
        %swap3A_781 = arith.constant 96 : index
        %swap3A_782 = tpu.vector_load %arg10[%swap3A_780, %swap3A_781] {strides = array<i32>} : memref<128x128xf32, #tpu.memory_space<vmem>>, vector<16xf32>,
        tpu.vector_store %arg10[%swap3A_780, %swap3A_781], %mul3A_779 {strides = array<i32>} : memref<128x128xf32, #tpu.memory_space<vmem>>, vector<16xf32>,
        %get3A_783 = arith.index_cast %add3A_726 : i32 to index
        %get3A_784 = arith.constant 112 : index
        %get3A_785 = tpu.vector_load %arg10[%get3A_783, %get3A_784] {strides = array<i32>} : memref<128x128xf32, #tpu.memory_space<vmem>>, vector<16xf32>,
        %mul3A_786 = vector.broadcast %squeeze3A_722 : f32 to vector<16xf32>
        %mul3A_787 = arith.mulf %get3A_785, %mul3A_786 : vector<16xf32>
        %swap3A_788 = arith.index_cast %add3A_726 : i32 to index
        %swap3A_789 = arith.constant 112 : index
        %swap3A_790 = tpu.vector_load %arg10[%swap3A_788, %swap3A_789] {strides = array<i32>} : memref<128x128xf32, #tpu.memory_space<vmem>>, vector<16xf32>,
        tpu.vector_store %arg10[%swap3A_788, %swap3A_789], %mul3A_787 {strides = array<i32>} : memref<128x128xf32, #tpu.memory_space<vmem>>, vector<16xf32>,
        %slice3A_791 = vector.extract_strided_slice %get3A_443 {offsets = [5], sizes = [1], strides = [1]} : vector<16xf32> to vector<1xf32>
        %squeeze3A_792 = vector.extract %slice3A_791[0] : f32 from vector<1xf32>
        %mul3A_793 = arith.constant 16 : i32
        %mul3A_794 = arith.muli %scan3A_437, %mul3A_793 : i32
        %add3A_795 = arith.constant 5 : i32
        %add3A_796 = arith.addi %mul3A_794, %add3A_795 : i32
        %get3A_797 = arith.index_cast %add3A_796 : i32 to index
        %get3A_798 = arith.constant 0 : index
        %get3A_799 = tpu.vector_load %arg10[%get3A_797, %get3A_798] {strides = array<i32>} : memref<128x128xf32, #tpu.memory_space<vmem>>, vector<16xf32>,
        %mul3A_800 = vector.broadcast %squeeze3A_792 : f32 to vector<16xf32>
        %mul3A_801 = arith.mulf %get3A_799, %mul3A_800 : vector<16xf32>
        %swap3A_802 = arith.index_cast %add3A_796 : i32 to index
        %swap3A_803 = arith.constant 0 : index
        %swap3A_804 = tpu.vector_load %arg10[%swap3A_802, %swap3A_803] {strides = array<i32>} : memref<128x128xf32, #tpu.memory_space<vmem>>, vector<16xf32>,
        tpu.vector_store %arg10[%swap3A_802, %swap3A_803], %mul3A_801 {strides = array<i32>} : memref<128x128xf32, #tpu.memory_space<vmem>>, vector<16xf32>,
        %get3A_805 = arith.index_cast %add3A_796 : i32 to index
        %get3A_806 = arith.constant 16 : index
        %get3A_807 = tpu.vector_load %arg10[%get3A_805, %get3A_806] {strides = array<i32>} : memref<128x128xf32, #tpu.memory_space<vmem>>, vector<16xf32>,
        %mul3A_808 = vector.broadcast %squeeze3A_792 : f32 to vector<16xf32>
        %mul3A_809 = arith.mulf %get3A_807, %mul3A_808 : vector<16xf32>
        %swap3A_810 = arith.index_cast %add3A_796 : i32 to index
        %swap3A_811 = arith.constant 16 : index
        %swap3A_812 = tpu.vector_load %arg10[%swap3A_810, %swap3A_811] {strides = array<i32>} : memref<128x128xf32, #tpu.memory_space<vmem>>, vector<16xf32>,
        tpu.vector_store %arg10[%swap3A_810, %swap3A_811], %mul3A_809 {strides = array<i32>} : memref<128x128xf32, #tpu.memory_space<vmem>>, vector<16xf32>,
        %get3A_813 = arith.index_cast %add3A_796 : i32 to index
        %get3A_814 = arith.constant 32 : index
        %get3A_815 = tpu.vector_load %arg10[%get3A_813, %get3A_814] {strides = array<i32>} : memref<128x128xf32, #tpu.memory_space<vmem>>, vector<16xf32>,
        %mul3A_816 = vector.broadcast %squeeze3A_792 : f32 to vector<16xf32>
        %mul3A_817 = arith.mulf %get3A_815, %mul3A_816 : vector<16xf32>
        %swap3A_818 = arith.index_cast %add3A_796 : i32 to index
        %swap3A_819 = arith.constant 32 : index
        %swap3A_820 = tpu.vector_load %arg10[%swap3A_818, %swap3A_819] {strides = array<i32>} : memref<128x128xf32, #tpu.memory_space<vmem>>, vector<16xf32>,
        tpu.vector_store %arg10[%swap3A_818, %swap3A_819], %mul3A_817 {strides = array<i32>} : memref<128x128xf32, #tpu.memory_space<vmem>>, vector<16xf32>,
        %get3A_821 = arith.index_cast %add3A_796 : i32 to index
        %get3A_822 = arith.constant 48 : index
        %get3A_823 = tpu.vector_load %arg10[%get3A_821, %get3A_822] {strides = array<i32>} : memref<128x128xf32, #tpu.memory_space<vmem>>, vector<16xf32>,
        %mul3A_824 = vector.broadcast %squeeze3A_792 : f32 to vector<16xf32>
        %mul3A_825 = arith.mulf %get3A_823, %mul3A_824 : vector<16xf32>
        %swap3A_826 = arith.index_cast %add3A_796 : i32 to index
        %swap3A_827 = arith.constant 48 : index
        %swap3A_828 = tpu.vector_load %arg10[%swap3A_826, %swap3A_827] {strides = array<i32>} : memref<128x128xf32, #tpu.memory_space<vmem>>, vector<16xf32>,
        tpu.vector_store %arg10[%swap3A_826, %swap3A_827], %mul3A_825 {strides = array<i32>} : memref<128x128xf32, #tpu.memory_space<vmem>>, vector<16xf32>,
        %get3A_829 = arith.index_cast %add3A_796 : i32 to index
        %get3A_830 = arith.constant 64 : index
        %get3A_831 = tpu.vector_load %arg10[%get3A_829, %get3A_830] {strides = array<i32>} : memref<128x128xf32, #tpu.memory_space<vmem>>, vector<16xf32>,
        %mul3A_832 = vector.broadcast %squeeze3A_792 : f32 to vector<16xf32>
        %mul3A_833 = arith.mulf %get3A_831, %mul3A_832 : vector<16xf32>
        %swap3A_834 = arith.index_cast %add3A_796 : i32 to index
        %swap3A_835 = arith.constant 64 : index
        %swap3A_836 = tpu.vector_load %arg10[%swap3A_834, %swap3A_835] {strides = array<i32>} : memref<128x128xf32, #tpu.memory_space<vmem>>, vector<16xf32>,
        tpu.vector_store %arg10[%swap3A_834, %swap3A_835], %mul3A_833 {strides = array<i32>} : memref<128x128xf32, #tpu.memory_space<vmem>>, vector<16xf32>,
        %get3A_837 = arith.index_cast %add3A_796 : i32 to index
        %get3A_838 = arith.constant 80 : index
        %get3A_839 = tpu.vector_load %arg10[%get3A_837, %get3A_838] {strides = array<i32>} : memref<128x128xf32, #tpu.memory_space<vmem>>, vector<16xf32>,
        %mul3A_840 = vector.broadcast %squeeze3A_792 : f32 to vector<16xf32>
        %mul3A_841 = arith.mulf %get3A_839, %mul3A_840 : vector<16xf32>
        %swap3A_842 = arith.index_cast %add3A_796 : i32 to index
        %swap3A_843 = arith.constant 80 : index
        %swap3A_844 = tpu.vector_load %arg10[%swap3A_842, %swap3A_843] {strides = array<i32>} : memref<128x128xf32, #tpu.memory_space<vmem>>, vector<16xf32>,
        tpu.vector_store %arg10[%swap3A_842, %swap3A_843], %mul3A_841 {strides = array<i32>} : memref<128x128xf32, #tpu.memory_space<vmem>>, vector<16xf32>,
        %get3A_845 = arith.index_cast %add3A_796 : i32 to index
        %get3A_846 = arith.constant 96 : index
        %get3A_847 = tpu.vector_load %arg10[%get3A_845, %get3A_846] {strides = array<i32>} : memref<128x128xf32, #tpu.memory_space<vmem>>, vector<16xf32>,
        %mul3A_848 = vector.broadcast %squeeze3A_792 : f32 to vector<16xf32>
        %mul3A_849 = arith.mulf %get3A_847, %mul3A_848 : vector<16xf32>
        %swap3A_850 = arith.index_cast %add3A_796 : i32 to index
        %swap3A_851 = arith.constant 96 : index
        %swap3A_852 = tpu.vector_load %arg10[%swap3A_850, %swap3A_851] {strides = array<i32>} : memref<128x128xf32, #tpu.memory_space<vmem>>, vector<16xf32>,
        tpu.vector_store %arg10[%swap3A_850, %swap3A_851], %mul3A_849 {strides = array<i32>} : memref<128x128xf32, #tpu.memory_space<vmem>>, vector<16xf32>,
        %get3A_853 = arith.index_cast %add3A_796 : i32 to index
        %get3A_854 = arith.constant 112 : index
        %get3A_855 = tpu.vector_load %arg10[%get3A_853, %get3A_854] {strides = array<i32>} : memref<128x128xf32, #tpu.memory_space<vmem>>, vector<16xf32>,
        %mul3A_856 = vector.broadcast %squeeze3A_792 : f32 to vector<16xf32>
        %mul3A_857 = arith.mulf %get3A_855, %mul3A_856 : vector<16xf32>
        %swap3A_858 = arith.index_cast %add3A_796 : i32 to index
        %swap3A_859 = arith.constant 112 : index
        %swap3A_860 = tpu.vector_load %arg10[%swap3A_858, %swap3A_859] {strides = array<i32>} : memref<128x128xf32, #tpu.memory_space<vmem>>, vector<16xf32>,
        tpu.vector_store %arg10[%swap3A_858, %swap3A_859], %mul3A_857 {strides = array<i32>} : memref<128x128xf32, #tpu.memory_space<vmem>>, vector<16xf32>,
        %slice3A_861 = vector.extract_strided_slice %get3A_443 {offsets = [6], sizes = [1], strides = [1]} : vector<16xf32> to vector<1xf32>
        %squeeze3A_862 = vector.extract %slice3A_861[0] : f32 from vector<1xf32>
        %mul3A_863 = arith.constant 16 : i32
        %mul3A_864 = arith.muli %scan3A_437, %mul3A_863 : i32
        %add3A_865 = arith.constant 6 : i32
        %add3A_866 = arith.addi %mul3A_864, %add3A_865 : i32
        %get3A_867 = arith.index_cast %add3A_866 : i32 to index
        %get3A_868 = arith.constant 0 : index
        %get3A_869 = tpu.vector_load %arg10[%get3A_867, %get3A_868] {strides = array<i32>} : memref<128x128xf32, #tpu.memory_space<vmem>>, vector<16xf32>,
        %mul3A_870 = vector.broadcast %squeeze3A_862 : f32 to vector<16xf32>
        %mul3A_871 = arith.mulf %get3A_869, %mul3A_870 : vector<16xf32>
        %swap3A_872 = arith.index_cast %add3A_866 : i32 to index
        %swap3A_873 = arith.constant 0 : index
        %swap3A_874 = tpu.vector_load %arg10[%swap3A_872, %swap3A_873] {strides = array<i32>} : memref<128x128xf32, #tpu.memory_space<vmem>>, vector<16xf32>,
        tpu.vector_store %arg10[%swap3A_872, %swap3A_873], %mul3A_871 {strides = array<i32>} : memref<128x128xf32, #tpu.memory_space<vmem>>, vector<16xf32>,
        %get3A_875 = arith.index_cast %add3A_866 : i32 to index
        %get3A_876 = arith.constant 16 : index
        %get3A_877 = tpu.vector_load %arg10[%get3A_875, %get3A_876] {strides = array<i32>} : memref<128x128xf32, #tpu.memory_space<vmem>>, vector<16xf32>,
        %mul3A_878 = vector.broadcast %squeeze3A_862 : f32 to vector<16xf32>
        %mul3A_879 = arith.mulf %get3A_877, %mul3A_878 : vector<16xf32>
        %swap3A_880 = arith.index_cast %add3A_866 : i32 to index
        %swap3A_881 = arith.constant 16 : index
        %swap3A_882 = tpu.vector_load %arg10[%swap3A_880, %swap3A_881] {strides = array<i32>} : memref<128x128xf32, #tpu.memory_space<vmem>>, vector<16xf32>,
        tpu.vector_store %arg10[%swap3A_880, %swap3A_881], %mul3A_879 {strides = array<i32>} : memref<128x128xf32, #tpu.memory_space<vmem>>, vector<16xf32>,
        %get3A_883 = arith.index_cast %add3A_866 : i32 to index
        %get3A_884 = arith.constant 32 : index
        %get3A_885 = tpu.vector_load %arg10[%get3A_883, %get3A_884] {strides = array<i32>} : memref<128x128xf32, #tpu.memory_space<vmem>>, vector<16xf32>,
        %mul3A_886 = vector.broadcast %squeeze3A_862 : f32 to vector<16xf32>
        %mul3A_887 = arith.mulf %get3A_885, %mul3A_886 : vector<16xf32>
        %swap3A_888 = arith.index_cast %add3A_866 : i32 to index
        %swap3A_889 = arith.constant 32 : index
        %swap3A_890 = tpu.vector_load %arg10[%swap3A_888, %swap3A_889] {strides = array<i32>} : memref<128x128xf32, #tpu.memory_space<vmem>>, vector<16xf32>,
        tpu.vector_store %arg10[%swap3A_888, %swap3A_889], %mul3A_887 {strides = array<i32>} : memref<128x128xf32, #tpu.memory_space<vmem>>, vector<16xf32>,
        %get3A_891 = arith.index_cast %add3A_866 : i32 to index
        %get3A_892 = arith.constant 48 : index
        %get3A_893 = tpu.vector_load %arg10[%get3A_891, %get3A_892] {strides = array<i32>} : memref<128x128xf32, #tpu.memory_space<vmem>>, vector<16xf32>,
        %mul3A_894 = vector.broadcast %squeeze3A_862 : f32 to vector<16xf32>
        %mul3A_895 = arith.mulf %get3A_893, %mul3A_894 : vector<16xf32>
        %swap3A_896 = arith.index_cast %add3A_866 : i32 to index
        %swap3A_897 = arith.constant 48 : index
        %swap3A_898 = tpu.vector_load %arg10[%swap3A_896, %swap3A_897] {strides = array<i32>} : memref<128x128xf32, #tpu.memory_space<vmem>>, vector<16xf32>,
        tpu.vector_store %arg10[%swap3A_896, %swap3A_897], %mul3A_895 {strides = array<i32>} : memref<128x128xf32, #tpu.memory_space<vmem>>, vector<16xf32>,
        %get3A_899 = arith.index_cast %add3A_866 : i32 to index
        %get3A_900 = arith.constant 64 : index
        %get3A_901 = tpu.vector_load %arg10[%get3A_899, %get3A_900] {strides = array<i32>} : memref<128x128xf32, #tpu.memory_space<vmem>>, vector<16xf32>,
        %mul3A_902 = vector.broadcast %squeeze3A_862 : f32 to vector<16xf32>
        %mul3A_903 = arith.mulf %get3A_901, %mul3A_902 : vector<16xf32>
        %swap3A_904 = arith.index_cast %add3A_866 : i32 to index
        %swap3A_905 = arith.constant 64 : index
        %swap3A_906 = tpu.vector_load %arg10[%swap3A_904, %swap3A_905] {strides = array<i32>} : memref<128x128xf32, #tpu.memory_space<vmem>>, vector<16xf32>,
        tpu.vector_store %arg10[%swap3A_904, %swap3A_905], %mul3A_903 {strides = array<i32>} : memref<128x128xf32, #tpu.memory_space<vmem>>, vector<16xf32>,
        %get3A_907 = arith.index_cast %add3A_866 : i32 to index
        %get3A_908 = arith.constant 80 : index
        %get3A_909 = tpu.vector_load %arg10[%get3A_907, %get3A_908] {strides = array<i32>} : memref<128x128xf32, #tpu.memory_space<vmem>>, vector<16xf32>,
        %mul3A_910 = vector.broadcast %squeeze3A_862 : f32 to vector<16xf32>
        %mul3A_911 = arith.mulf %get3A_909, %mul3A_910 : vector<16xf32>
        %swap3A_912 = arith.index_cast %add3A_866 : i32 to index
        %swap3A_913 = arith.constant 80 : index
        %swap3A_914 = tpu.vector_load %arg10[%swap3A_912, %swap3A_913] {strides = array<i32>} : memref<128x128xf32, #tpu.memory_space<vmem>>, vector<16xf32>,
        tpu.vector_store %arg10[%swap3A_912, %swap3A_913], %mul3A_911 {strides = array<i32>} : memref<128x128xf32, #tpu.memory_space<vmem>>, vector<16xf32>,
        %get3A_915 = arith.index_cast %add3A_866 : i32 to index
        %get3A_916 = arith.constant 96 : index
        %get3A_917 = tpu.vector_load %arg10[%get3A_915, %get3A_916] {strides = array<i32>} : memref<128x128xf32, #tpu.memory_space<vmem>>, vector<16xf32>,
        %mul3A_918 = vector.broadcast %squeeze3A_862 : f32 to vector<16xf32>
        %mul3A_919 = arith.mulf %get3A_917, %mul3A_918 : vector<16xf32>
        %swap3A_920 = arith.index_cast %add3A_866 : i32 to index
        %swap3A_921 = arith.constant 96 : index
        %swap3A_922 = tpu.vector_load %arg10[%swap3A_920, %swap3A_921] {strides = array<i32>} : memref<128x128xf32, #tpu.memory_space<vmem>>, vector<16xf32>,
        tpu.vector_store %arg10[%swap3A_920, %swap3A_921], %mul3A_919 {strides = array<i32>} : memref<128x128xf32, #tpu.memory_space<vmem>>, vector<16xf32>,
        %get3A_923 = arith.index_cast %add3A_866 : i32 to index
        %get3A_924 = arith.constant 112 : index
        %get3A_925 = tpu.vector_load %arg10[%get3A_923, %get3A_924] {strides = array<i32>} : memref<128x128xf32, #tpu.memory_space<vmem>>, vector<16xf32>,
        %mul3A_926 = vector.broadcast %squeeze3A_862 : f32 to vector<16xf32>
        %mul3A_927 = arith.mulf %get3A_925, %mul3A_926 : vector<16xf32>
        %swap3A_928 = arith.index_cast %add3A_866 : i32 to index
        %swap3A_929 = arith.constant 112 : index
        %swap3A_930 = tpu.vector_load %arg10[%swap3A_928, %swap3A_929] {strides = array<i32>} : memref<128x128xf32, #tpu.memory_space<vmem>>, vector<16xf32>,
        tpu.vector_store %arg10[%swap3A_928, %swap3A_929], %mul3A_927 {strides = array<i32>} : memref<128x128xf32, #tpu.memory_space<vmem>>, vector<16xf32>,
        %slice3A_931 = vector.extract_strided_slice %get3A_443 {offsets = [7], sizes = [1], strides = [1]} : vector<16xf32> to vector<1xf32>
        %squeeze3A_932 = vector.extract %slice3A_931[0] : f32 from vector<1xf32>
        %mul3A_933 = arith.constant 16 : i32
        %mul3A_934 = arith.muli %scan3A_437, %mul3A_933 : i32
        %add3A_935 = arith.constant 7 : i32
        %add3A_936 = arith.addi %mul3A_934, %add3A_935 : i32
        %get3A_937 = arith.index_cast %add3A_936 : i32 to index
        %get3A_938 = arith.constant 0 : index
        %get3A_939 = tpu.vector_load %arg10[%get3A_937, %get3A_938] {strides = array<i32>} : memref<128x128xf32, #tpu.memory_space<vmem>>, vector<16xf32>,
        %mul3A_940 = vector.broadcast %squeeze3A_932 : f32 to vector<16xf32>
        %mul3A_941 = arith.mulf %get3A_939, %mul3A_940 : vector<16xf32>
        %swap3A_942 = arith.index_cast %add3A_936 : i32 to index
        %swap3A_943 = arith.constant 0 : index
        %swap3A_944 = tpu.vector_load %arg10[%swap3A_942, %swap3A_943] {strides = array<i32>} : memref<128x128xf32, #tpu.memory_space<vmem>>, vector<16xf32>,
        tpu.vector_store %arg10[%swap3A_942, %swap3A_943], %mul3A_941 {strides = array<i32>} : memref<128x128xf32, #tpu.memory_space<vmem>>, vector<16xf32>,
        %get3A_945 = arith.index_cast %add3A_936 : i32 to index
        %get3A_946 = arith.constant 16 : index
        %get3A_947 = tpu.vector_load %arg10[%get3A_945, %get3A_946] {strides = array<i32>} : memref<128x128xf32, #tpu.memory_space<vmem>>, vector<16xf32>,
        %mul3A_948 = vector.broadcast %squeeze3A_932 : f32 to vector<16xf32>
        %mul3A_949 = arith.mulf %get3A_947, %mul3A_948 : vector<16xf32>
        %swap3A_950 = arith.index_cast %add3A_936 : i32 to index
        %swap3A_951 = arith.constant 16 : index
        %swap3A_952 = tpu.vector_load %arg10[%swap3A_950, %swap3A_951] {strides = array<i32>} : memref<128x128xf32, #tpu.memory_space<vmem>>, vector<16xf32>,
        tpu.vector_store %arg10[%swap3A_950, %swap3A_951], %mul3A_949 {strides = array<i32>} : memref<128x128xf32, #tpu.memory_space<vmem>>, vector<16xf32>,
        %get3A_953 = arith.index_cast %add3A_936 : i32 to index
        %get3A_954 = arith.constant 32 : index
        %get3A_955 = tpu.vector_load %arg10[%get3A_953, %get3A_954] {strides = array<i32>} : memref<128x128xf32, #tpu.memory_space<vmem>>, vector<16xf32>,
        %mul3A_956 = vector.broadcast %squeeze3A_932 : f32 to vector<16xf32>
        %mul3A_957 = arith.mulf %get3A_955, %mul3A_956 : vector<16xf32>
        %swap3A_958 = arith.index_cast %add3A_936 : i32 to index
        %swap3A_959 = arith.constant 32 : index
        %swap3A_960 = tpu.vector_load %arg10[%swap3A_958, %swap3A_959] {strides = array<i32>} : memref<128x128xf32, #tpu.memory_space<vmem>>, vector<16xf32>,
        tpu.vector_store %arg10[%swap3A_958, %swap3A_959], %mul3A_957 {strides = array<i32>} : memref<128x128xf32, #tpu.memory_space<vmem>>, vector<16xf32>,
        %get3A_961 = arith.index_cast %add3A_936 : i32 to index
        %get3A_962 = arith.constant 48 : index
        %get3A_963 = tpu.vector_load %arg10[%get3A_961, %get3A_962] {strides = array<i32>} : memref<128x128xf32, #tpu.memory_space<vmem>>, vector<16xf32>,
        %mul3A_964 = vector.broadcast %squeeze3A_932 : f32 to vector<16xf32>
        %mul3A_965 = arith.mulf %get3A_963, %mul3A_964 : vector<16xf32>
        %swap3A_966 = arith.index_cast %add3A_936 : i32 to index
        %swap3A_967 = arith.constant 48 : index
        %swap3A_968 = tpu.vector_load %arg10[%swap3A_966, %swap3A_967] {strides = array<i32>} : memref<128x128xf32, #tpu.memory_space<vmem>>, vector<16xf32>,
        tpu.vector_store %arg10[%swap3A_966, %swap3A_967], %mul3A_965 {strides = array<i32>} : memref<128x128xf32, #tpu.memory_space<vmem>>, vector<16xf32>,
        %get3A_969 = arith.index_cast %add3A_936 : i32 to index
        %get3A_970 = arith.constant 64 : index
        %get3A_971 = tpu.vector_load %arg10[%get3A_969, %get3A_970] {strides = array<i32>} : memref<128x128xf32, #tpu.memory_space<vmem>>, vector<16xf32>,
        %mul3A_972 = vector.broadcast %squeeze3A_932 : f32 to vector<16xf32>
        %mul3A_973 = arith.mulf %get3A_971, %mul3A_972 : vector<16xf32>
        %swap3A_974 = arith.index_cast %add3A_936 : i32 to index
        %swap3A_975 = arith.constant 64 : index
        %swap3A_976 = tpu.vector_load %arg10[%swap3A_974, %swap3A_975] {strides = array<i32>} : memref<128x128xf32, #tpu.memory_space<vmem>>, vector<16xf32>,
        tpu.vector_store %arg10[%swap3A_974, %swap3A_975], %mul3A_973 {strides = array<i32>} : memref<128x128xf32, #tpu.memory_space<vmem>>, vector<16xf32>,
        %get3A_977 = arith.index_cast %add3A_936 : i32 to index
        %get3A_978 = arith.constant 80 : index
        %get3A_979 = tpu.vector_load %arg10[%get3A_977, %get3A_978] {strides = array<i32>} : memref<128x128xf32, #tpu.memory_space<vmem>>, vector<16xf32>,
        %mul3A_980 = vector.broadcast %squeeze3A_932 : f32 to vector<16xf32>
        %mul3A_981 = arith.mulf %get3A_979, %mul3A_980 : vector<16xf32>
        %swap3A_982 = arith.index_cast %add3A_936 : i32 to index
        %swap3A_983 = arith.constant 80 : index
        %swap3A_984 = tpu.vector_load %arg10[%swap3A_982, %swap3A_983] {strides = array<i32>} : memref<128x128xf32, #tpu.memory_space<vmem>>, vector<16xf32>,
        tpu.vector_store %arg10[%swap3A_982, %swap3A_983], %mul3A_981 {strides = array<i32>} : memref<128x128xf32, #tpu.memory_space<vmem>>, vector<16xf32>,
        %get3A_985 = arith.index_cast %add3A_936 : i32 to index
        %get3A_986 = arith.constant 96 : index
        %get3A_987 = tpu.vector_load %arg10[%get3A_985, %get3A_986] {strides = array<i32>} : memref<128x128xf32, #tpu.memory_space<vmem>>, vector<16xf32>,
        %mul3A_988 = vector.broadcast %squeeze3A_932 : f32 to vector<16xf32>
        %mul3A_989 = arith.mulf %get3A_987, %mul3A_988 : vector<16xf32>
        %swap3A_990 = arith.index_cast %add3A_936 : i32 to index
        %swap3A_991 = arith.constant 96 : index
        %swap3A_992 = tpu.vector_load %arg10[%swap3A_990, %swap3A_991] {strides = array<i32>} : memref<128x128xf32, #tpu.memory_space<vmem>>, vector<16xf32>,
        tpu.vector_store %arg10[%swap3A_990, %swap3A_991], %mul3A_989 {strides = array<i32>} : memref<128x128xf32, #tpu.memory_space<vmem>>, vector<16xf32>,
        %get3A_993 = arith.index_cast %add3A_936 : i32 to index
        %get3A_994 = arith.constant 112 : index
        %get3A_995 = tpu.vector_load %arg10[%get3A_993, %get3A_994] {strides = array<i32>} : memref<128x128xf32, #tpu.memory_space<vmem>>, vector<16xf32>,
        %mul3A_996 = vector.broadcast %squeeze3A_932 : f32 to vector<16xf32>
        %mul3A_997 = arith.mulf %get3A_995, %mul3A_996 : vector<16xf32>
        %swap3A_998 = arith.index_cast %add3A_936 : i32 to index
        %swap3A_999 = arith.constant 112 : index
        %swap3A_1000 = tpu.vector_load %arg10[%swap3A_998, %swap3A_999] {strides = array<i32>} : memref<128x128xf32, #tpu.memory_space<vmem>>, vector<16xf32>,
        tpu.vector_store %arg10[%swap3A_998, %swap3A_999], %mul3A_997 {strides = array<i32>} : memref<128x128xf32, #tpu.memory_space<vmem>>, vector<16xf32>,
        %slice3A_1001 = vector.extract_strided_slice %get3A_443 {offsets = [8], sizes = [1], strides = [1]} : vector<16xf32> to vector<1xf32>
        %squeeze3A_1002 = vector.extract %slice3A_1001[0] : f32 from vector<1xf32>
        %mul3A_1003 = arith.constant 16 : i32
        %mul3A_1004 = arith.muli %scan3A_437, %mul3A_1003 : i32
        %add3A_1005 = arith.constant 8 : i32
        %add3A_1006 = arith.addi %mul3A_1004, %add3A_1005 : i32
        %get3A_1007 = arith.index_cast %add3A_1006 : i32 to index
        %get3A_1008 = arith.constant 0 : index
        %get3A_1009 = tpu.vector_load %arg10[%get3A_1007, %get3A_1008] {strides = array<i32>} : memref<128x128xf32, #tpu.memory_space<vmem>>, vector<16xf32>,
        %mul3A_1010 = vector.broadcast %squeeze3A_1002 : f32 to vector<16xf32>
        %mul3A_1011 = arith.mulf %get3A_1009, %mul3A_1010 : vector<16xf32>
        %swap3A_1012 = arith.index_cast %add3A_1006 : i32 to index
        %swap3A_1013 = arith.constant 0 : index
        %swap3A_1014 = tpu.vector_load %arg10[%swap3A_1012, %swap3A_1013] {strides = array<i32>} : memref<128x128xf32, #tpu.memory_space<vmem>>, vector<16xf32>,
        tpu.vector_store %arg10[%swap3A_1012, %swap3A_1013], %mul3A_1011 {strides = array<i32>} : memref<128x128xf32, #tpu.memory_space<vmem>>, vector<16xf32>,
        %get3A_1015 = arith.index_cast %add3A_1006 : i32 to index
        %get3A_1016 = arith.constant 16 : index
        %get3A_1017 = tpu.vector_load %arg10[%get3A_1015, %get3A_1016] {strides = array<i32>} : memref<128x128xf32, #tpu.memory_space<vmem>>, vector<16xf32>,
        %mul3A_1018 = vector.broadcast %squeeze3A_1002 : f32 to vector<16xf32>
        %mul3A_1019 = arith.mulf %get3A_1017, %mul3A_1018 : vector<16xf32>
        %swap3A_1020 = arith.index_cast %add3A_1006 : i32 to index
        %swap3A_1021 = arith.constant 16 : index
        %swap3A_1022 = tpu.vector_load %arg10[%swap3A_1020, %swap3A_1021] {strides = array<i32>} : memref<128x128xf32, #tpu.memory_space<vmem>>, vector<16xf32>,
        tpu.vector_store %arg10[%swap3A_1020, %swap3A_1021], %mul3A_1019 {strides = array<i32>} : memref<128x128xf32, #tpu.memory_space<vmem>>, vector<16xf32>,
        %get3A_1023 = arith.index_cast %add3A_1006 : i32 to index
        %get3A_1024 = arith.constant 32 : index
        %get3A_1025 = tpu.vector_load %arg10[%get3A_1023, %get3A_1024] {strides = array<i32>} : memref<128x128xf32, #tpu.memory_space<vmem>>, vector<16xf32>,
        %mul3A_1026 = vector.broadcast %squeeze3A_1002 : f32 to vector<16xf32>
        %mul3A_1027 = arith.mulf %get3A_1025, %mul3A_1026 : vector<16xf32>
        %swap3A_1028 = arith.index_cast %add3A_1006 : i32 to index
        %swap3A_1029 = arith.constant 32 : index
        %swap3A_1030 = tpu.vector_load %arg10[%swap3A_1028, %swap3A_1029] {strides = array<i32>} : memref<128x128xf32, #tpu.memory_space<vmem>>, vector<16xf32>,
        tpu.vector_store %arg10[%swap3A_1028, %swap3A_1029], %mul3A_1027 {strides = array<i32>} : memref<128x128xf32, #tpu.memory_space<vmem>>, vector<16xf32>,
        %get3A_1031 = arith.index_cast %add3A_1006 : i32 to index
        %get3A_1032 = arith.constant 48 : index
        %get3A_1033 = tpu.vector_load %arg10[%get3A_1031, %get3A_1032] {strides = array<i32>} : memref<128x128xf32, #tpu.memory_space<vmem>>, vector<16xf32>,
        %mul3A_1034 = vector.broadcast %squeeze3A_1002 : f32 to vector<16xf32>
        %mul3A_1035 = arith.mulf %get3A_1033, %mul3A_1034 : vector<16xf32>
        %swap3A_1036 = arith.index_cast %add3A_1006 : i32 to index
        %swap3A_1037 = arith.constant 48 : index
        %swap3A_1038 = tpu.vector_load %arg10[%swap3A_1036, %swap3A_1037] {strides = array<i32>} : memref<128x128xf32, #tpu.memory_space<vmem>>, vector<16xf32>,
        tpu.vector_store %arg10[%swap3A_1036, %swap3A_1037], %mul3A_1035 {strides = array<i32>} : memref<128x128xf32, #tpu.memory_space<vmem>>, vector<16xf32>,
        %get3A_1039 = arith.index_cast %add3A_1006 : i32 to index
        %get3A_1040 = arith.constant 64 : index
        %get3A_1041 = tpu.vector_load %arg10[%get3A_1039, %get3A_1040] {strides = array<i32>} : memref<128x128xf32, #tpu.memory_space<vmem>>, vector<16xf32>,
        %mul3A_1042 = vector.broadcast %squeeze3A_1002 : f32 to vector<16xf32>
        %mul3A_1043 = arith.mulf %get3A_1041, %mul3A_1042 : vector<16xf32>
        %swap3A_1044 = arith.index_cast %add3A_1006 : i32 to index
        %swap3A_1045 = arith.constant 64 : index
        %swap3A_1046 = tpu.vector_load %arg10[%swap3A_1044, %swap3A_1045] {strides = array<i32>} : memref<128x128xf32, #tpu.memory_space<vmem>>, vector<16xf32>,
        tpu.vector_store %arg10[%swap3A_1044, %swap3A_1045], %mul3A_1043 {strides = array<i32>} : memref<128x128xf32, #tpu.memory_space<vmem>>, vector<16xf32>,
        %get3A_1047 = arith.index_cast %add3A_1006 : i32 to index
        %get3A_1048 = arith.constant 80 : index
        %get3A_1049 = tpu.vector_load %arg10[%get3A_1047, %get3A_1048] {strides = array<i32>} : memref<128x128xf32, #tpu.memory_space<vmem>>, vector<16xf32>,
        %mul3A_1050 = vector.broadcast %squeeze3A_1002 : f32 to vector<16xf32>
        %mul3A_1051 = arith.mulf %get3A_1049, %mul3A_1050 : vector<16xf32>
        %swap3A_1052 = arith.index_cast %add3A_1006 : i32 to index
        %swap3A_1053 = arith.constant 80 : index
        %swap3A_1054 = tpu.vector_load %arg10[%swap3A_1052, %swap3A_1053] {strides = array<i32>} : memref<128x128xf32, #tpu.memory_space<vmem>>, vector<16xf32>,
        tpu.vector_store %arg10[%swap3A_1052, %swap3A_1053], %mul3A_1051 {strides = array<i32>} : memref<128x128xf32, #tpu.memory_space<vmem>>, vector<16xf32>,
        %get3A_1055 = arith.index_cast %add3A_1006 : i32 to index
        %get3A_1056 = arith.constant 96 : index
        %get3A_1057 = tpu.vector_load %arg10[%get3A_1055, %get3A_1056] {strides = array<i32>} : memref<128x128xf32, #tpu.memory_space<vmem>>, vector<16xf32>,
        %mul3A_1058 = vector.broadcast %squeeze3A_1002 : f32 to vector<16xf32>
        %mul3A_1059 = arith.mulf %get3A_1057, %mul3A_1058 : vector<16xf32>
        %swap3A_1060 = arith.index_cast %add3A_1006 : i32 to index
        %swap3A_1061 = arith.constant 96 : index
        %swap3A_1062 = tpu.vector_load %arg10[%swap3A_1060, %swap3A_1061] {strides = array<i32>} : memref<128x128xf32, #tpu.memory_space<vmem>>, vector<16xf32>,
        tpu.vector_store %arg10[%swap3A_1060, %swap3A_1061], %mul3A_1059 {strides = array<i32>} : memref<128x128xf32, #tpu.memory_space<vmem>>, vector<16xf32>,
        %get3A_1063 = arith.index_cast %add3A_1006 : i32 to index
        %get3A_1064 = arith.constant 112 : index
        %get3A_1065 = tpu.vector_load %arg10[%get3A_1063, %get3A_1064] {strides = array<i32>} : memref<128x128xf32, #tpu.memory_space<vmem>>, vector<16xf32>,
        %mul3A_1066 = vector.broadcast %squeeze3A_1002 : f32 to vector<16xf32>
        %mul3A_1067 = arith.mulf %get3A_1065, %mul3A_1066 : vector<16xf32>
        %swap3A_1068 = arith.index_cast %add3A_1006 : i32 to index
        %swap3A_1069 = arith.constant 112 : index
        %swap3A_1070 = tpu.vector_load %arg10[%swap3A_1068, %swap3A_1069] {strides = array<i32>} : memref<128x128xf32, #tpu.memory_space<vmem>>, vector<16xf32>,
        tpu.vector_store %arg10[%swap3A_1068, %swap3A_1069], %mul3A_1067 {strides = array<i32>} : memref<128x128xf32, #tpu.memory_space<vmem>>, vector<16xf32>,
        %slice3A_1071 = vector.extract_strided_slice %get3A_443 {offsets = [9], sizes = [1], strides = [1]} : vector<16xf32> to vector<1xf32>
        %squeeze3A_1072 = vector.extract %slice3A_1071[0] : f32 from vector<1xf32>
        %mul3A_1073 = arith.constant 16 : i32
        %mul3A_1074 = arith.muli %scan3A_437, %mul3A_1073 : i32
        %add3A_1075 = arith.constant 9 : i32
        %add3A_1076 = arith.addi %mul3A_1074, %add3A_1075 : i32
        %get3A_1077 = arith.index_cast %add3A_1076 : i32 to index
        %get3A_1078 = arith.constant 0 : index
        %get3A_1079 = tpu.vector_load %arg10[%get3A_1077, %get3A_1078] {strides = array<i32>} : memref<128x128xf32, #tpu.memory_space<vmem>>, vector<16xf32>,
        %mul3A_1080 = vector.broadcast %squeeze3A_1072 : f32 to vector<16xf32>
        %mul3A_1081 = arith.mulf %get3A_1079, %mul3A_1080 : vector<16xf32>
        %swap3A_1082 = arith.index_cast %add3A_1076 : i32 to index
        %swap3A_1083 = arith.constant 0 : index
        %swap3A_1084 = tpu.vector_load %arg10[%swap3A_1082, %swap3A_1083] {strides = array<i32>} : memref<128x128xf32, #tpu.memory_space<vmem>>, vector<16xf32>,
        tpu.vector_store %arg10[%swap3A_1082, %swap3A_1083], %mul3A_1081 {strides = array<i32>} : memref<128x128xf32, #tpu.memory_space<vmem>>, vector<16xf32>,
        %get3A_1085 = arith.index_cast %add3A_1076 : i32 to index
        %get3A_1086 = arith.constant 16 : index
        %get3A_1087 = tpu.vector_load %arg10[%get3A_1085, %get3A_1086] {strides = array<i32>} : memref<128x128xf32, #tpu.memory_space<vmem>>, vector<16xf32>,
        %mul3A_1088 = vector.broadcast %squeeze3A_1072 : f32 to vector<16xf32>
        %mul3A_1089 = arith.mulf %get3A_1087, %mul3A_1088 : vector<16xf32>
        %swap3A_1090 = arith.index_cast %add3A_1076 : i32 to index
        %swap3A_1091 = arith.constant 16 : index
        %swap3A_1092 = tpu.vector_load %arg10[%swap3A_1090, %swap3A_1091] {strides = array<i32>} : memref<128x128xf32, #tpu.memory_space<vmem>>, vector<16xf32>,
        tpu.vector_store %arg10[%swap3A_1090, %swap3A_1091], %mul3A_1089 {strides = array<i32>} : memref<128x128xf32, #tpu.memory_space<vmem>>, vector<16xf32>,
        %get3A_1093 = arith.index_cast %add3A_1076 : i32 to index
        %get3A_1094 = arith.constant 32 : index
        %get3A_1095 = tpu.vector_load %arg10[%get3A_1093, %get3A_1094] {strides = array<i32>} : memref<128x128xf32, #tpu.memory_space<vmem>>, vector<16xf32>,
        %mul3A_1096 = vector.broadcast %squeeze3A_1072 : f32 to vector<16xf32>
        %mul3A_1097 = arith.mulf %get3A_1095, %mul3A_1096 : vector<16xf32>
        %swap3A_1098 = arith.index_cast %add3A_1076 : i32 to index
        %swap3A_1099 = arith.constant 32 : index
        %swap3A_1100 = tpu.vector_load %arg10[%swap3A_1098, %swap3A_1099] {strides = array<i32>} : memref<128x128xf32, #tpu.memory_space<vmem>>, vector<16xf32>,
        tpu.vector_store %arg10[%swap3A_1098, %swap3A_1099], %mul3A_1097 {strides = array<i32>} : memref<128x128xf32, #tpu.memory_space<vmem>>, vector<16xf32>,
        %get3A_1101 = arith.index_cast %add3A_1076 : i32 to index
        %get3A_1102 = arith.constant 48 : index
        %get3A_1103 = tpu.vector_load %arg10[%get3A_1101, %get3A_1102] {strides = array<i32>} : memref<128x128xf32, #tpu.memory_space<vmem>>, vector<16xf32>,
        %mul3A_1104 = vector.broadcast %squeeze3A_1072 : f32 to vector<16xf32>
        %mul3A_1105 = arith.mulf %get3A_1103, %mul3A_1104 : vector<16xf32>
        %swap3A_1106 = arith.index_cast %add3A_1076 : i32 to index
        %swap3A_1107 = arith.constant 48 : index
        %swap3A_1108 = tpu.vector_load %arg10[%swap3A_1106, %swap3A_1107] {strides = array<i32>} : memref<128x128xf32, #tpu.memory_space<vmem>>, vector<16xf32>,
        tpu.vector_store %arg10[%swap3A_1106, %swap3A_1107], %mul3A_1105 {strides = array<i32>} : memref<128x128xf32, #tpu.memory_space<vmem>>, vector<16xf32>,
        %get3A_1109 = arith.index_cast %add3A_1076 : i32 to index
        %get3A_1110 = arith.constant 64 : index
        %get3A_1111 = tpu.vector_load %arg10[%get3A_1109, %get3A_1110] {strides = array<i32>} : memref<128x128xf32, #tpu.memory_space<vmem>>, vector<16xf32>,
        %mul3A_1112 = vector.broadcast %squeeze3A_1072 : f32 to vector<16xf32>
        %mul3A_1113 = arith.mulf %get3A_1111, %mul3A_1112 : vector<16xf32>
        %swap3A_1114 = arith.index_cast %add3A_1076 : i32 to index
        %swap3A_1115 = arith.constant 64 : index
        %swap3A_1116 = tpu.vector_load %arg10[%swap3A_1114, %swap3A_1115] {strides = array<i32>} : memref<128x128xf32, #tpu.memory_space<vmem>>, vector<16xf32>,
        tpu.vector_store %arg10[%swap3A_1114, %swap3A_1115], %mul3A_1113 {strides = array<i32>} : memref<128x128xf32, #tpu.memory_space<vmem>>, vector<16xf32>,
        %get3A_1117 = arith.index_cast %add3A_1076 : i32 to index
        %get3A_1118 = arith.constant 80 : index
        %get3A_1119 = tpu.vector_load %arg10[%get3A_1117, %get3A_1118] {strides = array<i32>} : memref<128x128xf32, #tpu.memory_space<vmem>>, vector<16xf32>,
        %mul3A_1120 = vector.broadcast %squeeze3A_1072 : f32 to vector<16xf32>
        %mul3A_1121 = arith.mulf %get3A_1119, %mul3A_1120 : vector<16xf32>
        %swap3A_1122 = arith.index_cast %add3A_1076 : i32 to index
        %swap3A_1123 = arith.constant 80 : index
        %swap3A_1124 = tpu.vector_load %arg10[%swap3A_1122, %swap3A_1123] {strides = array<i32>} : memref<128x128xf32, #tpu.memory_space<vmem>>, vector<16xf32>,
        tpu.vector_store %arg10[%swap3A_1122, %swap3A_1123], %mul3A_1121 {strides = array<i32>} : memref<128x128xf32, #tpu.memory_space<vmem>>, vector<16xf32>,
        %get3A_1125 = arith.index_cast %add3A_1076 : i32 to index
        %get3A_1126 = arith.constant 96 : index
        %get3A_1127 = tpu.vector_load %arg10[%get3A_1125, %get3A_1126] {strides = array<i32>} : memref<128x128xf32, #tpu.memory_space<vmem>>, vector<16xf32>,
        %mul3A_1128 = vector.broadcast %squeeze3A_1072 : f32 to vector<16xf32>
        %mul3A_1129 = arith.mulf %get3A_1127, %mul3A_1128 : vector<16xf32>
        %swap3A_1130 = arith.index_cast %add3A_1076 : i32 to index
        %swap3A_1131 = arith.constant 96 : index
        %swap3A_1132 = tpu.vector_load %arg10[%swap3A_1130, %swap3A_1131] {strides = array<i32>} : memref<128x128xf32, #tpu.memory_space<vmem>>, vector<16xf32>,
        tpu.vector_store %arg10[%swap3A_1130, %swap3A_1131], %mul3A_1129 {strides = array<i32>} : memref<128x128xf32, #tpu.memory_space<vmem>>, vector<16xf32>,
        %get3A_1133 = arith.index_cast %add3A_1076 : i32 to index
        %get3A_1134 = arith.constant 112 : index
        %get3A_1135 = tpu.vector_load %arg10[%get3A_1133, %get3A_1134] {strides = array<i32>} : memref<128x128xf32, #tpu.memory_space<vmem>>, vector<16xf32>,
        %mul3A_1136 = vector.broadcast %squeeze3A_1072 : f32 to vector<16xf32>
        %mul3A_1137 = arith.mulf %get3A_1135, %mul3A_1136 : vector<16xf32>
        %swap3A_1138 = arith.index_cast %add3A_1076 : i32 to index
        %swap3A_1139 = arith.constant 112 : index
        %swap3A_1140 = tpu.vector_load %arg10[%swap3A_1138, %swap3A_1139] {strides = array<i32>} : memref<128x128xf32, #tpu.memory_space<vmem>>, vector<16xf32>,
        tpu.vector_store %arg10[%swap3A_1138, %swap3A_1139], %mul3A_1137 {strides = array<i32>} : memref<128x128xf32, #tpu.memory_space<vmem>>, vector<16xf32>,
        %slice3A_1141 = vector.extract_strided_slice %get3A_443 {offsets = [10], sizes = [1], strides = [1]} : vector<16xf32> to vector<1xf32>
        %squeeze3A_1142 = vector.extract %slice3A_1141[0] : f32 from vector<1xf32>
        %mul3A_1143 = arith.constant 16 : i32
        %mul3A_1144 = arith.muli %scan3A_437, %mul3A_1143 : i32
        %add3A_1145 = arith.constant 10 : i32
        %add3A_1146 = arith.addi %mul3A_1144, %add3A_1145 : i32
        %get3A_1147 = arith.index_cast %add3A_1146 : i32 to index
        %get3A_1148 = arith.constant 0 : index
        %get3A_1149 = tpu.vector_load %arg10[%get3A_1147, %get3A_1148] {strides = array<i32>} : memref<128x128xf32, #tpu.memory_space<vmem>>, vector<16xf32>,
        %mul3A_1150 = vector.broadcast %squeeze3A_1142 : f32 to vector<16xf32>
        %mul3A_1151 = arith.mulf %get3A_1149, %mul3A_1150 : vector<16xf32>
        %swap3A_1152 = arith.index_cast %add3A_1146 : i32 to index
        %swap3A_1153 = arith.constant 0 : index
        %swap3A_1154 = tpu.vector_load %arg10[%swap3A_1152, %swap3A_1153] {strides = array<i32>} : memref<128x128xf32, #tpu.memory_space<vmem>>, vector<16xf32>,
        tpu.vector_store %arg10[%swap3A_1152, %swap3A_1153], %mul3A_1151 {strides = array<i32>} : memref<128x128xf32, #tpu.memory_space<vmem>>, vector<16xf32>,
        %get3A_1155 = arith.index_cast %add3A_1146 : i32 to index
        %get3A_1156 = arith.constant 16 : index
        %get3A_1157 = tpu.vector_load %arg10[%get3A_1155, %get3A_1156] {strides = array<i32>} : memref<128x128xf32, #tpu.memory_space<vmem>>, vector<16xf32>,
        %mul3A_1158 = vector.broadcast %squeeze3A_1142 : f32 to vector<16xf32>
        %mul3A_1159 = arith.mulf %get3A_1157, %mul3A_1158 : vector<16xf32>
        %swap3A_1160 = arith.index_cast %add3A_1146 : i32 to index
        %swap3A_1161 = arith.constant 16 : index
        %swap3A_1162 = tpu.vector_load %arg10[%swap3A_1160, %swap3A_1161] {strides = array<i32>} : memref<128x128xf32, #tpu.memory_space<vmem>>, vector<16xf32>,
        tpu.vector_store %arg10[%swap3A_1160, %swap3A_1161], %mul3A_1159 {strides = array<i32>} : memref<128x128xf32, #tpu.memory_space<vmem>>, vector<16xf32>,
        %get3A_1163 = arith.index_cast %add3A_1146 : i32 to index
        %get3A_1164 = arith.constant 32 : index
        %get3A_1165 = tpu.vector_load %arg10[%get3A_1163, %get3A_1164] {strides = array<i32>} : memref<128x128xf32, #tpu.memory_space<vmem>>, vector<16xf32>,
        %mul3A_1166 = vector.broadcast %squeeze3A_1142 : f32 to vector<16xf32>
        %mul3A_1167 = arith.mulf %get3A_1165, %mul3A_1166 : vector<16xf32>
        %swap3A_1168 = arith.index_cast %add3A_1146 : i32 to index
        %swap3A_1169 = arith.constant 32 : index
        %swap3A_1170 = tpu.vector_load %arg10[%swap3A_1168, %swap3A_1169] {strides = array<i32>} : memref<128x128xf32, #tpu.memory_space<vmem>>, vector<16xf32>,
        tpu.vector_store %arg10[%swap3A_1168, %swap3A_1169], %mul3A_1167 {strides = array<i32>} : memref<128x128xf32, #tpu.memory_space<vmem>>, vector<16xf32>,
        %get3A_1171 = arith.index_cast %add3A_1146 : i32 to index
        %get3A_1172 = arith.constant 48 : index
        %get3A_1173 = tpu.vector_load %arg10[%get3A_1171, %get3A_1172] {strides = array<i32>} : memref<128x128xf32, #tpu.memory_space<vmem>>, vector<16xf32>,
        %mul3A_1174 = vector.broadcast %squeeze3A_1142 : f32 to vector<16xf32>
        %mul3A_1175 = arith.mulf %get3A_1173, %mul3A_1174 : vector<16xf32>
        %swap3A_1176 = arith.index_cast %add3A_1146 : i32 to index
        %swap3A_1177 = arith.constant 48 : index
        %swap3A_1178 = tpu.vector_load %arg10[%swap3A_1176, %swap3A_1177] {strides = array<i32>} : memref<128x128xf32, #tpu.memory_space<vmem>>, vector<16xf32>,
        tpu.vector_store %arg10[%swap3A_1176, %swap3A_1177], %mul3A_1175 {strides = array<i32>} : memref<128x128xf32, #tpu.memory_space<vmem>>, vector<16xf32>,
        %get3A_1179 = arith.index_cast %add3A_1146 : i32 to index
        %get3A_1180 = arith.constant 64 : index
        %get3A_1181 = tpu.vector_load %arg10[%get3A_1179, %get3A_1180] {strides = array<i32>} : memref<128x128xf32, #tpu.memory_space<vmem>>, vector<16xf32>,
        %mul3A_1182 = vector.broadcast %squeeze3A_1142 : f32 to vector<16xf32>
        %mul3A_1183 = arith.mulf %get3A_1181, %mul3A_1182 : vector<16xf32>
        %swap3A_1184 = arith.index_cast %add3A_1146 : i32 to index
        %swap3A_1185 = arith.constant 64 : index
        %swap3A_1186 = tpu.vector_load %arg10[%swap3A_1184, %swap3A_1185] {strides = array<i32>} : memref<128x128xf32, #tpu.memory_space<vmem>>, vector<16xf32>,
        tpu.vector_store %arg10[%swap3A_1184, %swap3A_1185], %mul3A_1183 {strides = array<i32>} : memref<128x128xf32, #tpu.memory_space<vmem>>, vector<16xf32>,
        %get3A_1187 = arith.index_cast %add3A_1146 : i32 to index
        %get3A_1188 = arith.constant 80 : index
        %get3A_1189 = tpu.vector_load %arg10[%get3A_1187, %get3A_1188] {strides = array<i32>} : memref<128x128xf32, #tpu.memory_space<vmem>>, vector<16xf32>,
        %mul3A_1190 = vector.broadcast %squeeze3A_1142 : f32 to vector<16xf32>
        %mul3A_1191 = arith.mulf %get3A_1189, %mul3A_1190 : vector<16xf32>
        %swap3A_1192 = arith.index_cast %add3A_1146 : i32 to index
        %swap3A_1193 = arith.constant 80 : index
        %swap3A_1194 = tpu.vector_load %arg10[%swap3A_1192, %swap3A_1193] {strides = array<i32>} : memref<128x128xf32, #tpu.memory_space<vmem>>, vector<16xf32>,
        tpu.vector_store %arg10[%swap3A_1192, %swap3A_1193], %mul3A_1191 {strides = array<i32>} : memref<128x128xf32, #tpu.memory_space<vmem>>, vector<16xf32>,
        %get3A_1195 = arith.index_cast %add3A_1146 : i32 to index
        %get3A_1196 = arith.constant 96 : index
        %get3A_1197 = tpu.vector_load %arg10[%get3A_1195, %get3A_1196] {strides = array<i32>} : memref<128x128xf32, #tpu.memory_space<vmem>>, vector<16xf32>,
        %mul3A_1198 = vector.broadcast %squeeze3A_1142 : f32 to vector<16xf32>
        %mul3A_1199 = arith.mulf %get3A_1197, %mul3A_1198 : vector<16xf32>
        %swap3A_1200 = arith.index_cast %add3A_1146 : i32 to index
        %swap3A_1201 = arith.constant 96 : index
        %swap3A_1202 = tpu.vector_load %arg10[%swap3A_1200, %swap3A_1201] {strides = array<i32>} : memref<128x128xf32, #tpu.memory_space<vmem>>, vector<16xf32>,
        tpu.vector_store %arg10[%swap3A_1200, %swap3A_1201], %mul3A_1199 {strides = array<i32>} : memref<128x128xf32, #tpu.memory_space<vmem>>, vector<16xf32>,
        %get3A_1203 = arith.index_cast %add3A_1146 : i32 to index
        %get3A_1204 = arith.constant 112 : index
        %get3A_1205 = tpu.vector_load %arg10[%get3A_1203, %get3A_1204] {strides = array<i32>} : memref<128x128xf32, #tpu.memory_space<vmem>>, vector<16xf32>,
        %mul3A_1206 = vector.broadcast %squeeze3A_1142 : f32 to vector<16xf32>
        %mul3A_1207 = arith.mulf %get3A_1205, %mul3A_1206 : vector<16xf32>
        %swap3A_1208 = arith.index_cast %add3A_1146 : i32 to index
        %swap3A_1209 = arith.constant 112 : index
        %swap3A_1210 = tpu.vector_load %arg10[%swap3A_1208, %swap3A_1209] {strides = array<i32>} : memref<128x128xf32, #tpu.memory_space<vmem>>, vector<16xf32>,
        tpu.vector_store %arg10[%swap3A_1208, %swap3A_1209], %mul3A_1207 {strides = array<i32>} : memref<128x128xf32, #tpu.memory_space<vmem>>, vector<16xf32>,
        %slice3A_1211 = vector.extract_strided_slice %get3A_443 {offsets = [11], sizes = [1], strides = [1]} : vector<16xf32> to vector<1xf32>
        %squeeze3A_1212 = vector.extract %slice3A_1211[0] : f32 from vector<1xf32>
        %mul3A_1213 = arith.constant 16 : i32
        %mul3A_1214 = arith.muli %scan3A_437, %mul3A_1213 : i32
        %add3A_1215 = arith.constant 11 : i32
        %add3A_1216 = arith.addi %mul3A_1214, %add3A_1215 : i32
        %get3A_1217 = arith.index_cast %add3A_1216 : i32 to index
        %get3A_1218 = arith.constant 0 : index
        %get3A_1219 = tpu.vector_load %arg10[%get3A_1217, %get3A_1218] {strides = array<i32>} : memref<128x128xf32, #tpu.memory_space<vmem>>, vector<16xf32>,
        %mul3A_1220 = vector.broadcast %squeeze3A_1212 : f32 to vector<16xf32>
        %mul3A_1221 = arith.mulf %get3A_1219, %mul3A_1220 : vector<16xf32>
        %swap3A_1222 = arith.index_cast %add3A_1216 : i32 to index
        %swap3A_1223 = arith.constant 0 : index
        %swap3A_1224 = tpu.vector_load %arg10[%swap3A_1222, %swap3A_1223] {strides = array<i32>} : memref<128x128xf32, #tpu.memory_space<vmem>>, vector<16xf32>,
        tpu.vector_store %arg10[%swap3A_1222, %swap3A_1223], %mul3A_1221 {strides = array<i32>} : memref<128x128xf32, #tpu.memory_space<vmem>>, vector<16xf32>,
        %get3A_1225 = arith.index_cast %add3A_1216 : i32 to index
        %get3A_1226 = arith.constant 16 : index
        %get3A_1227 = tpu.vector_load %arg10[%get3A_1225, %get3A_1226] {strides = array<i32>} : memref<128x128xf32, #tpu.memory_space<vmem>>, vector<16xf32>,
        %mul3A_1228 = vector.broadcast %squeeze3A_1212 : f32 to vector<16xf32>
        %mul3A_1229 = arith.mulf %get3A_1227, %mul3A_1228 : vector<16xf32>
        %swap3A_1230 = arith.index_cast %add3A_1216 : i32 to index
        %swap3A_1231 = arith.constant 16 : index
        %swap3A_1232 = tpu.vector_load %arg10[%swap3A_1230, %swap3A_1231] {strides = array<i32>} : memref<128x128xf32, #tpu.memory_space<vmem>>, vector<16xf32>,
        tpu.vector_store %arg10[%swap3A_1230, %swap3A_1231], %mul3A_1229 {strides = array<i32>} : memref<128x128xf32, #tpu.memory_space<vmem>>, vector<16xf32>,
        %get3A_1233 = arith.index_cast %add3A_1216 : i32 to index
        %get3A_1234 = arith.constant 32 : index
        %get3A_1235 = tpu.vector_load %arg10[%get3A_1233, %get3A_1234] {strides = array<i32>} : memref<128x128xf32, #tpu.memory_space<vmem>>, vector<16xf32>,
        %mul3A_1236 = vector.broadcast %squeeze3A_1212 : f32 to vector<16xf32>
        %mul3A_1237 = arith.mulf %get3A_1235, %mul3A_1236 : vector<16xf32>
        %swap3A_1238 = arith.index_cast %add3A_1216 : i32 to index
        %swap3A_1239 = arith.constant 32 : index
        %swap3A_1240 = tpu.vector_load %arg10[%swap3A_1238, %swap3A_1239] {strides = array<i32>} : memref<128x128xf32, #tpu.memory_space<vmem>>, vector<16xf32>,
        tpu.vector_store %arg10[%swap3A_1238, %swap3A_1239], %mul3A_1237 {strides = array<i32>} : memref<128x128xf32, #tpu.memory_space<vmem>>, vector<16xf32>,
        %get3A_1241 = arith.index_cast %add3A_1216 : i32 to index
        %get3A_1242 = arith.constant 48 : index
        %get3A_1243 = tpu.vector_load %arg10[%get3A_1241, %get3A_1242] {strides = array<i32>} : memref<128x128xf32, #tpu.memory_space<vmem>>, vector<16xf32>,
        %mul3A_1244 = vector.broadcast %squeeze3A_1212 : f32 to vector<16xf32>
        %mul3A_1245 = arith.mulf %get3A_1243, %mul3A_1244 : vector<16xf32>
        %swap3A_1246 = arith.index_cast %add3A_1216 : i32 to index
        %swap3A_1247 = arith.constant 48 : index
        %swap3A_1248 = tpu.vector_load %arg10[%swap3A_1246, %swap3A_1247] {strides = array<i32>} : memref<128x128xf32, #tpu.memory_space<vmem>>, vector<16xf32>,
        tpu.vector_store %arg10[%swap3A_1246, %swap3A_1247], %mul3A_1245 {strides = array<i32>} : memref<128x128xf32, #tpu.memory_space<vmem>>, vector<16xf32>,
        %get3A_1249 = arith.index_cast %add3A_1216 : i32 to index
        %get3A_1250 = arith.constant 64 : index
        %get3A_1251 = tpu.vector_load %arg10[%get3A_1249, %get3A_1250] {strides = array<i32>} : memref<128x128xf32, #tpu.memory_space<vmem>>, vector<16xf32>,
        %mul3A_1252 = vector.broadcast %squeeze3A_1212 : f32 to vector<16xf32>
        %mul3A_1253 = arith.mulf %get3A_1251, %mul3A_1252 : vector<16xf32>
        %swap3A_1254 = arith.index_cast %add3A_1216 : i32 to index
        %swap3A_1255 = arith.constant 64 : index
        %swap3A_1256 = tpu.vector_load %arg10[%swap3A_1254, %swap3A_1255] {strides = array<i32>} : memref<128x128xf32, #tpu.memory_space<vmem>>, vector<16xf32>,
        tpu.vector_store %arg10[%swap3A_1254, %swap3A_1255], %mul3A_1253 {strides = array<i32>} : memref<128x128xf32, #tpu.memory_space<vmem>>, vector<16xf32>,
        %get3A_1257 = arith.index_cast %add3A_1216 : i32 to index
        %get3A_1258 = arith.constant 80 : index
        %get3A_1259 = tpu.vector_load %arg10[%get3A_1257, %get3A_1258] {strides = array<i32>} : memref<128x128xf32, #tpu.memory_space<vmem>>, vector<16xf32>,
        %mul3A_1260 = vector.broadcast %squeeze3A_1212 : f32 to vector<16xf32>
        %mul3A_1261 = arith.mulf %get3A_1259, %mul3A_1260 : vector<16xf32>
        %swap3A_1262 = arith.index_cast %add3A_1216 : i32 to index
        %swap3A_1263 = arith.constant 80 : index
        %swap3A_1264 = tpu.vector_load %arg10[%swap3A_1262, %swap3A_1263] {strides = array<i32>} : memref<128x128xf32, #tpu.memory_space<vmem>>, vector<16xf32>,
        tpu.vector_store %arg10[%swap3A_1262, %swap3A_1263], %mul3A_1261 {strides = array<i32>} : memref<128x128xf32, #tpu.memory_space<vmem>>, vector<16xf32>,
        %get3A_1265 = arith.index_cast %add3A_1216 : i32 to index
        %get3A_1266 = arith.constant 96 : index
        %get3A_1267 = tpu.vector_load %arg10[%get3A_1265, %get3A_1266] {strides = array<i32>} : memref<128x128xf32, #tpu.memory_space<vmem>>, vector<16xf32>,
        %mul3A_1268 = vector.broadcast %squeeze3A_1212 : f32 to vector<16xf32>
        %mul3A_1269 = arith.mulf %get3A_1267, %mul3A_1268 : vector<16xf32>
        %swap3A_1270 = arith.index_cast %add3A_1216 : i32 to index
        %swap3A_1271 = arith.constant 96 : index
        %swap3A_1272 = tpu.vector_load %arg10[%swap3A_1270, %swap3A_1271] {strides = array<i32>} : memref<128x128xf32, #tpu.memory_space<vmem>>, vector<16xf32>,
        tpu.vector_store %arg10[%swap3A_1270, %swap3A_1271], %mul3A_1269 {strides = array<i32>} : memref<128x128xf32, #tpu.memory_space<vmem>>, vector<16xf32>,
        %get3A_1273 = arith.index_cast %add3A_1216 : i32 to index
        %get3A_1274 = arith.constant 112 : index
        %get3A_1275 = tpu.vector_load %arg10[%get3A_1273, %get3A_1274] {strides = array<i32>} : memref<128x128xf32, #tpu.memory_space<vmem>>, vector<16xf32>,
        %mul3A_1276 = vector.broadcast %squeeze3A_1212 : f32 to vector<16xf32>
        %mul3A_1277 = arith.mulf %get3A_1275, %mul3A_1276 : vector<16xf32>
        %swap3A_1278 = arith.index_cast %add3A_1216 : i32 to index
        %swap3A_1279 = arith.constant 112 : index
        %swap3A_1280 = tpu.vector_load %arg10[%swap3A_1278, %swap3A_1279] {strides = array<i32>} : memref<128x128xf32, #tpu.memory_space<vmem>>, vector<16xf32>,
        tpu.vector_store %arg10[%swap3A_1278, %swap3A_1279], %mul3A_1277 {strides = array<i32>} : memref<128x128xf32, #tpu.memory_space<vmem>>, vector<16xf32>,
        %slice3A_1281 = vector.extract_strided_slice %get3A_443 {offsets = [12], sizes = [1], strides = [1]} : vector<16xf32> to vector<1xf32>
        %squeeze3A_1282 = vector.extract %slice3A_1281[0] : f32 from vector<1xf32>
        %mul3A_1283 = arith.constant 16 : i32
        %mul3A_1284 = arith.muli %scan3A_437, %mul3A_1283 : i32
        %add3A_1285 = arith.constant 12 : i32
        %add3A_1286 = arith.addi %mul3A_1284, %add3A_1285 : i32
        %get3A_1287 = arith.index_cast %add3A_1286 : i32 to index
        %get3A_1288 = arith.constant 0 : index
        %get3A_1289 = tpu.vector_load %arg10[%get3A_1287, %get3A_1288] {strides = array<i32>} : memref<128x128xf32, #tpu.memory_space<vmem>>, vector<16xf32>,
        %mul3A_1290 = vector.broadcast %squeeze3A_1282 : f32 to vector<16xf32>
        %mul3A_1291 = arith.mulf %get3A_1289, %mul3A_1290 : vector<16xf32>
        %swap3A_1292 = arith.index_cast %add3A_1286 : i32 to index
        %swap3A_1293 = arith.constant 0 : index
        %swap3A_1294 = tpu.vector_load %arg10[%swap3A_1292, %swap3A_1293] {strides = array<i32>} : memref<128x128xf32, #tpu.memory_space<vmem>>, vector<16xf32>,
        tpu.vector_store %arg10[%swap3A_1292, %swap3A_1293], %mul3A_1291 {strides = array<i32>} : memref<128x128xf32, #tpu.memory_space<vmem>>, vector<16xf32>,
        %get3A_1295 = arith.index_cast %add3A_1286 : i32 to index
        %get3A_1296 = arith.constant 16 : index
        %get3A_1297 = tpu.vector_load %arg10[%get3A_1295, %get3A_1296] {strides = array<i32>} : memref<128x128xf32, #tpu.memory_space<vmem>>, vector<16xf32>,
        %mul3A_1298 = vector.broadcast %squeeze3A_1282 : f32 to vector<16xf32>
        %mul3A_1299 = arith.mulf %get3A_1297, %mul3A_1298 : vector<16xf32>
        %swap3A_1300 = arith.index_cast %add3A_1286 : i32 to index
        %swap3A_1301 = arith.constant 16 : index
        %swap3A_1302 = tpu.vector_load %arg10[%swap3A_1300, %swap3A_1301] {strides = array<i32>} : memref<128x128xf32, #tpu.memory_space<vmem>>, vector<16xf32>,
        tpu.vector_store %arg10[%swap3A_1300, %swap3A_1301], %mul3A_1299 {strides = array<i32>} : memref<128x128xf32, #tpu.memory_space<vmem>>, vector<16xf32>,
        %get3A_1303 = arith.index_cast %add3A_1286 : i32 to index
        %get3A_1304 = arith.constant 32 : index
        %get3A_1305 = tpu.vector_load %arg10[%get3A_1303, %get3A_1304] {strides = array<i32>} : memref<128x128xf32, #tpu.memory_space<vmem>>, vector<16xf32>,
        %mul3A_1306 = vector.broadcast %squeeze3A_1282 : f32 to vector<16xf32>
        %mul3A_1307 = arith.mulf %get3A_1305, %mul3A_1306 : vector<16xf32>
        %swap3A_1308 = arith.index_cast %add3A_1286 : i32 to index
        %swap3A_1309 = arith.constant 32 : index
        %swap3A_1310 = tpu.vector_load %arg10[%swap3A_1308, %swap3A_1309] {strides = array<i32>} : memref<128x128xf32, #tpu.memory_space<vmem>>, vector<16xf32>,
        tpu.vector_store %arg10[%swap3A_1308, %swap3A_1309], %mul3A_1307 {strides = array<i32>} : memref<128x128xf32, #tpu.memory_space<vmem>>, vector<16xf32>,
        %get3A_1311 = arith.index_cast %add3A_1286 : i32 to index
        %get3A_1312 = arith.constant 48 : index
        %get3A_1313 = tpu.vector_load %arg10[%get3A_1311, %get3A_1312] {strides = array<i32>} : memref<128x128xf32, #tpu.memory_space<vmem>>, vector<16xf32>,
        %mul3A_1314 = vector.broadcast %squeeze3A_1282 : f32 to vector<16xf32>
        %mul3A_1315 = arith.mulf %get3A_1313, %mul3A_1314 : vector<16xf32>
        %swap3A_1316 = arith.index_cast %add3A_1286 : i32 to index
        %swap3A_1317 = arith.constant 48 : index
        %swap3A_1318 = tpu.vector_load %arg10[%swap3A_1316, %swap3A_1317] {strides = array<i32>} : memref<128x128xf32, #tpu.memory_space<vmem>>, vector<16xf32>,
        tpu.vector_store %arg10[%swap3A_1316, %swap3A_1317], %mul3A_1315 {strides = array<i32>} : memref<128x128xf32, #tpu.memory_space<vmem>>, vector<16xf32>,
        %get3A_1319 = arith.index_cast %add3A_1286 : i32 to index
        %get3A_1320 = arith.constant 64 : index
        %get3A_1321 = tpu.vector_load %arg10[%get3A_1319, %get3A_1320] {strides = array<i32>} : memref<128x128xf32, #tpu.memory_space<vmem>>, vector<16xf32>,
        %mul3A_1322 = vector.broadcast %squeeze3A_1282 : f32 to vector<16xf32>
        %mul3A_1323 = arith.mulf %get3A_1321, %mul3A_1322 : vector<16xf32>
        %swap3A_1324 = arith.index_cast %add3A_1286 : i32 to index
        %swap3A_1325 = arith.constant 64 : index
        %swap3A_1326 = tpu.vector_load %arg10[%swap3A_1324, %swap3A_1325] {strides = array<i32>} : memref<128x128xf32, #tpu.memory_space<vmem>>, vector<16xf32>,
        tpu.vector_store %arg10[%swap3A_1324, %swap3A_1325], %mul3A_1323 {strides = array<i32>} : memref<128x128xf32, #tpu.memory_space<vmem>>, vector<16xf32>,
        %get3A_1327 = arith.index_cast %add3A_1286 : i32 to index
        %get3A_1328 = arith.constant 80 : index
        %get3A_1329 = tpu.vector_load %arg10[%get3A_1327, %get3A_1328] {strides = array<i32>} : memref<128x128xf32, #tpu.memory_space<vmem>>, vector<16xf32>,
        %mul3A_1330 = vector.broadcast %squeeze3A_1282 : f32 to vector<16xf32>
        %mul3A_1331 = arith.mulf %get3A_1329, %mul3A_1330 : vector<16xf32>
        %swap3A_1332 = arith.index_cast %add3A_1286 : i32 to index
        %swap3A_1333 = arith.constant 80 : index
        %swap3A_1334 = tpu.vector_load %arg10[%swap3A_1332, %swap3A_1333] {strides = array<i32>} : memref<128x128xf32, #tpu.memory_space<vmem>>, vector<16xf32>,
        tpu.vector_store %arg10[%swap3A_1332, %swap3A_1333], %mul3A_1331 {strides = array<i32>} : memref<128x128xf32, #tpu.memory_space<vmem>>, vector<16xf32>,
        %get3A_1335 = arith.index_cast %add3A_1286 : i32 to index
        %get3A_1336 = arith.constant 96 : index
        %get3A_1337 = tpu.vector_load %arg10[%get3A_1335, %get3A_1336] {strides = array<i32>} : memref<128x128xf32, #tpu.memory_space<vmem>>, vector<16xf32>,
        %mul3A_1338 = vector.broadcast %squeeze3A_1282 : f32 to vector<16xf32>
        %mul3A_1339 = arith.mulf %get3A_1337, %mul3A_1338 : vector<16xf32>
        %swap3A_1340 = arith.index_cast %add3A_1286 : i32 to index
        %swap3A_1341 = arith.constant 96 : index
        %swap3A_1342 = tpu.vector_load %arg10[%swap3A_1340, %swap3A_1341] {strides = array<i32>} : memref<128x128xf32, #tpu.memory_space<vmem>>, vector<16xf32>,
        tpu.vector_store %arg10[%swap3A_1340, %swap3A_1341], %mul3A_1339 {strides = array<i32>} : memref<128x128xf32, #tpu.memory_space<vmem>>, vector<16xf32>,
        %get3A_1343 = arith.index_cast %add3A_1286 : i32 to index
        %get3A_1344 = arith.constant 112 : index
        %get3A_1345 = tpu.vector_load %arg10[%get3A_1343, %get3A_1344] {strides = array<i32>} : memref<128x128xf32, #tpu.memory_space<vmem>>, vector<16xf32>,
        %mul3A_1346 = vector.broadcast %squeeze3A_1282 : f32 to vector<16xf32>
        %mul3A_1347 = arith.mulf %get3A_1345, %mul3A_1346 : vector<16xf32>
        %swap3A_1348 = arith.index_cast %add3A_1286 : i32 to index
        %swap3A_1349 = arith.constant 112 : index
        %swap3A_1350 = tpu.vector_load %arg10[%swap3A_1348, %swap3A_1349] {strides = array<i32>} : memref<128x128xf32, #tpu.memory_space<vmem>>, vector<16xf32>,
        tpu.vector_store %arg10[%swap3A_1348, %swap3A_1349], %mul3A_1347 {strides = array<i32>} : memref<128x128xf32, #tpu.memory_space<vmem>>, vector<16xf32>,
        %slice3A_1351 = vector.extract_strided_slice %get3A_443 {offsets = [13], sizes = [1], strides = [1]} : vector<16xf32> to vector<1xf32>
        %squeeze3A_1352 = vector.extract %slice3A_1351[0] : f32 from vector<1xf32>
        %mul3A_1353 = arith.constant 16 : i32
        %mul3A_1354 = arith.muli %scan3A_437, %mul3A_1353 : i32
        %add3A_1355 = arith.constant 13 : i32
        %add3A_1356 = arith.addi %mul3A_1354, %add3A_1355 : i32
        %get3A_1357 = arith.index_cast %add3A_1356 : i32 to index
        %get3A_1358 = arith.constant 0 : index
        %get3A_1359 = tpu.vector_load %arg10[%get3A_1357, %get3A_1358] {strides = array<i32>} : memref<128x128xf32, #tpu.memory_space<vmem>>, vector<16xf32>,
        %mul3A_1360 = vector.broadcast %squeeze3A_1352 : f32 to vector<16xf32>
        %mul3A_1361 = arith.mulf %get3A_1359, %mul3A_1360 : vector<16xf32>
        %swap3A_1362 = arith.index_cast %add3A_1356 : i32 to index
        %swap3A_1363 = arith.constant 0 : index
        %swap3A_1364 = tpu.vector_load %arg10[%swap3A_1362, %swap3A_1363] {strides = array<i32>} : memref<128x128xf32, #tpu.memory_space<vmem>>, vector<16xf32>,
        tpu.vector_store %arg10[%swap3A_1362, %swap3A_1363], %mul3A_1361 {strides = array<i32>} : memref<128x128xf32, #tpu.memory_space<vmem>>, vector<16xf32>,
        %get3A_1365 = arith.index_cast %add3A_1356 : i32 to index
        %get3A_1366 = arith.constant 16 : index
        %get3A_1367 = tpu.vector_load %arg10[%get3A_1365, %get3A_1366] {strides = array<i32>} : memref<128x128xf32, #tpu.memory_space<vmem>>, vector<16xf32>,
        %mul3A_1368 = vector.broadcast %squeeze3A_1352 : f32 to vector<16xf32>
        %mul3A_1369 = arith.mulf %get3A_1367, %mul3A_1368 : vector<16xf32>
        %swap3A_1370 = arith.index_cast %add3A_1356 : i32 to index
        %swap3A_1371 = arith.constant 16 : index
        %swap3A_1372 = tpu.vector_load %arg10[%swap3A_1370, %swap3A_1371] {strides = array<i32>} : memref<128x128xf32, #tpu.memory_space<vmem>>, vector<16xf32>,
        tpu.vector_store %arg10[%swap3A_1370, %swap3A_1371], %mul3A_1369 {strides = array<i32>} : memref<128x128xf32, #tpu.memory_space<vmem>>, vector<16xf32>,
        %get3A_1373 = arith.index_cast %add3A_1356 : i32 to index
        %get3A_1374 = arith.constant 32 : index
        %get3A_1375 = tpu.vector_load %arg10[%get3A_1373, %get3A_1374] {strides = array<i32>} : memref<128x128xf32, #tpu.memory_space<vmem>>, vector<16xf32>,
        %mul3A_1376 = vector.broadcast %squeeze3A_1352 : f32 to vector<16xf32>
        %mul3A_1377 = arith.mulf %get3A_1375, %mul3A_1376 : vector<16xf32>
        %swap3A_1378 = arith.index_cast %add3A_1356 : i32 to index
        %swap3A_1379 = arith.constant 32 : index
        %swap3A_1380 = tpu.vector_load %arg10[%swap3A_1378, %swap3A_1379] {strides = array<i32>} : memref<128x128xf32, #tpu.memory_space<vmem>>, vector<16xf32>,
        tpu.vector_store %arg10[%swap3A_1378, %swap3A_1379], %mul3A_1377 {strides = array<i32>} : memref<128x128xf32, #tpu.memory_space<vmem>>, vector<16xf32>,
        %get3A_1381 = arith.index_cast %add3A_1356 : i32 to index
        %get3A_1382 = arith.constant 48 : index
        %get3A_1383 = tpu.vector_load %arg10[%get3A_1381, %get3A_1382] {strides = array<i32>} : memref<128x128xf32, #tpu.memory_space<vmem>>, vector<16xf32>,
        %mul3A_1384 = vector.broadcast %squeeze3A_1352 : f32 to vector<16xf32>
        %mul3A_1385 = arith.mulf %get3A_1383, %mul3A_1384 : vector<16xf32>
        %swap3A_1386 = arith.index_cast %add3A_1356 : i32 to index
        %swap3A_1387 = arith.constant 48 : index
        %swap3A_1388 = tpu.vector_load %arg10[%swap3A_1386, %swap3A_1387] {strides = array<i32>} : memref<128x128xf32, #tpu.memory_space<vmem>>, vector<16xf32>,
        tpu.vector_store %arg10[%swap3A_1386, %swap3A_1387], %mul3A_1385 {strides = array<i32>} : memref<128x128xf32, #tpu.memory_space<vmem>>, vector<16xf32>,
        %get3A_1389 = arith.index_cast %add3A_1356 : i32 to index
        %get3A_1390 = arith.constant 64 : index
        %get3A_1391 = tpu.vector_load %arg10[%get3A_1389, %get3A_1390] {strides = array<i32>} : memref<128x128xf32, #tpu.memory_space<vmem>>, vector<16xf32>,
        %mul3A_1392 = vector.broadcast %squeeze3A_1352 : f32 to vector<16xf32>
        %mul3A_1393 = arith.mulf %get3A_1391, %mul3A_1392 : vector<16xf32>
        %swap3A_1394 = arith.index_cast %add3A_1356 : i32 to index
        %swap3A_1395 = arith.constant 64 : index
        %swap3A_1396 = tpu.vector_load %arg10[%swap3A_1394, %swap3A_1395] {strides = array<i32>} : memref<128x128xf32, #tpu.memory_space<vmem>>, vector<16xf32>,
        tpu.vector_store %arg10[%swap3A_1394, %swap3A_1395], %mul3A_1393 {strides = array<i32>} : memref<128x128xf32, #tpu.memory_space<vmem>>, vector<16xf32>,
        %get3A_1397 = arith.index_cast %add3A_1356 : i32 to index
        %get3A_1398 = arith.constant 80 : index
        %get3A_1399 = tpu.vector_load %arg10[%get3A_1397, %get3A_1398] {strides = array<i32>} : memref<128x128xf32, #tpu.memory_space<vmem>>, vector<16xf32>,
        %mul3A_1400 = vector.broadcast %squeeze3A_1352 : f32 to vector<16xf32>
        %mul3A_1401 = arith.mulf %get3A_1399, %mul3A_1400 : vector<16xf32>
        %swap3A_1402 = arith.index_cast %add3A_1356 : i32 to index
        %swap3A_1403 = arith.constant 80 : index
        %swap3A_1404 = tpu.vector_load %arg10[%swap3A_1402, %swap3A_1403] {strides = array<i32>} : memref<128x128xf32, #tpu.memory_space<vmem>>, vector<16xf32>,
        tpu.vector_store %arg10[%swap3A_1402, %swap3A_1403], %mul3A_1401 {strides = array<i32>} : memref<128x128xf32, #tpu.memory_space<vmem>>, vector<16xf32>,
        %get3A_1405 = arith.index_cast %add3A_1356 : i32 to index
        %get3A_1406 = arith.constant 96 : index
        %get3A_1407 = tpu.vector_load %arg10[%get3A_1405, %get3A_1406] {strides = array<i32>} : memref<128x128xf32, #tpu.memory_space<vmem>>, vector<16xf32>,
        %mul3A_1408 = vector.broadcast %squeeze3A_1352 : f32 to vector<16xf32>
        %mul3A_1409 = arith.mulf %get3A_1407, %mul3A_1408 : vector<16xf32>
        %swap3A_1410 = arith.index_cast %add3A_1356 : i32 to index
        %swap3A_1411 = arith.constant 96 : index
        %swap3A_1412 = tpu.vector_load %arg10[%swap3A_1410, %swap3A_1411] {strides = array<i32>} : memref<128x128xf32, #tpu.memory_space<vmem>>, vector<16xf32>,
        tpu.vector_store %arg10[%swap3A_1410, %swap3A_1411], %mul3A_1409 {strides = array<i32>} : memref<128x128xf32, #tpu.memory_space<vmem>>, vector<16xf32>,
        %get3A_1413 = arith.index_cast %add3A_1356 : i32 to index
        %get3A_1414 = arith.constant 112 : index
        %get3A_1415 = tpu.vector_load %arg10[%get3A_1413, %get3A_1414] {strides = array<i32>} : memref<128x128xf32, #tpu.memory_space<vmem>>, vector<16xf32>,
        %mul3A_1416 = vector.broadcast %squeeze3A_1352 : f32 to vector<16xf32>
        %mul3A_1417 = arith.mulf %get3A_1415, %mul3A_1416 : vector<16xf32>
        %swap3A_1418 = arith.index_cast %add3A_1356 : i32 to index
        %swap3A_1419 = arith.constant 112 : index
        %swap3A_1420 = tpu.vector_load %arg10[%swap3A_1418, %swap3A_1419] {strides = array<i32>} : memref<128x128xf32, #tpu.memory_space<vmem>>, vector<16xf32>,
        tpu.vector_store %arg10[%swap3A_1418, %swap3A_1419], %mul3A_1417 {strides = array<i32>} : memref<128x128xf32, #tpu.memory_space<vmem>>, vector<16xf32>,
        %slice3A_1421 = vector.extract_strided_slice %get3A_443 {offsets = [14], sizes = [1], strides = [1]} : vector<16xf32> to vector<1xf32>
        %squeeze3A_1422 = vector.extract %slice3A_1421[0] : f32 from vector<1xf32>
        %mul3A_1423 = arith.constant 16 : i32
        %mul3A_1424 = arith.muli %scan3A_437, %mul3A_1423 : i32
        %add3A_1425 = arith.constant 14 : i32
        %add3A_1426 = arith.addi %mul3A_1424, %add3A_1425 : i32
        %get3A_1427 = arith.index_cast %add3A_1426 : i32 to index
        %get3A_1428 = arith.constant 0 : index
        %get3A_1429 = tpu.vector_load %arg10[%get3A_1427, %get3A_1428] {strides = array<i32>} : memref<128x128xf32, #tpu.memory_space<vmem>>, vector<16xf32>,
        %mul3A_1430 = vector.broadcast %squeeze3A_1422 : f32 to vector<16xf32>
        %mul3A_1431 = arith.mulf %get3A_1429, %mul3A_1430 : vector<16xf32>
        %swap3A_1432 = arith.index_cast %add3A_1426 : i32 to index
        %swap3A_1433 = arith.constant 0 : index
        %swap3A_1434 = tpu.vector_load %arg10[%swap3A_1432, %swap3A_1433] {strides = array<i32>} : memref<128x128xf32, #tpu.memory_space<vmem>>, vector<16xf32>,
        tpu.vector_store %arg10[%swap3A_1432, %swap3A_1433], %mul3A_1431 {strides = array<i32>} : memref<128x128xf32, #tpu.memory_space<vmem>>, vector<16xf32>,
        %get3A_1435 = arith.index_cast %add3A_1426 : i32 to index
        %get3A_1436 = arith.constant 16 : index
        %get3A_1437 = tpu.vector_load %arg10[%get3A_1435, %get3A_1436] {strides = array<i32>} : memref<128x128xf32, #tpu.memory_space<vmem>>, vector<16xf32>,
        %mul3A_1438 = vector.broadcast %squeeze3A_1422 : f32 to vector<16xf32>
        %mul3A_1439 = arith.mulf %get3A_1437, %mul3A_1438 : vector<16xf32>
        %swap3A_1440 = arith.index_cast %add3A_1426 : i32 to index
        %swap3A_1441 = arith.constant 16 : index
        %swap3A_1442 = tpu.vector_load %arg10[%swap3A_1440, %swap3A_1441] {strides = array<i32>} : memref<128x128xf32, #tpu.memory_space<vmem>>, vector<16xf32>,
        tpu.vector_store %arg10[%swap3A_1440, %swap3A_1441], %mul3A_1439 {strides = array<i32>} : memref<128x128xf32, #tpu.memory_space<vmem>>, vector<16xf32>,
        %get3A_1443 = arith.index_cast %add3A_1426 : i32 to index
        %get3A_1444 = arith.constant 32 : index
        %get3A_1445 = tpu.vector_load %arg10[%get3A_1443, %get3A_1444] {strides = array<i32>} : memref<128x128xf32, #tpu.memory_space<vmem>>, vector<16xf32>,
        %mul3A_1446 = vector.broadcast %squeeze3A_1422 : f32 to vector<16xf32>
        %mul3A_1447 = arith.mulf %get3A_1445, %mul3A_1446 : vector<16xf32>
        %swap3A_1448 = arith.index_cast %add3A_1426 : i32 to index
        %swap3A_1449 = arith.constant 32 : index
        %swap3A_1450 = tpu.vector_load %arg10[%swap3A_1448, %swap3A_1449] {strides = array<i32>} : memref<128x128xf32, #tpu.memory_space<vmem>>, vector<16xf32>,
        tpu.vector_store %arg10[%swap3A_1448, %swap3A_1449], %mul3A_1447 {strides = array<i32>} : memref<128x128xf32, #tpu.memory_space<vmem>>, vector<16xf32>,
        %get3A_1451 = arith.index_cast %add3A_1426 : i32 to index
        %get3A_1452 = arith.constant 48 : index
        %get3A_1453 = tpu.vector_load %arg10[%get3A_1451, %get3A_1452] {strides = array<i32>} : memref<128x128xf32, #tpu.memory_space<vmem>>, vector<16xf32>,
        %mul3A_1454 = vector.broadcast %squeeze3A_1422 : f32 to vector<16xf32>
        %mul3A_1455 = arith.mulf %get3A_1453, %mul3A_1454 : vector<16xf32>
        %swap3A_1456 = arith.index_cast %add3A_1426 : i32 to index
        %swap3A_1457 = arith.constant 48 : index
        %swap3A_1458 = tpu.vector_load %arg10[%swap3A_1456, %swap3A_1457] {strides = array<i32>} : memref<128x128xf32, #tpu.memory_space<vmem>>, vector<16xf32>,
        tpu.vector_store %arg10[%swap3A_1456, %swap3A_1457], %mul3A_1455 {strides = array<i32>} : memref<128x128xf32, #tpu.memory_space<vmem>>, vector<16xf32>,
        %get3A_1459 = arith.index_cast %add3A_1426 : i32 to index
        %get3A_1460 = arith.constant 64 : index
        %get3A_1461 = tpu.vector_load %arg10[%get3A_1459, %get3A_1460] {strides = array<i32>} : memref<128x128xf32, #tpu.memory_space<vmem>>, vector<16xf32>,
        %mul3A_1462 = vector.broadcast %squeeze3A_1422 : f32 to vector<16xf32>
        %mul3A_1463 = arith.mulf %get3A_1461, %mul3A_1462 : vector<16xf32>
        %swap3A_1464 = arith.index_cast %add3A_1426 : i32 to index
        %swap3A_1465 = arith.constant 64 : index
        %swap3A_1466 = tpu.vector_load %arg10[%swap3A_1464, %swap3A_1465] {strides = array<i32>} : memref<128x128xf32, #tpu.memory_space<vmem>>, vector<16xf32>,
        tpu.vector_store %arg10[%swap3A_1464, %swap3A_1465], %mul3A_1463 {strides = array<i32>} : memref<128x128xf32, #tpu.memory_space<vmem>>, vector<16xf32>,
        %get3A_1467 = arith.index_cast %add3A_1426 : i32 to index
        %get3A_1468 = arith.constant 80 : index
        %get3A_1469 = tpu.vector_load %arg10[%get3A_1467, %get3A_1468] {strides = array<i32>} : memref<128x128xf32, #tpu.memory_space<vmem>>, vector<16xf32>,
        %mul3A_1470 = vector.broadcast %squeeze3A_1422 : f32 to vector<16xf32>
        %mul3A_1471 = arith.mulf %get3A_1469, %mul3A_1470 : vector<16xf32>
        %swap3A_1472 = arith.index_cast %add3A_1426 : i32 to index
        %swap3A_1473 = arith.constant 80 : index
        %swap3A_1474 = tpu.vector_load %arg10[%swap3A_1472, %swap3A_1473] {strides = array<i32>} : memref<128x128xf32, #tpu.memory_space<vmem>>, vector<16xf32>,
        tpu.vector_store %arg10[%swap3A_1472, %swap3A_1473], %mul3A_1471 {strides = array<i32>} : memref<128x128xf32, #tpu.memory_space<vmem>>, vector<16xf32>,
        %get3A_1475 = arith.index_cast %add3A_1426 : i32 to index
        %get3A_1476 = arith.constant 96 : index
        %get3A_1477 = tpu.vector_load %arg10[%get3A_1475, %get3A_1476] {strides = array<i32>} : memref<128x128xf32, #tpu.memory_space<vmem>>, vector<16xf32>,
        %mul3A_1478 = vector.broadcast %squeeze3A_1422 : f32 to vector<16xf32>
        %mul3A_1479 = arith.mulf %get3A_1477, %mul3A_1478 : vector<16xf32>
        %swap3A_1480 = arith.index_cast %add3A_1426 : i32 to index
        %swap3A_1481 = arith.constant 96 : index
        %swap3A_1482 = tpu.vector_load %arg10[%swap3A_1480, %swap3A_1481] {strides = array<i32>} : memref<128x128xf32, #tpu.memory_space<vmem>>, vector<16xf32>,
        tpu.vector_store %arg10[%swap3A_1480, %swap3A_1481], %mul3A_1479 {strides = array<i32>} : memref<128x128xf32, #tpu.memory_space<vmem>>, vector<16xf32>,
        %get3A_1483 = arith.index_cast %add3A_1426 : i32 to index
        %get3A_1484 = arith.constant 112 : index
        %get3A_1485 = tpu.vector_load %arg10[%get3A_1483, %get3A_1484] {strides = array<i32>} : memref<128x128xf32, #tpu.memory_space<vmem>>, vector<16xf32>,
        %mul3A_1486 = vector.broadcast %squeeze3A_1422 : f32 to vector<16xf32>
        %mul3A_1487 = arith.mulf %get3A_1485, %mul3A_1486 : vector<16xf32>
        %swap3A_1488 = arith.index_cast %add3A_1426 : i32 to index
        %swap3A_1489 = arith.constant 112 : index
        %swap3A_1490 = tpu.vector_load %arg10[%swap3A_1488, %swap3A_1489] {strides = array<i32>} : memref<128x128xf32, #tpu.memory_space<vmem>>, vector<16xf32>,
        tpu.vector_store %arg10[%swap3A_1488, %swap3A_1489], %mul3A_1487 {strides = array<i32>} : memref<128x128xf32, #tpu.memory_space<vmem>>, vector<16xf32>,
        %slice3A_1491 = vector.extract_strided_slice %get3A_443 {offsets = [15], sizes = [1], strides = [1]} : vector<16xf32> to vector<1xf32>
        %squeeze3A_1492 = vector.extract %slice3A_1491[0] : f32 from vector<1xf32>
        %mul3A_1493 = arith.constant 16 : i32
        %mul3A_1494 = arith.muli %scan3A_437, %mul3A_1493 : i32
        %add3A_1495 = arith.constant 15 : i32
        %add3A_1496 = arith.addi %mul3A_1494, %add3A_1495 : i32
        %get3A_1497 = arith.index_cast %add3A_1496 : i32 to index
        %get3A_1498 = arith.constant 0 : index
        %get3A_1499 = tpu.vector_load %arg10[%get3A_1497, %get3A_1498] {strides = array<i32>} : memref<128x128xf32, #tpu.memory_space<vmem>>, vector<16xf32>,
        %mul3A_1500 = vector.broadcast %squeeze3A_1492 : f32 to vector<16xf32>
        %mul3A_1501 = arith.mulf %get3A_1499, %mul3A_1500 : vector<16xf32>
        %swap3A_1502 = arith.index_cast %add3A_1496 : i32 to index
        %swap3A_1503 = arith.constant 0 : index
        %swap3A_1504 = tpu.vector_load %arg10[%swap3A_1502, %swap3A_1503] {strides = array<i32>} : memref<128x128xf32, #tpu.memory_space<vmem>>, vector<16xf32>,
        tpu.vector_store %arg10[%swap3A_1502, %swap3A_1503], %mul3A_1501 {strides = array<i32>} : memref<128x128xf32, #tpu.memory_space<vmem>>, vector<16xf32>,
        %get3A_1505 = arith.index_cast %add3A_1496 : i32 to index
        %get3A_1506 = arith.constant 16 : index
        %get3A_1507 = tpu.vector_load %arg10[%get3A_1505, %get3A_1506] {strides = array<i32>} : memref<128x128xf32, #tpu.memory_space<vmem>>, vector<16xf32>,
        %mul3A_1508 = vector.broadcast %squeeze3A_1492 : f32 to vector<16xf32>
        %mul3A_1509 = arith.mulf %get3A_1507, %mul3A_1508 : vector<16xf32>
        %swap3A_1510 = arith.index_cast %add3A_1496 : i32 to index
        %swap3A_1511 = arith.constant 16 : index
        %swap3A_1512 = tpu.vector_load %arg10[%swap3A_1510, %swap3A_1511] {strides = array<i32>} : memref<128x128xf32, #tpu.memory_space<vmem>>, vector<16xf32>,
        tpu.vector_store %arg10[%swap3A_1510, %swap3A_1511], %mul3A_1509 {strides = array<i32>} : memref<128x128xf32, #tpu.memory_space<vmem>>, vector<16xf32>,
        %get3A_1513 = arith.index_cast %add3A_1496 : i32 to index
        %get3A_1514 = arith.constant 32 : index
        %get3A_1515 = tpu.vector_load %arg10[%get3A_1513, %get3A_1514] {strides = array<i32>} : memref<128x128xf32, #tpu.memory_space<vmem>>, vector<16xf32>,
        %mul3A_1516 = vector.broadcast %squeeze3A_1492 : f32 to vector<16xf32>
        %mul3A_1517 = arith.mulf %get3A_1515, %mul3A_1516 : vector<16xf32>
        %swap3A_1518 = arith.index_cast %add3A_1496 : i32 to index
        %swap3A_1519 = arith.constant 32 : index
        %swap3A_1520 = tpu.vector_load %arg10[%swap3A_1518, %swap3A_1519] {strides = array<i32>} : memref<128x128xf32, #tpu.memory_space<vmem>>, vector<16xf32>,
        tpu.vector_store %arg10[%swap3A_1518, %swap3A_1519], %mul3A_1517 {strides = array<i32>} : memref<128x128xf32, #tpu.memory_space<vmem>>, vector<16xf32>,
        %get3A_1521 = arith.index_cast %add3A_1496 : i32 to index
        %get3A_1522 = arith.constant 48 : index
        %get3A_1523 = tpu.vector_load %arg10[%get3A_1521, %get3A_1522] {strides = array<i32>} : memref<128x128xf32, #tpu.memory_space<vmem>>, vector<16xf32>,
        %mul3A_1524 = vector.broadcast %squeeze3A_1492 : f32 to vector<16xf32>
        %mul3A_1525 = arith.mulf %get3A_1523, %mul3A_1524 : vector<16xf32>
        %swap3A_1526 = arith.index_cast %add3A_1496 : i32 to index
        %swap3A_1527 = arith.constant 48 : index
        %swap3A_1528 = tpu.vector_load %arg10[%swap3A_1526, %swap3A_1527] {strides = array<i32>} : memref<128x128xf32, #tpu.memory_space<vmem>>, vector<16xf32>,
        tpu.vector_store %arg10[%swap3A_1526, %swap3A_1527], %mul3A_1525 {strides = array<i32>} : memref<128x128xf32, #tpu.memory_space<vmem>>, vector<16xf32>,
        %get3A_1529 = arith.index_cast %add3A_1496 : i32 to index
        %get3A_1530 = arith.constant 64 : index
        %get3A_1531 = tpu.vector_load %arg10[%get3A_1529, %get3A_1530] {strides = array<i32>} : memref<128x128xf32, #tpu.memory_space<vmem>>, vector<16xf32>,
        %mul3A_1532 = vector.broadcast %squeeze3A_1492 : f32 to vector<16xf32>
        %mul3A_1533 = arith.mulf %get3A_1531, %mul3A_1532 : vector<16xf32>
        %swap3A_1534 = arith.index_cast %add3A_1496 : i32 to index
        %swap3A_1535 = arith.constant 64 : index
        %swap3A_1536 = tpu.vector_load %arg10[%swap3A_1534, %swap3A_1535] {strides = array<i32>} : memref<128x128xf32, #tpu.memory_space<vmem>>, vector<16xf32>,
        tpu.vector_store %arg10[%swap3A_1534, %swap3A_1535], %mul3A_1533 {strides = array<i32>} : memref<128x128xf32, #tpu.memory_space<vmem>>, vector<16xf32>,
        %get3A_1537 = arith.index_cast %add3A_1496 : i32 to index
        %get3A_1538 = arith.constant 80 : index
        %get3A_1539 = tpu.vector_load %arg10[%get3A_1537, %get3A_1538] {strides = array<i32>} : memref<128x128xf32, #tpu.memory_space<vmem>>, vector<16xf32>,
        %mul3A_1540 = vector.broadcast %squeeze3A_1492 : f32 to vector<16xf32>
        %mul3A_1541 = arith.mulf %get3A_1539, %mul3A_1540 : vector<16xf32>
        %swap3A_1542 = arith.index_cast %add3A_1496 : i32 to index
        %swap3A_1543 = arith.constant 80 : index
        %swap3A_1544 = tpu.vector_load %arg10[%swap3A_1542, %swap3A_1543] {strides = array<i32>} : memref<128x128xf32, #tpu.memory_space<vmem>>, vector<16xf32>,
        tpu.vector_store %arg10[%swap3A_1542, %swap3A_1543], %mul3A_1541 {strides = array<i32>} : memref<128x128xf32, #tpu.memory_space<vmem>>, vector<16xf32>,
        %get3A_1545 = arith.index_cast %add3A_1496 : i32 to index
        %get3A_1546 = arith.constant 96 : index
        %get3A_1547 = tpu.vector_load %arg10[%get3A_1545, %get3A_1546] {strides = array<i32>} : memref<128x128xf32, #tpu.memory_space<vmem>>, vector<16xf32>,
        %mul3A_1548 = vector.broadcast %squeeze3A_1492 : f32 to vector<16xf32>
        %mul3A_1549 = arith.mulf %get3A_1547, %mul3A_1548 : vector<16xf32>
        %swap3A_1550 = arith.index_cast %add3A_1496 : i32 to index
        %swap3A_1551 = arith.constant 96 : index
        %swap3A_1552 = tpu.vector_load %arg10[%swap3A_1550, %swap3A_1551] {strides = array<i32>} : memref<128x128xf32, #tpu.memory_space<vmem>>, vector<16xf32>,
        tpu.vector_store %arg10[%swap3A_1550, %swap3A_1551], %mul3A_1549 {strides = array<i32>} : memref<128x128xf32, #tpu.memory_space<vmem>>, vector<16xf32>,
        %get3A_1553 = arith.index_cast %add3A_1496 : i32 to index
        %get3A_1554 = arith.constant 112 : index
        %get3A_1555 = tpu.vector_load %arg10[%get3A_1553, %get3A_1554] {strides = array<i32>} : memref<128x128xf32, #tpu.memory_space<vmem>>, vector<16xf32>,
        %mul3A_1556 = vector.broadcast %squeeze3A_1492 : f32 to vector<16xf32>
        %mul3A_1557 = arith.mulf %get3A_1555, %mul3A_1556 : vector<16xf32>
        %swap3A_1558 = arith.index_cast %add3A_1496 : i32 to index
        %swap3A_1559 = arith.constant 112 : index
        %swap3A_1560 = tpu.vector_load %arg10[%swap3A_1558, %swap3A_1559] {strides = array<i32>} : memref<128x128xf32, #tpu.memory_space<vmem>>, vector<16xf32>,
        tpu.vector_store %arg10[%swap3A_1558, %swap3A_1559], %mul3A_1557 {strides = array<i32>} : memref<128x128xf32, #tpu.memory_space<vmem>>, vector<16xf32>,
        %scan3A_1561 = arith.constant 0 : i32
        scf.yield %scan3A_1561 : i32
      }
      %scan3A_329 = arith.constant 8 : i32
      %dma_start3A_330 = arith.constant 0 : i32
      %dma_start3A_331 = tpu.memref_slice %arg7[%select_n3A_279, %select_n3A_295, %dma_start3A_330] : memref<2x8x128xi32, #tpu.memory_space<vmem>> -> memref<1x1x128xi32, #tpu.memory_space<vmem>>
      %dma_start3A_332 = tpu.memref_squeeze %dma_start3A_331 : memref<1x1x128xi32, #tpu.memory_space<vmem>> -> memref<128xi32, #tpu.memory_space<vmem>>
      %dma_start3A_333 = arith.constant 0 : i32
      %dma_start3A_334 = arith.constant 0 : i32
      %dma_start3A_335 = tpu.memref_slice %arg12[%dma_start3A_333, %dma_start3A_334] : memref<10000x128xf32, #tpu.memory_space<vmem_shared>> -> memref<10000x128xf32, #tpu.memory_space<vmem_shared>>
      tpu.enqueue_indirect_dma source(%arg10 : memref<128x128xf32, #tpu.memory_space<vmem>>) target(%dma_start3A_335 : memref<10000x128xf32, #tpu.memory_space<vmem_shared>>) offsets(%dma_start3A_332 : memref<128xi32, #tpu.memory_space<vmem>>) semaphore(%arg15 : memref<!tpu.dma_semaphore, #tpu.memory_space<semaphore_mem>>) {add = true}
      %mul3A_336 = arith.constant 2 : i32
      %mul3A_337 = arith.muli %mul3A_336, %scan3A_243 : i32
      %add3A_338 = arith.constant 1 : i32
      %add3A_339 = arith.addi %mul3A_337, %add3A_338 : i32
      %jit3A_340 = arith.constant 8 : i32
      %div3A_341 = arith.divsi %add3A_339, %jit3A_340 : i32
      %sign3A_342 = arith.constant 0 : i32
      %sign3A_343 = arith.cmpi sgt, %add3A_339, %sign3A_342 : i32
      %sign3A_344 = arith.extui %sign3A_343 : i1 to i32
      %sign3A_345 = arith.constant 0 : i32
      %sign3A_346 = arith.cmpi slt, %add3A_339, %sign3A_345 : i32
      %sign3A_347 = arith.extui %sign3A_346 : i1 to i32
      %sign3A_348 = arith.subi %sign3A_344, %sign3A_347 : i32
      %sign3A_349 = arith.constant 0 : i32
      %sign3A_350 = arith.cmpi sgt, %jit3A_340, %sign3A_349 : i32
      %sign3A_351 = arith.extui %sign3A_350 : i1 to i32
      %sign3A_352 = arith.constant 0 : i32
      %sign3A_353 = arith.cmpi slt, %jit3A_340, %sign3A_352 : i32
      %sign3A_354 = arith.extui %sign3A_353 : i1 to i32
      %sign3A_355 = arith.subi %sign3A_351, %sign3A_354 : i32
      %ne3A_356 = arith.cmpi ne, %sign3A_348, %sign3A_355 : i32
      %rem3A_357 = arith.remsi %add3A_339, %jit3A_340 : i32
      %ne3A_358 = arith.constant 0 : i32
      %ne3A_359 = arith.cmpi ne, %rem3A_357, %ne3A_358 : i32
      %and3A_360 = arith.andi %ne3A_356, %ne3A_359 : i1
      %sub3A_361 = arith.constant 1 : i32
      %sub3A_362 = arith.subi %div3A_341, %sub3A_361 : i32
      %select_n3A_363 = arith.select %and3A_360, %sub3A_362, %div3A_341 : i32
      %jit3A_364 = arith.constant 2 : i32
      %eq3A_365 = arith.constant 0 : i32
      %eq3A_366 = arith.cmpi eq, %jit3A_364, %eq3A_365 : i32
      %jit3A_367 = arith.constant 1 : i32
      %select_n3A_368 = arith.select %eq3A_366, %jit3A_367, %jit3A_364 : i32
      %rem3A_369 = arith.remsi %select_n3A_363, %select_n3A_368 : i32
      %ne3A_370 = arith.constant 0 : i32
      %ne3A_371 = arith.cmpi ne, %rem3A_369, %ne3A_370 : i32
      %lt3A_372 = arith.constant 0 : i32
      %lt3A_373 = arith.cmpi slt, %rem3A_369, %lt3A_372 : i32
      %lt3A_374 = arith.constant 0 : i32
      %lt3A_375 = arith.cmpi slt, %select_n3A_368, %lt3A_374 : i32
      %ne3A_376 = arith.xori %lt3A_373, %lt3A_375 : i1
      %and3A_377 = arith.andi %ne3A_376, %ne3A_371 : i1
      %add3A_378 = arith.addi %rem3A_369, %select_n3A_368 : i32
      %select_n3A_379 = arith.select %and3A_377, %add3A_378, %rem3A_369 : i32
      %jit3A_380 = arith.constant 8 : i32
      %eq3A_381 = arith.constant 0 : i32
      %eq3A_382 = arith.cmpi eq, %jit3A_380, %eq3A_381 : i32
      %jit3A_383 = arith.constant 1 : i32
      %select_n3A_384 = arith.select %eq3A_382, %jit3A_383, %jit3A_380 : i32
      %rem3A_385 = arith.remsi %add3A_339, %select_n3A_384 : i32
      %ne3A_386 = arith.constant 0 : i32
      %ne3A_387 = arith.cmpi ne, %rem3A_385, %ne3A_386 : i32
      %lt3A_388 = arith.constant 0 : i32
      %lt3A_389 = arith.cmpi slt, %rem3A_385, %lt3A_388 : i32
      %lt3A_390 = arith.constant 0 : i32
      %lt3A_391 = arith.cmpi slt, %select_n3A_384, %lt3A_390 : i32
      %ne3A_392 = arith.xori %lt3A_389, %lt3A_391 : i1
      %and3A_393 = arith.andi %ne3A_392, %ne3A_387 : i1
      %add3A_394 = arith.addi %rem3A_385, %select_n3A_384 : i32
      %select_n3A_395 = arith.select %and3A_393, %add3A_394, %rem3A_385 : i32
      %add3A_396 = arith.constant 1 : i32
      %add3A_397 = arith.addi %add3A_339, %add3A_396 : i32
      %lt3A_398 = arith.constant 160 : i32
      %lt3A_399 = arith.cmpi slt, %add3A_397, %lt3A_398 : i32
      %convert_element_type3A_400 = arith.extui %lt3A_399 : i1 to i32
      %cond3A_401 = arith.constant 0 : i32
      %cond3A_402 = arith.cmpi ne, %convert_element_type3A_400, %cond3A_401 : i32
      scf.if %cond3A_402 {
        %ge3A = arith.constant 1 : i32
        %ge3A_437 = arith.cmpi sge, %add3A_339, %ge3A : i32
        %convert_element_type3A_438 = arith.extui %ge3A_437 : i1 to i32
        %cond3A_439 = arith.constant 0 : i32
        %cond3A_440 = arith.cmpi ne, %convert_element_type3A_438, %cond3A_439 : i32
        scf.if %cond3A_440 {
          %dma_wait3A_512 = arith.constant 0 : i32
          %dma_wait3A_513 = arith.constant 0 : i32
          %dma_wait3A_514 = arith.constant 0 : i32
          %dma_wait3A_515 = tpu.memref_slice %arg7[%dma_wait3A_512, %dma_wait3A_513, %dma_wait3A_514] : memref<2x8x128xi32, #tpu.memory_space<vmem>> -> memref<1x1x128xi32, #tpu.memory_space<vmem>>
          %dma_wait3A_516 = tpu.memref_squeeze %dma_wait3A_515 : memref<1x1x128xi32, #tpu.memory_space<vmem>> -> memref<128xi32, #tpu.memory_space<vmem>>
          %dma_wait3A_517 = arith.constant 0 : i32
          %dma_wait3A_518 = arith.constant 0 : i32
          %dma_wait3A_519 = tpu.memref_slice %arg12[%dma_wait3A_517, %dma_wait3A_518] : memref<10000x128xf32, #tpu.memory_space<vmem_shared>> -> memref<10000x128xf32, #tpu.memory_space<vmem_shared>>
          tpu.wait_indirect_dma semaphore(%arg15 : memref<!tpu.dma_semaphore, #tpu.memory_space<semaphore_mem>>) src(%arg10 : memref<128x128xf32, #tpu.memory_space<vmem>>) dst(%dma_wait3A_519 : memref<10000x128xf32, #tpu.memory_space<vmem_shared>>)
        } else {
        }
        %jit3A_441 = arith.constant 8 : i32
        %div3A_442 = arith.divsi %add3A_397, %jit3A_441 : i32
        %sign3A_443 = arith.constant 0 : i32
        %sign3A_444 = arith.cmpi sgt, %add3A_397, %sign3A_443 : i32
        %sign3A_445 = arith.extui %sign3A_444 : i1 to i32
        %sign3A_446 = arith.constant 0 : i32
        %sign3A_447 = arith.cmpi slt, %add3A_397, %sign3A_446 : i32
        %sign3A_448 = arith.extui %sign3A_447 : i1 to i32
        %sign3A_449 = arith.subi %sign3A_445, %sign3A_448 : i32
        %sign3A_450 = arith.constant 0 : i32
        %sign3A_451 = arith.cmpi sgt, %jit3A_441, %sign3A_450 : i32
        %sign3A_452 = arith.extui %sign3A_451 : i1 to i32
        %sign3A_453 = arith.constant 0 : i32
        %sign3A_454 = arith.cmpi slt, %jit3A_441, %sign3A_453 : i32
        %sign3A_455 = arith.extui %sign3A_454 : i1 to i32
        %sign3A_456 = arith.subi %sign3A_452, %sign3A_455 : i32
        %ne3A_457 = arith.cmpi ne, %sign3A_449, %sign3A_456 : i32
        %rem3A_458 = arith.remsi %add3A_397, %jit3A_441 : i32
        %ne3A_459 = arith.constant 0 : i32
        %ne3A_460 = arith.cmpi ne, %rem3A_458, %ne3A_459 : i32
        %and3A_461 = arith.andi %ne3A_457, %ne3A_460 : i1
        %sub3A_462 = arith.constant 1 : i32
        %sub3A_463 = arith.subi %div3A_442, %sub3A_462 : i32
        %select_n3A_464 = arith.select %and3A_461, %sub3A_463, %div3A_442 : i32
        %jit3A_465 = arith.constant 2 : i32
        %eq3A_466 = arith.constant 0 : i32
        %eq3A_467 = arith.cmpi eq, %jit3A_465, %eq3A_466 : i32
        %jit3A_468 = arith.constant 1 : i32
        %select_n3A_469 = arith.select %eq3A_467, %jit3A_468, %jit3A_465 : i32
        %rem3A_470 = arith.remsi %select_n3A_464, %select_n3A_469 : i32
        %ne3A_471 = arith.constant 0 : i32
        %ne3A_472 = arith.cmpi ne, %rem3A_470, %ne3A_471 : i32
        %lt3A_473 = arith.constant 0 : i32
        %lt3A_474 = arith.cmpi slt, %rem3A_470, %lt3A_473 : i32
        %lt3A_475 = arith.constant 0 : i32
        %lt3A_476 = arith.cmpi slt, %select_n3A_469, %lt3A_475 : i32
        %ne3A_477 = arith.xori %lt3A_474, %lt3A_476 : i1
        %and3A_478 = arith.andi %ne3A_477, %ne3A_472 : i1
        %add3A_479 = arith.addi %rem3A_470, %select_n3A_469 : i32
        %select_n3A_480 = arith.select %and3A_478, %add3A_479, %rem3A_470 : i32
        %jit3A_481 = arith.constant 8 : i32
        %eq3A_482 = arith.constant 0 : i32
        %eq3A_483 = arith.cmpi eq, %jit3A_481, %eq3A_482 : i32
        %jit3A_484 = arith.constant 1 : i32
        %select_n3A_485 = arith.select %eq3A_483, %jit3A_484, %jit3A_481 : i32
        %rem3A_486 = arith.remsi %add3A_397, %select_n3A_485 : i32
        %ne3A_487 = arith.constant 0 : i32
        %ne3A_488 = arith.cmpi ne, %rem3A_486, %ne3A_487 : i32
        %lt3A_489 = arith.constant 0 : i32
        %lt3A_490 = arith.cmpi slt, %rem3A_486, %lt3A_489 : i32
        %lt3A_491 = arith.constant 0 : i32
        %lt3A_492 = arith.cmpi slt, %select_n3A_485, %lt3A_491 : i32
        %ne3A_493 = arith.xori %lt3A_490, %lt3A_492 : i1
        %and3A_494 = arith.andi %ne3A_493, %ne3A_488 : i1
        %add3A_495 = arith.addi %rem3A_486, %select_n3A_485 : i32
        %select_n3A_496 = arith.select %and3A_494, %add3A_495, %rem3A_486 : i32
        %eq3A_497 = arith.constant 0 : i32
        %eq3A_498 = arith.cmpi eq, %select_n3A_496, %eq3A_497 : i32
        %convert_element_type3A_499 = arith.extui %eq3A_498 : i1 to i32
        %cond3A_500 = arith.constant 0 : i32
        %cond3A_501 = arith.cmpi ne, %convert_element_type3A_499, %cond3A_500 : i32
        scf.if %cond3A_501 {
          %mul3A_512 = arith.constant 8 : i32
          %mul3A_513 = arith.muli %select_n3A_464, %mul3A_512 : i32
          %add3A_514 = arith.addi %mul3A_0, %mul3A_513 : i32
          %dma_wait3A_515 = arith.constant 0 : i32
          %dma_wait3A_516 = arith.constant 0 : i32
          %dma_wait3A_517 = tpu.memref_slice %arg7[%select_n3A_480, %dma_wait3A_515, %dma_wait3A_516] : memref<2x8x128xi32, #tpu.memory_space<vmem>> -> memref<1x8x128xi32, #tpu.memory_space<vmem>>
          %dma_wait3A_518 = tpu.memref_squeeze %dma_wait3A_517 : memref<1x8x128xi32, #tpu.memory_space<vmem>> -> memref<8x128xi32, #tpu.memory_space<vmem>>
          %dma_wait3A_519 = arith.constant 0 : i32
          %dma_wait3A_520 = tpu.memref_slice %arg3[%arg0, %add3A_514, %dma_wait3A_519] : memref<2x2560x128xi32, #tpu.memory_space<hbm>> -> memref<1x8x128xi32, #tpu.memory_space<hbm>>
          %dma_wait3A_521 = tpu.memref_squeeze %dma_wait3A_520 : memref<1x8x128xi32, #tpu.memory_space<hbm>> -> memref<8x128xi32, #tpu.memory_space<hbm>>
          %dma_wait3A_522 = arith.constant 0 : i32
          %dma_wait3A_523 = arith.constant 0 : i32
          %dma_wait3A_524 = tpu.memref_slice %arg7[%select_n3A_480, %dma_wait3A_522, %dma_wait3A_523] : memref<2x8x128xi32, #tpu.memory_space<vmem>> -> memref<1x8x128xi32, #tpu.memory_space<vmem>>
          %dma_wait3A_525 = tpu.memref_squeeze %dma_wait3A_524 : memref<1x8x128xi32, #tpu.memory_space<vmem>> -> memref<8x128xi32, #tpu.memory_space<vmem>>
          %dma_wait3A_526 = arith.constant 0 : i32
          %dma_wait3A_527 = tpu.memref_slice %arg3[%arg0, %add3A_514, %dma_wait3A_526] : memref<2x2560x128xi32, #tpu.memory_space<hbm>> -> memref<1x8x128xi32, #tpu.memory_space<hbm>>
          %dma_wait3A_528 = tpu.memref_squeeze %dma_wait3A_527 : memref<1x8x128xi32, #tpu.memory_space<hbm>> -> memref<8x128xi32, #tpu.memory_space<hbm>>
          tpu.wait_dma2 semaphore(%arg17 : memref<!tpu.dma_semaphore, #tpu.memory_space<semaphore_mem>>) src(%dma_wait3A_528 : memref<8x128xi32, #tpu.memory_space<hbm>>) dst(%dma_wait3A_525 : memref<8x128xi32, #tpu.memory_space<vmem>>)
          %dma_wait3A_529 = arith.constant 0 : i32
          %dma_wait3A_530 = arith.constant 0 : i32
          %dma_wait3A_531 = tpu.memref_slice %arg8[%select_n3A_480, %dma_wait3A_529, %dma_wait3A_530] : memref<2x8x128xi32, #tpu.memory_space<vmem>> -> memref<1x8x128xi32, #tpu.memory_space<vmem>>
          %dma_wait3A_532 = tpu.memref_squeeze %dma_wait3A_531 : memref<1x8x128xi32, #tpu.memory_space<vmem>> -> memref<8x128xi32, #tpu.memory_space<vmem>>
          %dma_wait3A_533 = arith.constant 0 : i32
          %dma_wait3A_534 = tpu.memref_slice %arg4[%arg0, %add3A_514, %dma_wait3A_533] : memref<2x2560x128xi32, #tpu.memory_space<hbm>> -> memref<1x8x128xi32, #tpu.memory_space<hbm>>
          %dma_wait3A_535 = tpu.memref_squeeze %dma_wait3A_534 : memref<1x8x128xi32, #tpu.memory_space<hbm>> -> memref<8x128xi32, #tpu.memory_space<hbm>>
          %dma_wait3A_536 = arith.constant 0 : i32
          %dma_wait3A_537 = arith.constant 0 : i32
          %dma_wait3A_538 = tpu.memref_slice %arg8[%select_n3A_480, %dma_wait3A_536, %dma_wait3A_537] : memref<2x8x128xi32, #tpu.memory_space<vmem>> -> memref<1x8x128xi32, #tpu.memory_space<vmem>>
          %dma_wait3A_539 = tpu.memref_squeeze %dma_wait3A_538 : memref<1x8x128xi32, #tpu.memory_space<vmem>> -> memref<8x128xi32, #tpu.memory_space<vmem>>
          %dma_wait3A_540 = arith.constant 0 : i32
          %dma_wait3A_541 = tpu.memref_slice %arg4[%arg0, %add3A_514, %dma_wait3A_540] : memref<2x2560x128xi32, #tpu.memory_space<hbm>> -> memref<1x8x128xi32, #tpu.memory_space<hbm>>
          %dma_wait3A_542 = tpu.memref_squeeze %dma_wait3A_541 : memref<1x8x128xi32, #tpu.memory_space<hbm>> -> memref<8x128xi32, #tpu.memory_space<hbm>>
          tpu.wait_dma2 semaphore(%arg17 : memref<!tpu.dma_semaphore, #tpu.memory_space<semaphore_mem>>) src(%dma_wait3A_542 : memref<8x128xi32, #tpu.memory_space<hbm>>) dst(%dma_wait3A_539 : memref<8x128xi32, #tpu.memory_space<vmem>>)
          %dma_wait3A_543 = arith.constant 0 : i32
          %dma_wait3A_544 = arith.constant 0 : i32
          %dma_wait3A_545 = tpu.memref_slice %arg9[%select_n3A_480, %dma_wait3A_543, %dma_wait3A_544] : memref<2x8x128xf32, #tpu.memory_space<vmem>> -> memref<1x8x128xf32, #tpu.memory_space<vmem>>
          %dma_wait3A_546 = tpu.memref_squeeze %dma_wait3A_545 : memref<1x8x128xf32, #tpu.memory_space<vmem>> -> memref<8x128xf32, #tpu.memory_space<vmem>>
          %dma_wait3A_547 = arith.constant 0 : i32
          %dma_wait3A_548 = tpu.memref_slice %arg5[%arg0, %add3A_514, %dma_wait3A_547] : memref<2x2560x128xf32, #tpu.memory_space<hbm>> -> memref<1x8x128xf32, #tpu.memory_space<hbm>>
          %dma_wait3A_549 = tpu.memref_squeeze %dma_wait3A_548 : memref<1x8x128xf32, #tpu.memory_space<hbm>> -> memref<8x128xf32, #tpu.memory_space<hbm>>
          %dma_wait3A_550 = arith.constant 0 : i32
          %dma_wait3A_551 = arith.constant 0 : i32
          %dma_wait3A_552 = tpu.memref_slice %arg9[%select_n3A_480, %dma_wait3A_550, %dma_wait3A_551] : memref<2x8x128xf32, #tpu.memory_space<vmem>> -> memref<1x8x128xf32, #tpu.memory_space<vmem>>
          %dma_wait3A_553 = tpu.memref_squeeze %dma_wait3A_552 : memref<1x8x128xf32, #tpu.memory_space<vmem>> -> memref<8x128xf32, #tpu.memory_space<vmem>>
          %dma_wait3A_554 = arith.constant 0 : i32
          %dma_wait3A_555 = tpu.memref_slice %arg5[%arg0, %add3A_514, %dma_wait3A_554] : memref<2x2560x128xf32, #tpu.memory_space<hbm>> -> memref<1x8x128xf32, #tpu.memory_space<hbm>>
          %dma_wait3A_556 = tpu.memref_squeeze %dma_wait3A_555 : memref<1x8x128xf32, #tpu.memory_space<hbm>> -> memref<8x128xf32, #tpu.memory_space<hbm>>
          tpu.wait_dma2 semaphore(%arg17 : memref<!tpu.dma_semaphore, #tpu.memory_space<semaphore_mem>>) src(%dma_wait3A_556 : memref<8x128xf32, #tpu.memory_space<hbm>>) dst(%dma_wait3A_553 : memref<8x128xf32, #tpu.memory_space<vmem>>)
        } else {
        }
        %dma_start3A_502 = arith.constant 0 : i32
        %dma_start3A_503 = tpu.memref_slice %arg8[%select_n3A_480, %select_n3A_496, %dma_start3A_502] : memref<2x8x128xi32, #tpu.memory_space<vmem>> -> memref<1x1x128xi32, #tpu.memory_space<vmem>>
        %dma_start3A_504 = tpu.memref_squeeze %dma_start3A_503 : memref<1x1x128xi32, #tpu.memory_space<vmem>> -> memref<128xi32, #tpu.memory_space<vmem>>
        %dma_start3A_505 = arith.constant 0 : i32
        %dma_start3A_506 = arith.constant 0 : i32
        %dma_start3A_507 = tpu.memref_slice %arg2[%arg0, %dma_start3A_505, %dma_start3A_506] : memref<2x10000x128xf32, #tpu.memory_space<hbm>> -> memref<1x10000x128xf32, #tpu.memory_space<hbm>>
        %dma_start3A_508 = tpu.memref_squeeze %dma_start3A_507 : memref<1x10000x128xf32, #tpu.memory_space<hbm>> -> memref<10000x128xf32, #tpu.memory_space<hbm>>
        %dma_start3A_509 = arith.constant 0 : i32
        %dma_start3A_510 = arith.constant 0 : i32
        %dma_start3A_511 = tpu.memref_slice %dma_start3A_508[%dma_start3A_509, %dma_start3A_510] : memref<10000x128xf32, #tpu.memory_space<hbm>> -> memref<10000x128xf32, #tpu.memory_space<hbm>>
        tpu.enqueue_indirect_dma source(%dma_start3A_511 : memref<10000x128xf32, #tpu.memory_space<hbm>>) target(%arg10 : memref<128x128xf32, #tpu.memory_space<vmem>>) offsets(%dma_start3A_504 : memref<128xi32, #tpu.memory_space<vmem>>) semaphore(%arg13 : memref<!tpu.dma_semaphore, #tpu.memory_space<semaphore_mem>>)
      } else {
      }
      %eq3A_403 = arith.constant 0 : i32
      %eq3A_404 = arith.cmpi eq, %select_n3A_395, %eq3A_403 : i32
      %add3A_405 = arith.constant 1 : i32
      %add3A_406 = arith.addi %select_n3A_363, %add3A_405 : i32
      %lt3A_407 = arith.constant 20 : i32
      %lt3A_408 = arith.cmpi slt, %add3A_406, %lt3A_407 : i32
      %and3A_409 = arith.andi %eq3A_404, %lt3A_408 : i1
      %convert_element_type3A_410 = arith.extui %and3A_409 : i1 to i32
      %cond3A_411 = arith.constant 0 : i32
      %cond3A_412 = arith.cmpi ne, %convert_element_type3A_410, %cond3A_411 : i32
      scf.if %cond3A_412 {
        %add3A_437 = arith.constant 1 : i32
        %add3A_438 = arith.addi %select_n3A_363, %add3A_437 : i32
        %add3A_439 = arith.constant 1 : i32
        %add3A_440 = arith.addi %select_n3A_363, %add3A_439 : i32
        %jit3A_441 = arith.constant 2 : i32
        %eq3A_442 = arith.constant 0 : i32
        %eq3A_443 = arith.cmpi eq, %jit3A_441, %eq3A_442 : i32
        %jit3A_444 = arith.constant 1 : i32
        %select_n3A_445 = arith.select %eq3A_443, %jit3A_444, %jit3A_441 : i32
        %rem3A_446 = arith.remsi %add3A_440, %select_n3A_445 : i32
        %ne3A_447 = arith.constant 0 : i32
        %ne3A_448 = arith.cmpi ne, %rem3A_446, %ne3A_447 : i32
        %lt3A_449 = arith.constant 0 : i32
        %lt3A_450 = arith.cmpi slt, %rem3A_446, %lt3A_449 : i32
        %lt3A_451 = arith.constant 0 : i32
        %lt3A_452 = arith.cmpi slt, %select_n3A_445, %lt3A_451 : i32
        %ne3A_453 = arith.xori %lt3A_450, %lt3A_452 : i1
        %and3A_454 = arith.andi %ne3A_453, %ne3A_448 : i1
        %add3A_455 = arith.addi %rem3A_446, %select_n3A_445 : i32
        %select_n3A_456 = arith.select %and3A_454, %add3A_455, %rem3A_446 : i32
        %mul3A_457 = arith.constant 8 : i32
        %mul3A_458 = arith.muli %add3A_438, %mul3A_457 : i32
        %add3A_459 = arith.addi %mul3A_0, %mul3A_458 : i32
        %dma_start3A_460 = arith.constant 0 : i32
        %dma_start3A_461 = arith.constant 0 : i32
        %dma_start3A_462 = tpu.memref_slice %arg7[%select_n3A_456, %dma_start3A_460, %dma_start3A_461] : memref<2x8x128xi32, #tpu.memory_space<vmem>> -> memref<1x8x128xi32, #tpu.memory_space<vmem>>
        %dma_start3A_463 = tpu.memref_squeeze %dma_start3A_462 : memref<1x8x128xi32, #tpu.memory_space<vmem>> -> memref<8x128xi32, #tpu.memory_space<vmem>>
        %dma_start3A_464 = arith.constant 0 : i32
        %dma_start3A_465 = tpu.memref_slice %arg3[%arg0, %add3A_459, %dma_start3A_464] : memref<2x2560x128xi32, #tpu.memory_space<hbm>> -> memref<1x8x128xi32, #tpu.memory_space<hbm>>
        %dma_start3A_466 = tpu.memref_squeeze %dma_start3A_465 : memref<1x8x128xi32, #tpu.memory_space<hbm>> -> memref<8x128xi32, #tpu.memory_space<hbm>>
        %dma_start3A_467 = arith.constant 0 : i32
        %dma_start3A_468 = arith.constant 0 : i32
        %dma_start3A_469 = tpu.memref_slice %arg7[%select_n3A_456, %dma_start3A_467, %dma_start3A_468] : memref<2x8x128xi32, #tpu.memory_space<vmem>> -> memref<1x8x128xi32, #tpu.memory_space<vmem>>
        %dma_start3A_470 = tpu.memref_squeeze %dma_start3A_469 : memref<1x8x128xi32, #tpu.memory_space<vmem>> -> memref<8x128xi32, #tpu.memory_space<vmem>>
        %dma_start3A_471 = arith.constant 0 : i32
        %dma_start3A_472 = tpu.memref_slice %arg3[%arg0, %add3A_459, %dma_start3A_471] : memref<2x2560x128xi32, #tpu.memory_space<hbm>> -> memref<1x8x128xi32, #tpu.memory_space<hbm>>
        %dma_start3A_473 = tpu.memref_squeeze %dma_start3A_472 : memref<1x8x128xi32, #tpu.memory_space<hbm>> -> memref<8x128xi32, #tpu.memory_space<hbm>>
        tpu.enqueue_dma source(%dma_start3A_473 : memref<8x128xi32, #tpu.memory_space<hbm>>) target(%dma_start3A_470 : memref<8x128xi32, #tpu.memory_space<vmem>>) target_semaphore(%arg17 : memref<!tpu.dma_semaphore, #tpu.memory_space<semaphore_mem>>)
        %dma_start3A_474 = arith.constant 0 : i32
        %dma_start3A_475 = arith.constant 0 : i32
        %dma_start3A_476 = tpu.memref_slice %arg8[%select_n3A_456, %dma_start3A_474, %dma_start3A_475] : memref<2x8x128xi32, #tpu.memory_space<vmem>> -> memref<1x8x128xi32, #tpu.memory_space<vmem>>
        %dma_start3A_477 = tpu.memref_squeeze %dma_start3A_476 : memref<1x8x128xi32, #tpu.memory_space<vmem>> -> memref<8x128xi32, #tpu.memory_space<vmem>>
        %dma_start3A_478 = arith.constant 0 : i32
        %dma_start3A_479 = tpu.memref_slice %arg4[%arg0, %add3A_459, %dma_start3A_478] : memref<2x2560x128xi32, #tpu.memory_space<hbm>> -> memref<1x8x128xi32, #tpu.memory_space<hbm>>
        %dma_start3A_480 = tpu.memref_squeeze %dma_start3A_479 : memref<1x8x128xi32, #tpu.memory_space<hbm>> -> memref<8x128xi32, #tpu.memory_space<hbm>>
        %dma_start3A_481 = arith.constant 0 : i32
        %dma_start3A_482 = arith.constant 0 : i32
        %dma_start3A_483 = tpu.memref_slice %arg8[%select_n3A_456, %dma_start3A_481, %dma_start3A_482] : memref<2x8x128xi32, #tpu.memory_space<vmem>> -> memref<1x8x128xi32, #tpu.memory_space<vmem>>
        %dma_start3A_484 = tpu.memref_squeeze %dma_start3A_483 : memref<1x8x128xi32, #tpu.memory_space<vmem>> -> memref<8x128xi32, #tpu.memory_space<vmem>>
        %dma_start3A_485 = arith.constant 0 : i32
        %dma_start3A_486 = tpu.memref_slice %arg4[%arg0, %add3A_459, %dma_start3A_485] : memref<2x2560x128xi32, #tpu.memory_space<hbm>> -> memref<1x8x128xi32, #tpu.memory_space<hbm>>
        %dma_start3A_487 = tpu.memref_squeeze %dma_start3A_486 : memref<1x8x128xi32, #tpu.memory_space<hbm>> -> memref<8x128xi32, #tpu.memory_space<hbm>>
        tpu.enqueue_dma source(%dma_start3A_487 : memref<8x128xi32, #tpu.memory_space<hbm>>) target(%dma_start3A_484 : memref<8x128xi32, #tpu.memory_space<vmem>>) target_semaphore(%arg17 : memref<!tpu.dma_semaphore, #tpu.memory_space<semaphore_mem>>)
        %dma_start3A_488 = arith.constant 0 : i32
        %dma_start3A_489 = arith.constant 0 : i32
        %dma_start3A_490 = tpu.memref_slice %arg9[%select_n3A_456, %dma_start3A_488, %dma_start3A_489] : memref<2x8x128xf32, #tpu.memory_space<vmem>> -> memref<1x8x128xf32, #tpu.memory_space<vmem>>
        %dma_start3A_491 = tpu.memref_squeeze %dma_start3A_490 : memref<1x8x128xf32, #tpu.memory_space<vmem>> -> memref<8x128xf32, #tpu.memory_space<vmem>>
        %dma_start3A_492 = arith.constant 0 : i32
        %dma_start3A_493 = tpu.memref_slice %arg5[%arg0, %add3A_459, %dma_start3A_492] : memref<2x2560x128xf32, #tpu.memory_space<hbm>> -> memref<1x8x128xf32, #tpu.memory_space<hbm>>
        %dma_start3A_494 = tpu.memref_squeeze %dma_start3A_493 : memref<1x8x128xf32, #tpu.memory_space<hbm>> -> memref<8x128xf32, #tpu.memory_space<hbm>>
        %dma_start3A_495 = arith.constant 0 : i32
        %dma_start3A_496 = arith.constant 0 : i32
        %dma_start3A_497 = tpu.memref_slice %arg9[%select_n3A_456, %dma_start3A_495, %dma_start3A_496] : memref<2x8x128xf32, #tpu.memory_space<vmem>> -> memref<1x8x128xf32, #tpu.memory_space<vmem>>
        %dma_start3A_498 = tpu.memref_squeeze %dma_start3A_497 : memref<1x8x128xf32, #tpu.memory_space<vmem>> -> memref<8x128xf32, #tpu.memory_space<vmem>>
        %dma_start3A_499 = arith.constant 0 : i32
        %dma_start3A_500 = tpu.memref_slice %arg5[%arg0, %add3A_459, %dma_start3A_499] : memref<2x2560x128xf32, #tpu.memory_space<hbm>> -> memref<1x8x128xf32, #tpu.memory_space<hbm>>
        %dma_start3A_501 = tpu.memref_squeeze %dma_start3A_500 : memref<1x8x128xf32, #tpu.memory_space<hbm>> -> memref<8x128xf32, #tpu.memory_space<hbm>>
        tpu.enqueue_dma source(%dma_start3A_501 : memref<8x128xf32, #tpu.memory_space<hbm>>) target(%dma_start3A_498 : memref<8x128xf32, #tpu.memory_space<vmem>>) target_semaphore(%arg17 : memref<!tpu.dma_semaphore, #tpu.memory_space<semaphore_mem>>)
      } else {
      }
      %dma_wait3A_413 = arith.constant 0 : i32
      %dma_wait3A_414 = tpu.memref_slice %arg8[%select_n3A_379, %select_n3A_395, %dma_wait3A_413] : memref<2x8x128xi32, #tpu.memory_space<vmem>> -> memref<1x1x128xi32, #tpu.memory_space<vmem>>
      %dma_wait3A_415 = tpu.memref_squeeze %dma_wait3A_414 : memref<1x1x128xi32, #tpu.memory_space<vmem>> -> memref<128xi32, #tpu.memory_space<vmem>>
      %dma_wait3A_416 = arith.constant 0 : i32
      %dma_wait3A_417 = arith.constant 0 : i32
      %dma_wait3A_418 = tpu.memref_slice %arg2[%arg0, %dma_wait3A_416, %dma_wait3A_417] : memref<2x10000x128xf32, #tpu.memory_space<hbm>> -> memref<1x10000x128xf32, #tpu.memory_space<hbm>>
      %dma_wait3A_419 = tpu.memref_squeeze %dma_wait3A_418 : memref<1x10000x128xf32, #tpu.memory_space<hbm>> -> memref<10000x128xf32, #tpu.memory_space<hbm>>
      %dma_wait3A_420 = arith.constant 0 : i32
      %dma_wait3A_421 = arith.constant 0 : i32
      %dma_wait3A_422 = tpu.memref_slice %dma_wait3A_419[%dma_wait3A_420, %dma_wait3A_421] : memref<10000x128xf32, #tpu.memory_space<hbm>> -> memref<10000x128xf32, #tpu.memory_space<hbm>>
      tpu.wait_indirect_dma semaphore(%arg14 : memref<!tpu.dma_semaphore, #tpu.memory_space<semaphore_mem>>) src(%dma_wait3A_422 : memref<10000x128xf32, #tpu.memory_space<hbm>>) dst(%arg11 : memref<128x128xf32, #tpu.memory_space<vmem>>)
      %scan3A_423 = arith.constant 0 : i32
      %scan3A_424 = arith.constant 0 : i32
      %scan3A_425 = arith.constant 8 : i32
      %scan3A_426 = arith.addi %scan3A_424, %scan3A_425 : i32
      %scan3A_427 = arith.constant 1 : i32
      %scan3A_428 = scf.for %scan3A_437 = %scan3A_424 to %scan3A_426 step %scan3A_427 iter_args(%scan3A_438 = %scan3A_423) -> (i32)  : i32 {
        %mul3A_439 = arith.constant 16 : i32
        %mul3A_440 = arith.muli %scan3A_437, %mul3A_439 : i32
        %get3A = arith.index_cast %select_n3A_379 : i32 to index
        %get3A_441 = arith.index_cast %select_n3A_395 : i32 to index
        %get3A_442 = arith.index_cast %mul3A_440 : i32 to index
        %get3A_443 = tpu.vector_load %arg9[%get3A, %get3A_441, %get3A_442] {strides = array<i32>} : memref<2x8x128xf32, #tpu.memory_space<vmem>>, vector<16xf32>,
        %slice3A = vector.extract_strided_slice %get3A_443 {offsets = [0], sizes = [1], strides = [1]} : vector<16xf32> to vector<1xf32>
        %squeeze3A = vector.extract %slice3A[0] : f32 from vector<1xf32>
        %mul3A_444 = arith.constant 16 : i32
        %mul3A_445 = arith.muli %scan3A_437, %mul3A_444 : i32
        %add3A_446 = arith.constant 0 : i32
        %add3A_447 = arith.addi %mul3A_445, %add3A_446 : i32
        %get3A_448 = arith.index_cast %add3A_447 : i32 to index
        %get3A_449 = arith.constant 0 : index
        %get3A_450 = tpu.vector_load %arg11[%get3A_448, %get3A_449] {strides = array<i32>} : memref<128x128xf32, #tpu.memory_space<vmem>>, vector<16xf32>,
        %mul3A_451 = vector.broadcast %squeeze3A : f32 to vector<16xf32>
        %mul3A_452 = arith.mulf %get3A_450, %mul3A_451 : vector<16xf32>
        %swap3A = arith.index_cast %add3A_447 : i32 to index
        %swap3A_453 = arith.constant 0 : index
        %swap3A_454 = tpu.vector_load %arg11[%swap3A, %swap3A_453] {strides = array<i32>} : memref<128x128xf32, #tpu.memory_space<vmem>>, vector<16xf32>,
        tpu.vector_store %arg11[%swap3A, %swap3A_453], %mul3A_452 {strides = array<i32>} : memref<128x128xf32, #tpu.memory_space<vmem>>, vector<16xf32>,
        %get3A_455 = arith.index_cast %add3A_447 : i32 to index
        %get3A_456 = arith.constant 16 : index
        %get3A_457 = tpu.vector_load %arg11[%get3A_455, %get3A_456] {strides = array<i32>} : memref<128x128xf32, #tpu.memory_space<vmem>>, vector<16xf32>,
        %mul3A_458 = vector.broadcast %squeeze3A : f32 to vector<16xf32>
        %mul3A_459 = arith.mulf %get3A_457, %mul3A_458 : vector<16xf32>
        %swap3A_460 = arith.index_cast %add3A_447 : i32 to index
        %swap3A_461 = arith.constant 16 : index
        %swap3A_462 = tpu.vector_load %arg11[%swap3A_460, %swap3A_461] {strides = array<i32>} : memref<128x128xf32, #tpu.memory_space<vmem>>, vector<16xf32>,
        tpu.vector_store %arg11[%swap3A_460, %swap3A_461], %mul3A_459 {strides = array<i32>} : memref<128x128xf32, #tpu.memory_space<vmem>>, vector<16xf32>,
        %get3A_463 = arith.index_cast %add3A_447 : i32 to index
        %get3A_464 = arith.constant 32 : index
        %get3A_465 = tpu.vector_load %arg11[%get3A_463, %get3A_464] {strides = array<i32>} : memref<128x128xf32, #tpu.memory_space<vmem>>, vector<16xf32>,
        %mul3A_466 = vector.broadcast %squeeze3A : f32 to vector<16xf32>
        %mul3A_467 = arith.mulf %get3A_465, %mul3A_466 : vector<16xf32>
        %swap3A_468 = arith.index_cast %add3A_447 : i32 to index
        %swap3A_469 = arith.constant 32 : index
        %swap3A_470 = tpu.vector_load %arg11[%swap3A_468, %swap3A_469] {strides = array<i32>} : memref<128x128xf32, #tpu.memory_space<vmem>>, vector<16xf32>,
        tpu.vector_store %arg11[%swap3A_468, %swap3A_469], %mul3A_467 {strides = array<i32>} : memref<128x128xf32, #tpu.memory_space<vmem>>, vector<16xf32>,
        %get3A_471 = arith.index_cast %add3A_447 : i32 to index
        %get3A_472 = arith.constant 48 : index
        %get3A_473 = tpu.vector_load %arg11[%get3A_471, %get3A_472] {strides = array<i32>} : memref<128x128xf32, #tpu.memory_space<vmem>>, vector<16xf32>,
        %mul3A_474 = vector.broadcast %squeeze3A : f32 to vector<16xf32>
        %mul3A_475 = arith.mulf %get3A_473, %mul3A_474 : vector<16xf32>
        %swap3A_476 = arith.index_cast %add3A_447 : i32 to index
        %swap3A_477 = arith.constant 48 : index
        %swap3A_478 = tpu.vector_load %arg11[%swap3A_476, %swap3A_477] {strides = array<i32>} : memref<128x128xf32, #tpu.memory_space<vmem>>, vector<16xf32>,
        tpu.vector_store %arg11[%swap3A_476, %swap3A_477], %mul3A_475 {strides = array<i32>} : memref<128x128xf32, #tpu.memory_space<vmem>>, vector<16xf32>,
        %get3A_479 = arith.index_cast %add3A_447 : i32 to index
        %get3A_480 = arith.constant 64 : index
        %get3A_481 = tpu.vector_load %arg11[%get3A_479, %get3A_480] {strides = array<i32>} : memref<128x128xf32, #tpu.memory_space<vmem>>, vector<16xf32>,
        %mul3A_482 = vector.broadcast %squeeze3A : f32 to vector<16xf32>
        %mul3A_483 = arith.mulf %get3A_481, %mul3A_482 : vector<16xf32>
        %swap3A_484 = arith.index_cast %add3A_447 : i32 to index
        %swap3A_485 = arith.constant 64 : index
        %swap3A_486 = tpu.vector_load %arg11[%swap3A_484, %swap3A_485] {strides = array<i32>} : memref<128x128xf32, #tpu.memory_space<vmem>>, vector<16xf32>,
        tpu.vector_store %arg11[%swap3A_484, %swap3A_485], %mul3A_483 {strides = array<i32>} : memref<128x128xf32, #tpu.memory_space<vmem>>, vector<16xf32>,
        %get3A_487 = arith.index_cast %add3A_447 : i32 to index
        %get3A_488 = arith.constant 80 : index
        %get3A_489 = tpu.vector_load %arg11[%get3A_487, %get3A_488] {strides = array<i32>} : memref<128x128xf32, #tpu.memory_space<vmem>>, vector<16xf32>,
        %mul3A_490 = vector.broadcast %squeeze3A : f32 to vector<16xf32>
        %mul3A_491 = arith.mulf %get3A_489, %mul3A_490 : vector<16xf32>
        %swap3A_492 = arith.index_cast %add3A_447 : i32 to index
        %swap3A_493 = arith.constant 80 : index
        %swap3A_494 = tpu.vector_load %arg11[%swap3A_492, %swap3A_493] {strides = array<i32>} : memref<128x128xf32, #tpu.memory_space<vmem>>, vector<16xf32>,
        tpu.vector_store %arg11[%swap3A_492, %swap3A_493], %mul3A_491 {strides = array<i32>} : memref<128x128xf32, #tpu.memory_space<vmem>>, vector<16xf32>,
        %get3A_495 = arith.index_cast %add3A_447 : i32 to index
        %get3A_496 = arith.constant 96 : index
        %get3A_497 = tpu.vector_load %arg11[%get3A_495, %get3A_496] {strides = array<i32>} : memref<128x128xf32, #tpu.memory_space<vmem>>, vector<16xf32>,
        %mul3A_498 = vector.broadcast %squeeze3A : f32 to vector<16xf32>
        %mul3A_499 = arith.mulf %get3A_497, %mul3A_498 : vector<16xf32>
        %swap3A_500 = arith.index_cast %add3A_447 : i32 to index
        %swap3A_501 = arith.constant 96 : index
        %swap3A_502 = tpu.vector_load %arg11[%swap3A_500, %swap3A_501] {strides = array<i32>} : memref<128x128xf32, #tpu.memory_space<vmem>>, vector<16xf32>,
        tpu.vector_store %arg11[%swap3A_500, %swap3A_501], %mul3A_499 {strides = array<i32>} : memref<128x128xf32, #tpu.memory_space<vmem>>, vector<16xf32>,
        %get3A_503 = arith.index_cast %add3A_447 : i32 to index
        %get3A_504 = arith.constant 112 : index
        %get3A_505 = tpu.vector_load %arg11[%get3A_503, %get3A_504] {strides = array<i32>} : memref<128x128xf32, #tpu.memory_space<vmem>>, vector<16xf32>,
        %mul3A_506 = vector.broadcast %squeeze3A : f32 to vector<16xf32>
        %mul3A_507 = arith.mulf %get3A_505, %mul3A_506 : vector<16xf32>
        %swap3A_508 = arith.index_cast %add3A_447 : i32 to index
        %swap3A_509 = arith.constant 112 : index
        %swap3A_510 = tpu.vector_load %arg11[%swap3A_508, %swap3A_509] {strides = array<i32>} : memref<128x128xf32, #tpu.memory_space<vmem>>, vector<16xf32>,
        tpu.vector_store %arg11[%swap3A_508, %swap3A_509], %mul3A_507 {strides = array<i32>} : memref<128x128xf32, #tpu.memory_space<vmem>>, vector<16xf32>,
        %slice3A_511 = vector.extract_strided_slice %get3A_443 {offsets = [1], sizes = [1], strides = [1]} : vector<16xf32> to vector<1xf32>
        %squeeze3A_512 = vector.extract %slice3A_511[0] : f32 from vector<1xf32>
        %mul3A_513 = arith.constant 16 : i32
        %mul3A_514 = arith.muli %scan3A_437, %mul3A_513 : i32
        %add3A_515 = arith.constant 1 : i32
        %add3A_516 = arith.addi %mul3A_514, %add3A_515 : i32
        %get3A_517 = arith.index_cast %add3A_516 : i32 to index
        %get3A_518 = arith.constant 0 : index
        %get3A_519 = tpu.vector_load %arg11[%get3A_517, %get3A_518] {strides = array<i32>} : memref<128x128xf32, #tpu.memory_space<vmem>>, vector<16xf32>,
        %mul3A_520 = vector.broadcast %squeeze3A_512 : f32 to vector<16xf32>
        %mul3A_521 = arith.mulf %get3A_519, %mul3A_520 : vector<16xf32>
        %swap3A_522 = arith.index_cast %add3A_516 : i32 to index
        %swap3A_523 = arith.constant 0 : index
        %swap3A_524 = tpu.vector_load %arg11[%swap3A_522, %swap3A_523] {strides = array<i32>} : memref<128x128xf32, #tpu.memory_space<vmem>>, vector<16xf32>,
        tpu.vector_store %arg11[%swap3A_522, %swap3A_523], %mul3A_521 {strides = array<i32>} : memref<128x128xf32, #tpu.memory_space<vmem>>, vector<16xf32>,
        %get3A_525 = arith.index_cast %add3A_516 : i32 to index
        %get3A_526 = arith.constant 16 : index
        %get3A_527 = tpu.vector_load %arg11[%get3A_525, %get3A_526] {strides = array<i32>} : memref<128x128xf32, #tpu.memory_space<vmem>>, vector<16xf32>,
        %mul3A_528 = vector.broadcast %squeeze3A_512 : f32 to vector<16xf32>
        %mul3A_529 = arith.mulf %get3A_527, %mul3A_528 : vector<16xf32>
        %swap3A_530 = arith.index_cast %add3A_516 : i32 to index
        %swap3A_531 = arith.constant 16 : index
        %swap3A_532 = tpu.vector_load %arg11[%swap3A_530, %swap3A_531] {strides = array<i32>} : memref<128x128xf32, #tpu.memory_space<vmem>>, vector<16xf32>,
        tpu.vector_store %arg11[%swap3A_530, %swap3A_531], %mul3A_529 {strides = array<i32>} : memref<128x128xf32, #tpu.memory_space<vmem>>, vector<16xf32>,
        %get3A_533 = arith.index_cast %add3A_516 : i32 to index
        %get3A_534 = arith.constant 32 : index
        %get3A_535 = tpu.vector_load %arg11[%get3A_533, %get3A_534] {strides = array<i32>} : memref<128x128xf32, #tpu.memory_space<vmem>>, vector<16xf32>,
        %mul3A_536 = vector.broadcast %squeeze3A_512 : f32 to vector<16xf32>
        %mul3A_537 = arith.mulf %get3A_535, %mul3A_536 : vector<16xf32>
        %swap3A_538 = arith.index_cast %add3A_516 : i32 to index
        %swap3A_539 = arith.constant 32 : index
        %swap3A_540 = tpu.vector_load %arg11[%swap3A_538, %swap3A_539] {strides = array<i32>} : memref<128x128xf32, #tpu.memory_space<vmem>>, vector<16xf32>,
        tpu.vector_store %arg11[%swap3A_538, %swap3A_539], %mul3A_537 {strides = array<i32>} : memref<128x128xf32, #tpu.memory_space<vmem>>, vector<16xf32>,
        %get3A_541 = arith.index_cast %add3A_516 : i32 to index
        %get3A_542 = arith.constant 48 : index
        %get3A_543 = tpu.vector_load %arg11[%get3A_541, %get3A_542] {strides = array<i32>} : memref<128x128xf32, #tpu.memory_space<vmem>>, vector<16xf32>,
        %mul3A_544 = vector.broadcast %squeeze3A_512 : f32 to vector<16xf32>
        %mul3A_545 = arith.mulf %get3A_543, %mul3A_544 : vector<16xf32>
        %swap3A_546 = arith.index_cast %add3A_516 : i32 to index
        %swap3A_547 = arith.constant 48 : index
        %swap3A_548 = tpu.vector_load %arg11[%swap3A_546, %swap3A_547] {strides = array<i32>} : memref<128x128xf32, #tpu.memory_space<vmem>>, vector<16xf32>,
        tpu.vector_store %arg11[%swap3A_546, %swap3A_547], %mul3A_545 {strides = array<i32>} : memref<128x128xf32, #tpu.memory_space<vmem>>, vector<16xf32>,
        %get3A_549 = arith.index_cast %add3A_516 : i32 to index
        %get3A_550 = arith.constant 64 : index
        %get3A_551 = tpu.vector_load %arg11[%get3A_549, %get3A_550] {strides = array<i32>} : memref<128x128xf32, #tpu.memory_space<vmem>>, vector<16xf32>,
        %mul3A_552 = vector.broadcast %squeeze3A_512 : f32 to vector<16xf32>
        %mul3A_553 = arith.mulf %get3A_551, %mul3A_552 : vector<16xf32>
        %swap3A_554 = arith.index_cast %add3A_516 : i32 to index
        %swap3A_555 = arith.constant 64 : index
        %swap3A_556 = tpu.vector_load %arg11[%swap3A_554, %swap3A_555] {strides = array<i32>} : memref<128x128xf32, #tpu.memory_space<vmem>>, vector<16xf32>,
        tpu.vector_store %arg11[%swap3A_554, %swap3A_555], %mul3A_553 {strides = array<i32>} : memref<128x128xf32, #tpu.memory_space<vmem>>, vector<16xf32>,
        %get3A_557 = arith.index_cast %add3A_516 : i32 to index
        %get3A_558 = arith.constant 80 : index
        %get3A_559 = tpu.vector_load %arg11[%get3A_557, %get3A_558] {strides = array<i32>} : memref<128x128xf32, #tpu.memory_space<vmem>>, vector<16xf32>,
        %mul3A_560 = vector.broadcast %squeeze3A_512 : f32 to vector<16xf32>
        %mul3A_561 = arith.mulf %get3A_559, %mul3A_560 : vector<16xf32>
        %swap3A_562 = arith.index_cast %add3A_516 : i32 to index
        %swap3A_563 = arith.constant 80 : index
        %swap3A_564 = tpu.vector_load %arg11[%swap3A_562, %swap3A_563] {strides = array<i32>} : memref<128x128xf32, #tpu.memory_space<vmem>>, vector<16xf32>,
        tpu.vector_store %arg11[%swap3A_562, %swap3A_563], %mul3A_561 {strides = array<i32>} : memref<128x128xf32, #tpu.memory_space<vmem>>, vector<16xf32>,
        %get3A_565 = arith.index_cast %add3A_516 : i32 to index
        %get3A_566 = arith.constant 96 : index
        %get3A_567 = tpu.vector_load %arg11[%get3A_565, %get3A_566] {strides = array<i32>} : memref<128x128xf32, #tpu.memory_space<vmem>>, vector<16xf32>,
        %mul3A_568 = vector.broadcast %squeeze3A_512 : f32 to vector<16xf32>
        %mul3A_569 = arith.mulf %get3A_567, %mul3A_568 : vector<16xf32>
        %swap3A_570 = arith.index_cast %add3A_516 : i32 to index
        %swap3A_571 = arith.constant 96 : index
        %swap3A_572 = tpu.vector_load %arg11[%swap3A_570, %swap3A_571] {strides = array<i32>} : memref<128x128xf32, #tpu.memory_space<vmem>>, vector<16xf32>,
        tpu.vector_store %arg11[%swap3A_570, %swap3A_571], %mul3A_569 {strides = array<i32>} : memref<128x128xf32, #tpu.memory_space<vmem>>, vector<16xf32>,
        %get3A_573 = arith.index_cast %add3A_516 : i32 to index
        %get3A_574 = arith.constant 112 : index
        %get3A_575 = tpu.vector_load %arg11[%get3A_573, %get3A_574] {strides = array<i32>} : memref<128x128xf32, #tpu.memory_space<vmem>>, vector<16xf32>,
        %mul3A_576 = vector.broadcast %squeeze3A_512 : f32 to vector<16xf32>
        %mul3A_577 = arith.mulf %get3A_575, %mul3A_576 : vector<16xf32>
        %swap3A_578 = arith.index_cast %add3A_516 : i32 to index
        %swap3A_579 = arith.constant 112 : index
        %swap3A_580 = tpu.vector_load %arg11[%swap3A_578, %swap3A_579] {strides = array<i32>} : memref<128x128xf32, #tpu.memory_space<vmem>>, vector<16xf32>,
        tpu.vector_store %arg11[%swap3A_578, %swap3A_579], %mul3A_577 {strides = array<i32>} : memref<128x128xf32, #tpu.memory_space<vmem>>, vector<16xf32>,
        %slice3A_581 = vector.extract_strided_slice %get3A_443 {offsets = [2], sizes = [1], strides = [1]} : vector<16xf32> to vector<1xf32>
        %squeeze3A_582 = vector.extract %slice3A_581[0] : f32 from vector<1xf32>
        %mul3A_583 = arith.constant 16 : i32
        %mul3A_584 = arith.muli %scan3A_437, %mul3A_583 : i32
        %add3A_585 = arith.constant 2 : i32
        %add3A_586 = arith.addi %mul3A_584, %add3A_585 : i32
        %get3A_587 = arith.index_cast %add3A_586 : i32 to index
        %get3A_588 = arith.constant 0 : index
        %get3A_589 = tpu.vector_load %arg11[%get3A_587, %get3A_588] {strides = array<i32>} : memref<128x128xf32, #tpu.memory_space<vmem>>, vector<16xf32>,
        %mul3A_590 = vector.broadcast %squeeze3A_582 : f32 to vector<16xf32>
        %mul3A_591 = arith.mulf %get3A_589, %mul3A_590 : vector<16xf32>
        %swap3A_592 = arith.index_cast %add3A_586 : i32 to index
        %swap3A_593 = arith.constant 0 : index
        %swap3A_594 = tpu.vector_load %arg11[%swap3A_592, %swap3A_593] {strides = array<i32>} : memref<128x128xf32, #tpu.memory_space<vmem>>, vector<16xf32>,
        tpu.vector_store %arg11[%swap3A_592, %swap3A_593], %mul3A_591 {strides = array<i32>} : memref<128x128xf32, #tpu.memory_space<vmem>>, vector<16xf32>,
        %get3A_595 = arith.index_cast %add3A_586 : i32 to index
        %get3A_596 = arith.constant 16 : index
        %get3A_597 = tpu.vector_load %arg11[%get3A_595, %get3A_596] {strides = array<i32>} : memref<128x128xf32, #tpu.memory_space<vmem>>, vector<16xf32>,
        %mul3A_598 = vector.broadcast %squeeze3A_582 : f32 to vector<16xf32>
        %mul3A_599 = arith.mulf %get3A_597, %mul3A_598 : vector<16xf32>
        %swap3A_600 = arith.index_cast %add3A_586 : i32 to index
        %swap3A_601 = arith.constant 16 : index
        %swap3A_602 = tpu.vector_load %arg11[%swap3A_600, %swap3A_601] {strides = array<i32>} : memref<128x128xf32, #tpu.memory_space<vmem>>, vector<16xf32>,
        tpu.vector_store %arg11[%swap3A_600, %swap3A_601], %mul3A_599 {strides = array<i32>} : memref<128x128xf32, #tpu.memory_space<vmem>>, vector<16xf32>,
        %get3A_603 = arith.index_cast %add3A_586 : i32 to index
        %get3A_604 = arith.constant 32 : index
        %get3A_605 = tpu.vector_load %arg11[%get3A_603, %get3A_604] {strides = array<i32>} : memref<128x128xf32, #tpu.memory_space<vmem>>, vector<16xf32>,
        %mul3A_606 = vector.broadcast %squeeze3A_582 : f32 to vector<16xf32>
        %mul3A_607 = arith.mulf %get3A_605, %mul3A_606 : vector<16xf32>
        %swap3A_608 = arith.index_cast %add3A_586 : i32 to index
        %swap3A_609 = arith.constant 32 : index
        %swap3A_610 = tpu.vector_load %arg11[%swap3A_608, %swap3A_609] {strides = array<i32>} : memref<128x128xf32, #tpu.memory_space<vmem>>, vector<16xf32>,
        tpu.vector_store %arg11[%swap3A_608, %swap3A_609], %mul3A_607 {strides = array<i32>} : memref<128x128xf32, #tpu.memory_space<vmem>>, vector<16xf32>,
        %get3A_611 = arith.index_cast %add3A_586 : i32 to index
        %get3A_612 = arith.constant 48 : index
        %get3A_613 = tpu.vector_load %arg11[%get3A_611, %get3A_612] {strides = array<i32>} : memref<128x128xf32, #tpu.memory_space<vmem>>, vector<16xf32>,
        %mul3A_614 = vector.broadcast %squeeze3A_582 : f32 to vector<16xf32>
        %mul3A_615 = arith.mulf %get3A_613, %mul3A_614 : vector<16xf32>
        %swap3A_616 = arith.index_cast %add3A_586 : i32 to index
        %swap3A_617 = arith.constant 48 : index
        %swap3A_618 = tpu.vector_load %arg11[%swap3A_616, %swap3A_617] {strides = array<i32>} : memref<128x128xf32, #tpu.memory_space<vmem>>, vector<16xf32>,
        tpu.vector_store %arg11[%swap3A_616, %swap3A_617], %mul3A_615 {strides = array<i32>} : memref<128x128xf32, #tpu.memory_space<vmem>>, vector<16xf32>,
        %get3A_619 = arith.index_cast %add3A_586 : i32 to index
        %get3A_620 = arith.constant 64 : index
        %get3A_621 = tpu.vector_load %arg11[%get3A_619, %get3A_620] {strides = array<i32>} : memref<128x128xf32, #tpu.memory_space<vmem>>, vector<16xf32>,
        %mul3A_622 = vector.broadcast %squeeze3A_582 : f32 to vector<16xf32>
        %mul3A_623 = arith.mulf %get3A_621, %mul3A_622 : vector<16xf32>
        %swap3A_624 = arith.index_cast %add3A_586 : i32 to index
        %swap3A_625 = arith.constant 64 : index
        %swap3A_626 = tpu.vector_load %arg11[%swap3A_624, %swap3A_625] {strides = array<i32>} : memref<128x128xf32, #tpu.memory_space<vmem>>, vector<16xf32>,
        tpu.vector_store %arg11[%swap3A_624, %swap3A_625], %mul3A_623 {strides = array<i32>} : memref<128x128xf32, #tpu.memory_space<vmem>>, vector<16xf32>,
        %get3A_627 = arith.index_cast %add3A_586 : i32 to index
        %get3A_628 = arith.constant 80 : index
        %get3A_629 = tpu.vector_load %arg11[%get3A_627, %get3A_628] {strides = array<i32>} : memref<128x128xf32, #tpu.memory_space<vmem>>, vector<16xf32>,
        %mul3A_630 = vector.broadcast %squeeze3A_582 : f32 to vector<16xf32>
        %mul3A_631 = arith.mulf %get3A_629, %mul3A_630 : vector<16xf32>
        %swap3A_632 = arith.index_cast %add3A_586 : i32 to index
        %swap3A_633 = arith.constant 80 : index
        %swap3A_634 = tpu.vector_load %arg11[%swap3A_632, %swap3A_633] {strides = array<i32>} : memref<128x128xf32, #tpu.memory_space<vmem>>, vector<16xf32>,
        tpu.vector_store %arg11[%swap3A_632, %swap3A_633], %mul3A_631 {strides = array<i32>} : memref<128x128xf32, #tpu.memory_space<vmem>>, vector<16xf32>,
        %get3A_635 = arith.index_cast %add3A_586 : i32 to index
        %get3A_636 = arith.constant 96 : index
        %get3A_637 = tpu.vector_load %arg11[%get3A_635, %get3A_636] {strides = array<i32>} : memref<128x128xf32, #tpu.memory_space<vmem>>, vector<16xf32>,
        %mul3A_638 = vector.broadcast %squeeze3A_582 : f32 to vector<16xf32>
        %mul3A_639 = arith.mulf %get3A_637, %mul3A_638 : vector<16xf32>
        %swap3A_640 = arith.index_cast %add3A_586 : i32 to index
        %swap3A_641 = arith.constant 96 : index
        %swap3A_642 = tpu.vector_load %arg11[%swap3A_640, %swap3A_641] {strides = array<i32>} : memref<128x128xf32, #tpu.memory_space<vmem>>, vector<16xf32>,
        tpu.vector_store %arg11[%swap3A_640, %swap3A_641], %mul3A_639 {strides = array<i32>} : memref<128x128xf32, #tpu.memory_space<vmem>>, vector<16xf32>,
        %get3A_643 = arith.index_cast %add3A_586 : i32 to index
        %get3A_644 = arith.constant 112 : index
        %get3A_645 = tpu.vector_load %arg11[%get3A_643, %get3A_644] {strides = array<i32>} : memref<128x128xf32, #tpu.memory_space<vmem>>, vector<16xf32>,
        %mul3A_646 = vector.broadcast %squeeze3A_582 : f32 to vector<16xf32>
        %mul3A_647 = arith.mulf %get3A_645, %mul3A_646 : vector<16xf32>
        %swap3A_648 = arith.index_cast %add3A_586 : i32 to index
        %swap3A_649 = arith.constant 112 : index
        %swap3A_650 = tpu.vector_load %arg11[%swap3A_648, %swap3A_649] {strides = array<i32>} : memref<128x128xf32, #tpu.memory_space<vmem>>, vector<16xf32>,
        tpu.vector_store %arg11[%swap3A_648, %swap3A_649], %mul3A_647 {strides = array<i32>} : memref<128x128xf32, #tpu.memory_space<vmem>>, vector<16xf32>,
        %slice3A_651 = vector.extract_strided_slice %get3A_443 {offsets = [3], sizes = [1], strides = [1]} : vector<16xf32> to vector<1xf32>
        %squeeze3A_652 = vector.extract %slice3A_651[0] : f32 from vector<1xf32>
        %mul3A_653 = arith.constant 16 : i32
        %mul3A_654 = arith.muli %scan3A_437, %mul3A_653 : i32
        %add3A_655 = arith.constant 3 : i32
        %add3A_656 = arith.addi %mul3A_654, %add3A_655 : i32
        %get3A_657 = arith.index_cast %add3A_656 : i32 to index
        %get3A_658 = arith.constant 0 : index
        %get3A_659 = tpu.vector_load %arg11[%get3A_657, %get3A_658] {strides = array<i32>} : memref<128x128xf32, #tpu.memory_space<vmem>>, vector<16xf32>,
        %mul3A_660 = vector.broadcast %squeeze3A_652 : f32 to vector<16xf32>
        %mul3A_661 = arith.mulf %get3A_659, %mul3A_660 : vector<16xf32>
        %swap3A_662 = arith.index_cast %add3A_656 : i32 to index
        %swap3A_663 = arith.constant 0 : index
        %swap3A_664 = tpu.vector_load %arg11[%swap3A_662, %swap3A_663] {strides = array<i32>} : memref<128x128xf32, #tpu.memory_space<vmem>>, vector<16xf32>,
        tpu.vector_store %arg11[%swap3A_662, %swap3A_663], %mul3A_661 {strides = array<i32>} : memref<128x128xf32, #tpu.memory_space<vmem>>, vector<16xf32>,
        %get3A_665 = arith.index_cast %add3A_656 : i32 to index
        %get3A_666 = arith.constant 16 : index
        %get3A_667 = tpu.vector_load %arg11[%get3A_665, %get3A_666] {strides = array<i32>} : memref<128x128xf32, #tpu.memory_space<vmem>>, vector<16xf32>,
        %mul3A_668 = vector.broadcast %squeeze3A_652 : f32 to vector<16xf32>
        %mul3A_669 = arith.mulf %get3A_667, %mul3A_668 : vector<16xf32>
        %swap3A_670 = arith.index_cast %add3A_656 : i32 to index
        %swap3A_671 = arith.constant 16 : index
        %swap3A_672 = tpu.vector_load %arg11[%swap3A_670, %swap3A_671] {strides = array<i32>} : memref<128x128xf32, #tpu.memory_space<vmem>>, vector<16xf32>,
        tpu.vector_store %arg11[%swap3A_670, %swap3A_671], %mul3A_669 {strides = array<i32>} : memref<128x128xf32, #tpu.memory_space<vmem>>, vector<16xf32>,
        %get3A_673 = arith.index_cast %add3A_656 : i32 to index
        %get3A_674 = arith.constant 32 : index
        %get3A_675 = tpu.vector_load %arg11[%get3A_673, %get3A_674] {strides = array<i32>} : memref<128x128xf32, #tpu.memory_space<vmem>>, vector<16xf32>,
        %mul3A_676 = vector.broadcast %squeeze3A_652 : f32 to vector<16xf32>
        %mul3A_677 = arith.mulf %get3A_675, %mul3A_676 : vector<16xf32>
        %swap3A_678 = arith.index_cast %add3A_656 : i32 to index
        %swap3A_679 = arith.constant 32 : index
        %swap3A_680 = tpu.vector_load %arg11[%swap3A_678, %swap3A_679] {strides = array<i32>} : memref<128x128xf32, #tpu.memory_space<vmem>>, vector<16xf32>,
        tpu.vector_store %arg11[%swap3A_678, %swap3A_679], %mul3A_677 {strides = array<i32>} : memref<128x128xf32, #tpu.memory_space<vmem>>, vector<16xf32>,
        %get3A_681 = arith.index_cast %add3A_656 : i32 to index
        %get3A_682 = arith.constant 48 : index
        %get3A_683 = tpu.vector_load %arg11[%get3A_681, %get3A_682] {strides = array<i32>} : memref<128x128xf32, #tpu.memory_space<vmem>>, vector<16xf32>,
        %mul3A_684 = vector.broadcast %squeeze3A_652 : f32 to vector<16xf32>
        %mul3A_685 = arith.mulf %get3A_683, %mul3A_684 : vector<16xf32>
        %swap3A_686 = arith.index_cast %add3A_656 : i32 to index
        %swap3A_687 = arith.constant 48 : index
        %swap3A_688 = tpu.vector_load %arg11[%swap3A_686, %swap3A_687] {strides = array<i32>} : memref<128x128xf32, #tpu.memory_space<vmem>>, vector<16xf32>,
        tpu.vector_store %arg11[%swap3A_686, %swap3A_687], %mul3A_685 {strides = array<i32>} : memref<128x128xf32, #tpu.memory_space<vmem>>, vector<16xf32>,
        %get3A_689 = arith.index_cast %add3A_656 : i32 to index
        %get3A_690 = arith.constant 64 : index
        %get3A_691 = tpu.vector_load %arg11[%get3A_689, %get3A_690] {strides = array<i32>} : memref<128x128xf32, #tpu.memory_space<vmem>>, vector<16xf32>,
        %mul3A_692 = vector.broadcast %squeeze3A_652 : f32 to vector<16xf32>
        %mul3A_693 = arith.mulf %get3A_691, %mul3A_692 : vector<16xf32>
        %swap3A_694 = arith.index_cast %add3A_656 : i32 to index
        %swap3A_695 = arith.constant 64 : index
        %swap3A_696 = tpu.vector_load %arg11[%swap3A_694, %swap3A_695] {strides = array<i32>} : memref<128x128xf32, #tpu.memory_space<vmem>>, vector<16xf32>,
        tpu.vector_store %arg11[%swap3A_694, %swap3A_695], %mul3A_693 {strides = array<i32>} : memref<128x128xf32, #tpu.memory_space<vmem>>, vector<16xf32>,
        %get3A_697 = arith.index_cast %add3A_656 : i32 to index
        %get3A_698 = arith.constant 80 : index
        %get3A_699 = tpu.vector_load %arg11[%get3A_697, %get3A_698] {strides = array<i32>} : memref<128x128xf32, #tpu.memory_space<vmem>>, vector<16xf32>,
        %mul3A_700 = vector.broadcast %squeeze3A_652 : f32 to vector<16xf32>
        %mul3A_701 = arith.mulf %get3A_699, %mul3A_700 : vector<16xf32>
        %swap3A_702 = arith.index_cast %add3A_656 : i32 to index
        %swap3A_703 = arith.constant 80 : index
        %swap3A_704 = tpu.vector_load %arg11[%swap3A_702, %swap3A_703] {strides = array<i32>} : memref<128x128xf32, #tpu.memory_space<vmem>>, vector<16xf32>,
        tpu.vector_store %arg11[%swap3A_702, %swap3A_703], %mul3A_701 {strides = array<i32>} : memref<128x128xf32, #tpu.memory_space<vmem>>, vector<16xf32>,
        %get3A_705 = arith.index_cast %add3A_656 : i32 to index
        %get3A_706 = arith.constant 96 : index
        %get3A_707 = tpu.vector_load %arg11[%get3A_705, %get3A_706] {strides = array<i32>} : memref<128x128xf32, #tpu.memory_space<vmem>>, vector<16xf32>,
        %mul3A_708 = vector.broadcast %squeeze3A_652 : f32 to vector<16xf32>
        %mul3A_709 = arith.mulf %get3A_707, %mul3A_708 : vector<16xf32>
        %swap3A_710 = arith.index_cast %add3A_656 : i32 to index
        %swap3A_711 = arith.constant 96 : index
        %swap3A_712 = tpu.vector_load %arg11[%swap3A_710, %swap3A_711] {strides = array<i32>} : memref<128x128xf32, #tpu.memory_space<vmem>>, vector<16xf32>,
        tpu.vector_store %arg11[%swap3A_710, %swap3A_711], %mul3A_709 {strides = array<i32>} : memref<128x128xf32, #tpu.memory_space<vmem>>, vector<16xf32>,
        %get3A_713 = arith.index_cast %add3A_656 : i32 to index
        %get3A_714 = arith.constant 112 : index
        %get3A_715 = tpu.vector_load %arg11[%get3A_713, %get3A_714] {strides = array<i32>} : memref<128x128xf32, #tpu.memory_space<vmem>>, vector<16xf32>,
        %mul3A_716 = vector.broadcast %squeeze3A_652 : f32 to vector<16xf32>
        %mul3A_717 = arith.mulf %get3A_715, %mul3A_716 : vector<16xf32>
        %swap3A_718 = arith.index_cast %add3A_656 : i32 to index
        %swap3A_719 = arith.constant 112 : index
        %swap3A_720 = tpu.vector_load %arg11[%swap3A_718, %swap3A_719] {strides = array<i32>} : memref<128x128xf32, #tpu.memory_space<vmem>>, vector<16xf32>,
        tpu.vector_store %arg11[%swap3A_718, %swap3A_719], %mul3A_717 {strides = array<i32>} : memref<128x128xf32, #tpu.memory_space<vmem>>, vector<16xf32>,
        %slice3A_721 = vector.extract_strided_slice %get3A_443 {offsets = [4], sizes = [1], strides = [1]} : vector<16xf32> to vector<1xf32>
        %squeeze3A_722 = vector.extract %slice3A_721[0] : f32 from vector<1xf32>
        %mul3A_723 = arith.constant 16 : i32
        %mul3A_724 = arith.muli %scan3A_437, %mul3A_723 : i32
        %add3A_725 = arith.constant 4 : i32
        %add3A_726 = arith.addi %mul3A_724, %add3A_725 : i32
        %get3A_727 = arith.index_cast %add3A_726 : i32 to index
        %get3A_728 = arith.constant 0 : index
        %get3A_729 = tpu.vector_load %arg11[%get3A_727, %get3A_728] {strides = array<i32>} : memref<128x128xf32, #tpu.memory_space<vmem>>, vector<16xf32>,
        %mul3A_730 = vector.broadcast %squeeze3A_722 : f32 to vector<16xf32>
        %mul3A_731 = arith.mulf %get3A_729, %mul3A_730 : vector<16xf32>
        %swap3A_732 = arith.index_cast %add3A_726 : i32 to index
        %swap3A_733 = arith.constant 0 : index
        %swap3A_734 = tpu.vector_load %arg11[%swap3A_732, %swap3A_733] {strides = array<i32>} : memref<128x128xf32, #tpu.memory_space<vmem>>, vector<16xf32>,
        tpu.vector_store %arg11[%swap3A_732, %swap3A_733], %mul3A_731 {strides = array<i32>} : memref<128x128xf32, #tpu.memory_space<vmem>>, vector<16xf32>,
        %get3A_735 = arith.index_cast %add3A_726 : i32 to index
        %get3A_736 = arith.constant 16 : index
        %get3A_737 = tpu.vector_load %arg11[%get3A_735, %get3A_736] {strides = array<i32>} : memref<128x128xf32, #tpu.memory_space<vmem>>, vector<16xf32>,
        %mul3A_738 = vector.broadcast %squeeze3A_722 : f32 to vector<16xf32>
        %mul3A_739 = arith.mulf %get3A_737, %mul3A_738 : vector<16xf32>
        %swap3A_740 = arith.index_cast %add3A_726 : i32 to index
        %swap3A_741 = arith.constant 16 : index
        %swap3A_742 = tpu.vector_load %arg11[%swap3A_740, %swap3A_741] {strides = array<i32>} : memref<128x128xf32, #tpu.memory_space<vmem>>, vector<16xf32>,
        tpu.vector_store %arg11[%swap3A_740, %swap3A_741], %mul3A_739 {strides = array<i32>} : memref<128x128xf32, #tpu.memory_space<vmem>>, vector<16xf32>,
        %get3A_743 = arith.index_cast %add3A_726 : i32 to index
        %get3A_744 = arith.constant 32 : index
        %get3A_745 = tpu.vector_load %arg11[%get3A_743, %get3A_744] {strides = array<i32>} : memref<128x128xf32, #tpu.memory_space<vmem>>, vector<16xf32>,
        %mul3A_746 = vector.broadcast %squeeze3A_722 : f32 to vector<16xf32>
        %mul3A_747 = arith.mulf %get3A_745, %mul3A_746 : vector<16xf32>
        %swap3A_748 = arith.index_cast %add3A_726 : i32 to index
        %swap3A_749 = arith.constant 32 : index
        %swap3A_750 = tpu.vector_load %arg11[%swap3A_748, %swap3A_749] {strides = array<i32>} : memref<128x128xf32, #tpu.memory_space<vmem>>, vector<16xf32>,
        tpu.vector_store %arg11[%swap3A_748, %swap3A_749], %mul3A_747 {strides = array<i32>} : memref<128x128xf32, #tpu.memory_space<vmem>>, vector<16xf32>,
        %get3A_751 = arith.index_cast %add3A_726 : i32 to index
        %get3A_752 = arith.constant 48 : index
        %get3A_753 = tpu.vector_load %arg11[%get3A_751, %get3A_752] {strides = array<i32>} : memref<128x128xf32, #tpu.memory_space<vmem>>, vector<16xf32>,
        %mul3A_754 = vector.broadcast %squeeze3A_722 : f32 to vector<16xf32>
        %mul3A_755 = arith.mulf %get3A_753, %mul3A_754 : vector<16xf32>
        %swap3A_756 = arith.index_cast %add3A_726 : i32 to index
        %swap3A_757 = arith.constant 48 : index
        %swap3A_758 = tpu.vector_load %arg11[%swap3A_756, %swap3A_757] {strides = array<i32>} : memref<128x128xf32, #tpu.memory_space<vmem>>, vector<16xf32>,
        tpu.vector_store %arg11[%swap3A_756, %swap3A_757], %mul3A_755 {strides = array<i32>} : memref<128x128xf32, #tpu.memory_space<vmem>>, vector<16xf32>,
        %get3A_759 = arith.index_cast %add3A_726 : i32 to index
        %get3A_760 = arith.constant 64 : index
        %get3A_761 = tpu.vector_load %arg11[%get3A_759, %get3A_760] {strides = array<i32>} : memref<128x128xf32, #tpu.memory_space<vmem>>, vector<16xf32>,
        %mul3A_762 = vector.broadcast %squeeze3A_722 : f32 to vector<16xf32>
        %mul3A_763 = arith.mulf %get3A_761, %mul3A_762 : vector<16xf32>
        %swap3A_764 = arith.index_cast %add3A_726 : i32 to index
        %swap3A_765 = arith.constant 64 : index
        %swap3A_766 = tpu.vector_load %arg11[%swap3A_764, %swap3A_765] {strides = array<i32>} : memref<128x128xf32, #tpu.memory_space<vmem>>, vector<16xf32>,
        tpu.vector_store %arg11[%swap3A_764, %swap3A_765], %mul3A_763 {strides = array<i32>} : memref<128x128xf32, #tpu.memory_space<vmem>>, vector<16xf32>,
        %get3A_767 = arith.index_cast %add3A_726 : i32 to index
        %get3A_768 = arith.constant 80 : index
        %get3A_769 = tpu.vector_load %arg11[%get3A_767, %get3A_768] {strides = array<i32>} : memref<128x128xf32, #tpu.memory_space<vmem>>, vector<16xf32>,
        %mul3A_770 = vector.broadcast %squeeze3A_722 : f32 to vector<16xf32>
        %mul3A_771 = arith.mulf %get3A_769, %mul3A_770 : vector<16xf32>
        %swap3A_772 = arith.index_cast %add3A_726 : i32 to index
        %swap3A_773 = arith.constant 80 : index
        %swap3A_774 = tpu.vector_load %arg11[%swap3A_772, %swap3A_773] {strides = array<i32>} : memref<128x128xf32, #tpu.memory_space<vmem>>, vector<16xf32>,
        tpu.vector_store %arg11[%swap3A_772, %swap3A_773], %mul3A_771 {strides = array<i32>} : memref<128x128xf32, #tpu.memory_space<vmem>>, vector<16xf32>,
        %get3A_775 = arith.index_cast %add3A_726 : i32 to index
        %get3A_776 = arith.constant 96 : index
        %get3A_777 = tpu.vector_load %arg11[%get3A_775, %get3A_776] {strides = array<i32>} : memref<128x128xf32, #tpu.memory_space<vmem>>, vector<16xf32>,
        %mul3A_778 = vector.broadcast %squeeze3A_722 : f32 to vector<16xf32>
        %mul3A_779 = arith.mulf %get3A_777, %mul3A_778 : vector<16xf32>
        %swap3A_780 = arith.index_cast %add3A_726 : i32 to index
        %swap3A_781 = arith.constant 96 : index
        %swap3A_782 = tpu.vector_load %arg11[%swap3A_780, %swap3A_781] {strides = array<i32>} : memref<128x128xf32, #tpu.memory_space<vmem>>, vector<16xf32>,
        tpu.vector_store %arg11[%swap3A_780, %swap3A_781], %mul3A_779 {strides = array<i32>} : memref<128x128xf32, #tpu.memory_space<vmem>>, vector<16xf32>,
        %get3A_783 = arith.index_cast %add3A_726 : i32 to index
        %get3A_784 = arith.constant 112 : index
        %get3A_785 = tpu.vector_load %arg11[%get3A_783, %get3A_784] {strides = array<i32>} : memref<128x128xf32, #tpu.memory_space<vmem>>, vector<16xf32>,
        %mul3A_786 = vector.broadcast %squeeze3A_722 : f32 to vector<16xf32>
        %mul3A_787 = arith.mulf %get3A_785, %mul3A_786 : vector<16xf32>
        %swap3A_788 = arith.index_cast %add3A_726 : i32 to index
        %swap3A_789 = arith.constant 112 : index
        %swap3A_790 = tpu.vector_load %arg11[%swap3A_788, %swap3A_789] {strides = array<i32>} : memref<128x128xf32, #tpu.memory_space<vmem>>, vector<16xf32>,
        tpu.vector_store %arg11[%swap3A_788, %swap3A_789], %mul3A_787 {strides = array<i32>} : memref<128x128xf32, #tpu.memory_space<vmem>>, vector<16xf32>,
        %slice3A_791 = vector.extract_strided_slice %get3A_443 {offsets = [5], sizes = [1], strides = [1]} : vector<16xf32> to vector<1xf32>
        %squeeze3A_792 = vector.extract %slice3A_791[0] : f32 from vector<1xf32>
        %mul3A_793 = arith.constant 16 : i32
        %mul3A_794 = arith.muli %scan3A_437, %mul3A_793 : i32
        %add3A_795 = arith.constant 5 : i32
        %add3A_796 = arith.addi %mul3A_794, %add3A_795 : i32
        %get3A_797 = arith.index_cast %add3A_796 : i32 to index
        %get3A_798 = arith.constant 0 : index
        %get3A_799 = tpu.vector_load %arg11[%get3A_797, %get3A_798] {strides = array<i32>} : memref<128x128xf32, #tpu.memory_space<vmem>>, vector<16xf32>,
        %mul3A_800 = vector.broadcast %squeeze3A_792 : f32 to vector<16xf32>
        %mul3A_801 = arith.mulf %get3A_799, %mul3A_800 : vector<16xf32>
        %swap3A_802 = arith.index_cast %add3A_796 : i32 to index
        %swap3A_803 = arith.constant 0 : index
        %swap3A_804 = tpu.vector_load %arg11[%swap3A_802, %swap3A_803] {strides = array<i32>} : memref<128x128xf32, #tpu.memory_space<vmem>>, vector<16xf32>,
        tpu.vector_store %arg11[%swap3A_802, %swap3A_803], %mul3A_801 {strides = array<i32>} : memref<128x128xf32, #tpu.memory_space<vmem>>, vector<16xf32>,
        %get3A_805 = arith.index_cast %add3A_796 : i32 to index
        %get3A_806 = arith.constant 16 : index
        %get3A_807 = tpu.vector_load %arg11[%get3A_805, %get3A_806] {strides = array<i32>} : memref<128x128xf32, #tpu.memory_space<vmem>>, vector<16xf32>,
        %mul3A_808 = vector.broadcast %squeeze3A_792 : f32 to vector<16xf32>
        %mul3A_809 = arith.mulf %get3A_807, %mul3A_808 : vector<16xf32>
        %swap3A_810 = arith.index_cast %add3A_796 : i32 to index
        %swap3A_811 = arith.constant 16 : index
        %swap3A_812 = tpu.vector_load %arg11[%swap3A_810, %swap3A_811] {strides = array<i32>} : memref<128x128xf32, #tpu.memory_space<vmem>>, vector<16xf32>,
        tpu.vector_store %arg11[%swap3A_810, %swap3A_811], %mul3A_809 {strides = array<i32>} : memref<128x128xf32, #tpu.memory_space<vmem>>, vector<16xf32>,
        %get3A_813 = arith.index_cast %add3A_796 : i32 to index
        %get3A_814 = arith.constant 32 : index
        %get3A_815 = tpu.vector_load %arg11[%get3A_813, %get3A_814] {strides = array<i32>} : memref<128x128xf32, #tpu.memory_space<vmem>>, vector<16xf32>,
        %mul3A_816 = vector.broadcast %squeeze3A_792 : f32 to vector<16xf32>
        %mul3A_817 = arith.mulf %get3A_815, %mul3A_816 : vector<16xf32>
        %swap3A_818 = arith.index_cast %add3A_796 : i32 to index
        %swap3A_819 = arith.constant 32 : index
        %swap3A_820 = tpu.vector_load %arg11[%swap3A_818, %swap3A_819] {strides = array<i32>} : memref<128x128xf32, #tpu.memory_space<vmem>>, vector<16xf32>,
        tpu.vector_store %arg11[%swap3A_818, %swap3A_819], %mul3A_817 {strides = array<i32>} : memref<128x128xf32, #tpu.memory_space<vmem>>, vector<16xf32>,
        %get3A_821 = arith.index_cast %add3A_796 : i32 to index
        %get3A_822 = arith.constant 48 : index
        %get3A_823 = tpu.vector_load %arg11[%get3A_821, %get3A_822] {strides = array<i32>} : memref<128x128xf32, #tpu.memory_space<vmem>>, vector<16xf32>,
        %mul3A_824 = vector.broadcast %squeeze3A_792 : f32 to vector<16xf32>
        %mul3A_825 = arith.mulf %get3A_823, %mul3A_824 : vector<16xf32>
        %swap3A_826 = arith.index_cast %add3A_796 : i32 to index
        %swap3A_827 = arith.constant 48 : index
        %swap3A_828 = tpu.vector_load %arg11[%swap3A_826, %swap3A_827] {strides = array<i32>} : memref<128x128xf32, #tpu.memory_space<vmem>>, vector<16xf32>,
        tpu.vector_store %arg11[%swap3A_826, %swap3A_827], %mul3A_825 {strides = array<i32>} : memref<128x128xf32, #tpu.memory_space<vmem>>, vector<16xf32>,
        %get3A_829 = arith.index_cast %add3A_796 : i32 to index
        %get3A_830 = arith.constant 64 : index
        %get3A_831 = tpu.vector_load %arg11[%get3A_829, %get3A_830] {strides = array<i32>} : memref<128x128xf32, #tpu.memory_space<vmem>>, vector<16xf32>,
        %mul3A_832 = vector.broadcast %squeeze3A_792 : f32 to vector<16xf32>
        %mul3A_833 = arith.mulf %get3A_831, %mul3A_832 : vector<16xf32>
        %swap3A_834 = arith.index_cast %add3A_796 : i32 to index
        %swap3A_835 = arith.constant 64 : index
        %swap3A_836 = tpu.vector_load %arg11[%swap3A_834, %swap3A_835] {strides = array<i32>} : memref<128x128xf32, #tpu.memory_space<vmem>>, vector<16xf32>,
        tpu.vector_store %arg11[%swap3A_834, %swap3A_835], %mul3A_833 {strides = array<i32>} : memref<128x128xf32, #tpu.memory_space<vmem>>, vector<16xf32>,
        %get3A_837 = arith.index_cast %add3A_796 : i32 to index
        %get3A_838 = arith.constant 80 : index
        %get3A_839 = tpu.vector_load %arg11[%get3A_837, %get3A_838] {strides = array<i32>} : memref<128x128xf32, #tpu.memory_space<vmem>>, vector<16xf32>,
        %mul3A_840 = vector.broadcast %squeeze3A_792 : f32 to vector<16xf32>
        %mul3A_841 = arith.mulf %get3A_839, %mul3A_840 : vector<16xf32>
        %swap3A_842 = arith.index_cast %add3A_796 : i32 to index
        %swap3A_843 = arith.constant 80 : index
        %swap3A_844 = tpu.vector_load %arg11[%swap3A_842, %swap3A_843] {strides = array<i32>} : memref<128x128xf32, #tpu.memory_space<vmem>>, vector<16xf32>,
        tpu.vector_store %arg11[%swap3A_842, %swap3A_843], %mul3A_841 {strides = array<i32>} : memref<128x128xf32, #tpu.memory_space<vmem>>, vector<16xf32>,
        %get3A_845 = arith.index_cast %add3A_796 : i32 to index
        %get3A_846 = arith.constant 96 : index
        %get3A_847 = tpu.vector_load %arg11[%get3A_845, %get3A_846] {strides = array<i32>} : memref<128x128xf32, #tpu.memory_space<vmem>>, vector<16xf32>,
        %mul3A_848 = vector.broadcast %squeeze3A_792 : f32 to vector<16xf32>
        %mul3A_849 = arith.mulf %get3A_847, %mul3A_848 : vector<16xf32>
        %swap3A_850 = arith.index_cast %add3A_796 : i32 to index
        %swap3A_851 = arith.constant 96 : index
        %swap3A_852 = tpu.vector_load %arg11[%swap3A_850, %swap3A_851] {strides = array<i32>} : memref<128x128xf32, #tpu.memory_space<vmem>>, vector<16xf32>,
        tpu.vector_store %arg11[%swap3A_850, %swap3A_851], %mul3A_849 {strides = array<i32>} : memref<128x128xf32, #tpu.memory_space<vmem>>, vector<16xf32>,
        %get3A_853 = arith.index_cast %add3A_796 : i32 to index
        %get3A_854 = arith.constant 112 : index
        %get3A_855 = tpu.vector_load %arg11[%get3A_853, %get3A_854] {strides = array<i32>} : memref<128x128xf32, #tpu.memory_space<vmem>>, vector<16xf32>,
        %mul3A_856 = vector.broadcast %squeeze3A_792 : f32 to vector<16xf32>
        %mul3A_857 = arith.mulf %get3A_855, %mul3A_856 : vector<16xf32>
        %swap3A_858 = arith.index_cast %add3A_796 : i32 to index
        %swap3A_859 = arith.constant 112 : index
        %swap3A_860 = tpu.vector_load %arg11[%swap3A_858, %swap3A_859] {strides = array<i32>} : memref<128x128xf32, #tpu.memory_space<vmem>>, vector<16xf32>,
        tpu.vector_store %arg11[%swap3A_858, %swap3A_859], %mul3A_857 {strides = array<i32>} : memref<128x128xf32, #tpu.memory_space<vmem>>, vector<16xf32>,
        %slice3A_861 = vector.extract_strided_slice %get3A_443 {offsets = [6], sizes = [1], strides = [1]} : vector<16xf32> to vector<1xf32>
        %squeeze3A_862 = vector.extract %slice3A_861[0] : f32 from vector<1xf32>
        %mul3A_863 = arith.constant 16 : i32
        %mul3A_864 = arith.muli %scan3A_437, %mul3A_863 : i32
        %add3A_865 = arith.constant 6 : i32
        %add3A_866 = arith.addi %mul3A_864, %add3A_865 : i32
        %get3A_867 = arith.index_cast %add3A_866 : i32 to index
        %get3A_868 = arith.constant 0 : index
        %get3A_869 = tpu.vector_load %arg11[%get3A_867, %get3A_868] {strides = array<i32>} : memref<128x128xf32, #tpu.memory_space<vmem>>, vector<16xf32>,
        %mul3A_870 = vector.broadcast %squeeze3A_862 : f32 to vector<16xf32>
        %mul3A_871 = arith.mulf %get3A_869, %mul3A_870 : vector<16xf32>
        %swap3A_872 = arith.index_cast %add3A_866 : i32 to index
        %swap3A_873 = arith.constant 0 : index
        %swap3A_874 = tpu.vector_load %arg11[%swap3A_872, %swap3A_873] {strides = array<i32>} : memref<128x128xf32, #tpu.memory_space<vmem>>, vector<16xf32>,
        tpu.vector_store %arg11[%swap3A_872, %swap3A_873], %mul3A_871 {strides = array<i32>} : memref<128x128xf32, #tpu.memory_space<vmem>>, vector<16xf32>,
        %get3A_875 = arith.index_cast %add3A_866 : i32 to index
        %get3A_876 = arith.constant 16 : index
        %get3A_877 = tpu.vector_load %arg11[%get3A_875, %get3A_876] {strides = array<i32>} : memref<128x128xf32, #tpu.memory_space<vmem>>, vector<16xf32>,
        %mul3A_878 = vector.broadcast %squeeze3A_862 : f32 to vector<16xf32>
        %mul3A_879 = arith.mulf %get3A_877, %mul3A_878 : vector<16xf32>
        %swap3A_880 = arith.index_cast %add3A_866 : i32 to index
        %swap3A_881 = arith.constant 16 : index
        %swap3A_882 = tpu.vector_load %arg11[%swap3A_880, %swap3A_881] {strides = array<i32>} : memref<128x128xf32, #tpu.memory_space<vmem>>, vector<16xf32>,
        tpu.vector_store %arg11[%swap3A_880, %swap3A_881], %mul3A_879 {strides = array<i32>} : memref<128x128xf32, #tpu.memory_space<vmem>>, vector<16xf32>,
        %get3A_883 = arith.index_cast %add3A_866 : i32 to index
        %get3A_884 = arith.constant 32 : index
        %get3A_885 = tpu.vector_load %arg11[%get3A_883, %get3A_884] {strides = array<i32>} : memref<128x128xf32, #tpu.memory_space<vmem>>, vector<16xf32>,
        %mul3A_886 = vector.broadcast %squeeze3A_862 : f32 to vector<16xf32>
        %mul3A_887 = arith.mulf %get3A_885, %mul3A_886 : vector<16xf32>
        %swap3A_888 = arith.index_cast %add3A_866 : i32 to index
        %swap3A_889 = arith.constant 32 : index
        %swap3A_890 = tpu.vector_load %arg11[%swap3A_888, %swap3A_889] {strides = array<i32>} : memref<128x128xf32, #tpu.memory_space<vmem>>, vector<16xf32>,
        tpu.vector_store %arg11[%swap3A_888, %swap3A_889], %mul3A_887 {strides = array<i32>} : memref<128x128xf32, #tpu.memory_space<vmem>>, vector<16xf32>,
        %get3A_891 = arith.index_cast %add3A_866 : i32 to index
        %get3A_892 = arith.constant 48 : index
        %get3A_893 = tpu.vector_load %arg11[%get3A_891, %get3A_892] {strides = array<i32>} : memref<128x128xf32, #tpu.memory_space<vmem>>, vector<16xf32>,
        %mul3A_894 = vector.broadcast %squeeze3A_862 : f32 to vector<16xf32>
        %mul3A_895 = arith.mulf %get3A_893, %mul3A_894 : vector<16xf32>
        %swap3A_896 = arith.index_cast %add3A_866 : i32 to index
        %swap3A_897 = arith.constant 48 : index
        %swap3A_898 = tpu.vector_load %arg11[%swap3A_896, %swap3A_897] {strides = array<i32>} : memref<128x128xf32, #tpu.memory_space<vmem>>, vector<16xf32>,
        tpu.vector_store %arg11[%swap3A_896, %swap3A_897], %mul3A_895 {strides = array<i32>} : memref<128x128xf32, #tpu.memory_space<vmem>>, vector<16xf32>,
        %get3A_899 = arith.index_cast %add3A_866 : i32 to index
        %get3A_900 = arith.constant 64 : index
        %get3A_901 = tpu.vector_load %arg11[%get3A_899, %get3A_900] {strides = array<i32>} : memref<128x128xf32, #tpu.memory_space<vmem>>, vector<16xf32>,
        %mul3A_902 = vector.broadcast %squeeze3A_862 : f32 to vector<16xf32>
        %mul3A_903 = arith.mulf %get3A_901, %mul3A_902 : vector<16xf32>
        %swap3A_904 = arith.index_cast %add3A_866 : i32 to index
        %swap3A_905 = arith.constant 64 : index
        %swap3A_906 = tpu.vector_load %arg11[%swap3A_904, %swap3A_905] {strides = array<i32>} : memref<128x128xf32, #tpu.memory_space<vmem>>, vector<16xf32>,
        tpu.vector_store %arg11[%swap3A_904, %swap3A_905], %mul3A_903 {strides = array<i32>} : memref<128x128xf32, #tpu.memory_space<vmem>>, vector<16xf32>,
        %get3A_907 = arith.index_cast %add3A_866 : i32 to index
        %get3A_908 = arith.constant 80 : index
        %get3A_909 = tpu.vector_load %arg11[%get3A_907, %get3A_908] {strides = array<i32>} : memref<128x128xf32, #tpu.memory_space<vmem>>, vector<16xf32>,
        %mul3A_910 = vector.broadcast %squeeze3A_862 : f32 to vector<16xf32>
        %mul3A_911 = arith.mulf %get3A_909, %mul3A_910 : vector<16xf32>
        %swap3A_912 = arith.index_cast %add3A_866 : i32 to index
        %swap3A_913 = arith.constant 80 : index
        %swap3A_914 = tpu.vector_load %arg11[%swap3A_912, %swap3A_913] {strides = array<i32>} : memref<128x128xf32, #tpu.memory_space<vmem>>, vector<16xf32>,
        tpu.vector_store %arg11[%swap3A_912, %swap3A_913], %mul3A_911 {strides = array<i32>} : memref<128x128xf32, #tpu.memory_space<vmem>>, vector<16xf32>,
        %get3A_915 = arith.index_cast %add3A_866 : i32 to index
        %get3A_916 = arith.constant 96 : index
        %get3A_917 = tpu.vector_load %arg11[%get3A_915, %get3A_916] {strides = array<i32>} : memref<128x128xf32, #tpu.memory_space<vmem>>, vector<16xf32>,
        %mul3A_918 = vector.broadcast %squeeze3A_862 : f32 to vector<16xf32>
        %mul3A_919 = arith.mulf %get3A_917, %mul3A_918 : vector<16xf32>
        %swap3A_920 = arith.index_cast %add3A_866 : i32 to index
        %swap3A_921 = arith.constant 96 : index
        %swap3A_922 = tpu.vector_load %arg11[%swap3A_920, %swap3A_921] {strides = array<i32>} : memref<128x128xf32, #tpu.memory_space<vmem>>, vector<16xf32>,
        tpu.vector_store %arg11[%swap3A_920, %swap3A_921], %mul3A_919 {strides = array<i32>} : memref<128x128xf32, #tpu.memory_space<vmem>>, vector<16xf32>,
        %get3A_923 = arith.index_cast %add3A_866 : i32 to index
        %get3A_924 = arith.constant 112 : index
        %get3A_925 = tpu.vector_load %arg11[%get3A_923, %get3A_924] {strides = array<i32>} : memref<128x128xf32, #tpu.memory_space<vmem>>, vector<16xf32>,
        %mul3A_926 = vector.broadcast %squeeze3A_862 : f32 to vector<16xf32>
        %mul3A_927 = arith.mulf %get3A_925, %mul3A_926 : vector<16xf32>
        %swap3A_928 = arith.index_cast %add3A_866 : i32 to index
        %swap3A_929 = arith.constant 112 : index
        %swap3A_930 = tpu.vector_load %arg11[%swap3A_928, %swap3A_929] {strides = array<i32>} : memref<128x128xf32, #tpu.memory_space<vmem>>, vector<16xf32>,
        tpu.vector_store %arg11[%swap3A_928, %swap3A_929], %mul3A_927 {strides = array<i32>} : memref<128x128xf32, #tpu.memory_space<vmem>>, vector<16xf32>,
        %slice3A_931 = vector.extract_strided_slice %get3A_443 {offsets = [7], sizes = [1], strides = [1]} : vector<16xf32> to vector<1xf32>
        %squeeze3A_932 = vector.extract %slice3A_931[0] : f32 from vector<1xf32>
        %mul3A_933 = arith.constant 16 : i32
        %mul3A_934 = arith.muli %scan3A_437, %mul3A_933 : i32
        %add3A_935 = arith.constant 7 : i32
        %add3A_936 = arith.addi %mul3A_934, %add3A_935 : i32
        %get3A_937 = arith.index_cast %add3A_936 : i32 to index
        %get3A_938 = arith.constant 0 : index
        %get3A_939 = tpu.vector_load %arg11[%get3A_937, %get3A_938] {strides = array<i32>} : memref<128x128xf32, #tpu.memory_space<vmem>>, vector<16xf32>,
        %mul3A_940 = vector.broadcast %squeeze3A_932 : f32 to vector<16xf32>
        %mul3A_941 = arith.mulf %get3A_939, %mul3A_940 : vector<16xf32>
        %swap3A_942 = arith.index_cast %add3A_936 : i32 to index
        %swap3A_943 = arith.constant 0 : index
        %swap3A_944 = tpu.vector_load %arg11[%swap3A_942, %swap3A_943] {strides = array<i32>} : memref<128x128xf32, #tpu.memory_space<vmem>>, vector<16xf32>,
        tpu.vector_store %arg11[%swap3A_942, %swap3A_943], %mul3A_941 {strides = array<i32>} : memref<128x128xf32, #tpu.memory_space<vmem>>, vector<16xf32>,
        %get3A_945 = arith.index_cast %add3A_936 : i32 to index
        %get3A_946 = arith.constant 16 : index
        %get3A_947 = tpu.vector_load %arg11[%get3A_945, %get3A_946] {strides = array<i32>} : memref<128x128xf32, #tpu.memory_space<vmem>>, vector<16xf32>,
        %mul3A_948 = vector.broadcast %squeeze3A_932 : f32 to vector<16xf32>
        %mul3A_949 = arith.mulf %get3A_947, %mul3A_948 : vector<16xf32>
        %swap3A_950 = arith.index_cast %add3A_936 : i32 to index
        %swap3A_951 = arith.constant 16 : index
        %swap3A_952 = tpu.vector_load %arg11[%swap3A_950, %swap3A_951] {strides = array<i32>} : memref<128x128xf32, #tpu.memory_space<vmem>>, vector<16xf32>,
        tpu.vector_store %arg11[%swap3A_950, %swap3A_951], %mul3A_949 {strides = array<i32>} : memref<128x128xf32, #tpu.memory_space<vmem>>, vector<16xf32>,
        %get3A_953 = arith.index_cast %add3A_936 : i32 to index
        %get3A_954 = arith.constant 32 : index
        %get3A_955 = tpu.vector_load %arg11[%get3A_953, %get3A_954] {strides = array<i32>} : memref<128x128xf32, #tpu.memory_space<vmem>>, vector<16xf32>,
        %mul3A_956 = vector.broadcast %squeeze3A_932 : f32 to vector<16xf32>
        %mul3A_957 = arith.mulf %get3A_955, %mul3A_956 : vector<16xf32>
        %swap3A_958 = arith.index_cast %add3A_936 : i32 to index
        %swap3A_959 = arith.constant 32 : index
        %swap3A_960 = tpu.vector_load %arg11[%swap3A_958, %swap3A_959] {strides = array<i32>} : memref<128x128xf32, #tpu.memory_space<vmem>>, vector<16xf32>,
        tpu.vector_store %arg11[%swap3A_958, %swap3A_959], %mul3A_957 {strides = array<i32>} : memref<128x128xf32, #tpu.memory_space<vmem>>, vector<16xf32>,
        %get3A_961 = arith.index_cast %add3A_936 : i32 to index
        %get3A_962 = arith.constant 48 : index
        %get3A_963 = tpu.vector_load %arg11[%get3A_961, %get3A_962] {strides = array<i32>} : memref<128x128xf32, #tpu.memory_space<vmem>>, vector<16xf32>,
        %mul3A_964 = vector.broadcast %squeeze3A_932 : f32 to vector<16xf32>
        %mul3A_965 = arith.mulf %get3A_963, %mul3A_964 : vector<16xf32>
        %swap3A_966 = arith.index_cast %add3A_936 : i32 to index
        %swap3A_967 = arith.constant 48 : index
        %swap3A_968 = tpu.vector_load %arg11[%swap3A_966, %swap3A_967] {strides = array<i32>} : memref<128x128xf32, #tpu.memory_space<vmem>>, vector<16xf32>,
        tpu.vector_store %arg11[%swap3A_966, %swap3A_967], %mul3A_965 {strides = array<i32>} : memref<128x128xf32, #tpu.memory_space<vmem>>, vector<16xf32>,
        %get3A_969 = arith.index_cast %add3A_936 : i32 to index
        %get3A_970 = arith.constant 64 : index
        %get3A_971 = tpu.vector_load %arg11[%get3A_969, %get3A_970] {strides = array<i32>} : memref<128x128xf32, #tpu.memory_space<vmem>>, vector<16xf32>,
        %mul3A_972 = vector.broadcast %squeeze3A_932 : f32 to vector<16xf32>
        %mul3A_973 = arith.mulf %get3A_971, %mul3A_972 : vector<16xf32>
        %swap3A_974 = arith.index_cast %add3A_936 : i32 to index
        %swap3A_975 = arith.constant 64 : index
        %swap3A_976 = tpu.vector_load %arg11[%swap3A_974, %swap3A_975] {strides = array<i32>} : memref<128x128xf32, #tpu.memory_space<vmem>>, vector<16xf32>,
        tpu.vector_store %arg11[%swap3A_974, %swap3A_975], %mul3A_973 {strides = array<i32>} : memref<128x128xf32, #tpu.memory_space<vmem>>, vector<16xf32>,
        %get3A_977 = arith.index_cast %add3A_936 : i32 to index
        %get3A_978 = arith.constant 80 : index
        %get3A_979 = tpu.vector_load %arg11[%get3A_977, %get3A_978] {strides = array<i32>} : memref<128x128xf32, #tpu.memory_space<vmem>>, vector<16xf32>,
        %mul3A_980 = vector.broadcast %squeeze3A_932 : f32 to vector<16xf32>
        %mul3A_981 = arith.mulf %get3A_979, %mul3A_980 : vector<16xf32>
        %swap3A_982 = arith.index_cast %add3A_936 : i32 to index
        %swap3A_983 = arith.constant 80 : index
        %swap3A_984 = tpu.vector_load %arg11[%swap3A_982, %swap3A_983] {strides = array<i32>} : memref<128x128xf32, #tpu.memory_space<vmem>>, vector<16xf32>,
        tpu.vector_store %arg11[%swap3A_982, %swap3A_983], %mul3A_981 {strides = array<i32>} : memref<128x128xf32, #tpu.memory_space<vmem>>, vector<16xf32>,
        %get3A_985 = arith.index_cast %add3A_936 : i32 to index
        %get3A_986 = arith.constant 96 : index
        %get3A_987 = tpu.vector_load %arg11[%get3A_985, %get3A_986] {strides = array<i32>} : memref<128x128xf32, #tpu.memory_space<vmem>>, vector<16xf32>,
        %mul3A_988 = vector.broadcast %squeeze3A_932 : f32 to vector<16xf32>
        %mul3A_989 = arith.mulf %get3A_987, %mul3A_988 : vector<16xf32>
        %swap3A_990 = arith.index_cast %add3A_936 : i32 to index
        %swap3A_991 = arith.constant 96 : index
        %swap3A_992 = tpu.vector_load %arg11[%swap3A_990, %swap3A_991] {strides = array<i32>} : memref<128x128xf32, #tpu.memory_space<vmem>>, vector<16xf32>,
        tpu.vector_store %arg11[%swap3A_990, %swap3A_991], %mul3A_989 {strides = array<i32>} : memref<128x128xf32, #tpu.memory_space<vmem>>, vector<16xf32>,
        %get3A_993 = arith.index_cast %add3A_936 : i32 to index
        %get3A_994 = arith.constant 112 : index
        %get3A_995 = tpu.vector_load %arg11[%get3A_993, %get3A_994] {strides = array<i32>} : memref<128x128xf32, #tpu.memory_space<vmem>>, vector<16xf32>,
        %mul3A_996 = vector.broadcast %squeeze3A_932 : f32 to vector<16xf32>
        %mul3A_997 = arith.mulf %get3A_995, %mul3A_996 : vector<16xf32>
        %swap3A_998 = arith.index_cast %add3A_936 : i32 to index
        %swap3A_999 = arith.constant 112 : index
        %swap3A_1000 = tpu.vector_load %arg11[%swap3A_998, %swap3A_999] {strides = array<i32>} : memref<128x128xf32, #tpu.memory_space<vmem>>, vector<16xf32>,
        tpu.vector_store %arg11[%swap3A_998, %swap3A_999], %mul3A_997 {strides = array<i32>} : memref<128x128xf32, #tpu.memory_space<vmem>>, vector<16xf32>,
        %slice3A_1001 = vector.extract_strided_slice %get3A_443 {offsets = [8], sizes = [1], strides = [1]} : vector<16xf32> to vector<1xf32>
        %squeeze3A_1002 = vector.extract %slice3A_1001[0] : f32 from vector<1xf32>
        %mul3A_1003 = arith.constant 16 : i32
        %mul3A_1004 = arith.muli %scan3A_437, %mul3A_1003 : i32
        %add3A_1005 = arith.constant 8 : i32
        %add3A_1006 = arith.addi %mul3A_1004, %add3A_1005 : i32
        %get3A_1007 = arith.index_cast %add3A_1006 : i32 to index
        %get3A_1008 = arith.constant 0 : index
        %get3A_1009 = tpu.vector_load %arg11[%get3A_1007, %get3A_1008] {strides = array<i32>} : memref<128x128xf32, #tpu.memory_space<vmem>>, vector<16xf32>,
        %mul3A_1010 = vector.broadcast %squeeze3A_1002 : f32 to vector<16xf32>
        %mul3A_1011 = arith.mulf %get3A_1009, %mul3A_1010 : vector<16xf32>
        %swap3A_1012 = arith.index_cast %add3A_1006 : i32 to index
        %swap3A_1013 = arith.constant 0 : index
        %swap3A_1014 = tpu.vector_load %arg11[%swap3A_1012, %swap3A_1013] {strides = array<i32>} : memref<128x128xf32, #tpu.memory_space<vmem>>, vector<16xf32>,
        tpu.vector_store %arg11[%swap3A_1012, %swap3A_1013], %mul3A_1011 {strides = array<i32>} : memref<128x128xf32, #tpu.memory_space<vmem>>, vector<16xf32>,
        %get3A_1015 = arith.index_cast %add3A_1006 : i32 to index
        %get3A_1016 = arith.constant 16 : index
        %get3A_1017 = tpu.vector_load %arg11[%get3A_1015, %get3A_1016] {strides = array<i32>} : memref<128x128xf32, #tpu.memory_space<vmem>>, vector<16xf32>,
        %mul3A_1018 = vector.broadcast %squeeze3A_1002 : f32 to vector<16xf32>
        %mul3A_1019 = arith.mulf %get3A_1017, %mul3A_1018 : vector<16xf32>
        %swap3A_1020 = arith.index_cast %add3A_1006 : i32 to index
        %swap3A_1021 = arith.constant 16 : index
        %swap3A_1022 = tpu.vector_load %arg11[%swap3A_1020, %swap3A_1021] {strides = array<i32>} : memref<128x128xf32, #tpu.memory_space<vmem>>, vector<16xf32>,
        tpu.vector_store %arg11[%swap3A_1020, %swap3A_1021], %mul3A_1019 {strides = array<i32>} : memref<128x128xf32, #tpu.memory_space<vmem>>, vector<16xf32>,
        %get3A_1023 = arith.index_cast %add3A_1006 : i32 to index
        %get3A_1024 = arith.constant 32 : index
        %get3A_1025 = tpu.vector_load %arg11[%get3A_1023, %get3A_1024] {strides = array<i32>} : memref<128x128xf32, #tpu.memory_space<vmem>>, vector<16xf32>,
        %mul3A_1026 = vector.broadcast %squeeze3A_1002 : f32 to vector<16xf32>
        %mul3A_1027 = arith.mulf %get3A_1025, %mul3A_1026 : vector<16xf32>
        %swap3A_1028 = arith.index_cast %add3A_1006 : i32 to index
        %swap3A_1029 = arith.constant 32 : index
        %swap3A_1030 = tpu.vector_load %arg11[%swap3A_1028, %swap3A_1029] {strides = array<i32>} : memref<128x128xf32, #tpu.memory_space<vmem>>, vector<16xf32>,
        tpu.vector_store %arg11[%swap3A_1028, %swap3A_1029], %mul3A_1027 {strides = array<i32>} : memref<128x128xf32, #tpu.memory_space<vmem>>, vector<16xf32>,
        %get3A_1031 = arith.index_cast %add3A_1006 : i32 to index
        %get3A_1032 = arith.constant 48 : index
        %get3A_1033 = tpu.vector_load %arg11[%get3A_1031, %get3A_1032] {strides = array<i32>} : memref<128x128xf32, #tpu.memory_space<vmem>>, vector<16xf32>,
        %mul3A_1034 = vector.broadcast %squeeze3A_1002 : f32 to vector<16xf32>
        %mul3A_1035 = arith.mulf %get3A_1033, %mul3A_1034 : vector<16xf32>
        %swap3A_1036 = arith.index_cast %add3A_1006 : i32 to index
        %swap3A_1037 = arith.constant 48 : index
        %swap3A_1038 = tpu.vector_load %arg11[%swap3A_1036, %swap3A_1037] {strides = array<i32>} : memref<128x128xf32, #tpu.memory_space<vmem>>, vector<16xf32>,
        tpu.vector_store %arg11[%swap3A_1036, %swap3A_1037], %mul3A_1035 {strides = array<i32>} : memref<128x128xf32, #tpu.memory_space<vmem>>, vector<16xf32>,
        %get3A_1039 = arith.index_cast %add3A_1006 : i32 to index
        %get3A_1040 = arith.constant 64 : index
        %get3A_1041 = tpu.vector_load %arg11[%get3A_1039, %get3A_1040] {strides = array<i32>} : memref<128x128xf32, #tpu.memory_space<vmem>>, vector<16xf32>,
        %mul3A_1042 = vector.broadcast %squeeze3A_1002 : f32 to vector<16xf32>
        %mul3A_1043 = arith.mulf %get3A_1041, %mul3A_1042 : vector<16xf32>
        %swap3A_1044 = arith.index_cast %add3A_1006 : i32 to index
        %swap3A_1045 = arith.constant 64 : index
        %swap3A_1046 = tpu.vector_load %arg11[%swap3A_1044, %swap3A_1045] {strides = array<i32>} : memref<128x128xf32, #tpu.memory_space<vmem>>, vector<16xf32>,
        tpu.vector_store %arg11[%swap3A_1044, %swap3A_1045], %mul3A_1043 {strides = array<i32>} : memref<128x128xf32, #tpu.memory_space<vmem>>, vector<16xf32>,
        %get3A_1047 = arith.index_cast %add3A_1006 : i32 to index
        %get3A_1048 = arith.constant 80 : index
        %get3A_1049 = tpu.vector_load %arg11[%get3A_1047, %get3A_1048] {strides = array<i32>} : memref<128x128xf32, #tpu.memory_space<vmem>>, vector<16xf32>,
        %mul3A_1050 = vector.broadcast %squeeze3A_1002 : f32 to vector<16xf32>
        %mul3A_1051 = arith.mulf %get3A_1049, %mul3A_1050 : vector<16xf32>
        %swap3A_1052 = arith.index_cast %add3A_1006 : i32 to index
        %swap3A_1053 = arith.constant 80 : index
        %swap3A_1054 = tpu.vector_load %arg11[%swap3A_1052, %swap3A_1053] {strides = array<i32>} : memref<128x128xf32, #tpu.memory_space<vmem>>, vector<16xf32>,
        tpu.vector_store %arg11[%swap3A_1052, %swap3A_1053], %mul3A_1051 {strides = array<i32>} : memref<128x128xf32, #tpu.memory_space<vmem>>, vector<16xf32>,
        %get3A_1055 = arith.index_cast %add3A_1006 : i32 to index
        %get3A_1056 = arith.constant 96 : index
        %get3A_1057 = tpu.vector_load %arg11[%get3A_1055, %get3A_1056] {strides = array<i32>} : memref<128x128xf32, #tpu.memory_space<vmem>>, vector<16xf32>,
        %mul3A_1058 = vector.broadcast %squeeze3A_1002 : f32 to vector<16xf32>
        %mul3A_1059 = arith.mulf %get3A_1057, %mul3A_1058 : vector<16xf32>
        %swap3A_1060 = arith.index_cast %add3A_1006 : i32 to index
        %swap3A_1061 = arith.constant 96 : index
        %swap3A_1062 = tpu.vector_load %arg11[%swap3A_1060, %swap3A_1061] {strides = array<i32>} : memref<128x128xf32, #tpu.memory_space<vmem>>, vector<16xf32>,
        tpu.vector_store %arg11[%swap3A_1060, %swap3A_1061], %mul3A_1059 {strides = array<i32>} : memref<128x128xf32, #tpu.memory_space<vmem>>, vector<16xf32>,
        %get3A_1063 = arith.index_cast %add3A_1006 : i32 to index
        %get3A_1064 = arith.constant 112 : index
        %get3A_1065 = tpu.vector_load %arg11[%get3A_1063, %get3A_1064] {strides = array<i32>} : memref<128x128xf32, #tpu.memory_space<vmem>>, vector<16xf32>,
        %mul3A_1066 = vector.broadcast %squeeze3A_1002 : f32 to vector<16xf32>
        %mul3A_1067 = arith.mulf %get3A_1065, %mul3A_1066 : vector<16xf32>
        %swap3A_1068 = arith.index_cast %add3A_1006 : i32 to index
        %swap3A_1069 = arith.constant 112 : index
        %swap3A_1070 = tpu.vector_load %arg11[%swap3A_1068, %swap3A_1069] {strides = array<i32>} : memref<128x128xf32, #tpu.memory_space<vmem>>, vector<16xf32>,
        tpu.vector_store %arg11[%swap3A_1068, %swap3A_1069], %mul3A_1067 {strides = array<i32>} : memref<128x128xf32, #tpu.memory_space<vmem>>, vector<16xf32>,
        %slice3A_1071 = vector.extract_strided_slice %get3A_443 {offsets = [9], sizes = [1], strides = [1]} : vector<16xf32> to vector<1xf32>
        %squeeze3A_1072 = vector.extract %slice3A_1071[0] : f32 from vector<1xf32>
        %mul3A_1073 = arith.constant 16 : i32
        %mul3A_1074 = arith.muli %scan3A_437, %mul3A_1073 : i32
        %add3A_1075 = arith.constant 9 : i32
        %add3A_1076 = arith.addi %mul3A_1074, %add3A_1075 : i32
        %get3A_1077 = arith.index_cast %add3A_1076 : i32 to index
        %get3A_1078 = arith.constant 0 : index
        %get3A_1079 = tpu.vector_load %arg11[%get3A_1077, %get3A_1078] {strides = array<i32>} : memref<128x128xf32, #tpu.memory_space<vmem>>, vector<16xf32>,
        %mul3A_1080 = vector.broadcast %squeeze3A_1072 : f32 to vector<16xf32>
        %mul3A_1081 = arith.mulf %get3A_1079, %mul3A_1080 : vector<16xf32>
        %swap3A_1082 = arith.index_cast %add3A_1076 : i32 to index
        %swap3A_1083 = arith.constant 0 : index
        %swap3A_1084 = tpu.vector_load %arg11[%swap3A_1082, %swap3A_1083] {strides = array<i32>} : memref<128x128xf32, #tpu.memory_space<vmem>>, vector<16xf32>,
        tpu.vector_store %arg11[%swap3A_1082, %swap3A_1083], %mul3A_1081 {strides = array<i32>} : memref<128x128xf32, #tpu.memory_space<vmem>>, vector<16xf32>,
        %get3A_1085 = arith.index_cast %add3A_1076 : i32 to index
        %get3A_1086 = arith.constant 16 : index
        %get3A_1087 = tpu.vector_load %arg11[%get3A_1085, %get3A_1086] {strides = array<i32>} : memref<128x128xf32, #tpu.memory_space<vmem>>, vector<16xf32>,
        %mul3A_1088 = vector.broadcast %squeeze3A_1072 : f32 to vector<16xf32>
        %mul3A_1089 = arith.mulf %get3A_1087, %mul3A_1088 : vector<16xf32>
        %swap3A_1090 = arith.index_cast %add3A_1076 : i32 to index
        %swap3A_1091 = arith.constant 16 : index
        %swap3A_1092 = tpu.vector_load %arg11[%swap3A_1090, %swap3A_1091] {strides = array<i32>} : memref<128x128xf32, #tpu.memory_space<vmem>>, vector<16xf32>,
        tpu.vector_store %arg11[%swap3A_1090, %swap3A_1091], %mul3A_1089 {strides = array<i32>} : memref<128x128xf32, #tpu.memory_space<vmem>>, vector<16xf32>,
        %get3A_1093 = arith.index_cast %add3A_1076 : i32 to index
        %get3A_1094 = arith.constant 32 : index
        %get3A_1095 = tpu.vector_load %arg11[%get3A_1093, %get3A_1094] {strides = array<i32>} : memref<128x128xf32, #tpu.memory_space<vmem>>, vector<16xf32>,
        %mul3A_1096 = vector.broadcast %squeeze3A_1072 : f32 to vector<16xf32>
        %mul3A_1097 = arith.mulf %get3A_1095, %mul3A_1096 : vector<16xf32>
        %swap3A_1098 = arith.index_cast %add3A_1076 : i32 to index
        %swap3A_1099 = arith.constant 32 : index
        %swap3A_1100 = tpu.vector_load %arg11[%swap3A_1098, %swap3A_1099] {strides = array<i32>} : memref<128x128xf32, #tpu.memory_space<vmem>>, vector<16xf32>,
        tpu.vector_store %arg11[%swap3A_1098, %swap3A_1099], %mul3A_1097 {strides = array<i32>} : memref<128x128xf32, #tpu.memory_space<vmem>>, vector<16xf32>,
        %get3A_1101 = arith.index_cast %add3A_1076 : i32 to index
        %get3A_1102 = arith.constant 48 : index
        %get3A_1103 = tpu.vector_load %arg11[%get3A_1101, %get3A_1102] {strides = array<i32>} : memref<128x128xf32, #tpu.memory_space<vmem>>, vector<16xf32>,
        %mul3A_1104 = vector.broadcast %squeeze3A_1072 : f32 to vector<16xf32>
        %mul3A_1105 = arith.mulf %get3A_1103, %mul3A_1104 : vector<16xf32>
        %swap3A_1106 = arith.index_cast %add3A_1076 : i32 to index
        %swap3A_1107 = arith.constant 48 : index
        %swap3A_1108 = tpu.vector_load %arg11[%swap3A_1106, %swap3A_1107] {strides = array<i32>} : memref<128x128xf32, #tpu.memory_space<vmem>>, vector<16xf32>,
        tpu.vector_store %arg11[%swap3A_1106, %swap3A_1107], %mul3A_1105 {strides = array<i32>} : memref<128x128xf32, #tpu.memory_space<vmem>>, vector<16xf32>,
        %get3A_1109 = arith.index_cast %add3A_1076 : i32 to index
        %get3A_1110 = arith.constant 64 : index
        %get3A_1111 = tpu.vector_load %arg11[%get3A_1109, %get3A_1110] {strides = array<i32>} : memref<128x128xf32, #tpu.memory_space<vmem>>, vector<16xf32>,
        %mul3A_1112 = vector.broadcast %squeeze3A_1072 : f32 to vector<16xf32>
        %mul3A_1113 = arith.mulf %get3A_1111, %mul3A_1112 : vector<16xf32>
        %swap3A_1114 = arith.index_cast %add3A_1076 : i32 to index
        %swap3A_1115 = arith.constant 64 : index
        %swap3A_1116 = tpu.vector_load %arg11[%swap3A_1114, %swap3A_1115] {strides = array<i32>} : memref<128x128xf32, #tpu.memory_space<vmem>>, vector<16xf32>,
        tpu.vector_store %arg11[%swap3A_1114, %swap3A_1115], %mul3A_1113 {strides = array<i32>} : memref<128x128xf32, #tpu.memory_space<vmem>>, vector<16xf32>,
        %get3A_1117 = arith.index_cast %add3A_1076 : i32 to index
        %get3A_1118 = arith.constant 80 : index
        %get3A_1119 = tpu.vector_load %arg11[%get3A_1117, %get3A_1118] {strides = array<i32>} : memref<128x128xf32, #tpu.memory_space<vmem>>, vector<16xf32>,
        %mul3A_1120 = vector.broadcast %squeeze3A_1072 : f32 to vector<16xf32>
        %mul3A_1121 = arith.mulf %get3A_1119, %mul3A_1120 : vector<16xf32>
        %swap3A_1122 = arith.index_cast %add3A_1076 : i32 to index
        %swap3A_1123 = arith.constant 80 : index
        %swap3A_1124 = tpu.vector_load %arg11[%swap3A_1122, %swap3A_1123] {strides = array<i32>} : memref<128x128xf32, #tpu.memory_space<vmem>>, vector<16xf32>,
        tpu.vector_store %arg11[%swap3A_1122, %swap3A_1123], %mul3A_1121 {strides = array<i32>} : memref<128x128xf32, #tpu.memory_space<vmem>>, vector<16xf32>,
        %get3A_1125 = arith.index_cast %add3A_1076 : i32 to index
        %get3A_1126 = arith.constant 96 : index
        %get3A_1127 = tpu.vector_load %arg11[%get3A_1125, %get3A_1126] {strides = array<i32>} : memref<128x128xf32, #tpu.memory_space<vmem>>, vector<16xf32>,
        %mul3A_1128 = vector.broadcast %squeeze3A_1072 : f32 to vector<16xf32>
        %mul3A_1129 = arith.mulf %get3A_1127, %mul3A_1128 : vector<16xf32>
        %swap3A_1130 = arith.index_cast %add3A_1076 : i32 to index
        %swap3A_1131 = arith.constant 96 : index
        %swap3A_1132 = tpu.vector_load %arg11[%swap3A_1130, %swap3A_1131] {strides = array<i32>} : memref<128x128xf32, #tpu.memory_space<vmem>>, vector<16xf32>,
        tpu.vector_store %arg11[%swap3A_1130, %swap3A_1131], %mul3A_1129 {strides = array<i32>} : memref<128x128xf32, #tpu.memory_space<vmem>>, vector<16xf32>,
        %get3A_1133 = arith.index_cast %add3A_1076 : i32 to index
        %get3A_1134 = arith.constant 112 : index
        %get3A_1135 = tpu.vector_load %arg11[%get3A_1133, %get3A_1134] {strides = array<i32>} : memref<128x128xf32, #tpu.memory_space<vmem>>, vector<16xf32>,
        %mul3A_1136 = vector.broadcast %squeeze3A_1072 : f32 to vector<16xf32>
        %mul3A_1137 = arith.mulf %get3A_1135, %mul3A_1136 : vector<16xf32>
        %swap3A_1138 = arith.index_cast %add3A_1076 : i32 to index
        %swap3A_1139 = arith.constant 112 : index
        %swap3A_1140 = tpu.vector_load %arg11[%swap3A_1138, %swap3A_1139] {strides = array<i32>} : memref<128x128xf32, #tpu.memory_space<vmem>>, vector<16xf32>,
        tpu.vector_store %arg11[%swap3A_1138, %swap3A_1139], %mul3A_1137 {strides = array<i32>} : memref<128x128xf32, #tpu.memory_space<vmem>>, vector<16xf32>,
        %slice3A_1141 = vector.extract_strided_slice %get3A_443 {offsets = [10], sizes = [1], strides = [1]} : vector<16xf32> to vector<1xf32>
        %squeeze3A_1142 = vector.extract %slice3A_1141[0] : f32 from vector<1xf32>
        %mul3A_1143 = arith.constant 16 : i32
        %mul3A_1144 = arith.muli %scan3A_437, %mul3A_1143 : i32
        %add3A_1145 = arith.constant 10 : i32
        %add3A_1146 = arith.addi %mul3A_1144, %add3A_1145 : i32
        %get3A_1147 = arith.index_cast %add3A_1146 : i32 to index
        %get3A_1148 = arith.constant 0 : index
        %get3A_1149 = tpu.vector_load %arg11[%get3A_1147, %get3A_1148] {strides = array<i32>} : memref<128x128xf32, #tpu.memory_space<vmem>>, vector<16xf32>,
        %mul3A_1150 = vector.broadcast %squeeze3A_1142 : f32 to vector<16xf32>
        %mul3A_1151 = arith.mulf %get3A_1149, %mul3A_1150 : vector<16xf32>
        %swap3A_1152 = arith.index_cast %add3A_1146 : i32 to index
        %swap3A_1153 = arith.constant 0 : index
        %swap3A_1154 = tpu.vector_load %arg11[%swap3A_1152, %swap3A_1153] {strides = array<i32>} : memref<128x128xf32, #tpu.memory_space<vmem>>, vector<16xf32>,
        tpu.vector_store %arg11[%swap3A_1152, %swap3A_1153], %mul3A_1151 {strides = array<i32>} : memref<128x128xf32, #tpu.memory_space<vmem>>, vector<16xf32>,
        %get3A_1155 = arith.index_cast %add3A_1146 : i32 to index
        %get3A_1156 = arith.constant 16 : index
        %get3A_1157 = tpu.vector_load %arg11[%get3A_1155, %get3A_1156] {strides = array<i32>} : memref<128x128xf32, #tpu.memory_space<vmem>>, vector<16xf32>,
        %mul3A_1158 = vector.broadcast %squeeze3A_1142 : f32 to vector<16xf32>
        %mul3A_1159 = arith.mulf %get3A_1157, %mul3A_1158 : vector<16xf32>
        %swap3A_1160 = arith.index_cast %add3A_1146 : i32 to index
        %swap3A_1161 = arith.constant 16 : index
        %swap3A_1162 = tpu.vector_load %arg11[%swap3A_1160, %swap3A_1161] {strides = array<i32>} : memref<128x128xf32, #tpu.memory_space<vmem>>, vector<16xf32>,
        tpu.vector_store %arg11[%swap3A_1160, %swap3A_1161], %mul3A_1159 {strides = array<i32>} : memref<128x128xf32, #tpu.memory_space<vmem>>, vector<16xf32>,
        %get3A_1163 = arith.index_cast %add3A_1146 : i32 to index
        %get3A_1164 = arith.constant 32 : index
        %get3A_1165 = tpu.vector_load %arg11[%get3A_1163, %get3A_1164] {strides = array<i32>} : memref<128x128xf32, #tpu.memory_space<vmem>>, vector<16xf32>,
        %mul3A_1166 = vector.broadcast %squeeze3A_1142 : f32 to vector<16xf32>
        %mul3A_1167 = arith.mulf %get3A_1165, %mul3A_1166 : vector<16xf32>
        %swap3A_1168 = arith.index_cast %add3A_1146 : i32 to index
        %swap3A_1169 = arith.constant 32 : index
        %swap3A_1170 = tpu.vector_load %arg11[%swap3A_1168, %swap3A_1169] {strides = array<i32>} : memref<128x128xf32, #tpu.memory_space<vmem>>, vector<16xf32>,
        tpu.vector_store %arg11[%swap3A_1168, %swap3A_1169], %mul3A_1167 {strides = array<i32>} : memref<128x128xf32, #tpu.memory_space<vmem>>, vector<16xf32>,
        %get3A_1171 = arith.index_cast %add3A_1146 : i32 to index
        %get3A_1172 = arith.constant 48 : index
        %get3A_1173 = tpu.vector_load %arg11[%get3A_1171, %get3A_1172] {strides = array<i32>} : memref<128x128xf32, #tpu.memory_space<vmem>>, vector<16xf32>,
        %mul3A_1174 = vector.broadcast %squeeze3A_1142 : f32 to vector<16xf32>
        %mul3A_1175 = arith.mulf %get3A_1173, %mul3A_1174 : vector<16xf32>
        %swap3A_1176 = arith.index_cast %add3A_1146 : i32 to index
        %swap3A_1177 = arith.constant 48 : index
        %swap3A_1178 = tpu.vector_load %arg11[%swap3A_1176, %swap3A_1177] {strides = array<i32>} : memref<128x128xf32, #tpu.memory_space<vmem>>, vector<16xf32>,
        tpu.vector_store %arg11[%swap3A_1176, %swap3A_1177], %mul3A_1175 {strides = array<i32>} : memref<128x128xf32, #tpu.memory_space<vmem>>, vector<16xf32>,
        %get3A_1179 = arith.index_cast %add3A_1146 : i32 to index
        %get3A_1180 = arith.constant 64 : index
        %get3A_1181 = tpu.vector_load %arg11[%get3A_1179, %get3A_1180] {strides = array<i32>} : memref<128x128xf32, #tpu.memory_space<vmem>>, vector<16xf32>,
        %mul3A_1182 = vector.broadcast %squeeze3A_1142 : f32 to vector<16xf32>
        %mul3A_1183 = arith.mulf %get3A_1181, %mul3A_1182 : vector<16xf32>
        %swap3A_1184 = arith.index_cast %add3A_1146 : i32 to index
        %swap3A_1185 = arith.constant 64 : index
        %swap3A_1186 = tpu.vector_load %arg11[%swap3A_1184, %swap3A_1185] {strides = array<i32>} : memref<128x128xf32, #tpu.memory_space<vmem>>, vector<16xf32>,
        tpu.vector_store %arg11[%swap3A_1184, %swap3A_1185], %mul3A_1183 {strides = array<i32>} : memref<128x128xf32, #tpu.memory_space<vmem>>, vector<16xf32>,
        %get3A_1187 = arith.index_cast %add3A_1146 : i32 to index
        %get3A_1188 = arith.constant 80 : index
        %get3A_1189 = tpu.vector_load %arg11[%get3A_1187, %get3A_1188] {strides = array<i32>} : memref<128x128xf32, #tpu.memory_space<vmem>>, vector<16xf32>,
        %mul3A_1190 = vector.broadcast %squeeze3A_1142 : f32 to vector<16xf32>
        %mul3A_1191 = arith.mulf %get3A_1189, %mul3A_1190 : vector<16xf32>
        %swap3A_1192 = arith.index_cast %add3A_1146 : i32 to index
        %swap3A_1193 = arith.constant 80 : index
        %swap3A_1194 = tpu.vector_load %arg11[%swap3A_1192, %swap3A_1193] {strides = array<i32>} : memref<128x128xf32, #tpu.memory_space<vmem>>, vector<16xf32>,
        tpu.vector_store %arg11[%swap3A_1192, %swap3A_1193], %mul3A_1191 {strides = array<i32>} : memref<128x128xf32, #tpu.memory_space<vmem>>, vector<16xf32>,
        %get3A_1195 = arith.index_cast %add3A_1146 : i32 to index
        %get3A_1196 = arith.constant 96 : index
        %get3A_1197 = tpu.vector_load %arg11[%get3A_1195, %get3A_1196] {strides = array<i32>} : memref<128x128xf32, #tpu.memory_space<vmem>>, vector<16xf32>,
        %mul3A_1198 = vector.broadcast %squeeze3A_1142 : f32 to vector<16xf32>
        %mul3A_1199 = arith.mulf %get3A_1197, %mul3A_1198 : vector<16xf32>
        %swap3A_1200 = arith.index_cast %add3A_1146 : i32 to index
        %swap3A_1201 = arith.constant 96 : index
        %swap3A_1202 = tpu.vector_load %arg11[%swap3A_1200, %swap3A_1201] {strides = array<i32>} : memref<128x128xf32, #tpu.memory_space<vmem>>, vector<16xf32>,
        tpu.vector_store %arg11[%swap3A_1200, %swap3A_1201], %mul3A_1199 {strides = array<i32>} : memref<128x128xf32, #tpu.memory_space<vmem>>, vector<16xf32>,
        %get3A_1203 = arith.index_cast %add3A_1146 : i32 to index
        %get3A_1204 = arith.constant 112 : index
        %get3A_1205 = tpu.vector_load %arg11[%get3A_1203, %get3A_1204] {strides = array<i32>} : memref<128x128xf32, #tpu.memory_space<vmem>>, vector<16xf32>,
        %mul3A_1206 = vector.broadcast %squeeze3A_1142 : f32 to vector<16xf32>
        %mul3A_1207 = arith.mulf %get3A_1205, %mul3A_1206 : vector<16xf32>
        %swap3A_1208 = arith.index_cast %add3A_1146 : i32 to index
        %swap3A_1209 = arith.constant 112 : index
        %swap3A_1210 = tpu.vector_load %arg11[%swap3A_1208, %swap3A_1209] {strides = array<i32>} : memref<128x128xf32, #tpu.memory_space<vmem>>, vector<16xf32>,
        tpu.vector_store %arg11[%swap3A_1208, %swap3A_1209], %mul3A_1207 {strides = array<i32>} : memref<128x128xf32, #tpu.memory_space<vmem>>, vector<16xf32>,
        %slice3A_1211 = vector.extract_strided_slice %get3A_443 {offsets = [11], sizes = [1], strides = [1]} : vector<16xf32> to vector<1xf32>
        %squeeze3A_1212 = vector.extract %slice3A_1211[0] : f32 from vector<1xf32>
        %mul3A_1213 = arith.constant 16 : i32
        %mul3A_1214 = arith.muli %scan3A_437, %mul3A_1213 : i32
        %add3A_1215 = arith.constant 11 : i32
        %add3A_1216 = arith.addi %mul3A_1214, %add3A_1215 : i32
        %get3A_1217 = arith.index_cast %add3A_1216 : i32 to index
        %get3A_1218 = arith.constant 0 : index
        %get3A_1219 = tpu.vector_load %arg11[%get3A_1217, %get3A_1218] {strides = array<i32>} : memref<128x128xf32, #tpu.memory_space<vmem>>, vector<16xf32>,
        %mul3A_1220 = vector.broadcast %squeeze3A_1212 : f32 to vector<16xf32>
        %mul3A_1221 = arith.mulf %get3A_1219, %mul3A_1220 : vector<16xf32>
        %swap3A_1222 = arith.index_cast %add3A_1216 : i32 to index
        %swap3A_1223 = arith.constant 0 : index
        %swap3A_1224 = tpu.vector_load %arg11[%swap3A_1222, %swap3A_1223] {strides = array<i32>} : memref<128x128xf32, #tpu.memory_space<vmem>>, vector<16xf32>,
        tpu.vector_store %arg11[%swap3A_1222, %swap3A_1223], %mul3A_1221 {strides = array<i32>} : memref<128x128xf32, #tpu.memory_space<vmem>>, vector<16xf32>,
        %get3A_1225 = arith.index_cast %add3A_1216 : i32 to index
        %get3A_1226 = arith.constant 16 : index
        %get3A_1227 = tpu.vector_load %arg11[%get3A_1225, %get3A_1226] {strides = array<i32>} : memref<128x128xf32, #tpu.memory_space<vmem>>, vector<16xf32>,
        %mul3A_1228 = vector.broadcast %squeeze3A_1212 : f32 to vector<16xf32>
        %mul3A_1229 = arith.mulf %get3A_1227, %mul3A_1228 : vector<16xf32>
        %swap3A_1230 = arith.index_cast %add3A_1216 : i32 to index
        %swap3A_1231 = arith.constant 16 : index
        %swap3A_1232 = tpu.vector_load %arg11[%swap3A_1230, %swap3A_1231] {strides = array<i32>} : memref<128x128xf32, #tpu.memory_space<vmem>>, vector<16xf32>,
        tpu.vector_store %arg11[%swap3A_1230, %swap3A_1231], %mul3A_1229 {strides = array<i32>} : memref<128x128xf32, #tpu.memory_space<vmem>>, vector<16xf32>,
        %get3A_1233 = arith.index_cast %add3A_1216 : i32 to index
        %get3A_1234 = arith.constant 32 : index
        %get3A_1235 = tpu.vector_load %arg11[%get3A_1233, %get3A_1234] {strides = array<i32>} : memref<128x128xf32, #tpu.memory_space<vmem>>, vector<16xf32>,
        %mul3A_1236 = vector.broadcast %squeeze3A_1212 : f32 to vector<16xf32>
        %mul3A_1237 = arith.mulf %get3A_1235, %mul3A_1236 : vector<16xf32>
        %swap3A_1238 = arith.index_cast %add3A_1216 : i32 to index
        %swap3A_1239 = arith.constant 32 : index
        %swap3A_1240 = tpu.vector_load %arg11[%swap3A_1238, %swap3A_1239] {strides = array<i32>} : memref<128x128xf32, #tpu.memory_space<vmem>>, vector<16xf32>,
        tpu.vector_store %arg11[%swap3A_1238, %swap3A_1239], %mul3A_1237 {strides = array<i32>} : memref<128x128xf32, #tpu.memory_space<vmem>>, vector<16xf32>,
        %get3A_1241 = arith.index_cast %add3A_1216 : i32 to index
        %get3A_1242 = arith.constant 48 : index
        %get3A_1243 = tpu.vector_load %arg11[%get3A_1241, %get3A_1242] {strides = array<i32>} : memref<128x128xf32, #tpu.memory_space<vmem>>, vector<16xf32>,
        %mul3A_1244 = vector.broadcast %squeeze3A_1212 : f32 to vector<16xf32>
        %mul3A_1245 = arith.mulf %get3A_1243, %mul3A_1244 : vector<16xf32>
        %swap3A_1246 = arith.index_cast %add3A_1216 : i32 to index
        %swap3A_1247 = arith.constant 48 : index
        %swap3A_1248 = tpu.vector_load %arg11[%swap3A_1246, %swap3A_1247] {strides = array<i32>} : memref<128x128xf32, #tpu.memory_space<vmem>>, vector<16xf32>,
        tpu.vector_store %arg11[%swap3A_1246, %swap3A_1247], %mul3A_1245 {strides = array<i32>} : memref<128x128xf32, #tpu.memory_space<vmem>>, vector<16xf32>,
        %get3A_1249 = arith.index_cast %add3A_1216 : i32 to index
        %get3A_1250 = arith.constant 64 : index
        %get3A_1251 = tpu.vector_load %arg11[%get3A_1249, %get3A_1250] {strides = array<i32>} : memref<128x128xf32, #tpu.memory_space<vmem>>, vector<16xf32>,
        %mul3A_1252 = vector.broadcast %squeeze3A_1212 : f32 to vector<16xf32>
        %mul3A_1253 = arith.mulf %get3A_1251, %mul3A_1252 : vector<16xf32>
        %swap3A_1254 = arith.index_cast %add3A_1216 : i32 to index
        %swap3A_1255 = arith.constant 64 : index
        %swap3A_1256 = tpu.vector_load %arg11[%swap3A_1254, %swap3A_1255] {strides = array<i32>} : memref<128x128xf32, #tpu.memory_space<vmem>>, vector<16xf32>,
        tpu.vector_store %arg11[%swap3A_1254, %swap3A_1255], %mul3A_1253 {strides = array<i32>} : memref<128x128xf32, #tpu.memory_space<vmem>>, vector<16xf32>,
        %get3A_1257 = arith.index_cast %add3A_1216 : i32 to index
        %get3A_1258 = arith.constant 80 : index
        %get3A_1259 = tpu.vector_load %arg11[%get3A_1257, %get3A_1258] {strides = array<i32>} : memref<128x128xf32, #tpu.memory_space<vmem>>, vector<16xf32>,
        %mul3A_1260 = vector.broadcast %squeeze3A_1212 : f32 to vector<16xf32>
        %mul3A_1261 = arith.mulf %get3A_1259, %mul3A_1260 : vector<16xf32>
        %swap3A_1262 = arith.index_cast %add3A_1216 : i32 to index
        %swap3A_1263 = arith.constant 80 : index
        %swap3A_1264 = tpu.vector_load %arg11[%swap3A_1262, %swap3A_1263] {strides = array<i32>} : memref<128x128xf32, #tpu.memory_space<vmem>>, vector<16xf32>,
        tpu.vector_store %arg11[%swap3A_1262, %swap3A_1263], %mul3A_1261 {strides = array<i32>} : memref<128x128xf32, #tpu.memory_space<vmem>>, vector<16xf32>,
        %get3A_1265 = arith.index_cast %add3A_1216 : i32 to index
        %get3A_1266 = arith.constant 96 : index
        %get3A_1267 = tpu.vector_load %arg11[%get3A_1265, %get3A_1266] {strides = array<i32>} : memref<128x128xf32, #tpu.memory_space<vmem>>, vector<16xf32>,
        %mul3A_1268 = vector.broadcast %squeeze3A_1212 : f32 to vector<16xf32>
        %mul3A_1269 = arith.mulf %get3A_1267, %mul3A_1268 : vector<16xf32>
        %swap3A_1270 = arith.index_cast %add3A_1216 : i32 to index
        %swap3A_1271 = arith.constant 96 : index
        %swap3A_1272 = tpu.vector_load %arg11[%swap3A_1270, %swap3A_1271] {strides = array<i32>} : memref<128x128xf32, #tpu.memory_space<vmem>>, vector<16xf32>,
        tpu.vector_store %arg11[%swap3A_1270, %swap3A_1271], %mul3A_1269 {strides = array<i32>} : memref<128x128xf32, #tpu.memory_space<vmem>>, vector<16xf32>,
        %get3A_1273 = arith.index_cast %add3A_1216 : i32 to index
        %get3A_1274 = arith.constant 112 : index
        %get3A_1275 = tpu.vector_load %arg11[%get3A_1273, %get3A_1274] {strides = array<i32>} : memref<128x128xf32, #tpu.memory_space<vmem>>, vector<16xf32>,
        %mul3A_1276 = vector.broadcast %squeeze3A_1212 : f32 to vector<16xf32>
        %mul3A_1277 = arith.mulf %get3A_1275, %mul3A_1276 : vector<16xf32>
        %swap3A_1278 = arith.index_cast %add3A_1216 : i32 to index
        %swap3A_1279 = arith.constant 112 : index
        %swap3A_1280 = tpu.vector_load %arg11[%swap3A_1278, %swap3A_1279] {strides = array<i32>} : memref<128x128xf32, #tpu.memory_space<vmem>>, vector<16xf32>,
        tpu.vector_store %arg11[%swap3A_1278, %swap3A_1279], %mul3A_1277 {strides = array<i32>} : memref<128x128xf32, #tpu.memory_space<vmem>>, vector<16xf32>,
        %slice3A_1281 = vector.extract_strided_slice %get3A_443 {offsets = [12], sizes = [1], strides = [1]} : vector<16xf32> to vector<1xf32>
        %squeeze3A_1282 = vector.extract %slice3A_1281[0] : f32 from vector<1xf32>
        %mul3A_1283 = arith.constant 16 : i32
        %mul3A_1284 = arith.muli %scan3A_437, %mul3A_1283 : i32
        %add3A_1285 = arith.constant 12 : i32
        %add3A_1286 = arith.addi %mul3A_1284, %add3A_1285 : i32
        %get3A_1287 = arith.index_cast %add3A_1286 : i32 to index
        %get3A_1288 = arith.constant 0 : index
        %get3A_1289 = tpu.vector_load %arg11[%get3A_1287, %get3A_1288] {strides = array<i32>} : memref<128x128xf32, #tpu.memory_space<vmem>>, vector<16xf32>,
        %mul3A_1290 = vector.broadcast %squeeze3A_1282 : f32 to vector<16xf32>
        %mul3A_1291 = arith.mulf %get3A_1289, %mul3A_1290 : vector<16xf32>
        %swap3A_1292 = arith.index_cast %add3A_1286 : i32 to index
        %swap3A_1293 = arith.constant 0 : index
        %swap3A_1294 = tpu.vector_load %arg11[%swap3A_1292, %swap3A_1293] {strides = array<i32>} : memref<128x128xf32, #tpu.memory_space<vmem>>, vector<16xf32>,
        tpu.vector_store %arg11[%swap3A_1292, %swap3A_1293], %mul3A_1291 {strides = array<i32>} : memref<128x128xf32, #tpu.memory_space<vmem>>, vector<16xf32>,
        %get3A_1295 = arith.index_cast %add3A_1286 : i32 to index
        %get3A_1296 = arith.constant 16 : index
        %get3A_1297 = tpu.vector_load %arg11[%get3A_1295, %get3A_1296] {strides = array<i32>} : memref<128x128xf32, #tpu.memory_space<vmem>>, vector<16xf32>,
        %mul3A_1298 = vector.broadcast %squeeze3A_1282 : f32 to vector<16xf32>
        %mul3A_1299 = arith.mulf %get3A_1297, %mul3A_1298 : vector<16xf32>
        %swap3A_1300 = arith.index_cast %add3A_1286 : i32 to index
        %swap3A_1301 = arith.constant 16 : index
        %swap3A_1302 = tpu.vector_load %arg11[%swap3A_1300, %swap3A_1301] {strides = array<i32>} : memref<128x128xf32, #tpu.memory_space<vmem>>, vector<16xf32>,
        tpu.vector_store %arg11[%swap3A_1300, %swap3A_1301], %mul3A_1299 {strides = array<i32>} : memref<128x128xf32, #tpu.memory_space<vmem>>, vector<16xf32>,
        %get3A_1303 = arith.index_cast %add3A_1286 : i32 to index
        %get3A_1304 = arith.constant 32 : index
        %get3A_1305 = tpu.vector_load %arg11[%get3A_1303, %get3A_1304] {strides = array<i32>} : memref<128x128xf32, #tpu.memory_space<vmem>>, vector<16xf32>,
        %mul3A_1306 = vector.broadcast %squeeze3A_1282 : f32 to vector<16xf32>
        %mul3A_1307 = arith.mulf %get3A_1305, %mul3A_1306 : vector<16xf32>
        %swap3A_1308 = arith.index_cast %add3A_1286 : i32 to index
        %swap3A_1309 = arith.constant 32 : index
        %swap3A_1310 = tpu.vector_load %arg11[%swap3A_1308, %swap3A_1309] {strides = array<i32>} : memref<128x128xf32, #tpu.memory_space<vmem>>, vector<16xf32>,
        tpu.vector_store %arg11[%swap3A_1308, %swap3A_1309], %mul3A_1307 {strides = array<i32>} : memref<128x128xf32, #tpu.memory_space<vmem>>, vector<16xf32>,
        %get3A_1311 = arith.index_cast %add3A_1286 : i32 to index
        %get3A_1312 = arith.constant 48 : index
        %get3A_1313 = tpu.vector_load %arg11[%get3A_1311, %get3A_1312] {strides = array<i32>} : memref<128x128xf32, #tpu.memory_space<vmem>>, vector<16xf32>,
        %mul3A_1314 = vector.broadcast %squeeze3A_1282 : f32 to vector<16xf32>
        %mul3A_1315 = arith.mulf %get3A_1313, %mul3A_1314 : vector<16xf32>
        %swap3A_1316 = arith.index_cast %add3A_1286 : i32 to index
        %swap3A_1317 = arith.constant 48 : index
        %swap3A_1318 = tpu.vector_load %arg11[%swap3A_1316, %swap3A_1317] {strides = array<i32>} : memref<128x128xf32, #tpu.memory_space<vmem>>, vector<16xf32>,
        tpu.vector_store %arg11[%swap3A_1316, %swap3A_1317], %mul3A_1315 {strides = array<i32>} : memref<128x128xf32, #tpu.memory_space<vmem>>, vector<16xf32>,
        %get3A_1319 = arith.index_cast %add3A_1286 : i32 to index
        %get3A_1320 = arith.constant 64 : index
        %get3A_1321 = tpu.vector_load %arg11[%get3A_1319, %get3A_1320] {strides = array<i32>} : memref<128x128xf32, #tpu.memory_space<vmem>>, vector<16xf32>,
        %mul3A_1322 = vector.broadcast %squeeze3A_1282 : f32 to vector<16xf32>
        %mul3A_1323 = arith.mulf %get3A_1321, %mul3A_1322 : vector<16xf32>
        %swap3A_1324 = arith.index_cast %add3A_1286 : i32 to index
        %swap3A_1325 = arith.constant 64 : index
        %swap3A_1326 = tpu.vector_load %arg11[%swap3A_1324, %swap3A_1325] {strides = array<i32>} : memref<128x128xf32, #tpu.memory_space<vmem>>, vector<16xf32>,
        tpu.vector_store %arg11[%swap3A_1324, %swap3A_1325], %mul3A_1323 {strides = array<i32>} : memref<128x128xf32, #tpu.memory_space<vmem>>, vector<16xf32>,
        %get3A_1327 = arith.index_cast %add3A_1286 : i32 to index
        %get3A_1328 = arith.constant 80 : index
        %get3A_1329 = tpu.vector_load %arg11[%get3A_1327, %get3A_1328] {strides = array<i32>} : memref<128x128xf32, #tpu.memory_space<vmem>>, vector<16xf32>,
        %mul3A_1330 = vector.broadcast %squeeze3A_1282 : f32 to vector<16xf32>
        %mul3A_1331 = arith.mulf %get3A_1329, %mul3A_1330 : vector<16xf32>
        %swap3A_1332 = arith.index_cast %add3A_1286 : i32 to index
        %swap3A_1333 = arith.constant 80 : index
        %swap3A_1334 = tpu.vector_load %arg11[%swap3A_1332, %swap3A_1333] {strides = array<i32>} : memref<128x128xf32, #tpu.memory_space<vmem>>, vector<16xf32>,
        tpu.vector_store %arg11[%swap3A_1332, %swap3A_1333], %mul3A_1331 {strides = array<i32>} : memref<128x128xf32, #tpu.memory_space<vmem>>, vector<16xf32>,
        %get3A_1335 = arith.index_cast %add3A_1286 : i32 to index
        %get3A_1336 = arith.constant 96 : index
        %get3A_1337 = tpu.vector_load %arg11[%get3A_1335, %get3A_1336] {strides = array<i32>} : memref<128x128xf32, #tpu.memory_space<vmem>>, vector<16xf32>,
        %mul3A_1338 = vector.broadcast %squeeze3A_1282 : f32 to vector<16xf32>
        %mul3A_1339 = arith.mulf %get3A_1337, %mul3A_1338 : vector<16xf32>
        %swap3A_1340 = arith.index_cast %add3A_1286 : i32 to index
        %swap3A_1341 = arith.constant 96 : index
        %swap3A_1342 = tpu.vector_load %arg11[%swap3A_1340, %swap3A_1341] {strides = array<i32>} : memref<128x128xf32, #tpu.memory_space<vmem>>, vector<16xf32>,
        tpu.vector_store %arg11[%swap3A_1340, %swap3A_1341], %mul3A_1339 {strides = array<i32>} : memref<128x128xf32, #tpu.memory_space<vmem>>, vector<16xf32>,
        %get3A_1343 = arith.index_cast %add3A_1286 : i32 to index
        %get3A_1344 = arith.constant 112 : index
        %get3A_1345 = tpu.vector_load %arg11[%get3A_1343, %get3A_1344] {strides = array<i32>} : memref<128x128xf32, #tpu.memory_space<vmem>>, vector<16xf32>,
        %mul3A_1346 = vector.broadcast %squeeze3A_1282 : f32 to vector<16xf32>
        %mul3A_1347 = arith.mulf %get3A_1345, %mul3A_1346 : vector<16xf32>
        %swap3A_1348 = arith.index_cast %add3A_1286 : i32 to index
        %swap3A_1349 = arith.constant 112 : index
        %swap3A_1350 = tpu.vector_load %arg11[%swap3A_1348, %swap3A_1349] {strides = array<i32>} : memref<128x128xf32, #tpu.memory_space<vmem>>, vector<16xf32>,
        tpu.vector_store %arg11[%swap3A_1348, %swap3A_1349], %mul3A_1347 {strides = array<i32>} : memref<128x128xf32, #tpu.memory_space<vmem>>, vector<16xf32>,
        %slice3A_1351 = vector.extract_strided_slice %get3A_443 {offsets = [13], sizes = [1], strides = [1]} : vector<16xf32> to vector<1xf32>
        %squeeze3A_1352 = vector.extract %slice3A_1351[0] : f32 from vector<1xf32>
        %mul3A_1353 = arith.constant 16 : i32
        %mul3A_1354 = arith.muli %scan3A_437, %mul3A_1353 : i32
        %add3A_1355 = arith.constant 13 : i32
        %add3A_1356 = arith.addi %mul3A_1354, %add3A_1355 : i32
        %get3A_1357 = arith.index_cast %add3A_1356 : i32 to index
        %get3A_1358 = arith.constant 0 : index
        %get3A_1359 = tpu.vector_load %arg11[%get3A_1357, %get3A_1358] {strides = array<i32>} : memref<128x128xf32, #tpu.memory_space<vmem>>, vector<16xf32>,
        %mul3A_1360 = vector.broadcast %squeeze3A_1352 : f32 to vector<16xf32>
        %mul3A_1361 = arith.mulf %get3A_1359, %mul3A_1360 : vector<16xf32>
        %swap3A_1362 = arith.index_cast %add3A_1356 : i32 to index
        %swap3A_1363 = arith.constant 0 : index
        %swap3A_1364 = tpu.vector_load %arg11[%swap3A_1362, %swap3A_1363] {strides = array<i32>} : memref<128x128xf32, #tpu.memory_space<vmem>>, vector<16xf32>,
        tpu.vector_store %arg11[%swap3A_1362, %swap3A_1363], %mul3A_1361 {strides = array<i32>} : memref<128x128xf32, #tpu.memory_space<vmem>>, vector<16xf32>,
        %get3A_1365 = arith.index_cast %add3A_1356 : i32 to index
        %get3A_1366 = arith.constant 16 : index
        %get3A_1367 = tpu.vector_load %arg11[%get3A_1365, %get3A_1366] {strides = array<i32>} : memref<128x128xf32, #tpu.memory_space<vmem>>, vector<16xf32>,
        %mul3A_1368 = vector.broadcast %squeeze3A_1352 : f32 to vector<16xf32>
        %mul3A_1369 = arith.mulf %get3A_1367, %mul3A_1368 : vector<16xf32>
        %swap3A_1370 = arith.index_cast %add3A_1356 : i32 to index
        %swap3A_1371 = arith.constant 16 : index
        %swap3A_1372 = tpu.vector_load %arg11[%swap3A_1370, %swap3A_1371] {strides = array<i32>} : memref<128x128xf32, #tpu.memory_space<vmem>>, vector<16xf32>,
        tpu.vector_store %arg11[%swap3A_1370, %swap3A_1371], %mul3A_1369 {strides = array<i32>} : memref<128x128xf32, #tpu.memory_space<vmem>>, vector<16xf32>,
        %get3A_1373 = arith.index_cast %add3A_1356 : i32 to index
        %get3A_1374 = arith.constant 32 : index
        %get3A_1375 = tpu.vector_load %arg11[%get3A_1373, %get3A_1374] {strides = array<i32>} : memref<128x128xf32, #tpu.memory_space<vmem>>, vector<16xf32>,
        %mul3A_1376 = vector.broadcast %squeeze3A_1352 : f32 to vector<16xf32>
        %mul3A_1377 = arith.mulf %get3A_1375, %mul3A_1376 : vector<16xf32>
        %swap3A_1378 = arith.index_cast %add3A_1356 : i32 to index
        %swap3A_1379 = arith.constant 32 : index
        %swap3A_1380 = tpu.vector_load %arg11[%swap3A_1378, %swap3A_1379] {strides = array<i32>} : memref<128x128xf32, #tpu.memory_space<vmem>>, vector<16xf32>,
        tpu.vector_store %arg11[%swap3A_1378, %swap3A_1379], %mul3A_1377 {strides = array<i32>} : memref<128x128xf32, #tpu.memory_space<vmem>>, vector<16xf32>,
        %get3A_1381 = arith.index_cast %add3A_1356 : i32 to index
        %get3A_1382 = arith.constant 48 : index
        %get3A_1383 = tpu.vector_load %arg11[%get3A_1381, %get3A_1382] {strides = array<i32>} : memref<128x128xf32, #tpu.memory_space<vmem>>, vector<16xf32>,
        %mul3A_1384 = vector.broadcast %squeeze3A_1352 : f32 to vector<16xf32>
        %mul3A_1385 = arith.mulf %get3A_1383, %mul3A_1384 : vector<16xf32>
        %swap3A_1386 = arith.index_cast %add3A_1356 : i32 to index
        %swap3A_1387 = arith.constant 48 : index
        %swap3A_1388 = tpu.vector_load %arg11[%swap3A_1386, %swap3A_1387] {strides = array<i32>} : memref<128x128xf32, #tpu.memory_space<vmem>>, vector<16xf32>,
        tpu.vector_store %arg11[%swap3A_1386, %swap3A_1387], %mul3A_1385 {strides = array<i32>} : memref<128x128xf32, #tpu.memory_space<vmem>>, vector<16xf32>,
        %get3A_1389 = arith.index_cast %add3A_1356 : i32 to index
        %get3A_1390 = arith.constant 64 : index
        %get3A_1391 = tpu.vector_load %arg11[%get3A_1389, %get3A_1390] {strides = array<i32>} : memref<128x128xf32, #tpu.memory_space<vmem>>, vector<16xf32>,
        %mul3A_1392 = vector.broadcast %squeeze3A_1352 : f32 to vector<16xf32>
        %mul3A_1393 = arith.mulf %get3A_1391, %mul3A_1392 : vector<16xf32>
        %swap3A_1394 = arith.index_cast %add3A_1356 : i32 to index
        %swap3A_1395 = arith.constant 64 : index
        %swap3A_1396 = tpu.vector_load %arg11[%swap3A_1394, %swap3A_1395] {strides = array<i32>} : memref<128x128xf32, #tpu.memory_space<vmem>>, vector<16xf32>,
        tpu.vector_store %arg11[%swap3A_1394, %swap3A_1395], %mul3A_1393 {strides = array<i32>} : memref<128x128xf32, #tpu.memory_space<vmem>>, vector<16xf32>,
        %get3A_1397 = arith.index_cast %add3A_1356 : i32 to index
        %get3A_1398 = arith.constant 80 : index
        %get3A_1399 = tpu.vector_load %arg11[%get3A_1397, %get3A_1398] {strides = array<i32>} : memref<128x128xf32, #tpu.memory_space<vmem>>, vector<16xf32>,
        %mul3A_1400 = vector.broadcast %squeeze3A_1352 : f32 to vector<16xf32>
        %mul3A_1401 = arith.mulf %get3A_1399, %mul3A_1400 : vector<16xf32>
        %swap3A_1402 = arith.index_cast %add3A_1356 : i32 to index
        %swap3A_1403 = arith.constant 80 : index
        %swap3A_1404 = tpu.vector_load %arg11[%swap3A_1402, %swap3A_1403] {strides = array<i32>} : memref<128x128xf32, #tpu.memory_space<vmem>>, vector<16xf32>,
        tpu.vector_store %arg11[%swap3A_1402, %swap3A_1403], %mul3A_1401 {strides = array<i32>} : memref<128x128xf32, #tpu.memory_space<vmem>>, vector<16xf32>,
        %get3A_1405 = arith.index_cast %add3A_1356 : i32 to index
        %get3A_1406 = arith.constant 96 : index
        %get3A_1407 = tpu.vector_load %arg11[%get3A_1405, %get3A_1406] {strides = array<i32>} : memref<128x128xf32, #tpu.memory_space<vmem>>, vector<16xf32>,
        %mul3A_1408 = vector.broadcast %squeeze3A_1352 : f32 to vector<16xf32>
        %mul3A_1409 = arith.mulf %get3A_1407, %mul3A_1408 : vector<16xf32>
        %swap3A_1410 = arith.index_cast %add3A_1356 : i32 to index
        %swap3A_1411 = arith.constant 96 : index
        %swap3A_1412 = tpu.vector_load %arg11[%swap3A_1410, %swap3A_1411] {strides = array<i32>} : memref<128x128xf32, #tpu.memory_space<vmem>>, vector<16xf32>,
        tpu.vector_store %arg11[%swap3A_1410, %swap3A_1411], %mul3A_1409 {strides = array<i32>} : memref<128x128xf32, #tpu.memory_space<vmem>>, vector<16xf32>,
        %get3A_1413 = arith.index_cast %add3A_1356 : i32 to index
        %get3A_1414 = arith.constant 112 : index
        %get3A_1415 = tpu.vector_load %arg11[%get3A_1413, %get3A_1414] {strides = array<i32>} : memref<128x128xf32, #tpu.memory_space<vmem>>, vector<16xf32>,
        %mul3A_1416 = vector.broadcast %squeeze3A_1352 : f32 to vector<16xf32>
        %mul3A_1417 = arith.mulf %get3A_1415, %mul3A_1416 : vector<16xf32>
        %swap3A_1418 = arith.index_cast %add3A_1356 : i32 to index
        %swap3A_1419 = arith.constant 112 : index
        %swap3A_1420 = tpu.vector_load %arg11[%swap3A_1418, %swap3A_1419] {strides = array<i32>} : memref<128x128xf32, #tpu.memory_space<vmem>>, vector<16xf32>,
        tpu.vector_store %arg11[%swap3A_1418, %swap3A_1419], %mul3A_1417 {strides = array<i32>} : memref<128x128xf32, #tpu.memory_space<vmem>>, vector<16xf32>,
        %slice3A_1421 = vector.extract_strided_slice %get3A_443 {offsets = [14], sizes = [1], strides = [1]} : vector<16xf32> to vector<1xf32>
        %squeeze3A_1422 = vector.extract %slice3A_1421[0] : f32 from vector<1xf32>
        %mul3A_1423 = arith.constant 16 : i32
        %mul3A_1424 = arith.muli %scan3A_437, %mul3A_1423 : i32
        %add3A_1425 = arith.constant 14 : i32
        %add3A_1426 = arith.addi %mul3A_1424, %add3A_1425 : i32
        %get3A_1427 = arith.index_cast %add3A_1426 : i32 to index
        %get3A_1428 = arith.constant 0 : index
        %get3A_1429 = tpu.vector_load %arg11[%get3A_1427, %get3A_1428] {strides = array<i32>} : memref<128x128xf32, #tpu.memory_space<vmem>>, vector<16xf32>,
        %mul3A_1430 = vector.broadcast %squeeze3A_1422 : f32 to vector<16xf32>
        %mul3A_1431 = arith.mulf %get3A_1429, %mul3A_1430 : vector<16xf32>
        %swap3A_1432 = arith.index_cast %add3A_1426 : i32 to index
        %swap3A_1433 = arith.constant 0 : index
        %swap3A_1434 = tpu.vector_load %arg11[%swap3A_1432, %swap3A_1433] {strides = array<i32>} : memref<128x128xf32, #tpu.memory_space<vmem>>, vector<16xf32>,
        tpu.vector_store %arg11[%swap3A_1432, %swap3A_1433], %mul3A_1431 {strides = array<i32>} : memref<128x128xf32, #tpu.memory_space<vmem>>, vector<16xf32>,
        %get3A_1435 = arith.index_cast %add3A_1426 : i32 to index
        %get3A_1436 = arith.constant 16 : index
        %get3A_1437 = tpu.vector_load %arg11[%get3A_1435, %get3A_1436] {strides = array<i32>} : memref<128x128xf32, #tpu.memory_space<vmem>>, vector<16xf32>,
        %mul3A_1438 = vector.broadcast %squeeze3A_1422 : f32 to vector<16xf32>
        %mul3A_1439 = arith.mulf %get3A_1437, %mul3A_1438 : vector<16xf32>
        %swap3A_1440 = arith.index_cast %add3A_1426 : i32 to index
        %swap3A_1441 = arith.constant 16 : index
        %swap3A_1442 = tpu.vector_load %arg11[%swap3A_1440, %swap3A_1441] {strides = array<i32>} : memref<128x128xf32, #tpu.memory_space<vmem>>, vector<16xf32>,
        tpu.vector_store %arg11[%swap3A_1440, %swap3A_1441], %mul3A_1439 {strides = array<i32>} : memref<128x128xf32, #tpu.memory_space<vmem>>, vector<16xf32>,
        %get3A_1443 = arith.index_cast %add3A_1426 : i32 to index
        %get3A_1444 = arith.constant 32 : index
        %get3A_1445 = tpu.vector_load %arg11[%get3A_1443, %get3A_1444] {strides = array<i32>} : memref<128x128xf32, #tpu.memory_space<vmem>>, vector<16xf32>,
        %mul3A_1446 = vector.broadcast %squeeze3A_1422 : f32 to vector<16xf32>
        %mul3A_1447 = arith.mulf %get3A_1445, %mul3A_1446 : vector<16xf32>
        %swap3A_1448 = arith.index_cast %add3A_1426 : i32 to index
        %swap3A_1449 = arith.constant 32 : index
        %swap3A_1450 = tpu.vector_load %arg11[%swap3A_1448, %swap3A_1449] {strides = array<i32>} : memref<128x128xf32, #tpu.memory_space<vmem>>, vector<16xf32>,
        tpu.vector_store %arg11[%swap3A_1448, %swap3A_1449], %mul3A_1447 {strides = array<i32>} : memref<128x128xf32, #tpu.memory_space<vmem>>, vector<16xf32>,
        %get3A_1451 = arith.index_cast %add3A_1426 : i32 to index
        %get3A_1452 = arith.constant 48 : index
        %get3A_1453 = tpu.vector_load %arg11[%get3A_1451, %get3A_1452] {strides = array<i32>} : memref<128x128xf32, #tpu.memory_space<vmem>>, vector<16xf32>,
        %mul3A_1454 = vector.broadcast %squeeze3A_1422 : f32 to vector<16xf32>
        %mul3A_1455 = arith.mulf %get3A_1453, %mul3A_1454 : vector<16xf32>
        %swap3A_1456 = arith.index_cast %add3A_1426 : i32 to index
        %swap3A_1457 = arith.constant 48 : index
        %swap3A_1458 = tpu.vector_load %arg11[%swap3A_1456, %swap3A_1457] {strides = array<i32>} : memref<128x128xf32, #tpu.memory_space<vmem>>, vector<16xf32>,
        tpu.vector_store %arg11[%swap3A_1456, %swap3A_1457], %mul3A_1455 {strides = array<i32>} : memref<128x128xf32, #tpu.memory_space<vmem>>, vector<16xf32>,
        %get3A_1459 = arith.index_cast %add3A_1426 : i32 to index
        %get3A_1460 = arith.constant 64 : index
        %get3A_1461 = tpu.vector_load %arg11[%get3A_1459, %get3A_1460] {strides = array<i32>} : memref<128x128xf32, #tpu.memory_space<vmem>>, vector<16xf32>,
        %mul3A_1462 = vector.broadcast %squeeze3A_1422 : f32 to vector<16xf32>
        %mul3A_1463 = arith.mulf %get3A_1461, %mul3A_1462 : vector<16xf32>
        %swap3A_1464 = arith.index_cast %add3A_1426 : i32 to index
        %swap3A_1465 = arith.constant 64 : index
        %swap3A_1466 = tpu.vector_load %arg11[%swap3A_1464, %swap3A_1465] {strides = array<i32>} : memref<128x128xf32, #tpu.memory_space<vmem>>, vector<16xf32>,
        tpu.vector_store %arg11[%swap3A_1464, %swap3A_1465], %mul3A_1463 {strides = array<i32>} : memref<128x128xf32, #tpu.memory_space<vmem>>, vector<16xf32>,
        %get3A_1467 = arith.index_cast %add3A_1426 : i32 to index
        %get3A_1468 = arith.constant 80 : index
        %get3A_1469 = tpu.vector_load %arg11[%get3A_1467, %get3A_1468] {strides = array<i32>} : memref<128x128xf32, #tpu.memory_space<vmem>>, vector<16xf32>,
        %mul3A_1470 = vector.broadcast %squeeze3A_1422 : f32 to vector<16xf32>
        %mul3A_1471 = arith.mulf %get3A_1469, %mul3A_1470 : vector<16xf32>
        %swap3A_1472 = arith.index_cast %add3A_1426 : i32 to index
        %swap3A_1473 = arith.constant 80 : index
        %swap3A_1474 = tpu.vector_load %arg11[%swap3A_1472, %swap3A_1473] {strides = array<i32>} : memref<128x128xf32, #tpu.memory_space<vmem>>, vector<16xf32>,
        tpu.vector_store %arg11[%swap3A_1472, %swap3A_1473], %mul3A_1471 {strides = array<i32>} : memref<128x128xf32, #tpu.memory_space<vmem>>, vector<16xf32>,
        %get3A_1475 = arith.index_cast %add3A_1426 : i32 to index
        %get3A_1476 = arith.constant 96 : index
        %get3A_1477 = tpu.vector_load %arg11[%get3A_1475, %get3A_1476] {strides = array<i32>} : memref<128x128xf32, #tpu.memory_space<vmem>>, vector<16xf32>,
        %mul3A_1478 = vector.broadcast %squeeze3A_1422 : f32 to vector<16xf32>
        %mul3A_1479 = arith.mulf %get3A_1477, %mul3A_1478 : vector<16xf32>
        %swap3A_1480 = arith.index_cast %add3A_1426 : i32 to index
        %swap3A_1481 = arith.constant 96 : index
        %swap3A_1482 = tpu.vector_load %arg11[%swap3A_1480, %swap3A_1481] {strides = array<i32>} : memref<128x128xf32, #tpu.memory_space<vmem>>, vector<16xf32>,
        tpu.vector_store %arg11[%swap3A_1480, %swap3A_1481], %mul3A_1479 {strides = array<i32>} : memref<128x128xf32, #tpu.memory_space<vmem>>, vector<16xf32>,
        %get3A_1483 = arith.index_cast %add3A_1426 : i32 to index
        %get3A_1484 = arith.constant 112 : index
        %get3A_1485 = tpu.vector_load %arg11[%get3A_1483, %get3A_1484] {strides = array<i32>} : memref<128x128xf32, #tpu.memory_space<vmem>>, vector<16xf32>,
        %mul3A_1486 = vector.broadcast %squeeze3A_1422 : f32 to vector<16xf32>
        %mul3A_1487 = arith.mulf %get3A_1485, %mul3A_1486 : vector<16xf32>
        %swap3A_1488 = arith.index_cast %add3A_1426 : i32 to index
        %swap3A_1489 = arith.constant 112 : index
        %swap3A_1490 = tpu.vector_load %arg11[%swap3A_1488, %swap3A_1489] {strides = array<i32>} : memref<128x128xf32, #tpu.memory_space<vmem>>, vector<16xf32>,
        tpu.vector_store %arg11[%swap3A_1488, %swap3A_1489], %mul3A_1487 {strides = array<i32>} : memref<128x128xf32, #tpu.memory_space<vmem>>, vector<16xf32>,
        %slice3A_1491 = vector.extract_strided_slice %get3A_443 {offsets = [15], sizes = [1], strides = [1]} : vector<16xf32> to vector<1xf32>
        %squeeze3A_1492 = vector.extract %slice3A_1491[0] : f32 from vector<1xf32>
        %mul3A_1493 = arith.constant 16 : i32
        %mul3A_1494 = arith.muli %scan3A_437, %mul3A_1493 : i32
        %add3A_1495 = arith.constant 15 : i32
        %add3A_1496 = arith.addi %mul3A_1494, %add3A_1495 : i32
        %get3A_1497 = arith.index_cast %add3A_1496 : i32 to index
        %get3A_1498 = arith.constant 0 : index
        %get3A_1499 = tpu.vector_load %arg11[%get3A_1497, %get3A_1498] {strides = array<i32>} : memref<128x128xf32, #tpu.memory_space<vmem>>, vector<16xf32>,
        %mul3A_1500 = vector.broadcast %squeeze3A_1492 : f32 to vector<16xf32>
        %mul3A_1501 = arith.mulf %get3A_1499, %mul3A_1500 : vector<16xf32>
        %swap3A_1502 = arith.index_cast %add3A_1496 : i32 to index
        %swap3A_1503 = arith.constant 0 : index
        %swap3A_1504 = tpu.vector_load %arg11[%swap3A_1502, %swap3A_1503] {strides = array<i32>} : memref<128x128xf32, #tpu.memory_space<vmem>>, vector<16xf32>,
        tpu.vector_store %arg11[%swap3A_1502, %swap3A_1503], %mul3A_1501 {strides = array<i32>} : memref<128x128xf32, #tpu.memory_space<vmem>>, vector<16xf32>,
        %get3A_1505 = arith.index_cast %add3A_1496 : i32 to index
        %get3A_1506 = arith.constant 16 : index
        %get3A_1507 = tpu.vector_load %arg11[%get3A_1505, %get3A_1506] {strides = array<i32>} : memref<128x128xf32, #tpu.memory_space<vmem>>, vector<16xf32>,
        %mul3A_1508 = vector.broadcast %squeeze3A_1492 : f32 to vector<16xf32>
        %mul3A_1509 = arith.mulf %get3A_1507, %mul3A_1508 : vector<16xf32>
        %swap3A_1510 = arith.index_cast %add3A_1496 : i32 to index
        %swap3A_1511 = arith.constant 16 : index
        %swap3A_1512 = tpu.vector_load %arg11[%swap3A_1510, %swap3A_1511] {strides = array<i32>} : memref<128x128xf32, #tpu.memory_space<vmem>>, vector<16xf32>,
        tpu.vector_store %arg11[%swap3A_1510, %swap3A_1511], %mul3A_1509 {strides = array<i32>} : memref<128x128xf32, #tpu.memory_space<vmem>>, vector<16xf32>,
        %get3A_1513 = arith.index_cast %add3A_1496 : i32 to index
        %get3A_1514 = arith.constant 32 : index
        %get3A_1515 = tpu.vector_load %arg11[%get3A_1513, %get3A_1514] {strides = array<i32>} : memref<128x128xf32, #tpu.memory_space<vmem>>, vector<16xf32>,
        %mul3A_1516 = vector.broadcast %squeeze3A_1492 : f32 to vector<16xf32>
        %mul3A_1517 = arith.mulf %get3A_1515, %mul3A_1516 : vector<16xf32>
        %swap3A_1518 = arith.index_cast %add3A_1496 : i32 to index
        %swap3A_1519 = arith.constant 32 : index
        %swap3A_1520 = tpu.vector_load %arg11[%swap3A_1518, %swap3A_1519] {strides = array<i32>} : memref<128x128xf32, #tpu.memory_space<vmem>>, vector<16xf32>,
        tpu.vector_store %arg11[%swap3A_1518, %swap3A_1519], %mul3A_1517 {strides = array<i32>} : memref<128x128xf32, #tpu.memory_space<vmem>>, vector<16xf32>,
        %get3A_1521 = arith.index_cast %add3A_1496 : i32 to index
        %get3A_1522 = arith.constant 48 : index
        %get3A_1523 = tpu.vector_load %arg11[%get3A_1521, %get3A_1522] {strides = array<i32>} : memref<128x128xf32, #tpu.memory_space<vmem>>, vector<16xf32>,
        %mul3A_1524 = vector.broadcast %squeeze3A_1492 : f32 to vector<16xf32>
        %mul3A_1525 = arith.mulf %get3A_1523, %mul3A_1524 : vector<16xf32>
        %swap3A_1526 = arith.index_cast %add3A_1496 : i32 to index
        %swap3A_1527 = arith.constant 48 : index
        %swap3A_1528 = tpu.vector_load %arg11[%swap3A_1526, %swap3A_1527] {strides = array<i32>} : memref<128x128xf32, #tpu.memory_space<vmem>>, vector<16xf32>,
        tpu.vector_store %arg11[%swap3A_1526, %swap3A_1527], %mul3A_1525 {strides = array<i32>} : memref<128x128xf32, #tpu.memory_space<vmem>>, vector<16xf32>,
        %get3A_1529 = arith.index_cast %add3A_1496 : i32 to index
        %get3A_1530 = arith.constant 64 : index
        %get3A_1531 = tpu.vector_load %arg11[%get3A_1529, %get3A_1530] {strides = array<i32>} : memref<128x128xf32, #tpu.memory_space<vmem>>, vector<16xf32>,
        %mul3A_1532 = vector.broadcast %squeeze3A_1492 : f32 to vector<16xf32>
        %mul3A_1533 = arith.mulf %get3A_1531, %mul3A_1532 : vector<16xf32>
        %swap3A_1534 = arith.index_cast %add3A_1496 : i32 to index
        %swap3A_1535 = arith.constant 64 : index
        %swap3A_1536 = tpu.vector_load %arg11[%swap3A_1534, %swap3A_1535] {strides = array<i32>} : memref<128x128xf32, #tpu.memory_space<vmem>>, vector<16xf32>,
        tpu.vector_store %arg11[%swap3A_1534, %swap3A_1535], %mul3A_1533 {strides = array<i32>} : memref<128x128xf32, #tpu.memory_space<vmem>>, vector<16xf32>,
        %get3A_1537 = arith.index_cast %add3A_1496 : i32 to index
        %get3A_1538 = arith.constant 80 : index
        %get3A_1539 = tpu.vector_load %arg11[%get3A_1537, %get3A_1538] {strides = array<i32>} : memref<128x128xf32, #tpu.memory_space<vmem>>, vector<16xf32>,
        %mul3A_1540 = vector.broadcast %squeeze3A_1492 : f32 to vector<16xf32>
        %mul3A_1541 = arith.mulf %get3A_1539, %mul3A_1540 : vector<16xf32>
        %swap3A_1542 = arith.index_cast %add3A_1496 : i32 to index
        %swap3A_1543 = arith.constant 80 : index
        %swap3A_1544 = tpu.vector_load %arg11[%swap3A_1542, %swap3A_1543] {strides = array<i32>} : memref<128x128xf32, #tpu.memory_space<vmem>>, vector<16xf32>,
        tpu.vector_store %arg11[%swap3A_1542, %swap3A_1543], %mul3A_1541 {strides = array<i32>} : memref<128x128xf32, #tpu.memory_space<vmem>>, vector<16xf32>,
        %get3A_1545 = arith.index_cast %add3A_1496 : i32 to index
        %get3A_1546 = arith.constant 96 : index
        %get3A_1547 = tpu.vector_load %arg11[%get3A_1545, %get3A_1546] {strides = array<i32>} : memref<128x128xf32, #tpu.memory_space<vmem>>, vector<16xf32>,
        %mul3A_1548 = vector.broadcast %squeeze3A_1492 : f32 to vector<16xf32>
        %mul3A_1549 = arith.mulf %get3A_1547, %mul3A_1548 : vector<16xf32>
        %swap3A_1550 = arith.index_cast %add3A_1496 : i32 to index
        %swap3A_1551 = arith.constant 96 : index
        %swap3A_1552 = tpu.vector_load %arg11[%swap3A_1550, %swap3A_1551] {strides = array<i32>} : memref<128x128xf32, #tpu.memory_space<vmem>>, vector<16xf32>,
        tpu.vector_store %arg11[%swap3A_1550, %swap3A_1551], %mul3A_1549 {strides = array<i32>} : memref<128x128xf32, #tpu.memory_space<vmem>>, vector<16xf32>,
        %get3A_1553 = arith.index_cast %add3A_1496 : i32 to index
        %get3A_1554 = arith.constant 112 : index
        %get3A_1555 = tpu.vector_load %arg11[%get3A_1553, %get3A_1554] {strides = array<i32>} : memref<128x128xf32, #tpu.memory_space<vmem>>, vector<16xf32>,
        %mul3A_1556 = vector.broadcast %squeeze3A_1492 : f32 to vector<16xf32>
        %mul3A_1557 = arith.mulf %get3A_1555, %mul3A_1556 : vector<16xf32>
        %swap3A_1558 = arith.index_cast %add3A_1496 : i32 to index
        %swap3A_1559 = arith.constant 112 : index
        %swap3A_1560 = tpu.vector_load %arg11[%swap3A_1558, %swap3A_1559] {strides = array<i32>} : memref<128x128xf32, #tpu.memory_space<vmem>>, vector<16xf32>,
        tpu.vector_store %arg11[%swap3A_1558, %swap3A_1559], %mul3A_1557 {strides = array<i32>} : memref<128x128xf32, #tpu.memory_space<vmem>>, vector<16xf32>,
        %scan3A_1561 = arith.constant 0 : i32
        scf.yield %scan3A_1561 : i32
      }
      %scan3A_429 = arith.constant 8 : i32
      %dma_start3A_430 = arith.constant 0 : i32
      %dma_start3A_431 = tpu.memref_slice %arg7[%select_n3A_379, %select_n3A_395, %dma_start3A_430] : memref<2x8x128xi32, #tpu.memory_space<vmem>> -> memref<1x1x128xi32, #tpu.memory_space<vmem>>
      %dma_start3A_432 = tpu.memref_squeeze %dma_start3A_431 : memref<1x1x128xi32, #tpu.memory_space<vmem>> -> memref<128xi32, #tpu.memory_space<vmem>>
      %dma_start3A_433 = arith.constant 0 : i32
      %dma_start3A_434 = arith.constant 0 : i32
      %dma_start3A_435 = tpu.memref_slice %arg12[%dma_start3A_433, %dma_start3A_434] : memref<10000x128xf32, #tpu.memory_space<vmem_shared>> -> memref<10000x128xf32, #tpu.memory_space<vmem_shared>>
      tpu.enqueue_indirect_dma source(%arg11 : memref<128x128xf32, #tpu.memory_space<vmem>>) target(%dma_start3A_435 : memref<10000x128xf32, #tpu.memory_space<vmem_shared>>) offsets(%dma_start3A_432 : memref<128xi32, #tpu.memory_space<vmem>>) semaphore(%arg16 : memref<!tpu.dma_semaphore, #tpu.memory_space<semaphore_mem>>) {add = true}
      %scan3A_436 = arith.constant 0 : i32
      scf.yield %scan3A_436 : i32
    }
    %scan3A_169 = arith.constant 80 : i32
    %dma_wait3A_170 = arith.constant 0 : i32
    %dma_wait3A_171 = arith.constant 0 : i32
    %dma_wait3A_172 = arith.constant 0 : i32
    %dma_wait3A_173 = tpu.memref_slice %arg7[%dma_wait3A_170, %dma_wait3A_171, %dma_wait3A_172] : memref<2x8x128xi32, #tpu.memory_space<vmem>> -> memref<1x1x128xi32, #tpu.memory_space<vmem>>
    %dma_wait3A_174 = tpu.memref_squeeze %dma_wait3A_173 : memref<1x1x128xi32, #tpu.memory_space<vmem>> -> memref<128xi32, #tpu.memory_space<vmem>>
    %dma_wait3A_175 = arith.constant 0 : i32
    %dma_wait3A_176 = arith.constant 0 : i32
    %dma_wait3A_177 = tpu.memref_slice %arg12[%dma_wait3A_175, %dma_wait3A_176] : memref<10000x128xf32, #tpu.memory_space<vmem_shared>> -> memref<10000x128xf32, #tpu.memory_space<vmem_shared>>
    tpu.wait_indirect_dma semaphore(%arg15 : memref<!tpu.dma_semaphore, #tpu.memory_space<semaphore_mem>>) src(%arg10 : memref<128x128xf32, #tpu.memory_space<vmem>>) dst(%dma_wait3A_177 : memref<10000x128xf32, #tpu.memory_space<vmem_shared>>)
    %dma_wait3A_178 = arith.constant 0 : i32
    %dma_wait3A_179 = arith.constant 0 : i32
    %dma_wait3A_180 = arith.constant 0 : i32
    %dma_wait3A_181 = tpu.memref_slice %arg7[%dma_wait3A_178, %dma_wait3A_179, %dma_wait3A_180] : memref<2x8x128xi32, #tpu.memory_space<vmem>> -> memref<1x1x128xi32, #tpu.memory_space<vmem>>
    %dma_wait3A_182 = tpu.memref_squeeze %dma_wait3A_181 : memref<1x1x128xi32, #tpu.memory_space<vmem>> -> memref<128xi32, #tpu.memory_space<vmem>>
    %dma_wait3A_183 = arith.constant 0 : i32
    %dma_wait3A_184 = arith.constant 0 : i32
    %dma_wait3A_185 = tpu.memref_slice %arg12[%dma_wait3A_183, %dma_wait3A_184] : memref<10000x128xf32, #tpu.memory_space<vmem_shared>> -> memref<10000x128xf32, #tpu.memory_space<vmem_shared>>
    tpu.wait_indirect_dma semaphore(%arg16 : memref<!tpu.dma_semaphore, #tpu.memory_space<semaphore_mem>>) src(%arg11 : memref<128x128xf32, #tpu.memory_space<vmem>>) dst(%dma_wait3A_185 : memref<10000x128xf32, #tpu.memory_space<vmem_shared>>)
    %barrier3A_186 = arith.constant 0 : index
    tpu.barrier barrier_id(%barrier3A_186)
    %add3A_187 = arith.constant 0 : i32
    %add3A_188 = arith.addi %add3A_187, %arg1 : i32
    %lt3A_189 = arith.constant 125 : i32
    %lt3A_190 = arith.cmpi slt, %add3A_188, %lt3A_189 : i32
    %convert_element_type3A_191 = arith.extui %lt3A_190 : i1 to i32
    %cond3A_192 = arith.constant 0 : i32
    %cond3A_193 = arith.cmpi ne, %convert_element_type3A_191, %cond3A_192 : i32
    scf.if %cond3A_193 {
      %mul3A_243 = arith.constant 80 : i32
      %mul3A_244 = arith.muli %add3A_188, %mul3A_243 : i32
      %multiple_of3A = tpu.assume_multiple %mul3A_244, 80 : i32
      "tpu.region"() ({
        %run_scoped3A = tpu.sem_alloc : memref<!tpu.dma_semaphore, #tpu.memory_space<semaphore_mem>>
        %dma_start3A_245 = arith.constant 0 : i32
        %dma_start3A_246 = arith.constant 0 : i32
        %dma_start3A_247 = tpu.memref_slice %arg10[%dma_start3A_245, %dma_start3A_246] : memref<128x128xf32, #tpu.memory_space<vmem>> -> memref<80x128xf32, #tpu.memory_space<vmem>>
        %dma_start3A_248 = arith.constant 0 : i32
        %dma_start3A_249 = tpu.memref_slice %arg12[%multiple_of3A, %dma_start3A_248] : memref<10000x128xf32, #tpu.memory_space<vmem_shared>> -> memref<80x128xf32, #tpu.memory_space<vmem_shared>>
        %dma_start3A_250 = arith.constant 0 : i32
        %dma_start3A_251 = arith.constant 0 : i32
        %dma_start3A_252 = tpu.memref_slice %arg10[%dma_start3A_250, %dma_start3A_251] : memref<128x128xf32, #tpu.memory_space<vmem>> -> memref<80x128xf32, #tpu.memory_space<vmem>>
        %dma_start3A_253 = arith.constant 0 : i32
        %dma_start3A_254 = tpu.memref_slice %arg12[%multiple_of3A, %dma_start3A_253] : memref<10000x128xf32, #tpu.memory_space<vmem_shared>> -> memref<80x128xf32, #tpu.memory_space<vmem_shared>>
        tpu.enqueue_dma source(%dma_start3A_254 : memref<80x128xf32, #tpu.memory_space<vmem_shared>>) target(%dma_start3A_252 : memref<80x128xf32, #tpu.memory_space<vmem>>) target_semaphore(%run_scoped3A : memref<!tpu.dma_semaphore, #tpu.memory_space<semaphore_mem>>)
        %dma_wait3A_255 = arith.constant 0 : i32
        %dma_wait3A_256 = arith.constant 0 : i32
        %dma_wait3A_257 = tpu.memref_slice %arg10[%dma_wait3A_255, %dma_wait3A_256] : memref<128x128xf32, #tpu.memory_space<vmem>> -> memref<80x128xf32, #tpu.memory_space<vmem>>
        %dma_wait3A_258 = arith.constant 0 : i32
        %dma_wait3A_259 = tpu.memref_slice %arg12[%multiple_of3A, %dma_wait3A_258] : memref<10000x128xf32, #tpu.memory_space<vmem_shared>> -> memref<80x128xf32, #tpu.memory_space<vmem_shared>>
        %dma_wait3A_260 = arith.constant 0 : i32
        %dma_wait3A_261 = arith.constant 0 : i32
        %dma_wait3A_262 = tpu.memref_slice %arg10[%dma_wait3A_260, %dma_wait3A_261] : memref<128x128xf32, #tpu.memory_space<vmem>> -> memref<80x128xf32, #tpu.memory_space<vmem>>
        %dma_wait3A_263 = arith.constant 0 : i32
        %dma_wait3A_264 = tpu.memref_slice %arg12[%multiple_of3A, %dma_wait3A_263] : memref<10000x128xf32, #tpu.memory_space<vmem_shared>> -> memref<80x128xf32, #tpu.memory_space<vmem_shared>>
        tpu.wait_dma2 semaphore(%run_scoped3A : memref<!tpu.dma_semaphore, #tpu.memory_space<semaphore_mem>>) src(%dma_wait3A_264 : memref<80x128xf32, #tpu.memory_space<vmem_shared>>) dst(%dma_wait3A_262 : memref<80x128xf32, #tpu.memory_space<vmem>>)
        tpu.yield
      }) : () -> ()
      "tpu.region"() ({
        %run_scoped3A = tpu.sem_alloc : memref<!tpu.dma_semaphore, #tpu.memory_space<semaphore_mem>>
        %dma_start3A_245 = arith.constant 0 : i32
        %dma_start3A_246 = arith.constant 0 : i32
        %dma_start3A_247 = tpu.memref_slice %arg10[%dma_start3A_245, %dma_start3A_246] : memref<128x128xf32, #tpu.memory_space<vmem>> -> memref<80x128xf32, #tpu.memory_space<vmem>>
        %dma_start3A_248 = arith.constant 0 : i32
        %dma_start3A_249 = tpu.memref_slice %arg6[%arg0, %multiple_of3A, %dma_start3A_248] : memref<2x10000x128xf32, #tpu.memory_space<hbm>> -> memref<1x80x128xf32, #tpu.memory_space<hbm>>
        %dma_start3A_250 = tpu.memref_squeeze %dma_start3A_249 : memref<1x80x128xf32, #tpu.memory_space<hbm>> -> memref<80x128xf32, #tpu.memory_space<hbm>>
        %dma_start3A_251 = arith.constant 0 : i32
        %dma_start3A_252 = tpu.memref_slice %arg6[%arg0, %multiple_of3A, %dma_start3A_251] : memref<2x10000x128xf32, #tpu.memory_space<hbm>> -> memref<1x80x128xf32, #tpu.memory_space<hbm>>
        %dma_start3A_253 = tpu.memref_squeeze %dma_start3A_252 : memref<1x80x128xf32, #tpu.memory_space<hbm>> -> memref<80x128xf32, #tpu.memory_space<hbm>>
        %dma_start3A_254 = arith.constant 0 : i32
        %dma_start3A_255 = arith.constant 0 : i32
        %dma_start3A_256 = tpu.memref_slice %arg10[%dma_start3A_254, %dma_start3A_255] : memref<128x128xf32, #tpu.memory_space<vmem>> -> memref<80x128xf32, #tpu.memory_space<vmem>>
        tpu.enqueue_dma source(%dma_start3A_256 : memref<80x128xf32, #tpu.memory_space<vmem>>) target(%dma_start3A_253 : memref<80x128xf32, #tpu.memory_space<hbm>>) target_semaphore(%run_scoped3A : memref<!tpu.dma_semaphore, #tpu.memory_space<semaphore_mem>>)
        %dma_wait3A_257 = arith.constant 0 : i32
        %dma_wait3A_258 = arith.constant 0 : i32
        %dma_wait3A_259 = tpu.memref_slice %arg10[%dma_wait3A_257, %dma_wait3A_258] : memref<128x128xf32, #tpu.memory_space<vmem>> -> memref<80x128xf32, #tpu.memory_space<vmem>>
        %dma_wait3A_260 = arith.constant 0 : i32
        %dma_wait3A_261 = tpu.memref_slice %arg6[%arg0, %multiple_of3A, %dma_wait3A_260] : memref<2x10000x128xf32, #tpu.memory_space<hbm>> -> memref<1x80x128xf32, #tpu.memory_space<hbm>>
        %dma_wait3A_262 = tpu.memref_squeeze %dma_wait3A_261 : memref<1x80x128xf32, #tpu.memory_space<hbm>> -> memref<80x128xf32, #tpu.memory_space<hbm>>
        %dma_wait3A_263 = arith.constant 0 : i32
        %dma_wait3A_264 = tpu.memref_slice %arg6[%arg0, %multiple_of3A, %dma_wait3A_263] : memref<2x10000x128xf32, #tpu.memory_space<hbm>> -> memref<1x80x128xf32, #tpu.memory_space<hbm>>
        %dma_wait3A_265 = tpu.memref_squeeze %dma_wait3A_264 : memref<1x80x128xf32, #tpu.memory_space<hbm>> -> memref<80x128xf32, #tpu.memory_space<hbm>>
        %dma_wait3A_266 = arith.constant 0 : i32
        %dma_wait3A_267 = arith.constant 0 : i32
        %dma_wait3A_268 = tpu.memref_slice %arg10[%dma_wait3A_266, %dma_wait3A_267] : memref<128x128xf32, #tpu.memory_space<vmem>> -> memref<80x128xf32, #tpu.memory_space<vmem>>
        tpu.wait_dma2 semaphore(%run_scoped3A : memref<!tpu.dma_semaphore, #tpu.memory_space<semaphore_mem>>) src(%dma_wait3A_268 : memref<80x128xf32, #tpu.memory_space<vmem>>) dst(%dma_wait3A_265 : memref<80x128xf32, #tpu.memory_space<hbm>>)
        tpu.yield
      }) : () -> ()
    } else {
    }
    %add3A_194 = arith.constant 16 : i32
    %add3A_195 = arith.addi %add3A_194, %arg1 : i32
    %lt3A_196 = arith.constant 125 : i32
    %lt3A_197 = arith.cmpi slt, %add3A_195, %lt3A_196 : i32
    %convert_element_type3A_198 = arith.extui %lt3A_197 : i1 to i32
    %cond3A_199 = arith.constant 0 : i32
    %cond3A_200 = arith.cmpi ne, %convert_element_type3A_198, %cond3A_199 : i32
    scf.if %cond3A_200 {
      %mul3A_243 = arith.constant 80 : i32
      %mul3A_244 = arith.muli %add3A_195, %mul3A_243 : i32
      %multiple_of3A = tpu.assume_multiple %mul3A_244, 80 : i32
      "tpu.region"() ({
        %run_scoped3A = tpu.sem_alloc : memref<!tpu.dma_semaphore, #tpu.memory_space<semaphore_mem>>
        %dma_start3A_245 = arith.constant 0 : i32
        %dma_start3A_246 = arith.constant 0 : i32
        %dma_start3A_247 = tpu.memref_slice %arg10[%dma_start3A_245, %dma_start3A_246] : memref<128x128xf32, #tpu.memory_space<vmem>> -> memref<80x128xf32, #tpu.memory_space<vmem>>
        %dma_start3A_248 = arith.constant 0 : i32
        %dma_start3A_249 = tpu.memref_slice %arg12[%multiple_of3A, %dma_start3A_248] : memref<10000x128xf32, #tpu.memory_space<vmem_shared>> -> memref<80x128xf32, #tpu.memory_space<vmem_shared>>
        %dma_start3A_250 = arith.constant 0 : i32
        %dma_start3A_251 = arith.constant 0 : i32
        %dma_start3A_252 = tpu.memref_slice %arg10[%dma_start3A_250, %dma_start3A_251] : memref<128x128xf32, #tpu.memory_space<vmem>> -> memref<80x128xf32, #tpu.memory_space<vmem>>
        %dma_start3A_253 = arith.constant 0 : i32
        %dma_start3A_254 = tpu.memref_slice %arg12[%multiple_of3A, %dma_start3A_253] : memref<10000x128xf32, #tpu.memory_space<vmem_shared>> -> memref<80x128xf32, #tpu.memory_space<vmem_shared>>
        tpu.enqueue_dma source(%dma_start3A_254 : memref<80x128xf32, #tpu.memory_space<vmem_shared>>) target(%dma_start3A_252 : memref<80x128xf32, #tpu.memory_space<vmem>>) target_semaphore(%run_scoped3A : memref<!tpu.dma_semaphore, #tpu.memory_space<semaphore_mem>>)
        %dma_wait3A_255 = arith.constant 0 : i32
        %dma_wait3A_256 = arith.constant 0 : i32
        %dma_wait3A_257 = tpu.memref_slice %arg10[%dma_wait3A_255, %dma_wait3A_256] : memref<128x128xf32, #tpu.memory_space<vmem>> -> memref<80x128xf32, #tpu.memory_space<vmem>>
        %dma_wait3A_258 = arith.constant 0 : i32
        %dma_wait3A_259 = tpu.memref_slice %arg12[%multiple_of3A, %dma_wait3A_258] : memref<10000x128xf32, #tpu.memory_space<vmem_shared>> -> memref<80x128xf32, #tpu.memory_space<vmem_shared>>
        %dma_wait3A_260 = arith.constant 0 : i32
        %dma_wait3A_261 = arith.constant 0 : i32
        %dma_wait3A_262 = tpu.memref_slice %arg10[%dma_wait3A_260, %dma_wait3A_261] : memref<128x128xf32, #tpu.memory_space<vmem>> -> memref<80x128xf32, #tpu.memory_space<vmem>>
        %dma_wait3A_263 = arith.constant 0 : i32
        %dma_wait3A_264 = tpu.memref_slice %arg12[%multiple_of3A, %dma_wait3A_263] : memref<10000x128xf32, #tpu.memory_space<vmem_shared>> -> memref<80x128xf32, #tpu.memory_space<vmem_shared>>
        tpu.wait_dma2 semaphore(%run_scoped3A : memref<!tpu.dma_semaphore, #tpu.memory_space<semaphore_mem>>) src(%dma_wait3A_264 : memref<80x128xf32, #tpu.memory_space<vmem_shared>>) dst(%dma_wait3A_262 : memref<80x128xf32, #tpu.memory_space<vmem>>)
        tpu.yield
      }) : () -> ()
      "tpu.region"() ({
        %run_scoped3A = tpu.sem_alloc : memref<!tpu.dma_semaphore, #tpu.memory_space<semaphore_mem>>
        %dma_start3A_245 = arith.constant 0 : i32
        %dma_start3A_246 = arith.constant 0 : i32
        %dma_start3A_247 = tpu.memref_slice %arg10[%dma_start3A_245, %dma_start3A_246] : memref<128x128xf32, #tpu.memory_space<vmem>> -> memref<80x128xf32, #tpu.memory_space<vmem>>
        %dma_start3A_248 = arith.constant 0 : i32
        %dma_start3A_249 = tpu.memref_slice %arg6[%arg0, %multiple_of3A, %dma_start3A_248] : memref<2x10000x128xf32, #tpu.memory_space<hbm>> -> memref<1x80x128xf32, #tpu.memory_space<hbm>>
        %dma_start3A_250 = tpu.memref_squeeze %dma_start3A_249 : memref<1x80x128xf32, #tpu.memory_space<hbm>> -> memref<80x128xf32, #tpu.memory_space<hbm>>
        %dma_start3A_251 = arith.constant 0 : i32
        %dma_start3A_252 = tpu.memref_slice %arg6[%arg0, %multiple_of3A, %dma_start3A_251] : memref<2x10000x128xf32, #tpu.memory_space<hbm>> -> memref<1x80x128xf32, #tpu.memory_space<hbm>>
        %dma_start3A_253 = tpu.memref_squeeze %dma_start3A_252 : memref<1x80x128xf32, #tpu.memory_space<hbm>> -> memref<80x128xf32, #tpu.memory_space<hbm>>
        %dma_start3A_254 = arith.constant 0 : i32
        %dma_start3A_255 = arith.constant 0 : i32
        %dma_start3A_256 = tpu.memref_slice %arg10[%dma_start3A_254, %dma_start3A_255] : memref<128x128xf32, #tpu.memory_space<vmem>> -> memref<80x128xf32, #tpu.memory_space<vmem>>
        tpu.enqueue_dma source(%dma_start3A_256 : memref<80x128xf32, #tpu.memory_space<vmem>>) target(%dma_start3A_253 : memref<80x128xf32, #tpu.memory_space<hbm>>) target_semaphore(%run_scoped3A : memref<!tpu.dma_semaphore, #tpu.memory_space<semaphore_mem>>)
        %dma_wait3A_257 = arith.constant 0 : i32
        %dma_wait3A_258 = arith.constant 0 : i32
        %dma_wait3A_259 = tpu.memref_slice %arg10[%dma_wait3A_257, %dma_wait3A_258] : memref<128x128xf32, #tpu.memory_space<vmem>> -> memref<80x128xf32, #tpu.memory_space<vmem>>
        %dma_wait3A_260 = arith.constant 0 : i32
        %dma_wait3A_261 = tpu.memref_slice %arg6[%arg0, %multiple_of3A, %dma_wait3A_260] : memref<2x10000x128xf32, #tpu.memory_space<hbm>> -> memref<1x80x128xf32, #tpu.memory_space<hbm>>
        %dma_wait3A_262 = tpu.memref_squeeze %dma_wait3A_261 : memref<1x80x128xf32, #tpu.memory_space<hbm>> -> memref<80x128xf32, #tpu.memory_space<hbm>>
        %dma_wait3A_263 = arith.constant 0 : i32
        %dma_wait3A_264 = tpu.memref_slice %arg6[%arg0, %multiple_of3A, %dma_wait3A_263] : memref<2x10000x128xf32, #tpu.memory_space<hbm>> -> memref<1x80x128xf32, #tpu.memory_space<hbm>>
        %dma_wait3A_265 = tpu.memref_squeeze %dma_wait3A_264 : memref<1x80x128xf32, #tpu.memory_space<hbm>> -> memref<80x128xf32, #tpu.memory_space<hbm>>
        %dma_wait3A_266 = arith.constant 0 : i32
        %dma_wait3A_267 = arith.constant 0 : i32
        %dma_wait3A_268 = tpu.memref_slice %arg10[%dma_wait3A_266, %dma_wait3A_267] : memref<128x128xf32, #tpu.memory_space<vmem>> -> memref<80x128xf32, #tpu.memory_space<vmem>>
        tpu.wait_dma2 semaphore(%run_scoped3A : memref<!tpu.dma_semaphore, #tpu.memory_space<semaphore_mem>>) src(%dma_wait3A_268 : memref<80x128xf32, #tpu.memory_space<vmem>>) dst(%dma_wait3A_265 : memref<80x128xf32, #tpu.memory_space<hbm>>)
        tpu.yield
      }) : () -> ()
    } else {
    }
    %add3A_201 = arith.constant 32 : i32
    %add3A_202 = arith.addi %add3A_201, %arg1 : i32
    %lt3A_203 = arith.constant 125 : i32
    %lt3A_204 = arith.cmpi slt, %add3A_202, %lt3A_203 : i32
    %convert_element_type3A_205 = arith.extui %lt3A_204 : i1 to i32
    %cond3A_206 = arith.constant 0 : i32
    %cond3A_207 = arith.cmpi ne, %convert_element_type3A_205, %cond3A_206 : i32
    scf.if %cond3A_207 {
      %mul3A_243 = arith.constant 80 : i32
      %mul3A_244 = arith.muli %add3A_202, %mul3A_243 : i32
      %multiple_of3A = tpu.assume_multiple %mul3A_244, 80 : i32
      "tpu.region"() ({
        %run_scoped3A = tpu.sem_alloc : memref<!tpu.dma_semaphore, #tpu.memory_space<semaphore_mem>>
        %dma_start3A_245 = arith.constant 0 : i32
        %dma_start3A_246 = arith.constant 0 : i32
        %dma_start3A_247 = tpu.memref_slice %arg10[%dma_start3A_245, %dma_start3A_246] : memref<128x128xf32, #tpu.memory_space<vmem>> -> memref<80x128xf32, #tpu.memory_space<vmem>>
        %dma_start3A_248 = arith.constant 0 : i32
        %dma_start3A_249 = tpu.memref_slice %arg12[%multiple_of3A, %dma_start3A_248] : memref<10000x128xf32, #tpu.memory_space<vmem_shared>> -> memref<80x128xf32, #tpu.memory_space<vmem_shared>>
        %dma_start3A_250 = arith.constant 0 : i32
        %dma_start3A_251 = arith.constant 0 : i32
        %dma_start3A_252 = tpu.memref_slice %arg10[%dma_start3A_250, %dma_start3A_251] : memref<128x128xf32, #tpu.memory_space<vmem>> -> memref<80x128xf32, #tpu.memory_space<vmem>>
        %dma_start3A_253 = arith.constant 0 : i32
        %dma_start3A_254 = tpu.memref_slice %arg12[%multiple_of3A, %dma_start3A_253] : memref<10000x128xf32, #tpu.memory_space<vmem_shared>> -> memref<80x128xf32, #tpu.memory_space<vmem_shared>>
        tpu.enqueue_dma source(%dma_start3A_254 : memref<80x128xf32, #tpu.memory_space<vmem_shared>>) target(%dma_start3A_252 : memref<80x128xf32, #tpu.memory_space<vmem>>) target_semaphore(%run_scoped3A : memref<!tpu.dma_semaphore, #tpu.memory_space<semaphore_mem>>)
        %dma_wait3A_255 = arith.constant 0 : i32
        %dma_wait3A_256 = arith.constant 0 : i32
        %dma_wait3A_257 = tpu.memref_slice %arg10[%dma_wait3A_255, %dma_wait3A_256] : memref<128x128xf32, #tpu.memory_space<vmem>> -> memref<80x128xf32, #tpu.memory_space<vmem>>
        %dma_wait3A_258 = arith.constant 0 : i32
        %dma_wait3A_259 = tpu.memref_slice %arg12[%multiple_of3A, %dma_wait3A_258] : memref<10000x128xf32, #tpu.memory_space<vmem_shared>> -> memref<80x128xf32, #tpu.memory_space<vmem_shared>>
        %dma_wait3A_260 = arith.constant 0 : i32
        %dma_wait3A_261 = arith.constant 0 : i32
        %dma_wait3A_262 = tpu.memref_slice %arg10[%dma_wait3A_260, %dma_wait3A_261] : memref<128x128xf32, #tpu.memory_space<vmem>> -> memref<80x128xf32, #tpu.memory_space<vmem>>
        %dma_wait3A_263 = arith.constant 0 : i32
        %dma_wait3A_264 = tpu.memref_slice %arg12[%multiple_of3A, %dma_wait3A_263] : memref<10000x128xf32, #tpu.memory_space<vmem_shared>> -> memref<80x128xf32, #tpu.memory_space<vmem_shared>>
        tpu.wait_dma2 semaphore(%run_scoped3A : memref<!tpu.dma_semaphore, #tpu.memory_space<semaphore_mem>>) src(%dma_wait3A_264 : memref<80x128xf32, #tpu.memory_space<vmem_shared>>) dst(%dma_wait3A_262 : memref<80x128xf32, #tpu.memory_space<vmem>>)
        tpu.yield
      }) : () -> ()
      "tpu.region"() ({
        %run_scoped3A = tpu.sem_alloc : memref<!tpu.dma_semaphore, #tpu.memory_space<semaphore_mem>>
        %dma_start3A_245 = arith.constant 0 : i32
        %dma_start3A_246 = arith.constant 0 : i32
        %dma_start3A_247 = tpu.memref_slice %arg10[%dma_start3A_245, %dma_start3A_246] : memref<128x128xf32, #tpu.memory_space<vmem>> -> memref<80x128xf32, #tpu.memory_space<vmem>>
        %dma_start3A_248 = arith.constant 0 : i32
        %dma_start3A_249 = tpu.memref_slice %arg6[%arg0, %multiple_of3A, %dma_start3A_248] : memref<2x10000x128xf32, #tpu.memory_space<hbm>> -> memref<1x80x128xf32, #tpu.memory_space<hbm>>
        %dma_start3A_250 = tpu.memref_squeeze %dma_start3A_249 : memref<1x80x128xf32, #tpu.memory_space<hbm>> -> memref<80x128xf32, #tpu.memory_space<hbm>>
        %dma_start3A_251 = arith.constant 0 : i32
        %dma_start3A_252 = tpu.memref_slice %arg6[%arg0, %multiple_of3A, %dma_start3A_251] : memref<2x10000x128xf32, #tpu.memory_space<hbm>> -> memref<1x80x128xf32, #tpu.memory_space<hbm>>
        %dma_start3A_253 = tpu.memref_squeeze %dma_start3A_252 : memref<1x80x128xf32, #tpu.memory_space<hbm>> -> memref<80x128xf32, #tpu.memory_space<hbm>>
        %dma_start3A_254 = arith.constant 0 : i32
        %dma_start3A_255 = arith.constant 0 : i32
        %dma_start3A_256 = tpu.memref_slice %arg10[%dma_start3A_254, %dma_start3A_255] : memref<128x128xf32, #tpu.memory_space<vmem>> -> memref<80x128xf32, #tpu.memory_space<vmem>>
        tpu.enqueue_dma source(%dma_start3A_256 : memref<80x128xf32, #tpu.memory_space<vmem>>) target(%dma_start3A_253 : memref<80x128xf32, #tpu.memory_space<hbm>>) target_semaphore(%run_scoped3A : memref<!tpu.dma_semaphore, #tpu.memory_space<semaphore_mem>>)
        %dma_wait3A_257 = arith.constant 0 : i32
        %dma_wait3A_258 = arith.constant 0 : i32
        %dma_wait3A_259 = tpu.memref_slice %arg10[%dma_wait3A_257, %dma_wait3A_258] : memref<128x128xf32, #tpu.memory_space<vmem>> -> memref<80x128xf32, #tpu.memory_space<vmem>>
        %dma_wait3A_260 = arith.constant 0 : i32
        %dma_wait3A_261 = tpu.memref_slice %arg6[%arg0, %multiple_of3A, %dma_wait3A_260] : memref<2x10000x128xf32, #tpu.memory_space<hbm>> -> memref<1x80x128xf32, #tpu.memory_space<hbm>>
        %dma_wait3A_262 = tpu.memref_squeeze %dma_wait3A_261 : memref<1x80x128xf32, #tpu.memory_space<hbm>> -> memref<80x128xf32, #tpu.memory_space<hbm>>
        %dma_wait3A_263 = arith.constant 0 : i32
        %dma_wait3A_264 = tpu.memref_slice %arg6[%arg0, %multiple_of3A, %dma_wait3A_263] : memref<2x10000x128xf32, #tpu.memory_space<hbm>> -> memref<1x80x128xf32, #tpu.memory_space<hbm>>
        %dma_wait3A_265 = tpu.memref_squeeze %dma_wait3A_264 : memref<1x80x128xf32, #tpu.memory_space<hbm>> -> memref<80x128xf32, #tpu.memory_space<hbm>>
        %dma_wait3A_266 = arith.constant 0 : i32
        %dma_wait3A_267 = arith.constant 0 : i32
        %dma_wait3A_268 = tpu.memref_slice %arg10[%dma_wait3A_266, %dma_wait3A_267] : memref<128x128xf32, #tpu.memory_space<vmem>> -> memref<80x128xf32, #tpu.memory_space<vmem>>
        tpu.wait_dma2 semaphore(%run_scoped3A : memref<!tpu.dma_semaphore, #tpu.memory_space<semaphore_mem>>) src(%dma_wait3A_268 : memref<80x128xf32, #tpu.memory_space<vmem>>) dst(%dma_wait3A_265 : memref<80x128xf32, #tpu.memory_space<hbm>>)
        tpu.yield
      }) : () -> ()
    } else {
    }
    %add3A_208 = arith.constant 48 : i32
    %add3A_209 = arith.addi %add3A_208, %arg1 : i32
    %lt3A_210 = arith.constant 125 : i32
    %lt3A_211 = arith.cmpi slt, %add3A_209, %lt3A_210 : i32
    %convert_element_type3A_212 = arith.extui %lt3A_211 : i1 to i32
    %cond3A_213 = arith.constant 0 : i32
    %cond3A_214 = arith.cmpi ne, %convert_element_type3A_212, %cond3A_213 : i32
    scf.if %cond3A_214 {
      %mul3A_243 = arith.constant 80 : i32
      %mul3A_244 = arith.muli %add3A_209, %mul3A_243 : i32
      %multiple_of3A = tpu.assume_multiple %mul3A_244, 80 : i32
      "tpu.region"() ({
        %run_scoped3A = tpu.sem_alloc : memref<!tpu.dma_semaphore, #tpu.memory_space<semaphore_mem>>
        %dma_start3A_245 = arith.constant 0 : i32
        %dma_start3A_246 = arith.constant 0 : i32
        %dma_start3A_247 = tpu.memref_slice %arg10[%dma_start3A_245, %dma_start3A_246] : memref<128x128xf32, #tpu.memory_space<vmem>> -> memref<80x128xf32, #tpu.memory_space<vmem>>
        %dma_start3A_248 = arith.constant 0 : i32
        %dma_start3A_249 = tpu.memref_slice %arg12[%multiple_of3A, %dma_start3A_248] : memref<10000x128xf32, #tpu.memory_space<vmem_shared>> -> memref<80x128xf32, #tpu.memory_space<vmem_shared>>
        %dma_start3A_250 = arith.constant 0 : i32
        %dma_start3A_251 = arith.constant 0 : i32
        %dma_start3A_252 = tpu.memref_slice %arg10[%dma_start3A_250, %dma_start3A_251] : memref<128x128xf32, #tpu.memory_space<vmem>> -> memref<80x128xf32, #tpu.memory_space<vmem>>
        %dma_start3A_253 = arith.constant 0 : i32
        %dma_start3A_254 = tpu.memref_slice %arg12[%multiple_of3A, %dma_start3A_253] : memref<10000x128xf32, #tpu.memory_space<vmem_shared>> -> memref<80x128xf32, #tpu.memory_space<vmem_shared>>
        tpu.enqueue_dma source(%dma_start3A_254 : memref<80x128xf32, #tpu.memory_space<vmem_shared>>) target(%dma_start3A_252 : memref<80x128xf32, #tpu.memory_space<vmem>>) target_semaphore(%run_scoped3A : memref<!tpu.dma_semaphore, #tpu.memory_space<semaphore_mem>>)
        %dma_wait3A_255 = arith.constant 0 : i32
        %dma_wait3A_256 = arith.constant 0 : i32
        %dma_wait3A_257 = tpu.memref_slice %arg10[%dma_wait3A_255, %dma_wait3A_256] : memref<128x128xf32, #tpu.memory_space<vmem>> -> memref<80x128xf32, #tpu.memory_space<vmem>>
        %dma_wait3A_258 = arith.constant 0 : i32
        %dma_wait3A_259 = tpu.memref_slice %arg12[%multiple_of3A, %dma_wait3A_258] : memref<10000x128xf32, #tpu.memory_space<vmem_shared>> -> memref<80x128xf32, #tpu.memory_space<vmem_shared>>
        %dma_wait3A_260 = arith.constant 0 : i32
        %dma_wait3A_261 = arith.constant 0 : i32
        %dma_wait3A_262 = tpu.memref_slice %arg10[%dma_wait3A_260, %dma_wait3A_261] : memref<128x128xf32, #tpu.memory_space<vmem>> -> memref<80x128xf32, #tpu.memory_space<vmem>>
        %dma_wait3A_263 = arith.constant 0 : i32
        %dma_wait3A_264 = tpu.memref_slice %arg12[%multiple_of3A, %dma_wait3A_263] : memref<10000x128xf32, #tpu.memory_space<vmem_shared>> -> memref<80x128xf32, #tpu.memory_space<vmem_shared>>
        tpu.wait_dma2 semaphore(%run_scoped3A : memref<!tpu.dma_semaphore, #tpu.memory_space<semaphore_mem>>) src(%dma_wait3A_264 : memref<80x128xf32, #tpu.memory_space<vmem_shared>>) dst(%dma_wait3A_262 : memref<80x128xf32, #tpu.memory_space<vmem>>)
        tpu.yield
      }) : () -> ()
      "tpu.region"() ({
        %run_scoped3A = tpu.sem_alloc : memref<!tpu.dma_semaphore, #tpu.memory_space<semaphore_mem>>
        %dma_start3A_245 = arith.constant 0 : i32
        %dma_start3A_246 = arith.constant 0 : i32
        %dma_start3A_247 = tpu.memref_slice %arg10[%dma_start3A_245, %dma_start3A_246] : memref<128x128xf32, #tpu.memory_space<vmem>> -> memref<80x128xf32, #tpu.memory_space<vmem>>
        %dma_start3A_248 = arith.constant 0 : i32
        %dma_start3A_249 = tpu.memref_slice %arg6[%arg0, %multiple_of3A, %dma_start3A_248] : memref<2x10000x128xf32, #tpu.memory_space<hbm>> -> memref<1x80x128xf32, #tpu.memory_space<hbm>>
        %dma_start3A_250 = tpu.memref_squeeze %dma_start3A_249 : memref<1x80x128xf32, #tpu.memory_space<hbm>> -> memref<80x128xf32, #tpu.memory_space<hbm>>
        %dma_start3A_251 = arith.constant 0 : i32
        %dma_start3A_252 = tpu.memref_slice %arg6[%arg0, %multiple_of3A, %dma_start3A_251] : memref<2x10000x128xf32, #tpu.memory_space<hbm>> -> memref<1x80x128xf32, #tpu.memory_space<hbm>>
        %dma_start3A_253 = tpu.memref_squeeze %dma_start3A_252 : memref<1x80x128xf32, #tpu.memory_space<hbm>> -> memref<80x128xf32, #tpu.memory_space<hbm>>
        %dma_start3A_254 = arith.constant 0 : i32
        %dma_start3A_255 = arith.constant 0 : i32
        %dma_start3A_256 = tpu.memref_slice %arg10[%dma_start3A_254, %dma_start3A_255] : memref<128x128xf32, #tpu.memory_space<vmem>> -> memref<80x128xf32, #tpu.memory_space<vmem>>
        tpu.enqueue_dma source(%dma_start3A_256 : memref<80x128xf32, #tpu.memory_space<vmem>>) target(%dma_start3A_253 : memref<80x128xf32, #tpu.memory_space<hbm>>) target_semaphore(%run_scoped3A : memref<!tpu.dma_semaphore, #tpu.memory_space<semaphore_mem>>)
        %dma_wait3A_257 = arith.constant 0 : i32
        %dma_wait3A_258 = arith.constant 0 : i32
        %dma_wait3A_259 = tpu.memref_slice %arg10[%dma_wait3A_257, %dma_wait3A_258] : memref<128x128xf32, #tpu.memory_space<vmem>> -> memref<80x128xf32, #tpu.memory_space<vmem>>
        %dma_wait3A_260 = arith.constant 0 : i32
        %dma_wait3A_261 = tpu.memref_slice %arg6[%arg0, %multiple_of3A, %dma_wait3A_260] : memref<2x10000x128xf32, #tpu.memory_space<hbm>> -> memref<1x80x128xf32, #tpu.memory_space<hbm>>
        %dma_wait3A_262 = tpu.memref_squeeze %dma_wait3A_261 : memref<1x80x128xf32, #tpu.memory_space<hbm>> -> memref<80x128xf32, #tpu.memory_space<hbm>>
        %dma_wait3A_263 = arith.constant 0 : i32
        %dma_wait3A_264 = tpu.memref_slice %arg6[%arg0, %multiple_of3A, %dma_wait3A_263] : memref<2x10000x128xf32, #tpu.memory_space<hbm>> -> memref<1x80x128xf32, #tpu.memory_space<hbm>>
        %dma_wait3A_265 = tpu.memref_squeeze %dma_wait3A_264 : memref<1x80x128xf32, #tpu.memory_space<hbm>> -> memref<80x128xf32, #tpu.memory_space<hbm>>
        %dma_wait3A_266 = arith.constant 0 : i32
        %dma_wait3A_267 = arith.constant 0 : i32
        %dma_wait3A_268 = tpu.memref_slice %arg10[%dma_wait3A_266, %dma_wait3A_267] : memref<128x128xf32, #tpu.memory_space<vmem>> -> memref<80x128xf32, #tpu.memory_space<vmem>>
        tpu.wait_dma2 semaphore(%run_scoped3A : memref<!tpu.dma_semaphore, #tpu.memory_space<semaphore_mem>>) src(%dma_wait3A_268 : memref<80x128xf32, #tpu.memory_space<vmem>>) dst(%dma_wait3A_265 : memref<80x128xf32, #tpu.memory_space<hbm>>)
        tpu.yield
      }) : () -> ()
    } else {
    }
    %add3A_215 = arith.constant 64 : i32
    %add3A_216 = arith.addi %add3A_215, %arg1 : i32
    %lt3A_217 = arith.constant 125 : i32
    %lt3A_218 = arith.cmpi slt, %add3A_216, %lt3A_217 : i32
    %convert_element_type3A_219 = arith.extui %lt3A_218 : i1 to i32
    %cond3A_220 = arith.constant 0 : i32
    %cond3A_221 = arith.cmpi ne, %convert_element_type3A_219, %cond3A_220 : i32
    scf.if %cond3A_221 {
      %mul3A_243 = arith.constant 80 : i32
      %mul3A_244 = arith.muli %add3A_216, %mul3A_243 : i32
      %multiple_of3A = tpu.assume_multiple %mul3A_244, 80 : i32
      "tpu.region"() ({
        %run_scoped3A = tpu.sem_alloc : memref<!tpu.dma_semaphore, #tpu.memory_space<semaphore_mem>>
        %dma_start3A_245 = arith.constant 0 : i32
        %dma_start3A_246 = arith.constant 0 : i32
        %dma_start3A_247 = tpu.memref_slice %arg10[%dma_start3A_245, %dma_start3A_246] : memref<128x128xf32, #tpu.memory_space<vmem>> -> memref<80x128xf32, #tpu.memory_space<vmem>>
        %dma_start3A_248 = arith.constant 0 : i32
        %dma_start3A_249 = tpu.memref_slice %arg12[%multiple_of3A, %dma_start3A_248] : memref<10000x128xf32, #tpu.memory_space<vmem_shared>> -> memref<80x128xf32, #tpu.memory_space<vmem_shared>>
        %dma_start3A_250 = arith.constant 0 : i32
        %dma_start3A_251 = arith.constant 0 : i32
        %dma_start3A_252 = tpu.memref_slice %arg10[%dma_start3A_250, %dma_start3A_251] : memref<128x128xf32, #tpu.memory_space<vmem>> -> memref<80x128xf32, #tpu.memory_space<vmem>>
        %dma_start3A_253 = arith.constant 0 : i32
        %dma_start3A_254 = tpu.memref_slice %arg12[%multiple_of3A, %dma_start3A_253] : memref<10000x128xf32, #tpu.memory_space<vmem_shared>> -> memref<80x128xf32, #tpu.memory_space<vmem_shared>>
        tpu.enqueue_dma source(%dma_start3A_254 : memref<80x128xf32, #tpu.memory_space<vmem_shared>>) target(%dma_start3A_252 : memref<80x128xf32, #tpu.memory_space<vmem>>) target_semaphore(%run_scoped3A : memref<!tpu.dma_semaphore, #tpu.memory_space<semaphore_mem>>)
        %dma_wait3A_255 = arith.constant 0 : i32
        %dma_wait3A_256 = arith.constant 0 : i32
        %dma_wait3A_257 = tpu.memref_slice %arg10[%dma_wait3A_255, %dma_wait3A_256] : memref<128x128xf32, #tpu.memory_space<vmem>> -> memref<80x128xf32, #tpu.memory_space<vmem>>
        %dma_wait3A_258 = arith.constant 0 : i32
        %dma_wait3A_259 = tpu.memref_slice %arg12[%multiple_of3A, %dma_wait3A_258] : memref<10000x128xf32, #tpu.memory_space<vmem_shared>> -> memref<80x128xf32, #tpu.memory_space<vmem_shared>>
        %dma_wait3A_260 = arith.constant 0 : i32
        %dma_wait3A_261 = arith.constant 0 : i32
        %dma_wait3A_262 = tpu.memref_slice %arg10[%dma_wait3A_260, %dma_wait3A_261] : memref<128x128xf32, #tpu.memory_space<vmem>> -> memref<80x128xf32, #tpu.memory_space<vmem>>
        %dma_wait3A_263 = arith.constant 0 : i32
        %dma_wait3A_264 = tpu.memref_slice %arg12[%multiple_of3A, %dma_wait3A_263] : memref<10000x128xf32, #tpu.memory_space<vmem_shared>> -> memref<80x128xf32, #tpu.memory_space<vmem_shared>>
        tpu.wait_dma2 semaphore(%run_scoped3A : memref<!tpu.dma_semaphore, #tpu.memory_space<semaphore_mem>>) src(%dma_wait3A_264 : memref<80x128xf32, #tpu.memory_space<vmem_shared>>) dst(%dma_wait3A_262 : memref<80x128xf32, #tpu.memory_space<vmem>>)
        tpu.yield
      }) : () -> ()
      "tpu.region"() ({
        %run_scoped3A = tpu.sem_alloc : memref<!tpu.dma_semaphore, #tpu.memory_space<semaphore_mem>>
        %dma_start3A_245 = arith.constant 0 : i32
        %dma_start3A_246 = arith.constant 0 : i32
        %dma_start3A_247 = tpu.memref_slice %arg10[%dma_start3A_245, %dma_start3A_246] : memref<128x128xf32, #tpu.memory_space<vmem>> -> memref<80x128xf32, #tpu.memory_space<vmem>>
        %dma_start3A_248 = arith.constant 0 : i32
        %dma_start3A_249 = tpu.memref_slice %arg6[%arg0, %multiple_of3A, %dma_start3A_248] : memref<2x10000x128xf32, #tpu.memory_space<hbm>> -> memref<1x80x128xf32, #tpu.memory_space<hbm>>
        %dma_start3A_250 = tpu.memref_squeeze %dma_start3A_249 : memref<1x80x128xf32, #tpu.memory_space<hbm>> -> memref<80x128xf32, #tpu.memory_space<hbm>>
        %dma_start3A_251 = arith.constant 0 : i32
        %dma_start3A_252 = tpu.memref_slice %arg6[%arg0, %multiple_of3A, %dma_start3A_251] : memref<2x10000x128xf32, #tpu.memory_space<hbm>> -> memref<1x80x128xf32, #tpu.memory_space<hbm>>
        %dma_start3A_253 = tpu.memref_squeeze %dma_start3A_252 : memref<1x80x128xf32, #tpu.memory_space<hbm>> -> memref<80x128xf32, #tpu.memory_space<hbm>>
        %dma_start3A_254 = arith.constant 0 : i32
        %dma_start3A_255 = arith.constant 0 : i32
        %dma_start3A_256 = tpu.memref_slice %arg10[%dma_start3A_254, %dma_start3A_255] : memref<128x128xf32, #tpu.memory_space<vmem>> -> memref<80x128xf32, #tpu.memory_space<vmem>>
        tpu.enqueue_dma source(%dma_start3A_256 : memref<80x128xf32, #tpu.memory_space<vmem>>) target(%dma_start3A_253 : memref<80x128xf32, #tpu.memory_space<hbm>>) target_semaphore(%run_scoped3A : memref<!tpu.dma_semaphore, #tpu.memory_space<semaphore_mem>>)
        %dma_wait3A_257 = arith.constant 0 : i32
        %dma_wait3A_258 = arith.constant 0 : i32
        %dma_wait3A_259 = tpu.memref_slice %arg10[%dma_wait3A_257, %dma_wait3A_258] : memref<128x128xf32, #tpu.memory_space<vmem>> -> memref<80x128xf32, #tpu.memory_space<vmem>>
        %dma_wait3A_260 = arith.constant 0 : i32
        %dma_wait3A_261 = tpu.memref_slice %arg6[%arg0, %multiple_of3A, %dma_wait3A_260] : memref<2x10000x128xf32, #tpu.memory_space<hbm>> -> memref<1x80x128xf32, #tpu.memory_space<hbm>>
        %dma_wait3A_262 = tpu.memref_squeeze %dma_wait3A_261 : memref<1x80x128xf32, #tpu.memory_space<hbm>> -> memref<80x128xf32, #tpu.memory_space<hbm>>
        %dma_wait3A_263 = arith.constant 0 : i32
        %dma_wait3A_264 = tpu.memref_slice %arg6[%arg0, %multiple_of3A, %dma_wait3A_263] : memref<2x10000x128xf32, #tpu.memory_space<hbm>> -> memref<1x80x128xf32, #tpu.memory_space<hbm>>
        %dma_wait3A_265 = tpu.memref_squeeze %dma_wait3A_264 : memref<1x80x128xf32, #tpu.memory_space<hbm>> -> memref<80x128xf32, #tpu.memory_space<hbm>>
        %dma_wait3A_266 = arith.constant 0 : i32
        %dma_wait3A_267 = arith.constant 0 : i32
        %dma_wait3A_268 = tpu.memref_slice %arg10[%dma_wait3A_266, %dma_wait3A_267] : memref<128x128xf32, #tpu.memory_space<vmem>> -> memref<80x128xf32, #tpu.memory_space<vmem>>
        tpu.wait_dma2 semaphore(%run_scoped3A : memref<!tpu.dma_semaphore, #tpu.memory_space<semaphore_mem>>) src(%dma_wait3A_268 : memref<80x128xf32, #tpu.memory_space<vmem>>) dst(%dma_wait3A_265 : memref<80x128xf32, #tpu.memory_space<hbm>>)
        tpu.yield
      }) : () -> ()
    } else {
    }
    %add3A_222 = arith.constant 80 : i32
    %add3A_223 = arith.addi %add3A_222, %arg1 : i32
    %lt3A_224 = arith.constant 125 : i32
    %lt3A_225 = arith.cmpi slt, %add3A_223, %lt3A_224 : i32
    %convert_element_type3A_226 = arith.extui %lt3A_225 : i1 to i32
    %cond3A_227 = arith.constant 0 : i32
    %cond3A_228 = arith.cmpi ne, %convert_element_type3A_226, %cond3A_227 : i32
    scf.if %cond3A_228 {
      %mul3A_243 = arith.constant 80 : i32
      %mul3A_244 = arith.muli %add3A_223, %mul3A_243 : i32
      %multiple_of3A = tpu.assume_multiple %mul3A_244, 80 : i32
      "tpu.region"() ({
        %run_scoped3A = tpu.sem_alloc : memref<!tpu.dma_semaphore, #tpu.memory_space<semaphore_mem>>
        %dma_start3A_245 = arith.constant 0 : i32
        %dma_start3A_246 = arith.constant 0 : i32
        %dma_start3A_247 = tpu.memref_slice %arg10[%dma_start3A_245, %dma_start3A_246] : memref<128x128xf32, #tpu.memory_space<vmem>> -> memref<80x128xf32, #tpu.memory_space<vmem>>
        %dma_start3A_248 = arith.constant 0 : i32
        %dma_start3A_249 = tpu.memref_slice %arg12[%multiple_of3A, %dma_start3A_248] : memref<10000x128xf32, #tpu.memory_space<vmem_shared>> -> memref<80x128xf32, #tpu.memory_space<vmem_shared>>
        %dma_start3A_250 = arith.constant 0 : i32
        %dma_start3A_251 = arith.constant 0 : i32
        %dma_start3A_252 = tpu.memref_slice %arg10[%dma_start3A_250, %dma_start3A_251] : memref<128x128xf32, #tpu.memory_space<vmem>> -> memref<80x128xf32, #tpu.memory_space<vmem>>
        %dma_start3A_253 = arith.constant 0 : i32
        %dma_start3A_254 = tpu.memref_slice %arg12[%multiple_of3A, %dma_start3A_253] : memref<10000x128xf32, #tpu.memory_space<vmem_shared>> -> memref<80x128xf32, #tpu.memory_space<vmem_shared>>
        tpu.enqueue_dma source(%dma_start3A_254 : memref<80x128xf32, #tpu.memory_space<vmem_shared>>) target(%dma_start3A_252 : memref<80x128xf32, #tpu.memory_space<vmem>>) target_semaphore(%run_scoped3A : memref<!tpu.dma_semaphore, #tpu.memory_space<semaphore_mem>>)
        %dma_wait3A_255 = arith.constant 0 : i32
        %dma_wait3A_256 = arith.constant 0 : i32
        %dma_wait3A_257 = tpu.memref_slice %arg10[%dma_wait3A_255, %dma_wait3A_256] : memref<128x128xf32, #tpu.memory_space<vmem>> -> memref<80x128xf32, #tpu.memory_space<vmem>>
        %dma_wait3A_258 = arith.constant 0 : i32
        %dma_wait3A_259 = tpu.memref_slice %arg12[%multiple_of3A, %dma_wait3A_258] : memref<10000x128xf32, #tpu.memory_space<vmem_shared>> -> memref<80x128xf32, #tpu.memory_space<vmem_shared>>
        %dma_wait3A_260 = arith.constant 0 : i32
        %dma_wait3A_261 = arith.constant 0 : i32
        %dma_wait3A_262 = tpu.memref_slice %arg10[%dma_wait3A_260, %dma_wait3A_261] : memref<128x128xf32, #tpu.memory_space<vmem>> -> memref<80x128xf32, #tpu.memory_space<vmem>>
        %dma_wait3A_263 = arith.constant 0 : i32
        %dma_wait3A_264 = tpu.memref_slice %arg12[%multiple_of3A, %dma_wait3A_263] : memref<10000x128xf32, #tpu.memory_space<vmem_shared>> -> memref<80x128xf32, #tpu.memory_space<vmem_shared>>
        tpu.wait_dma2 semaphore(%run_scoped3A : memref<!tpu.dma_semaphore, #tpu.memory_space<semaphore_mem>>) src(%dma_wait3A_264 : memref<80x128xf32, #tpu.memory_space<vmem_shared>>) dst(%dma_wait3A_262 : memref<80x128xf32, #tpu.memory_space<vmem>>)
        tpu.yield
      }) : () -> ()
      "tpu.region"() ({
        %run_scoped3A = tpu.sem_alloc : memref<!tpu.dma_semaphore, #tpu.memory_space<semaphore_mem>>
        %dma_start3A_245 = arith.constant 0 : i32
        %dma_start3A_246 = arith.constant 0 : i32
        %dma_start3A_247 = tpu.memref_slice %arg10[%dma_start3A_245, %dma_start3A_246] : memref<128x128xf32, #tpu.memory_space<vmem>> -> memref<80x128xf32, #tpu.memory_space<vmem>>
        %dma_start3A_248 = arith.constant 0 : i32
        %dma_start3A_249 = tpu.memref_slice %arg6[%arg0, %multiple_of3A, %dma_start3A_248] : memref<2x10000x128xf32, #tpu.memory_space<hbm>> -> memref<1x80x128xf32, #tpu.memory_space<hbm>>
        %dma_start3A_250 = tpu.memref_squeeze %dma_start3A_249 : memref<1x80x128xf32, #tpu.memory_space<hbm>> -> memref<80x128xf32, #tpu.memory_space<hbm>>
        %dma_start3A_251 = arith.constant 0 : i32
        %dma_start3A_252 = tpu.memref_slice %arg6[%arg0, %multiple_of3A, %dma_start3A_251] : memref<2x10000x128xf32, #tpu.memory_space<hbm>> -> memref<1x80x128xf32, #tpu.memory_space<hbm>>
        %dma_start3A_253 = tpu.memref_squeeze %dma_start3A_252 : memref<1x80x128xf32, #tpu.memory_space<hbm>> -> memref<80x128xf32, #tpu.memory_space<hbm>>
        %dma_start3A_254 = arith.constant 0 : i32
        %dma_start3A_255 = arith.constant 0 : i32
        %dma_start3A_256 = tpu.memref_slice %arg10[%dma_start3A_254, %dma_start3A_255] : memref<128x128xf32, #tpu.memory_space<vmem>> -> memref<80x128xf32, #tpu.memory_space<vmem>>
        tpu.enqueue_dma source(%dma_start3A_256 : memref<80x128xf32, #tpu.memory_space<vmem>>) target(%dma_start3A_253 : memref<80x128xf32, #tpu.memory_space<hbm>>) target_semaphore(%run_scoped3A : memref<!tpu.dma_semaphore, #tpu.memory_space<semaphore_mem>>)
        %dma_wait3A_257 = arith.constant 0 : i32
        %dma_wait3A_258 = arith.constant 0 : i32
        %dma_wait3A_259 = tpu.memref_slice %arg10[%dma_wait3A_257, %dma_wait3A_258] : memref<128x128xf32, #tpu.memory_space<vmem>> -> memref<80x128xf32, #tpu.memory_space<vmem>>
        %dma_wait3A_260 = arith.constant 0 : i32
        %dma_wait3A_261 = tpu.memref_slice %arg6[%arg0, %multiple_of3A, %dma_wait3A_260] : memref<2x10000x128xf32, #tpu.memory_space<hbm>> -> memref<1x80x128xf32, #tpu.memory_space<hbm>>
        %dma_wait3A_262 = tpu.memref_squeeze %dma_wait3A_261 : memref<1x80x128xf32, #tpu.memory_space<hbm>> -> memref<80x128xf32, #tpu.memory_space<hbm>>
        %dma_wait3A_263 = arith.constant 0 : i32
        %dma_wait3A_264 = tpu.memref_slice %arg6[%arg0, %multiple_of3A, %dma_wait3A_263] : memref<2x10000x128xf32, #tpu.memory_space<hbm>> -> memref<1x80x128xf32, #tpu.memory_space<hbm>>
        %dma_wait3A_265 = tpu.memref_squeeze %dma_wait3A_264 : memref<1x80x128xf32, #tpu.memory_space<hbm>> -> memref<80x128xf32, #tpu.memory_space<hbm>>
        %dma_wait3A_266 = arith.constant 0 : i32
        %dma_wait3A_267 = arith.constant 0 : i32
        %dma_wait3A_268 = tpu.memref_slice %arg10[%dma_wait3A_266, %dma_wait3A_267] : memref<128x128xf32, #tpu.memory_space<vmem>> -> memref<80x128xf32, #tpu.memory_space<vmem>>
        tpu.wait_dma2 semaphore(%run_scoped3A : memref<!tpu.dma_semaphore, #tpu.memory_space<semaphore_mem>>) src(%dma_wait3A_268 : memref<80x128xf32, #tpu.memory_space<vmem>>) dst(%dma_wait3A_265 : memref<80x128xf32, #tpu.memory_space<hbm>>)
        tpu.yield
      }) : () -> ()
    } else {
    }
    %add3A_229 = arith.constant 96 : i32
    %add3A_230 = arith.addi %add3A_229, %arg1 : i32
    %lt3A_231 = arith.constant 125 : i32
    %lt3A_232 = arith.cmpi slt, %add3A_230, %lt3A_231 : i32
    %convert_element_type3A_233 = arith.extui %lt3A_232 : i1 to i32
    %cond3A_234 = arith.constant 0 : i32
    %cond3A_235 = arith.cmpi ne, %convert_element_type3A_233, %cond3A_234 : i32
    scf.if %cond3A_235 {
      %mul3A_243 = arith.constant 80 : i32
      %mul3A_244 = arith.muli %add3A_230, %mul3A_243 : i32
      %multiple_of3A = tpu.assume_multiple %mul3A_244, 80 : i32
      "tpu.region"() ({
        %run_scoped3A = tpu.sem_alloc : memref<!tpu.dma_semaphore, #tpu.memory_space<semaphore_mem>>
        %dma_start3A_245 = arith.constant 0 : i32
        %dma_start3A_246 = arith.constant 0 : i32
        %dma_start3A_247 = tpu.memref_slice %arg10[%dma_start3A_245, %dma_start3A_246] : memref<128x128xf32, #tpu.memory_space<vmem>> -> memref<80x128xf32, #tpu.memory_space<vmem>>
        %dma_start3A_248 = arith.constant 0 : i32
        %dma_start3A_249 = tpu.memref_slice %arg12[%multiple_of3A, %dma_start3A_248] : memref<10000x128xf32, #tpu.memory_space<vmem_shared>> -> memref<80x128xf32, #tpu.memory_space<vmem_shared>>
        %dma_start3A_250 = arith.constant 0 : i32
        %dma_start3A_251 = arith.constant 0 : i32
        %dma_start3A_252 = tpu.memref_slice %arg10[%dma_start3A_250, %dma_start3A_251] : memref<128x128xf32, #tpu.memory_space<vmem>> -> memref<80x128xf32, #tpu.memory_space<vmem>>
        %dma_start3A_253 = arith.constant 0 : i32
        %dma_start3A_254 = tpu.memref_slice %arg12[%multiple_of3A, %dma_start3A_253] : memref<10000x128xf32, #tpu.memory_space<vmem_shared>> -> memref<80x128xf32, #tpu.memory_space<vmem_shared>>
        tpu.enqueue_dma source(%dma_start3A_254 : memref<80x128xf32, #tpu.memory_space<vmem_shared>>) target(%dma_start3A_252 : memref<80x128xf32, #tpu.memory_space<vmem>>) target_semaphore(%run_scoped3A : memref<!tpu.dma_semaphore, #tpu.memory_space<semaphore_mem>>)
        %dma_wait3A_255 = arith.constant 0 : i32
        %dma_wait3A_256 = arith.constant 0 : i32
        %dma_wait3A_257 = tpu.memref_slice %arg10[%dma_wait3A_255, %dma_wait3A_256] : memref<128x128xf32, #tpu.memory_space<vmem>> -> memref<80x128xf32, #tpu.memory_space<vmem>>
        %dma_wait3A_258 = arith.constant 0 : i32
        %dma_wait3A_259 = tpu.memref_slice %arg12[%multiple_of3A, %dma_wait3A_258] : memref<10000x128xf32, #tpu.memory_space<vmem_shared>> -> memref<80x128xf32, #tpu.memory_space<vmem_shared>>
        %dma_wait3A_260 = arith.constant 0 : i32
        %dma_wait3A_261 = arith.constant 0 : i32
        %dma_wait3A_262 = tpu.memref_slice %arg10[%dma_wait3A_260, %dma_wait3A_261] : memref<128x128xf32, #tpu.memory_space<vmem>> -> memref<80x128xf32, #tpu.memory_space<vmem>>
        %dma_wait3A_263 = arith.constant 0 : i32
        %dma_wait3A_264 = tpu.memref_slice %arg12[%multiple_of3A, %dma_wait3A_263] : memref<10000x128xf32, #tpu.memory_space<vmem_shared>> -> memref<80x128xf32, #tpu.memory_space<vmem_shared>>
        tpu.wait_dma2 semaphore(%run_scoped3A : memref<!tpu.dma_semaphore, #tpu.memory_space<semaphore_mem>>) src(%dma_wait3A_264 : memref<80x128xf32, #tpu.memory_space<vmem_shared>>) dst(%dma_wait3A_262 : memref<80x128xf32, #tpu.memory_space<vmem>>)
        tpu.yield
      }) : () -> ()
      "tpu.region"() ({
        %run_scoped3A = tpu.sem_alloc : memref<!tpu.dma_semaphore, #tpu.memory_space<semaphore_mem>>
        %dma_start3A_245 = arith.constant 0 : i32
        %dma_start3A_246 = arith.constant 0 : i32
        %dma_start3A_247 = tpu.memref_slice %arg10[%dma_start3A_245, %dma_start3A_246] : memref<128x128xf32, #tpu.memory_space<vmem>> -> memref<80x128xf32, #tpu.memory_space<vmem>>
        %dma_start3A_248 = arith.constant 0 : i32
        %dma_start3A_249 = tpu.memref_slice %arg6[%arg0, %multiple_of3A, %dma_start3A_248] : memref<2x10000x128xf32, #tpu.memory_space<hbm>> -> memref<1x80x128xf32, #tpu.memory_space<hbm>>
        %dma_start3A_250 = tpu.memref_squeeze %dma_start3A_249 : memref<1x80x128xf32, #tpu.memory_space<hbm>> -> memref<80x128xf32, #tpu.memory_space<hbm>>
        %dma_start3A_251 = arith.constant 0 : i32
        %dma_start3A_252 = tpu.memref_slice %arg6[%arg0, %multiple_of3A, %dma_start3A_251] : memref<2x10000x128xf32, #tpu.memory_space<hbm>> -> memref<1x80x128xf32, #tpu.memory_space<hbm>>
        %dma_start3A_253 = tpu.memref_squeeze %dma_start3A_252 : memref<1x80x128xf32, #tpu.memory_space<hbm>> -> memref<80x128xf32, #tpu.memory_space<hbm>>
        %dma_start3A_254 = arith.constant 0 : i32
        %dma_start3A_255 = arith.constant 0 : i32
        %dma_start3A_256 = tpu.memref_slice %arg10[%dma_start3A_254, %dma_start3A_255] : memref<128x128xf32, #tpu.memory_space<vmem>> -> memref<80x128xf32, #tpu.memory_space<vmem>>
        tpu.enqueue_dma source(%dma_start3A_256 : memref<80x128xf32, #tpu.memory_space<vmem>>) target(%dma_start3A_253 : memref<80x128xf32, #tpu.memory_space<hbm>>) target_semaphore(%run_scoped3A : memref<!tpu.dma_semaphore, #tpu.memory_space<semaphore_mem>>)
        %dma_wait3A_257 = arith.constant 0 : i32
        %dma_wait3A_258 = arith.constant 0 : i32
        %dma_wait3A_259 = tpu.memref_slice %arg10[%dma_wait3A_257, %dma_wait3A_258] : memref<128x128xf32, #tpu.memory_space<vmem>> -> memref<80x128xf32, #tpu.memory_space<vmem>>
        %dma_wait3A_260 = arith.constant 0 : i32
        %dma_wait3A_261 = tpu.memref_slice %arg6[%arg0, %multiple_of3A, %dma_wait3A_260] : memref<2x10000x128xf32, #tpu.memory_space<hbm>> -> memref<1x80x128xf32, #tpu.memory_space<hbm>>
        %dma_wait3A_262 = tpu.memref_squeeze %dma_wait3A_261 : memref<1x80x128xf32, #tpu.memory_space<hbm>> -> memref<80x128xf32, #tpu.memory_space<hbm>>
        %dma_wait3A_263 = arith.constant 0 : i32
        %dma_wait3A_264 = tpu.memref_slice %arg6[%arg0, %multiple_of3A, %dma_wait3A_263] : memref<2x10000x128xf32, #tpu.memory_space<hbm>> -> memref<1x80x128xf32, #tpu.memory_space<hbm>>
        %dma_wait3A_265 = tpu.memref_squeeze %dma_wait3A_264 : memref<1x80x128xf32, #tpu.memory_space<hbm>> -> memref<80x128xf32, #tpu.memory_space<hbm>>
        %dma_wait3A_266 = arith.constant 0 : i32
        %dma_wait3A_267 = arith.constant 0 : i32
        %dma_wait3A_268 = tpu.memref_slice %arg10[%dma_wait3A_266, %dma_wait3A_267] : memref<128x128xf32, #tpu.memory_space<vmem>> -> memref<80x128xf32, #tpu.memory_space<vmem>>
        tpu.wait_dma2 semaphore(%run_scoped3A : memref<!tpu.dma_semaphore, #tpu.memory_space<semaphore_mem>>) src(%dma_wait3A_268 : memref<80x128xf32, #tpu.memory_space<vmem>>) dst(%dma_wait3A_265 : memref<80x128xf32, #tpu.memory_space<hbm>>)
        tpu.yield
      }) : () -> ()
    } else {
    }
    %add3A_236 = arith.constant 112 : i32
    %add3A_237 = arith.addi %add3A_236, %arg1 : i32
    %lt3A_238 = arith.constant 125 : i32
    %lt3A_239 = arith.cmpi slt, %add3A_237, %lt3A_238 : i32
    %convert_element_type3A_240 = arith.extui %lt3A_239 : i1 to i32
    %cond3A_241 = arith.constant 0 : i32
    %cond3A_242 = arith.cmpi ne, %convert_element_type3A_240, %cond3A_241 : i32
    scf.if %cond3A_242 {
      %mul3A_243 = arith.constant 80 : i32
      %mul3A_244 = arith.muli %add3A_237, %mul3A_243 : i32
      %multiple_of3A = tpu.assume_multiple %mul3A_244, 80 : i32
      "tpu.region"() ({
        %run_scoped3A = tpu.sem_alloc : memref<!tpu.dma_semaphore, #tpu.memory_space<semaphore_mem>>
        %dma_start3A_245 = arith.constant 0 : i32
        %dma_start3A_246 = arith.constant 0 : i32
        %dma_start3A_247 = tpu.memref_slice %arg10[%dma_start3A_245, %dma_start3A_246] : memref<128x128xf32, #tpu.memory_space<vmem>> -> memref<80x128xf32, #tpu.memory_space<vmem>>
        %dma_start3A_248 = arith.constant 0 : i32
        %dma_start3A_249 = tpu.memref_slice %arg12[%multiple_of3A, %dma_start3A_248] : memref<10000x128xf32, #tpu.memory_space<vmem_shared>> -> memref<80x128xf32, #tpu.memory_space<vmem_shared>>
        %dma_start3A_250 = arith.constant 0 : i32
        %dma_start3A_251 = arith.constant 0 : i32
        %dma_start3A_252 = tpu.memref_slice %arg10[%dma_start3A_250, %dma_start3A_251] : memref<128x128xf32, #tpu.memory_space<vmem>> -> memref<80x128xf32, #tpu.memory_space<vmem>>
        %dma_start3A_253 = arith.constant 0 : i32
        %dma_start3A_254 = tpu.memref_slice %arg12[%multiple_of3A, %dma_start3A_253] : memref<10000x128xf32, #tpu.memory_space<vmem_shared>> -> memref<80x128xf32, #tpu.memory_space<vmem_shared>>
        tpu.enqueue_dma source(%dma_start3A_254 : memref<80x128xf32, #tpu.memory_space<vmem_shared>>) target(%dma_start3A_252 : memref<80x128xf32, #tpu.memory_space<vmem>>) target_semaphore(%run_scoped3A : memref<!tpu.dma_semaphore, #tpu.memory_space<semaphore_mem>>)
        %dma_wait3A_255 = arith.constant 0 : i32
        %dma_wait3A_256 = arith.constant 0 : i32
        %dma_wait3A_257 = tpu.memref_slice %arg10[%dma_wait3A_255, %dma_wait3A_256] : memref<128x128xf32, #tpu.memory_space<vmem>> -> memref<80x128xf32, #tpu.memory_space<vmem>>
        %dma_wait3A_258 = arith.constant 0 : i32
        %dma_wait3A_259 = tpu.memref_slice %arg12[%multiple_of3A, %dma_wait3A_258] : memref<10000x128xf32, #tpu.memory_space<vmem_shared>> -> memref<80x128xf32, #tpu.memory_space<vmem_shared>>
        %dma_wait3A_260 = arith.constant 0 : i32
        %dma_wait3A_261 = arith.constant 0 : i32
        %dma_wait3A_262 = tpu.memref_slice %arg10[%dma_wait3A_260, %dma_wait3A_261] : memref<128x128xf32, #tpu.memory_space<vmem>> -> memref<80x128xf32, #tpu.memory_space<vmem>>
        %dma_wait3A_263 = arith.constant 0 : i32
        %dma_wait3A_264 = tpu.memref_slice %arg12[%multiple_of3A, %dma_wait3A_263] : memref<10000x128xf32, #tpu.memory_space<vmem_shared>> -> memref<80x128xf32, #tpu.memory_space<vmem_shared>>
        tpu.wait_dma2 semaphore(%run_scoped3A : memref<!tpu.dma_semaphore, #tpu.memory_space<semaphore_mem>>) src(%dma_wait3A_264 : memref<80x128xf32, #tpu.memory_space<vmem_shared>>) dst(%dma_wait3A_262 : memref<80x128xf32, #tpu.memory_space<vmem>>)
        tpu.yield
      }) : () -> ()
      "tpu.region"() ({
        %run_scoped3A = tpu.sem_alloc : memref<!tpu.dma_semaphore, #tpu.memory_space<semaphore_mem>>
        %dma_start3A_245 = arith.constant 0 : i32
        %dma_start3A_246 = arith.constant 0 : i32
        %dma_start3A_247 = tpu.memref_slice %arg10[%dma_start3A_245, %dma_start3A_246] : memref<128x128xf32, #tpu.memory_space<vmem>> -> memref<80x128xf32, #tpu.memory_space<vmem>>
        %dma_start3A_248 = arith.constant 0 : i32
        %dma_start3A_249 = tpu.memref_slice %arg6[%arg0, %multiple_of3A, %dma_start3A_248] : memref<2x10000x128xf32, #tpu.memory_space<hbm>> -> memref<1x80x128xf32, #tpu.memory_space<hbm>>
        %dma_start3A_250 = tpu.memref_squeeze %dma_start3A_249 : memref<1x80x128xf32, #tpu.memory_space<hbm>> -> memref<80x128xf32, #tpu.memory_space<hbm>>
        %dma_start3A_251 = arith.constant 0 : i32
        %dma_start3A_252 = tpu.memref_slice %arg6[%arg0, %multiple_of3A, %dma_start3A_251] : memref<2x10000x128xf32, #tpu.memory_space<hbm>> -> memref<1x80x128xf32, #tpu.memory_space<hbm>>
        %dma_start3A_253 = tpu.memref_squeeze %dma_start3A_252 : memref<1x80x128xf32, #tpu.memory_space<hbm>> -> memref<80x128xf32, #tpu.memory_space<hbm>>
        %dma_start3A_254 = arith.constant 0 : i32
        %dma_start3A_255 = arith.constant 0 : i32
        %dma_start3A_256 = tpu.memref_slice %arg10[%dma_start3A_254, %dma_start3A_255] : memref<128x128xf32, #tpu.memory_space<vmem>> -> memref<80x128xf32, #tpu.memory_space<vmem>>
        tpu.enqueue_dma source(%dma_start3A_256 : memref<80x128xf32, #tpu.memory_space<vmem>>) target(%dma_start3A_253 : memref<80x128xf32, #tpu.memory_space<hbm>>) target_semaphore(%run_scoped3A : memref<!tpu.dma_semaphore, #tpu.memory_space<semaphore_mem>>)
        %dma_wait3A_257 = arith.constant 0 : i32
        %dma_wait3A_258 = arith.constant 0 : i32
        %dma_wait3A_259 = tpu.memref_slice %arg10[%dma_wait3A_257, %dma_wait3A_258] : memref<128x128xf32, #tpu.memory_space<vmem>> -> memref<80x128xf32, #tpu.memory_space<vmem>>
        %dma_wait3A_260 = arith.constant 0 : i32
        %dma_wait3A_261 = tpu.memref_slice %arg6[%arg0, %multiple_of3A, %dma_wait3A_260] : memref<2x10000x128xf32, #tpu.memory_space<hbm>> -> memref<1x80x128xf32, #tpu.memory_space<hbm>>
        %dma_wait3A_262 = tpu.memref_squeeze %dma_wait3A_261 : memref<1x80x128xf32, #tpu.memory_space<hbm>> -> memref<80x128xf32, #tpu.memory_space<hbm>>
        %dma_wait3A_263 = arith.constant 0 : i32
        %dma_wait3A_264 = tpu.memref_slice %arg6[%arg0, %multiple_of3A, %dma_wait3A_263] : memref<2x10000x128xf32, #tpu.memory_space<hbm>> -> memref<1x80x128xf32, #tpu.memory_space<hbm>>
        %dma_wait3A_265 = tpu.memref_squeeze %dma_wait3A_264 : memref<1x80x128xf32, #tpu.memory_space<hbm>> -> memref<80x128xf32, #tpu.memory_space<hbm>>
        %dma_wait3A_266 = arith.constant 0 : i32
        %dma_wait3A_267 = arith.constant 0 : i32
        %dma_wait3A_268 = tpu.memref_slice %arg10[%dma_wait3A_266, %dma_wait3A_267] : memref<128x128xf32, #tpu.memory_space<vmem>> -> memref<80x128xf32, #tpu.memory_space<vmem>>
        tpu.wait_dma2 semaphore(%run_scoped3A : memref<!tpu.dma_semaphore, #tpu.memory_space<semaphore_mem>>) src(%dma_wait3A_268 : memref<80x128xf32, #tpu.memory_space<vmem>>) dst(%dma_wait3A_265 : memref<80x128xf32, #tpu.memory_space<hbm>>)
        tpu.yield
      }) : () -> ()
    } else {
    }
    return
  }
}

module attributes {stable_mosaic.version = 14 : i64} {
  func.func @_prep_body(%arg0: i32, %arg1: memref<1x10000x128xf32, #tpu.memory_space<vmem>>, %arg2: memref<1x128x128xf32, #tpu.memory_space<vmem>>, %arg3: memref<1x16x10000xf32, #tpu.memory_space<vmem>>, %arg4: memref<1x10000x128xf32, #tpu.memory_space<vmem>>, %arg5: memref<1x10000x1xf32, #tpu.memory_space<vmem>>) attributes {dimension_semantics = [#tpu.dimension_semantics<arbitrary>], iteration_bounds = array<i64: 2>, scalar_prefetch = 0 : i64, scratch_operands = 0 : i64, tpu.core_type = #tpu.core_type<tc>, window_params = [{transform_indices = @transform_0, window_bounds = array<i64: 1, 10000, 128>}, {transform_indices = @transform_1, window_bounds = array<i64: 1, 128, 128>}, {transform_indices = @transform_2, window_bounds = array<i64: 1, 16, 10000>}, {transform_indices = @transform_3, window_bounds = array<i64: 1, 10000, 128>}, {transform_indices = @transform_4, window_bounds = array<i64: 1, 10000, 1>}]} {
    %get3A = arith.constant 0 : index
    %get3A_0 = arith.constant 0 : index
    %get3A_1 = arith.constant 0 : index
    %get3A_2 = vector.load %arg3[%get3A, %get3A_0, %get3A_1] : memref<1x16x10000xf32, #tpu.memory_space<vmem>>, vector<1x16x10000xf32>
    %get3A_3 = vector.shape_cast %get3A_2 : vector<1x16x10000xf32> to vector<16x10000xf32>
    %reduce_sum3A = arith.constant dense<0.000000e+00> : vector<10000xf32>
    %reduce_sum3A_4 = vector.multi_reduction <add>, %get3A_3, %reduce_sum3A [0] : vector<16x10000xf32> to vector<10000xf32>
    %add3A = arith.constant 1.000000e+00 : f32
    %add3A_5 = vector.broadcast %add3A : f32 to vector<10000xf32>
    %add3A_6 = arith.addf %reduce_sum3A_4, %add3A_5 : vector<10000xf32>
    %rsqrt3A = math.rsqrt %add3A_6 : vector<10000xf32>
    %get3A_7 = arith.constant 0 : index
    %get3A_8 = arith.constant 0 : index
    %get3A_9 = arith.constant 0 : index
    %get3A_10 = vector.load %arg1[%get3A_7, %get3A_8, %get3A_9] : memref<1x10000x128xf32, #tpu.memory_space<vmem>>, vector<1x10000x128xf32>
    %get3A_11 = vector.shape_cast %get3A_10 : vector<1x10000x128xf32> to vector<10000x128xf32>
    %get3A_12 = arith.constant 0 : index
    %get3A_13 = arith.constant 0 : index
    %get3A_14 = arith.constant 0 : index
    %get3A_15 = vector.load %arg2[%get3A_12, %get3A_13, %get3A_14] : memref<1x128x128xf32, #tpu.memory_space<vmem>>, vector<1x128x128xf32>
    %get3A_16 = vector.shape_cast %get3A_15 : vector<1x128x128xf32> to vector<128x128xf32>
    %dot_general3A = arith.constant dense<0.000000e+00> : vector<10000x128xf32>
    %dot_general3A_17 = tpu.matmul %get3A_11, %get3A_16, %dot_general3A {dimension_numbers = #tpu.dot_dimension_numbers<[1], [0], [0], [1], [0, 0, 1, 1], [], []>, transpose_lhs_hint = false} : vector<10000x128xf32>, vector<128x128xf32>, vector<10000x128xf32> -> vector<10000x128xf32>
    %broadcast_in_dim3A = vector.shape_cast %rsqrt3A : vector<10000xf32> to vector<10000x1xf32>
    %mul3A = vector.broadcast %broadcast_in_dim3A : vector<10000x1xf32> to vector<10000x128xf32>
    %mul3A_18 = arith.mulf %dot_general3A_17, %mul3A : vector<10000x128xf32>
    %swap3A = arith.constant 0 : index
    %swap3A_19 = arith.constant 0 : index
    %swap3A_20 = arith.constant 0 : index
    %swap3A_21 = vector.load %arg4[%swap3A, %swap3A_19, %swap3A_20] : memref<1x10000x128xf32, #tpu.memory_space<vmem>>, vector<1x10000x128xf32>
    %swap3A_22 = vector.shape_cast %swap3A_21 : vector<1x10000x128xf32> to vector<10000x128xf32>
    %swap3A_23 = vector.shape_cast %mul3A_18 : vector<10000x128xf32> to vector<1x10000x128xf32>
    tpu.vector_store %arg4[%swap3A, %swap3A_19, %swap3A_20], %swap3A_23 {strides = array<i32>} : memref<1x10000x128xf32, #tpu.memory_space<vmem>>, vector<1x10000x128xf32>,
    %broadcast_in_dim3A_24 = vector.shape_cast %rsqrt3A : vector<10000xf32> to vector<10000x1xf32>
    %swap3A_25 = arith.constant 0 : index
    %swap3A_26 = arith.constant 0 : index
    %swap3A_27 = arith.constant 0 : index
    %swap3A_28 = vector.load %arg5[%swap3A_25, %swap3A_26, %swap3A_27] : memref<1x10000x1xf32, #tpu.memory_space<vmem>>, vector<1x10000x1xf32>
    %swap3A_29 = vector.shape_cast %swap3A_28 : vector<1x10000x1xf32> to vector<10000x1xf32>
    %swap3A_30 = vector.shape_cast %broadcast_in_dim3A_24 : vector<10000x1xf32> to vector<1x10000x1xf32>
    tpu.vector_store %arg5[%swap3A_25, %swap3A_26, %swap3A_27], %swap3A_30 {strides = array<i32>} : memref<1x10000x1xf32, #tpu.memory_space<vmem>>, vector<1x10000x1xf32>,
    return
  }
  func.func @transform_0(%arg0: i32) -> (i32, i32, i32) {
    %c0_i32 = arith.constant 0 : i32
    %c0_i32_0 = arith.constant 0 : i32
    %c0_i32_1 = arith.constant 0 : i32
    return %arg0, %c0_i32, %c0_i32_0 : i32, i32, i32
  }
  func.func @transform_1(%arg0: i32) -> (i32, i32, i32) {
    %c0_i32 = arith.constant 0 : i32
    %c0_i32_0 = arith.constant 0 : i32
    %c0_i32_1 = arith.constant 0 : i32
    return %arg0, %c0_i32, %c0_i32_0 : i32, i32, i32
  }
  func.func @transform_2(%arg0: i32) -> (i32, i32, i32) {
    %c0_i32 = arith.constant 0 : i32
    %c0_i32_0 = arith.constant 0 : i32
    %c0_i32_1 = arith.constant 0 : i32
    return %arg0, %c0_i32, %c0_i32_0 : i32, i32, i32
  }
  func.func @transform_3(%arg0: i32) -> (i32, i32, i32) {
    %c0_i32 = arith.constant 0 : i32
    %c0_i32_0 = arith.constant 0 : i32
    %c0_i32_1 = arith.constant 0 : i32
    return %arg0, %c0_i32, %c0_i32_0 : i32, i32, i32
  }
  func.func @transform_4(%arg0: i32) -> (i32, i32, i32) {
    %c0_i32 = arith.constant 0 : i32
    %c0_i32_0 = arith.constant 0 : i32
    %c0_i32_1 = arith.constant 0 : i32
    return %arg0, %c0_i32, %c0_i32_0 : i32, i32, i32
  }
}

module attributes {stable_mosaic.version = 14 : i64} {
  func.func @_fin_body(%arg0: i32, %arg1: memref<1x10000x128xf32, #tpu.memory_space<vmem>>, %arg2: memref<1x10000x128xf32, #tpu.memory_space<vmem>>, %arg3: memref<1x10000x1xf32, #tpu.memory_space<vmem>>, %arg4: memref<1x1x128xf32, #tpu.memory_space<vmem>>, %arg5: memref<1x10000x128xf32, #tpu.memory_space<vmem>>) attributes {dimension_semantics = [#tpu.dimension_semantics<arbitrary>], iteration_bounds = array<i64: 2>, scalar_prefetch = 0 : i64, scratch_operands = 0 : i64, tpu.core_type = #tpu.core_type<tc>, window_params = [{transform_indices = @transform_0, window_bounds = array<i64: 1, 10000, 128>}, {transform_indices = @transform_1, window_bounds = array<i64: 1, 10000, 128>}, {transform_indices = @transform_2, window_bounds = array<i64: 1, 10000, 1>}, {transform_indices = @transform_3, window_bounds = array<i64: 1, 1, 128>}, {transform_indices = @transform_4, window_bounds = array<i64: 1, 10000, 128>}]} {
    %get3A = arith.constant 0 : index
    %get3A_0 = arith.constant 0 : index
    %get3A_1 = arith.constant 0 : index
    %get3A_2 = vector.load %arg3[%get3A, %get3A_0, %get3A_1] : memref<1x10000x1xf32, #tpu.memory_space<vmem>>, vector<1x10000x1xf32>
    %get3A_3 = vector.shape_cast %get3A_2 : vector<1x10000x1xf32> to vector<10000x1xf32>
    %get3A_4 = arith.constant 0 : index
    %get3A_5 = arith.constant 0 : index
    %get3A_6 = arith.constant 0 : index
    %get3A_7 = vector.load %arg1[%get3A_4, %get3A_5, %get3A_6] : memref<1x10000x128xf32, #tpu.memory_space<vmem>>, vector<1x10000x128xf32>
    %get3A_8 = vector.shape_cast %get3A_7 : vector<1x10000x128xf32> to vector<10000x128xf32>
    %get3A_9 = arith.constant 0 : index
    %get3A_10 = arith.constant 0 : index
    %get3A_11 = arith.constant 0 : index
    %get3A_12 = vector.load %arg2[%get3A_9, %get3A_10, %get3A_11] : memref<1x10000x128xf32, #tpu.memory_space<vmem>>, vector<1x10000x128xf32>
    %get3A_13 = vector.shape_cast %get3A_12 : vector<1x10000x128xf32> to vector<10000x128xf32>
    %add3A = arith.addf %get3A_8, %get3A_13 : vector<10000x128xf32>
    %mul3A = vector.broadcast %get3A_3 : vector<10000x1xf32> to vector<10000x128xf32>
    %mul3A_14 = arith.mulf %mul3A, %add3A : vector<10000x128xf32>
    %get3A_15 = arith.constant 0 : index
    %get3A_16 = arith.constant 0 : index
    %get3A_17 = arith.constant 0 : index
    %get3A_18 = vector.load %arg4[%get3A_15, %get3A_16, %get3A_17] : memref<1x1x128xf32, #tpu.memory_space<vmem>>, vector<1x1x128xf32>
    %get3A_19 = vector.shape_cast %get3A_18 : vector<1x1x128xf32> to vector<1x128xf32>
    %add3A_20 = vector.broadcast %get3A_19 : vector<1x128xf32> to vector<10000x128xf32>
    %add3A_21 = arith.addf %mul3A_14, %add3A_20 : vector<10000x128xf32>
    %max3A = arith.constant 0.000000e+00 : f32
    %max3A_22 = vector.broadcast %max3A : f32 to vector<10000x128xf32>
    %max3A_23 = arith.maximumf %add3A_21, %max3A_22 : vector<10000x128xf32>
    %swap3A = arith.constant 0 : index
    %swap3A_24 = arith.constant 0 : index
    %swap3A_25 = arith.constant 0 : index
    %swap3A_26 = vector.load %arg5[%swap3A, %swap3A_24, %swap3A_25] : memref<1x10000x128xf32, #tpu.memory_space<vmem>>, vector<1x10000x128xf32>
    %swap3A_27 = vector.shape_cast %swap3A_26 : vector<1x10000x128xf32> to vector<10000x128xf32>
    %swap3A_28 = vector.shape_cast %max3A_23 : vector<10000x128xf32> to vector<1x10000x128xf32>
    tpu.vector_store %arg5[%swap3A, %swap3A_24, %swap3A_25], %swap3A_28 {strides = array<i32>} : memref<1x10000x128xf32, #tpu.memory_space<vmem>>, vector<1x10000x128xf32>,
    return
  }
  func.func @transform_0(%arg0: i32) -> (i32, i32, i32) {
    %c0_i32 = arith.constant 0 : i32
    %c0_i32_0 = arith.constant 0 : i32
    %c0_i32_1 = arith.constant 0 : i32
    return %arg0, %c0_i32, %c0_i32_0 : i32, i32, i32
  }
  func.func @transform_1(%arg0: i32) -> (i32, i32, i32) {
    %c0_i32 = arith.constant 0 : i32
    %c0_i32_0 = arith.constant 0 : i32
    %c0_i32_1 = arith.constant 0 : i32
    return %arg0, %c0_i32, %c0_i32_0 : i32, i32, i32
  }
  func.func @transform_2(%arg0: i32) -> (i32, i32, i32) {
    %c0_i32 = arith.constant 0 : i32
    %c0_i32_0 = arith.constant 0 : i32
    %c0_i32_1 = arith.constant 0 : i32
    return %arg0, %c0_i32, %c0_i32_0 : i32, i32, i32
  }
  func.func @transform_3(%arg0: i32) -> (i32, i32, i32) {
    %c0_i32 = arith.constant 0 : i32
    %c0_i32_0 = arith.constant 0 : i32
    %c0_i32_1 = arith.constant 0 : i32
    return %arg0, %c0_i32, %c0_i32_0 : i32, i32, i32
  }
  func.func @transform_4(%arg0: i32) -> (i32, i32, i32) {
    %c0_i32 = arith.constant 0 : i32
    %c0_i32_0 = arith.constant 0 : i32
    %c0_i32_1 = arith.constant 0 : i32
    return %arg0, %c0_i32, %c0_i32_0 : i32, i32, i32
  }
}

</mosaic_0001>

<sc_bundles>
// kernel: kernel.6.cloned.1.call-start
scs
__scs_entry_jumppad:
0x0: {  	(pc) =	sbr.rel $0x88, $3  }
0x1: {  	(tag) =	ssettag $0x0;
	lr =	simm.s32 $0x1  }
0x2: {  	[smem:$0x3F97] =	sst lr;
	_ =	strace $0xD0000000  }
0x3: {  	_ = 	snop  }
0x4: {  	_ = 	snop  }
0x5: {  	_ = 	snop  }
0x6: {  	_ = 	snop  }
0x7: {  	_ = 	snop  }
__scs_overlays_trampoline_lowered:
0x8: {  	[smem:$0x3FA6] =	sst s0  }
0x9: {  	[smem:$0x3FA7] =	sst s1  }
0xa: {  	[smem:$0x3FA8] =	sst s2  }
0xb: {  	[smem:$0x3FA9] =	sst s3  }
0xc: {  	[smem:$0x3FAA] =	sst s4  }
0xd: {  	[smem:$0x3FAB] =	sst s5  }
0xe: {  	[smem:$0x3FAC] =	sst s6  }
0xf: {  	[smem:$0x3FAD] =	sst s7  }
0x10: {  	[smem:$0x3FAE] =	sst s8  }
0x11: {  	[smem:$0x3FAF] =	sst s9;
	s0 =	simm.s32 @!p0 $0x0  }
0x12: {  	s1 =	sld [smem:$0x3F95];
	s0 =	simm.s32 @p0 $0x1  }
0x13: {  	[smem:$0x3FB0] =	sst s0;
	s0 =	simm.s32 @!p1 $0x0  }
0x14: {  	s2 =	sld [smem:$0x3F94];
	s0 =	simm.s32 @p1 $0x1  }
0x15: {  	[smem:$0x3FB1] =	sst s0;
	s0 =	simm.s32 @!p2 $0x0  }
0x16: {  	s3 =	sld [smem:$0x3FDB];
	s0 =	simm.s32 @p2 $0x1  }
0x17: {  	s4 =	simm.s32 $0x1BF5;
	[smem:$0x3FB3] =	sst s0  }
0x18: {  	s0 =	sld [smem:$0x3F96];
	_ =	swait.ge [sflag:s4], $0x0  }
0x19: {  	s7 =	sld [smem:$0x3F97]  }
0x1a: {  	s8 =	sadd.s32 $0xFFFFE003, lr  }
0x1b: {  	s9 =	sadd.s32 $0xFFFFFEF7, lr;
	s5 =	simm.s32 $0xFFFFFFFF;
	p2 =	slt.u32 s8, $0xFFFFF086  }
0x1c: {  	p1 =	slt.u32 s9, $0xF7A;
	s5 =	simm.s32 @!p2 $0x0  }
0x1d: {  	s5 =	simm.s32 @p1 $0x1;
	p0 =	seq.s32 s7, s2  }
0x1e: {  	s7 =	smul.u32 @!p0 $0xF7A, s2;
	p2 =	seq.s32 @!p0 s5, $0x0  }
0x1f: {  	s9 =	smul.u32 $0xF7A, s1;
	s8 =	simm.s32 @!p0 $0x1BF5;
	p2 =	por !p2, p0  }
0x20: {  	[sflag:s8] =	ssyncset.s32 @!p0 $0xFFFFF086;
	s6 =	sadd.s32 @!p0 s3, s7;
	s7 =	simm.s32 @!p0 $0x108  }
0x21: {  	s3 =	sadd.s32 s3, s9;
	s6 =	sadd.s32 @!p0 $0x88, s6;
	s7 =	simm.s32 @p2 $0x1082  }
0x22: {  	[simem:s7], [sflag:s8] =	dma.local @!p0 [hbm:s6], $0xF7A  }
0x23: {  	s9 =	sor.u32 $0xD0000000, s2;
	s6 =	simm.s32 $0x108;
	_ =	swait.ge @!p0 [sflag:s8], $0x0  }
0x24: {  	s3 =	sadd.s32 $0x88, s3;
	s6 =	simm.s32 @!p1 $0x1082;
	[sflag:s4] =	ssyncset.s32 $0xFFFFF086  }
0x25: {  	[simem:s6], [sflag:s4] =	dma.local [hbm:s3], $0xF7A  }
0x26: {  	[smem:$0x3F97] =	sst s1;
	(tag) =	ssettag s2;
	_ =	strace s9  }
0x27: {  	s1 =	sld [smem:$0x3FA7]  }
0x28: {  	s2 =	sld [smem:$0x3FA8]  }
0x29: {  	s4 =	sld [smem:$0x3FAA]  }
0x2a: {  	p0 =	seq.s32 s5, $0x0;
	s5 =	sld [smem:$0x3FAB]  }
0x2b: {  	s6 =	sld [smem:$0x3FAC]  }
0x2c: {  	s7 =	sld [smem:$0x3FAD]  }
0x2d: {  	s3 =	simm.s32 $0x108;
	s8 =	sld [smem:$0x3FAE]  }
0x2e: {  	s3 =	simm.s32 @!p0 $0x1082;
	s9 =	sld [smem:$0x3FAF]  }
0x2f: {  	lr =	sadd.s32 s0, s3;
	s0 =	sld [smem:$0x3FA6]  }
0x30: {  	s3 =	sld [smem:$0x3FA9]  }
0x31: {  	[smem:$0x3FB2] =	sst s10  }
0x32: {  	s10 =	sld [smem:$0x3FB0];
	_ =	sdelay $0x3  }
0x33: {  	p0 =	seq.s32 s10, $0x1;
	s10 =	sld [smem:$0x3FB2];
	_ =	sdelay $0x3  }
0x34: {  	[smem:$0x3FB2] =	sst s10  }
0x35: {  	s10 =	sld [smem:$0x3FB1];
	_ =	sdelay $0x3  }
0x36: {  	p1 =	seq.s32 s10, $0x1;
	s10 =	sld [smem:$0x3FB2];
	_ =	sdelay $0x3  }
0x37: {  	[smem:$0x3FB2] =	sst s10  }
0x38: {  	s10 =	sld [smem:$0x3FB3]  }
0x39: {  	_ = 	snop;
	(pc) =	sbr.ind lr, $3  }
0x3a: {  	_ = 	snop  }
0x3b: {  	_ = 	snop  }
0x3c: {  	p2 =	seq.s32 s10, $0x1;
	s10 =	sld [smem:$0x3FB2]  }
0x3d: {  	_ =	shalt  }
0x3e: {  	_ =	shalt  }
0x3f: {  	_ =	shalt  }
0x40: {  	_ =	shalt  }
0x41: {  	_ =	shalt  }
0x42: {  	_ =	shalt  }
0x43: {  	_ =	shalt  }
0x44: {  	_ =	shalt  }
0x45: {  	_ =	shalt  }
0x46: {  	_ =	shalt  }
0x47: {  	_ =	shalt  }
0x48: {  	_ =	shalt  }
0x49: {  	_ =	shalt  }
0x4a: {  	_ =	shalt  }
0x4b: {  	_ =	shalt  }
0x4c: {  	_ =	shalt  }
0x4d: {  	_ =	shalt  }
0x4e: {  	_ =	shalt  }
0x4f: {  	_ =	shalt  }
0x50: {  	_ =	shalt  }
0x51: {  	_ =	shalt  }
0x52: {  	_ =	shalt  }
0x53: {  	_ =	shalt  }
0x54: {  	_ =	shalt  }
0x55: {  	_ =	shalt  }
0x56: {  	_ =	shalt  }
0x57: {  	_ =	shalt  }
0x58: {  	_ =	shalt  }
0x59: {  	_ =	shalt  }
0x5a: {  	_ =	shalt  }
0x5b: {  	_ =	shalt  }
0x5c: {  	_ =	shalt  }
0x5d: {  	_ =	shalt  }
0x5e: {  	_ =	shalt  }
0x5f: {  	_ =	shalt  }
0x60: {  	_ =	shalt  }
0x61: {  	_ =	shalt  }
0x62: {  	_ =	shalt  }
0x63: {  	_ =	shalt  }
0x64: {  	_ =	shalt  }
0x65: {  	_ =	shalt  }
0x66: {  	_ =	shalt  }
0x67: {  	_ =	shalt  }
0x68: {  	_ =	shalt  }
0x69: {  	_ =	shalt  }
0x6a: {  	_ =	shalt  }
0x6b: {  	_ =	shalt  }
0x6c: {  	_ =	shalt  }
0x6d: {  	_ =	shalt  }
0x6e: {  	_ =	shalt  }
0x6f: {  	_ =	shalt  }
0x70: {  	_ =	shalt  }
0x71: {  	_ =	shalt  }
0x72: {  	_ =	shalt  }
0x73: {  	_ =	shalt  }
0x74: {  	_ =	shalt  }
0x75: {  	_ =	shalt  }
0x76: {  	_ =	shalt  }
0x77: {  	_ =	shalt  }
0x78: {  	_ =	shalt  }
0x79: {  	_ =	shalt  }
0x7a: {  	_ =	shalt  }
0x7b: {  	_ =	shalt  }
0x7c: {  	_ =	shalt  }
0x7d: {  	_ =	shalt  }
0x7e: {  	_ =	shalt  }
0x7f: {  	_ =	shalt  }
0x80: {  	_ =	shalt  }
0x81: {  	_ =	shalt  }
0x82: {  	_ =	shalt  }
0x83: {  	_ =	shalt  }
0x84: {  	_ =	shalt  }
0x85: {  	_ =	shalt  }
0x86: {  	_ =	shalt  }
0x87: {  	_ =	shalt  }
.Lfunc_end0:
.L_simem_size_0:
called_computation_lowered:
.L_overlay_start_0:
0x88: {  	s2 =	sld [smem:$0x3FD9]  }
0x89: {  	s3 =	sld [smem:$0x3FFE];
	_ =	sdelay $0x1  }
0x8a: {  	s1 =	srdreg.scid  }
0x8b: {  	s0 =	sand.u32 $0x1, s1  }
0x8c: {  	s14 =	sshll.u32 s0, $0xA;
	s2 =	sadd.s32 s3, s2  }
0x8d: {  	s2 =	sadd.s32 s2, s14  }
0x8e: {  	[smem:$0x3FBE] =	sst s2  }
0x8f: {  	_ = 	snop  }
0x90: {  	s2 =	sld [smem:$0x3FD0];
	_ =	sdelay $0x2  }
0x91: {  	s15 =	simm.s32 $0xA;
	s4 =	simm.s32 $0x10  }
0x92: {  	[smem:s4], [sflag:s15] =	dma.local [hbm:s2], $0x1  }
0x93: {  	_ =	swait.eq [sflag:s15], $0x1  }
0x94: {  	[sflag:s15] =	ssyncset.done $0x0  }
0x95: {  	s16 =	sld [smem:$0x10];
	[sflag:s15] =	ssyncadd.s32 $0xFFFFFFFF  }
0x96: {  	s17 =	sld [smem:$0x11];
	(tm) =	ssettm $0x1  }
0x97: {  	s18 =	sld [smem:$0x3FFB];
	_ =	sdelay $0x3  }
0x98: {  	_ =	strace s18  }
0x99: {  	s4 =	sld [smem:$0x3FFC];
	_ =	sdelay $0x3  }
0x9a: {  	_ =	strace s4  }
0x9b: {  	s4 =	sld [smem:$0x3FFD];
	_ =	sdelay $0x3  }
0x9c: {  	_ =	strace s4  }
0x9d: {  	_ =	strace $0x8FFFFFFF  }
0x9e: {  	s19 =	sld [smem:$0x3FDB];
	_ =	sdelay $0x1  }
0x9f: {  	s5 =	simm.s32 $_scs_section_size  }
0xa0: {  	s6 =	simm.s32 $_size__tile_overlayer_lowered;
	s7 =	simm.s32 $_tile_overlayer_lowered  }
0xa1: {  	s22 =	simm.s32 $0x1BFF;
	s21 =	sshll.u32 s7, $0x1;
	s4 =	sadd.s32 s5, s19  }
0xa2: {  	s8 =	simm.s32 $0x0;
	s20 =	sshll.u32 s6, $0x1;
	s6 =	sadd.s32 s21, s4  }
0xa3: {  	[timem:s8], [sflag:s22] =	dma.local [hbm:s6], s20  }
0xa4: {  	_ =	swait.ge [sflag:s22], s20  }
0xa5: {  	s5 =	ssub.s32 $0x0, s20;
	[sflag:s22] =	ssyncset.done $0x0  }
0xa6: {  	[sflag:s22] =	ssyncadd.s32 s5;
	_ =	sdelay $0x1  }
0xa7: {  	s23 =	simm.s32 $0x1B8B  }
0xa8: {  	_ =	swait.ge [sflag:s23], $0x1  }
0xa9: {  	[sflag:s23] =	ssyncset.done $0x0  }
0xaa: {  	s25 =	simm.s32 $0x1B8E;
	s24 =	sld [smem:$0x3FFE];
	[sflag:s23] =	ssyncadd.s32 $0xFFFFFFFF  }
0xab: {  	s26 =	simm.s32 $execute0_lowered;
	[smem:$0x3FD2] =	sst s25  }
0xac: {  	s6 =	sshll.u32 s26, $0x1;
	_ =	strace $0x80000046;
	[dreg:$0x1] =	wrdreg $0xFFFFFFFF  }
0xad: {  	s28 =	simm.s32 $_size_execute0_lowered;
	s4 =	sadd.s32 s4, s6;
	[dreg:$0x0] =	wrdreg $0x0  }
0xae: {  	s6 =	sshll.u32 s28, $0x1;
	[dreg:$0x2] =	wrdreg s4  }
0xaf: {  	[dreg:$0x3] =	wrdreg s6  }
0xb0: {  	[dreg:$0x4] =	wrdreg $0xC0  }
0xb1: {  	_ =	task [dreg:s8], $0x5FFFF  }
0xb2: {  	[dreg:$0x1] =	wrdreg $0xFFFFFFFF  }
0xb3: {  	[dreg:$0x0] =	wrdreg $0x60  }
0xb4: {  	[dreg:$0x2] =	wrdreg s16  }
0xb5: {  	[dreg:$0x3] =	wrdreg s17  }
0xb6: {  	[dreg:$0x4] =	wrdreg s24  }
0xb7: {  	[dreg:$0x5] =	wrdreg $0x9  }
0xb8: {  	_ =	task.clear_ibuf [dreg:s8], $0x6FFFF;
	_ =	strace $0x90000046  }
0xb9: {  	s29 =	simm.s32 $0x9;
	_ =	strace $0x80000048  }
0xba: {  	_ =	swait.ge [sflag:s29], $0x1  }
0xbb: {  	[sflag:s29] =	ssyncadd.s32 $0xFFFFFFFF  }
0xbc: {  	_ =	strace $0x90000048  }
0xbd: {  	_ =	sfence  }
0xbe: {  	s30 =	sld [smem:$0x0];
	_ =	sdelay $0x2  }
0xbf: {  	s31 =	sshll.u32 s1, $0xD;
	s1 =	sshrl.u32 s1, $0x2  }
0xc0: {  	s3 =	sand.u32 $0x4000, s31;
	s1 =	sadd.s32 s1, s30  }
0xc1: {  	s0 =	sor.u32 s3, s0;
	s1 =	sshll.u32 s1, $0x11  }
0xc2: {  	s0 =	sor.u32 s1, s0  }
0xc3: {  	s0 =	sadd.s32 $0x8F2B, s0  }
0xc4: {  	[sflag:s0] =	ssyncadd.remote.s32 $0x1  }
0xc5: {  	_ =	sfence.sel $0xFFFF  }
0xc6: {  	[dreg:$0x0] =	wrdreg $0xFFFFFFFF;
	(pc) =	sbr.abs _section_cstart, $3  }
0xc7: {  	[dreg:$0x1] =	wrdreg $0xFFFFFFFF  }
0xc8: {  	_ =	task.clear_ibuf [dreg:s8], $0x2FFFF;
	_ =	strace $0x9FFFFFFF  }
0xc9: {  	(tm) =	ssettm $0x7FFFFFFF  }
tec
execute0_lowered:
.L_overlay_start_1:
0x0: {  	(tag) =	ssettag $0x1  }
0x1: {  	s3 =	rddreg [dreg:$0x0]  }
0x2: {  	s4 =	rddreg [dreg:$0x1]  }
0x3: {  	s5 =	rddreg [dreg:$0x2]  }
0x4: {  	s1 =	srdreg.scid;
	s0 =	rddreg [dreg:$0x3]  }
0x5: {  	s2 =	simm.s32 $0x0;
	s6 =	sand.u32 $0x1, s1;
	s1 =	stileid.u32  }
0x6: {  	s10 =	simm.s32 $0x0;
	[smem:$0x7FF] =	sst s2;
	s8 =	smul.u32 $0x50000, s6  }
0x7: {  	s7 =	sshll.u32 s6, $0x4;
	s9 =	smul.u32 $0x5000, s1;
	s6 =	ssub.s32 $0x2, s6  }
0x8: {  	_ =	strace $0x80000047;
	s7 =	sor.u32 s1, s7;
	s31 =	sshrl.u32 s6, $0x1  }
0x9: {  	s7 =	smul.u32 $0x4E2, s7;
	s8 =	sadd.s32 s9, s8;
	s6 =	ssub.s32 s6, s31  }
0xa: {  	s9 =	simm.s32 $0xA000;
	s8 =	sshrl.u32 s8, $0x3;
	s6 =	smax.u32 s6, $0x1  }
0xb: {  	s5 =	sadd.s32 s7, s5;
	s3 =	sadd.s32 s3, s8;
	s4 =	sadd.s32 s4, s8  }
0xc: {  	v0 =	vimm.f32 $0.0e+00;
	s7 =	simm.s32 $0x1;
	s8 =	simm.s32 $0x5000;
	s5 =	sadd.s32 $0x3600, s5  }
.LBB2_1:
0xd: {  	[tilespmem:s2], [sflag:$0x1] =	stream.linear.gather [hbm4b:s3+s2], $0x5000, $0x38;
	[tilespmem:$0xC780] =	vst v63  }
0xe: {  	_ =	swait.ge [sflag:s7], $0x5000  }
0xf: {  	[sflag:s7] =	ssyncset.done $0x0  }
0x10: {  	[sflag:s7] =	ssyncadd.s32 $0xFFFFB000  }
0x11: {  	[tilespmem:s8], [sflag:$0x1] =	stream.linear.gather [hbm4b:s4+s2], $0x5000, $0x38;
	[tilespmem:$0xC780] =	vst v63  }
0x12: {  	_ =	swait.ge [sflag:s7], $0x5000  }
0x13: {  	[sflag:s7] =	ssyncset.done $0x0  }
0x14: {  	s11 =	simm.s32 $0x0;
	[sflag:s7] =	ssyncadd.s32 $0xFFFFB000  }
.LBB2_2:
0x15: {  	p0 =	sne.s32 s11, $0x9C00  }
.Ltmp0:
0x16: {  	_ = 	snop;
	(pc) =	sbr.rel @p0 .LBB2_2-.Ltmp0, $3  }
0x17: {  	_ =	sdelay $0x1  }
0x18: {  	s12 =	sshra.s32 s11, $0x2  }
0x19: {  	s11 =	sadd.s32 $0x40, s11;
	[tilespmem:s12+$0xA000] =	vst v0  }
0x1a: {  	s11 =	simm.s32 $0x0  }
.LBB2_4:
0x1b: {  	s12 =	sshra.s32 s11, $0x2  }
0x1c: {  	v1 =	vld [tilespmem:s12+$0x0];
	_ =	sdelay $0x2  }
0x1d: {  	v2 =	vld [tilespmem:s12+$0x5000];
	_ =	sdelay $0x4  }
0x1e: {  	[tilespmem:v1+s9+$0x0] =	vst.idx.add.f32.msk $0xffff, v2  }
0x1f: {  	v1 =	vld [tilespmem:s12+$0x10];
	_ =	sdelay $0x2  }
0x20: {  	v2 =	vld [tilespmem:s12+$0x5010];
	_ =	sdelay $0x4  }
0x21: {  	[tilespmem:v1+s9+$0x0] =	vst.idx.add.f32.msk $0xffff, v2  }
0x22: {  	v1 =	vld [tilespmem:s12+$0x20];
	_ =	sdelay $0x2  }
0x23: {  	v2 =	vld [tilespmem:s12+$0x5020];
	_ =	sdelay $0x4  }
0x24: {  	[tilespmem:v1+s9+$0x0] =	vst.idx.add.f32.msk $0xffff, v2  }
0x25: {  	v1 =	vld [tilespmem:s12+$0x30];
	_ =	sdelay $0x2  }
0x26: {  	v2 =	vld [tilespmem:s12+$0x5030];
	_ =	sdelay $0x4  }
0x27: {  	[tilespmem:v1+s9+$0x0] =	vst.idx.add.f32.msk $0xffff, v2  }
0x28: {  	v1 =	vld [tilespmem:s12+$0x40];
	_ =	sdelay $0x2  }
0x29: {  	v2 =	vld [tilespmem:s12+$0x5040];
	_ =	sdelay $0x4  }
0x2a: {  	[tilespmem:v1+s9+$0x0] =	vst.idx.add.f32.msk $0xffff, v2  }
0x2b: {  	v1 =	vld [tilespmem:s12+$0x50];
	_ =	sdelay $0x2  }
0x2c: {  	v2 =	vld [tilespmem:s12+$0x5050];
	_ =	sdelay $0x4  }
0x2d: {  	[tilespmem:v1+s9+$0x0] =	vst.idx.add.f32.msk $0xffff, v2  }
0x2e: {  	v1 =	vld [tilespmem:s12+$0x60];
	_ =	sdelay $0x2  }
0x2f: {  	v2 =	vld [tilespmem:s12+$0x5060];
	_ =	sdelay $0x4  }
0x30: {  	[tilespmem:v1+s9+$0x0] =	vst.idx.add.f32.msk $0xffff, v2  }
0x31: {  	v1 =	vld [tilespmem:s12+$0x70];
	_ =	sdelay $0x2  }
0x32: {  	p0 =	sne.s32 s11, $0x13E00;
	v2 =	vld [tilespmem:s12+$0x5070]  }
.Ltmp1:
0x33: {  	_ = 	snop;
	(pc) =	sbr.rel @p0 .LBB2_4-.Ltmp1, $2  }
0x34: {  	_ =	sdelay $0x2  }
0x35: {  	s11 =	sadd.s32 $0x200, s11;
	[tilespmem:v1+s9+$0x0] =	vst.idx.add.f32.msk $0xffff, v2  }
0x36: {  	s10 =	sadd.s32 $0x1, s10  }
0x37: {  	p0 =	sne.s32 s10, s6  }
.Ltmp2:
0x38: {  	_ = 	snop;
	(pc) =	sbr.rel @p0 .LBB2_1-.Ltmp2, $4  }
0x39: {  	[hbm4b:s5+s2] =	stream.linear.scatter [tilespmem:s9], [sflag:$0x1], $0x2710, $0x38;
	[tilespmem:$0xC780] =	vst v63  }
0x3a: {  	_ =	swait.ge [sflag:s7], $0x2710  }
0x3b: {  	[sflag:s7] =	ssyncset.done $0x0  }
0x3c: {  	[sflag:s7] =	ssyncadd.s32 $0xFFFFD8F0  }
0x3d: {  	_ =	sfence.sel $0x180000  }
0x3e: {  	[bflag:$0x0] =	sbarrier.arrive $0xFFFF  }
0x3f: {  	p0 =	sne.s32 s1, $0x0;
	_ =	strace $0x90000047  }
0x40: {  	s0 =	sadd.s32 @!p0 $0x100000, s0;
	[bflag:$0x2] =	sbarrier.arrive $0xFFFF  }
0x41: {  	[sflag:s0] =	ssyncadd.tile.s32 @!p0 $0x1;
	_ =	shalt  }
.Lfunc_end2:
_tile_overlayer_lowered:
.L_overlay_start_2:
0x42: {  	(tag) =	ssettag $0x2  }
0x43: {  	s0 =	rddreg [dreg:$0x0];
	s2 =	stileid.u32  }
0x44: {  	s1 =	rddreg [dreg:$0x1];
	p0 =	sne.s32 s2, $0x0  }
0x45: {  	s3 =	rddreg [dreg:$0x2];
	[bflag:$0x3] =	sbarrier.arrive $0xFFFF;
	s2 =	simm.s32 @!p0 $0x1C01  }
0x46: {  	[timem:s3], [sflag:s2] =	dma.local @!p0 [hbm:s0], s1  }
0x47: {  	s0 =	simm.s32 @!p0 $0x1  }
0x48: {  	_ =	swait.ge @!p0 [sflag:s0], s1  }
0x49: {  	s1 =	ssub.s32 @!p0 $0x0, s1;
	[sflag:s0] =	ssyncset.done @!p0 $0x0  }
0x4a: {  	[sflag:s0] =	ssyncadd.s32 @!p0 s1  }
0x4b: {  	[bflag:$0x3] =	sbarrier.arrive $0xFFFF  }
0x4c: {  	_ =	shalt  }

// kernel: kernel.9.cloned.1.call-start
scs
__scs_entry_jumppad:
0x0: {  	(pc) =	sbr.rel $0x88, $3  }
0x1: {  	(tag) =	ssettag $0x0;
	lr =	simm.s32 $0x1  }
0x2: {  	[smem:$0x3F97] =	sst lr;
	_ =	strace $0xD0000000  }
0x3: {  	_ = 	snop  }
0x4: {  	_ = 	snop  }
0x5: {  	_ = 	snop  }
0x6: {  	_ = 	snop  }
0x7: {  	_ = 	snop  }
__scs_overlays_trampoline_lowered:
0x8: {  	[smem:$0x3FA6] =	sst s0  }
0x9: {  	[smem:$0x3FA7] =	sst s1  }
0xa: {  	[smem:$0x3FA8] =	sst s2  }
0xb: {  	[smem:$0x3FA9] =	sst s3  }
0xc: {  	[smem:$0x3FAA] =	sst s4  }
0xd: {  	[smem:$0x3FAB] =	sst s5  }
0xe: {  	[smem:$0x3FAC] =	sst s6  }
0xf: {  	[smem:$0x3FAD] =	sst s7  }
0x10: {  	[smem:$0x3FAE] =	sst s8  }
0x11: {  	[smem:$0x3FAF] =	sst s9;
	s0 =	simm.s32 @!p0 $0x0  }
0x12: {  	s1 =	sld [smem:$0x3F95];
	s0 =	simm.s32 @p0 $0x1  }
0x13: {  	[smem:$0x3FB0] =	sst s0;
	s0 =	simm.s32 @!p1 $0x0  }
0x14: {  	s2 =	sld [smem:$0x3F94];
	s0 =	simm.s32 @p1 $0x1  }
0x15: {  	[smem:$0x3FB1] =	sst s0;
	s0 =	simm.s32 @!p2 $0x0  }
0x16: {  	s3 =	sld [smem:$0x3FDB];
	s0 =	simm.s32 @p2 $0x1  }
0x17: {  	s4 =	simm.s32 $0x1BF5;
	[smem:$0x3FB3] =	sst s0  }
0x18: {  	s0 =	sld [smem:$0x3F96];
	_ =	swait.ge [sflag:s4], $0x0  }
0x19: {  	s7 =	sld [smem:$0x3F97]  }
0x1a: {  	s8 =	sadd.s32 $0xFFFFE003, lr  }
0x1b: {  	s9 =	sadd.s32 $0xFFFFFEF7, lr;
	s5 =	simm.s32 $0xFFFFFFFF;
	p2 =	slt.u32 s8, $0xFFFFF086  }
0x1c: {  	p1 =	slt.u32 s9, $0xF7A;
	s5 =	simm.s32 @!p2 $0x0  }
0x1d: {  	s5 =	simm.s32 @p1 $0x1;
	p0 =	seq.s32 s7, s2  }
0x1e: {  	s7 =	smul.u32 @!p0 $0xF7A, s2;
	p2 =	seq.s32 @!p0 s5, $0x0  }
0x1f: {  	s9 =	smul.u32 $0xF7A, s1;
	s8 =	simm.s32 @!p0 $0x1BF5;
	p2 =	por !p2, p0  }
0x20: {  	[sflag:s8] =	ssyncset.s32 @!p0 $0xFFFFF086;
	s6 =	sadd.s32 @!p0 s3, s7;
	s7 =	simm.s32 @!p0 $0x108  }
0x21: {  	s3 =	sadd.s32 s3, s9;
	s6 =	sadd.s32 @!p0 $0x88, s6;
	s7 =	simm.s32 @p2 $0x1082  }
0x22: {  	[simem:s7], [sflag:s8] =	dma.local @!p0 [hbm:s6], $0xF7A  }
0x23: {  	s9 =	sor.u32 $0xD0000000, s2;
	s6 =	simm.s32 $0x108;
	_ =	swait.ge @!p0 [sflag:s8], $0x0  }
0x24: {  	s3 =	sadd.s32 $0x88, s3;
	s6 =	simm.s32 @!p1 $0x1082;
	[sflag:s4] =	ssyncset.s32 $0xFFFFF086  }
0x25: {  	[simem:s6], [sflag:s4] =	dma.local [hbm:s3], $0xF7A  }
0x26: {  	[smem:$0x3F97] =	sst s1;
	(tag) =	ssettag s2;
	_ =	strace s9  }
0x27: {  	s1 =	sld [smem:$0x3FA7]  }
0x28: {  	s2 =	sld [smem:$0x3FA8]  }
0x29: {  	s4 =	sld [smem:$0x3FAA]  }
0x2a: {  	p0 =	seq.s32 s5, $0x0;
	s5 =	sld [smem:$0x3FAB]  }
0x2b: {  	s6 =	sld [smem:$0x3FAC]  }
0x2c: {  	s7 =	sld [smem:$0x3FAD]  }
0x2d: {  	s3 =	simm.s32 $0x108;
	s8 =	sld [smem:$0x3FAE]  }
0x2e: {  	s3 =	simm.s32 @!p0 $0x1082;
	s9 =	sld [smem:$0x3FAF]  }
0x2f: {  	lr =	sadd.s32 s0, s3;
	s0 =	sld [smem:$0x3FA6]  }
0x30: {  	s3 =	sld [smem:$0x3FA9]  }
0x31: {  	[smem:$0x3FB2] =	sst s10  }
0x32: {  	s10 =	sld [smem:$0x3FB0];
	_ =	sdelay $0x3  }
0x33: {  	p0 =	seq.s32 s10, $0x1;
	s10 =	sld [smem:$0x3FB2];
	_ =	sdelay $0x3  }
0x34: {  	[smem:$0x3FB2] =	sst s10  }
0x35: {  	s10 =	sld [smem:$0x3FB1];
	_ =	sdelay $0x3  }
0x36: {  	p1 =	seq.s32 s10, $0x1;
	s10 =	sld [smem:$0x3FB2];
	_ =	sdelay $0x3  }
0x37: {  	[smem:$0x3FB2] =	sst s10  }
0x38: {  	s10 =	sld [smem:$0x3FB3]  }
0x39: {  	_ = 	snop;
	(pc) =	sbr.ind lr, $3  }
0x3a: {  	_ = 	snop  }
0x3b: {  	_ = 	snop  }
0x3c: {  	p2 =	seq.s32 s10, $0x1;
	s10 =	sld [smem:$0x3FB2]  }
0x3d: {  	_ =	shalt  }
0x3e: {  	_ =	shalt  }
0x3f: {  	_ =	shalt  }
0x40: {  	_ =	shalt  }
0x41: {  	_ =	shalt  }
0x42: {  	_ =	shalt  }
0x43: {  	_ =	shalt  }
0x44: {  	_ =	shalt  }
0x45: {  	_ =	shalt  }
0x46: {  	_ =	shalt  }
0x47: {  	_ =	shalt  }
0x48: {  	_ =	shalt  }
0x49: {  	_ =	shalt  }
0x4a: {  	_ =	shalt  }
0x4b: {  	_ =	shalt  }
0x4c: {  	_ =	shalt  }
0x4d: {  	_ =	shalt  }
0x4e: {  	_ =	shalt  }
0x4f: {  	_ =	shalt  }
0x50: {  	_ =	shalt  }
0x51: {  	_ =	shalt  }
0x52: {  	_ =	shalt  }
0x53: {  	_ =	shalt  }
0x54: {  	_ =	shalt  }
0x55: {  	_ =	shalt  }
0x56: {  	_ =	shalt  }
0x57: {  	_ =	shalt  }
0x58: {  	_ =	shalt  }
0x59: {  	_ =	shalt  }
0x5a: {  	_ =	shalt  }
0x5b: {  	_ =	shalt  }
0x5c: {  	_ =	shalt  }
0x5d: {  	_ =	shalt  }
0x5e: {  	_ =	shalt  }
0x5f: {  	_ =	shalt  }
0x60: {  	_ =	shalt  }
0x61: {  	_ =	shalt  }
0x62: {  	_ =	shalt  }
0x63: {  	_ =	shalt  }
0x64: {  	_ =	shalt  }
0x65: {  	_ =	shalt  }
0x66: {  	_ =	shalt  }
0x67: {  	_ =	shalt  }
0x68: {  	_ =	shalt  }
0x69: {  	_ =	shalt  }
0x6a: {  	_ =	shalt  }
0x6b: {  	_ =	shalt  }
0x6c: {  	_ =	shalt  }
0x6d: {  	_ =	shalt  }
0x6e: {  	_ =	shalt  }
0x6f: {  	_ =	shalt  }
0x70: {  	_ =	shalt  }
0x71: {  	_ =	shalt  }
0x72: {  	_ =	shalt  }
0x73: {  	_ =	shalt  }
0x74: {  	_ =	shalt  }
0x75: {  	_ =	shalt  }
0x76: {  	_ =	shalt  }
0x77: {  	_ =	shalt  }
0x78: {  	_ =	shalt  }
0x79: {  	_ =	shalt  }
0x7a: {  	_ =	shalt  }
0x7b: {  	_ =	shalt  }
0x7c: {  	_ =	shalt  }
0x7d: {  	_ =	shalt  }
0x7e: {  	_ =	shalt  }
0x7f: {  	_ =	shalt  }
0x80: {  	_ =	shalt  }
0x81: {  	_ =	shalt  }
0x82: {  	_ =	shalt  }
0x83: {  	_ =	shalt  }
0x84: {  	_ =	shalt  }
0x85: {  	_ =	shalt  }
0x86: {  	_ =	shalt  }
0x87: {  	_ =	shalt  }
.Lfunc_end0:
.L_simem_size_0:
called_computation.1_lowered:
.L_overlay_start_0:
0x88: {  	s2 =	sld [smem:$0x3FD9]  }
0x89: {  	s3 =	sld [smem:$0x3FFE];
	_ =	sdelay $0x1  }
0x8a: {  	s1 =	srdreg.scid  }
0x8b: {  	s0 =	sand.u32 $0x1, s1  }
0x8c: {  	s14 =	sshll.u32 s0, $0xA;
	s2 =	sadd.s32 s3, s2  }
0x8d: {  	s2 =	sadd.s32 s2, s14  }
0x8e: {  	[smem:$0x3FBE] =	sst s2  }
0x8f: {  	_ = 	snop  }
0x90: {  	s2 =	sld [smem:$0x3FD0];
	_ =	sdelay $0x2  }
0x91: {  	s15 =	simm.s32 $0xA;
	s4 =	simm.s32 $0x10  }
0x92: {  	[smem:s4], [sflag:s15] =	dma.local [hbm:s2], $0x1  }
0x93: {  	_ =	swait.eq [sflag:s15], $0x1  }
0x94: {  	[sflag:s15] =	ssyncset.done $0x0  }
0x95: {  	s16 =	sld [smem:$0x10];
	[sflag:s15] =	ssyncadd.s32 $0xFFFFFFFF  }
0x96: {  	s17 =	sld [smem:$0x11];
	(tm) =	ssettm $0x1  }
0x97: {  	s18 =	sld [smem:$0x3FFB];
	_ =	sdelay $0x3  }
0x98: {  	_ =	strace s18  }
0x99: {  	s4 =	sld [smem:$0x3FFC];
	_ =	sdelay $0x3  }
0x9a: {  	_ =	strace s4  }
0x9b: {  	s4 =	sld [smem:$0x3FFD];
	_ =	sdelay $0x3  }
0x9c: {  	_ =	strace s4  }
0x9d: {  	_ =	strace $0x8FFFFFFF  }
0x9e: {  	s19 =	sld [smem:$0x3FDB];
	_ =	sdelay $0x1  }
0x9f: {  	s5 =	simm.s32 $_scs_section_size  }
0xa0: {  	s6 =	simm.s32 $_size__tile_overlayer_lowered;
	s7 =	simm.s32 $_tile_overlayer_lowered  }
0xa1: {  	s22 =	simm.s32 $0x1BFF;
	s21 =	sshll.u32 s7, $0x1;
	s4 =	sadd.s32 s5, s19  }
0xa2: {  	s8 =	simm.s32 $0x0;
	s20 =	sshll.u32 s6, $0x1;
	s6 =	sadd.s32 s21, s4  }
0xa3: {  	[timem:s8], [sflag:s22] =	dma.local [hbm:s6], s20  }
0xa4: {  	_ =	swait.ge [sflag:s22], s20  }
0xa5: {  	s5 =	ssub.s32 $0x0, s20;
	[sflag:s22] =	ssyncset.done $0x0  }
0xa6: {  	[sflag:s22] =	ssyncadd.s32 s5;
	_ =	sdelay $0x1  }
0xa7: {  	s23 =	simm.s32 $0x1B8B  }
0xa8: {  	_ =	swait.ge [sflag:s23], $0x1  }
0xa9: {  	[sflag:s23] =	ssyncset.done $0x0  }
0xaa: {  	s25 =	simm.s32 $0x1B8E;
	s24 =	sld [smem:$0x3FFE];
	[sflag:s23] =	ssyncadd.s32 $0xFFFFFFFF  }
0xab: {  	s26 =	simm.s32 $execute0_lowered;
	[smem:$0x3FD2] =	sst s25  }
0xac: {  	s6 =	sshll.u32 s26, $0x1;
	_ =	strace $0x80000049;
	[dreg:$0x1] =	wrdreg $0xFFFFFFFF  }
0xad: {  	s28 =	simm.s32 $_size_execute0_lowered;
	s4 =	sadd.s32 s4, s6;
	[dreg:$0x0] =	wrdreg $0x0  }
0xae: {  	s6 =	sshll.u32 s28, $0x1;
	[dreg:$0x2] =	wrdreg s4  }
0xaf: {  	[dreg:$0x3] =	wrdreg s6  }
0xb0: {  	[dreg:$0x4] =	wrdreg $0xC0  }
0xb1: {  	_ =	task [dreg:s8], $0x5FFFF  }
0xb2: {  	[dreg:$0x1] =	wrdreg $0xFFFFFFFF  }
0xb3: {  	[dreg:$0x0] =	wrdreg $0x60  }
0xb4: {  	[dreg:$0x2] =	wrdreg s24  }
0xb5: {  	[dreg:$0x3] =	wrdreg s16  }
0xb6: {  	[dreg:$0x4] =	wrdreg s17  }
0xb7: {  	[dreg:$0x5] =	wrdreg $0x98000  }
0xb8: {  	[dreg:$0x6] =	wrdreg $0x9  }
0xb9: {  	_ =	task.clear_ibuf [dreg:s8], $0x7FFFF;
	_ =	strace $0x90000049  }
0xba: {  	s29 =	simm.s32 $0x9;
	_ =	strace $0x8000004B  }
0xbb: {  	_ =	swait.ge [sflag:s29], $0x1  }
0xbc: {  	[sflag:s29] =	ssyncadd.s32 $0xFFFFFFFF  }
0xbd: {  	_ =	strace $0x9000004B  }
0xbe: {  	_ =	sfence  }
0xbf: {  	s30 =	sld [smem:$0x0];
	_ =	sdelay $0x2  }
0xc0: {  	s31 =	sshll.u32 s1, $0xD;
	s1 =	sshrl.u32 s1, $0x2  }
0xc1: {  	s3 =	sand.u32 $0x4000, s31;
	s1 =	sadd.s32 s1, s30  }
0xc2: {  	s0 =	sor.u32 s3, s0;
	s1 =	sshll.u32 s1, $0x11  }
0xc3: {  	s0 =	sor.u32 s1, s0  }
0xc4: {  	s0 =	sadd.s32 $0x8F2B, s0  }
0xc5: {  	[sflag:s0] =	ssyncadd.remote.s32 $0x1  }
0xc6: {  	_ =	sfence.sel $0xFFFF  }
0xc7: {  	[dreg:$0x0] =	wrdreg $0xFFFFFFFF;
	(pc) =	sbr.abs _section_cstart, $3  }
0xc8: {  	[dreg:$0x1] =	wrdreg $0xFFFFFFFF  }
0xc9: {  	_ =	task.clear_ibuf [dreg:s8], $0x2FFFF;
	_ =	strace $0x9FFFFFFF  }
0xca: {  	(tm) =	ssettm $0x7FFFFFFF  }
0xcb: {  	_ =	shalt  }
tec
execute0_lowered:
.L_overlay_start_1:
0x0: {  	(tag) =	ssettag $0x1  }
0x1: {  	s24 =	stileid.u32  }
0x2: {  	s0 =	srdreg.scid;
	s12 =	smul.u32 $0x2800, s24  }
0x3: {  	s4 =	sand.u32 $0x1, s0;
	s30 =	smul.u32 $0x14, s24  }
0x4: {  	s6 =	rddreg [dreg:$0x0];
	s8 =	sor.u32 $0x10, s24;
	s7 =	smul.u32 $0x138800, s4  }
0x5: {  	s1 =	rddreg [dreg:$0x1];
	s11 =	smul.u32 $0xA000, s8  }
0x6: {  	s2 =	rddreg [dreg:$0x2];
	s13 =	sor.u32 $0x30, s24;
	s8 =	smul.u32 $0x2800, s8  }
0x7: {  	s3 =	rddreg [dreg:$0x3];
	s15 =	sor.u32 $0x40, s24;
	s18 =	smul.u32 $0x2800, s13  }
0x8: {  	s5 =	simm.s32 $0x0;
	s16 =	sor.u32 $0x50, s24;
	s19 =	smul.u32 $0x2800, s15  }
0x9: {  	s31 =	simm.s32 $0x1800;
	s17 =	sor.u32 $0x60, s24;
	s22 =	smul.u32 $0x2800, s16  }
0xa: {  	s9 =	sadd.s32 $0xBD800, s6;
	s20 =	sor.u32 $0x70, s24;
	s25 =	smul.u32 $0x2800, s17  }
0xb: {  	[smem:$0x7FF] =	sst s5;
	s0 =	ssub.s32 $0x2, s4;
	s26 =	smul.u32 $0x2800, s20  }
0xc: {  	p0 =	sgt.u32 s24, $0xC;
	s13 =	smul.u32 $0xA000, s13;
	s10 =	sshrl.u32 s0, $0x1  }
0xd: {  	s0 =	ssub.s32 s0, s10;
	s10 =	sor.u32 $0x20, s24;
	s12 =	sadd.s32 s12, s7  }
0xe: {  	s8 =	sadd.s32 s7, s8;
	s18 =	sadd.s32 s7, s18;
	s23 =	sadd.s32 s7, s19  }
0xf: {  	s11 =	sshrl.u32 s11, $0x2;
	s14 =	smul.u32 $0x2800, s10;
	s12 =	sshrl.u32 s12, $0x3  }
0x10: {  	s8 =	sshrl.u32 s8, $0x3;
	s21 =	sshrl.u32 s18, $0x3;
	s18 =	sadd.s32 s11, s3  }
0x11: {  	s11 =	smul.u32 $0x5000, s24;
	s0 =	smax.u32 s0, $0x1;
	s12 =	sadd.s32 s9, s12  }
0x12: {  	s8 =	sadd.s32 s9, s8;
	[dreg:$0x5] =	wrdreg s12;
	s14 =	sadd.s32 s7, s14  }
0x13: {  	[dreg:$0x6] =	wrdreg s8;
	s12 =	sadd.s32 s7, s22;
	s8 =	sshrl.u32 s14, $0x3  }
0x14: {  	s19 =	sshrl.u32 s12, $0x3;
	s14 =	sadd.s32 $0xD400, s6;
	s8 =	sadd.s32 s9, s8  }
0x15: {  	[dreg:$0x7] =	wrdreg s8;
	s8 =	sadd.s32 s9, s21;
	s21 =	sadd.s32 s7, s25  }
0x16: {  	[dreg:$0x8] =	wrdreg s8;
	s8 =	sshrl.u32 s23, $0x3;
	s22 =	sshrl.u32 s21, $0x3  }
0x17: {  	s23 =	sadd.s32 s7, s26;
	s26 =	smul.u32 $0xA000, s24;
	s7 =	sshrl.u32 s7, $0x3  }
0x18: {  	s8 =	sadd.s32 s9, s8;
	s25 =	sshrl.u32 s23, $0x3;
	s23 =	smul.u32 $0xA000, s17  }
0x19: {  	s7 =	sadd.s32 s7, s6;
	s17 =	smul.u32 $0x50000, s4;
	[dreg:$0x9] =	wrdreg s8  }
0x1a: {  	s8 =	sadd.s32 s9, s19;
	s19 =	smul.u32 $0xA000, s15;
	s21 =	sshrl.u32 s26, $0x2  }
0x1b: {  	s28 =	sadd.s32 $0x21400, s7;
	s7 =	simm.s32 $0x80;
	[dreg:$0xa] =	wrdreg s8  }
0x1c: {  	s8 =	sadd.s32 s9, s22;
	s22 =	smul.u32 $0xA000, s16;
	s16 =	sadd.s32 s21, s3  }
0x1d: {  	s4 =	sadd.s32 s11, s17;
	[dreg:$0xb] =	wrdreg s8;
	s8 =	sadd.s32 s9, s25  }
0x1e: {  	s9 =	smul.u32 $0xA000, s10;
	s6 =	sshrl.u32 s19, $0x2;
	s19 =	sshrl.u32 s23, $0x2  }
0x1f: {  	s4 =	sshrl.u32 s4, $0x3;
	s10 =	simm.s32 $0x2;
	[dreg:$0xc] =	wrdreg s8  }
0x20: {  	s12 =	sshrl.u32 s22, $0x2;
	s29 =	sadd.s32 s6, s3;
	s6 =	sadd.s32 s19, s3  }
0x21: {  	s22 =	sadd.s32 s1, s4;
	_ =	strace $0x8000004A;
	[dreg:$0xe] =	wrdreg s6  }
0x22: {  	s23 =	sadd.s32 s14, s4;
	s4 =	sadd.s32 s2, s4;
	[dreg:$0x10] =	wrdreg s22  }
0x23: {  	s8 =	sshrl.u32 s9, $0x2;
	s9 =	sshrl.u32 s13, $0x2;
	[dreg:$0x11] =	wrdreg s23  }
0x24: {  	s13 =	smul.u32 $0xA000, s20;
	s15 =	sadd.s32 s12, s3;
	[dreg:$0x12] =	wrdreg s4  }
0x25: {  	[dreg:$0x13] =	wrdreg s0;
	s0 =	simm.s32 $0x6;
	s6 =	simm.s32 $0x5  }
0x26: {  	s25 =	sadd.s32 s8, s3;
	s26 =	sadd.s32 s9, s3;
	s20 =	sshrl.u32 s13, $0x2  }
0x27: {  	[dreg:$0xd] =	wrdreg s15;
	s8 =	simm.s32 $0x5800;
	s21 =	sadd.s32 s20, s3  }
0x28: {  	v0 =	vimm.f32 $0.0e+00;
	s9 =	simm.s32 $0x1;
	s13 =	simm.s32 $0x0;
	[dreg:$0xf] =	wrdreg s21  }
.LBB2_1:
0x29: {  	s4 =	simm.s32 $0x0;
	s11 =	simm.s32 $0x200  }
.LBB2_2:
0x2a: {  	p1 =	sne.s32 s11, $0x9E00;
	[tilespmem:s4+$0x1870] =	vst v0  }
0x2b: {  	[tilespmem:s4+$0x1800] =	vst v0  }
0x2c: {  	[tilespmem:s4+$0x1810] =	vst v0  }
.Ltmp0:
0x2d: {  	[tilespmem:s4+$0x1820] =	vst v0;
	(pc) =	sbr.rel @p1 .LBB2_2-.Ltmp0, $4  }
0x2e: {  	[tilespmem:s4+$0x1830] =	vst v0  }
0x2f: {  	[tilespmem:s4+$0x1840] =	vst v0  }
0x30: {  	[tilespmem:s4+$0x1850] =	vst v0  }
0x31: {  	[tilespmem:s4+$0x1860] =	vst v0;
	s4 =	sshra.s32 s11, $0x2;
	s11 =	sadd.s32 $0x200, s11  }
0x32: {  	[tilespmem:s4+$0x1870] =	vst v0  }
0x33: {  	[tilespmem:s4+$0x1800] =	vst v0  }
0x34: {  	[tilespmem:s4+$0x1810] =	vst v0  }
0x35: {  	[tilespmem:s4+$0x1820] =	vst v0  }
0x36: {  	[tilespmem:s4+$0x1830] =	vst v0  }
0x37: {  	[tilespmem:s4+$0x1840] =	vst v0  }
0x38: {  	[tilespmem:s4+$0x1850] =	vst v0  }
0x39: {  	[tilespmem:s4+$0x1860] =	vst v0  }
0x3a: {  	[spmem:s16] =	stream.linear.scatter [tilespmem:s31], [sflag:$0x6], $0x2800, $0x38;
	[tilespmem:$0x1D080] =	vst v63  }
0x3b: {  	_ =	swait.ge [sflag:s0], $0x2800  }
0x3c: {  	[sflag:s0] =	ssyncset.done $0x0  }
0x3d: {  	[sflag:s0] =	ssyncadd.s32 $0xFFFFD800  }
0x3e: {  	[spmem:s18] =	stream.linear.scatter [tilespmem:s31], [sflag:$0x6], $0x2800, $0x38;
	[tilespmem:$0x1D080] =	vst v63  }
0x3f: {  	_ =	swait.ge [sflag:s0], $0x2800  }
0x40: {  	[sflag:s0] =	ssyncset.done $0x0  }
0x41: {  	[sflag:s0] =	ssyncadd.s32 $0xFFFFD800  }
0x42: {  	[spmem:s25] =	stream.linear.scatter [tilespmem:s31], [sflag:$0x6], $0x2800, $0x38;
	[tilespmem:$0x1D080] =	vst v63  }
0x43: {  	_ =	swait.ge [sflag:s0], $0x2800  }
0x44: {  	[sflag:s0] =	ssyncset.done $0x0  }
0x45: {  	[sflag:s0] =	ssyncadd.s32 $0xFFFFD800  }
0x46: {  	[spmem:s26] =	stream.linear.scatter [tilespmem:s31], [sflag:$0x6], $0x2800, $0x38;
	[tilespmem:$0x1D080] =	vst v63  }
0x47: {  	_ =	swait.ge [sflag:s0], $0x2800  }
0x48: {  	[sflag:s0] =	ssyncset.done $0x0  }
0x49: {  	[sflag:s0] =	ssyncadd.s32 $0xFFFFD800  }
0x4a: {  	[spmem:s29] =	stream.linear.scatter [tilespmem:s31], [sflag:$0x6], $0x2800, $0x38;
	[tilespmem:$0x1D080] =	vst v63  }
0x4b: {  	_ =	swait.ge [sflag:s0], $0x2800  }
0x4c: {  	[sflag:s0] =	ssyncset.done $0x0  }
0x4d: {  	s20 =	smov.u32 s18;
	s18 =	rddreg [dreg:$0xd];
	[sflag:s0] =	ssyncadd.s32 $0xFFFFD800  }
0x4e: {  	[spmem:s18] =	stream.linear.scatter [tilespmem:s31], [sflag:$0x6], $0x2800, $0x38;
	[tilespmem:$0x1D080] =	vst v63  }
0x4f: {  	_ =	swait.ge [sflag:s0], $0x2800  }
0x50: {  	[sflag:s0] =	ssyncset.done $0x0  }
0x51: {  	s24 =	rddreg [dreg:$0xe];
	[sflag:s0] =	ssyncadd.s32 $0xFFFFD800  }
0x52: {  	[spmem:s24] =	stream.linear.scatter [tilespmem:s31], [sflag:$0x6], $0x2800, $0x38;
	[tilespmem:$0x1D080] =	vst v63  }
0x53: {  	_ =	swait.ge [sflag:s0], $0x2800  }
0x54: {  	[sflag:s0] =	ssyncset.done $0x0  }
0x55: {  	s4 =	simm.s32 @!p0 $0x1800;
	s11 =	rddreg [dreg:$0xf];
	[sflag:s0] =	ssyncadd.s32 $0xFFFFD800  }
0x56: {  	[spmem:s11] =	stream.linear.scatter @!p0 [tilespmem:s4], [sflag:$0x6], $0x2800, $0x38;
	[tilespmem:$0x1D080] =	vst v63  }
0x57: {  	s4 =	simm.s32 @!p0 $0x6  }
0x58: {  	_ =	swait.ge @!p0 [sflag:s4], $0x2800  }
0x59: {  	[sflag:s4] =	ssyncset.done @!p0 $0x0  }
0x5a: {  	[sflag:s4] =	ssyncadd.s32 @!p0 $0xFFFFD800  }
0x5b: {  	[bflag:$0x0] =	sbarrier.arrive $0xFFFF  }
0x5c: {  	s21 =	smov.u32 s25;
	s4 =	simm.s32 $0x0;
	s25 =	rddreg [dreg:$0x10]  }
0x5d: {  	[tilespmem:s4], [sflag:$0x5] =	stream.linear.gather [hbm4b:s25+s4], $0x400, $0x38;
	[tilespmem:$0x1D080] =	vst v63  }
0x5e: {  	s22 =	smov.u32 s26;
	s12 =	simm.s32 $0x800;
	s26 =	rddreg [dreg:$0x11]  }
0x5f: {  	[tilespmem:s12], [sflag:$0x5] =	stream.linear.gather [hbm4b:s26+s4], $0x400, $0x38;
	[tilespmem:$0x1D080] =	vst v63  }
0x60: {  	s23 =	smov.u32 s29;
	s15 =	simm.s32 $0x1000;
	s29 =	rddreg [dreg:$0x12]  }
0x61: {  	[tilespmem:s15], [sflag:$0x5] =	stream.linear.gather [hbm4b:s29+s4], $0x400, $0x38;
	[tilespmem:$0x1D080] =	vst v63  }
0x62: {  	_ =	swait.ge [sflag:s6], $0x400  }
0x63: {  	[sflag:s6] =	ssyncset.done $0x0  }
0x64: {  	[sflag:s6] =	ssyncadd.s32 $0xFFFFFC00  }
0x65: {  	_ =	swait.ge [sflag:s6], $0x400  }
0x66: {  	[sflag:s6] =	ssyncset.done $0x0  }
0x67: {  	[sflag:s6] =	ssyncadd.s32 $0xFFFFFC00  }
0x68: {  	_ =	swait.ge [sflag:s6], $0x400  }
0x69: {  	[sflag:s6] =	ssyncset.done $0x0  }
0x6a: {  	s19 =	smov.u32 s16;
	[sflag:s6] =	ssyncadd.s32 $0xFFFFFC00  }
0x6b: {  	[tilespmem:s31], [sflag:$0x1] =	stream.indirect.gather [hbm4b:s28+s7], $0x80, s12, s7, $0xb8;
	[tilespmem:$0x1D080] =	vst v63  }
.LBB2_4:
0x6c: {  	p1 =	seq.s32 s4, $0x0  }
0x6d: {  	s24 =	sshllo.u32 s4, $0x1;
	s11 =	simm.s32 @!p1 $0x4  }
0x6e: {  	s12 =	sshll.u32 s4, $0x8;
	s25 =	sshll.u32 s24, $0x7;
	_ =	swait.ge @!p1 [sflag:s11], $0x4000  }
0x6f: {  	s12 =	sand.u32 $0x400, s12;
	s25 =	sand.u32 $0x380, s25;
	[sflag:s11] =	ssyncset.done @!p1 $0x0  }
0x70: {  	s12 =	sor.u32 s25, s12;
	s25 =	sshll.u32 s4, $0x1;
	[sflag:s11] =	ssyncadd.s32 @!p1 $0xFFFFC000  }
0x71: {  	s15 =	sor.u32 $0x800, s12;
	s11 =	sand.u32 $0x6, s25;
	p1 =	sgt.u32 s4, $0x4B  }
0x72: {  	[tilespmem:s8], [sflag:$0x2] =	stream.indirect.gather [hbm4b:s28+s7], $0x80, s15, s7, $0xb8;
	[tilespmem:$0x1D080] =	vst v63  }
0x73: {  	p2 =	sne.s32 @!p1 s11, $0x0  }
0x74: {  	s12 =	sshrl.u32 s4, $0x2;
	p1 =	por p2, p1  }
0x75: {  	s26 =	sadd.s32 @!p1 $0x1, s12  }
0x76: {  	s29 =	sadd.s32 @!p1 s30, s26  }
0x77: {  	s29 =	sshll.u32 @!p1 s29, $0xA  }
0x78: {  	s29 =	sadd.s32 @!p1 s17, s29  }
0x79: {  	s26 =	sshll.u32 @!p1 s26, $0xA;
	s15 =	sshrl.u32 @!p1 s29, $0x3  }
0x7a: {  	s18 =	simm.s32 @!p1 $0x0;
	s16 =	sand.u32 @!p1 $0x400, s26;
	s26 =	sadd.s32 @!p1 s1, s15  }
0x7b: {  	[tilespmem:s16], [sflag:$0x5] =	stream.linear.gather @!p1 [hbm4b:s26+s18], $0x400, $0x38;
	[tilespmem:$0x1D080] =	vst v63  }
0x7c: {  	s12 =	sshll.u32 s12, $0xC;
	s29 =	sadd.s32 @!p1 s14, s15;
	s26 =	sor.u32 @!p1 $0x800, s16  }
0x7d: {  	[tilespmem:s26], [sflag:$0x5] =	stream.linear.gather @!p1 [hbm4b:s29+s18], $0x400, $0x38;
	[tilespmem:$0x1D080] =	vst v63  }
0x7e: {  	s26 =	sand.u32 $0x1000, s12;
	s29 =	sshll.u32 s11, $0x9  }
0x7f: {  	s11 =	sor.u32 s29, s26  }
0x80: {  	s11 =	sshrl.u32 s11, $0x2  }
0x81: {  	s11 =	sor.u32 $0x1000, s11  }
0x82: {  	s15 =	sadd.s32 @!p1 s2, s15;
	s12 =	sor.u32 @!p1 $0x1000, s16;
	v1 =	vmov s11  }
0x83: {  	[tilespmem:s12], [sflag:$0x5] =	stream.linear.gather @!p1 [hbm4b:s15+s18], $0x400, $0x38;
	[tilespmem:$0x1D080] =	vst v63  }
0x84: {  	_ =	swait.ge [sflag:s9], $0x4000  }
0x85: {  	s16 =	simm.s32 $0x0;
	[sflag:s9] =	ssyncset.done $0x0  }
0x86: {  	s18 =	simm.s32 $0x0;
	s11 =	sand.u32 $0x3FFFFFF0, s16;
	[sflag:s9] =	ssyncadd.s32 $0xFFFFC000  }
0x87: {  	v2 =	vld.idx.msk [tilespmem:v1+s11+$0x0 ss:$0x1], $0xffff;
	s11 =	sand.u32 $0x3FFFF800, s18  }
0x88: {  	v8 =	vld [tilespmem:s11+$0x18C0]  }
0x89: {  	v4 =	vld [tilespmem:s11+$0x1820]  }
0x8a: {  	v5 =	vld [tilespmem:s11+$0x1830]  }
0x8b: {  	v11 =	vld [tilespmem:s11+$0x1860]  }
0x8c: {  	v12 =	vld [tilespmem:s11+$0x1870];
	v3 =	vbroadcast v2, $0x0  }
0x8d: {  	v13 =	vld [tilespmem:s11+$0x1880]  }
0x8e: {  	v14 =	vld [tilespmem:s11+$0x1890];
	v4 =	vmul.f32 v4, v3  }
0x8f: {  	v15 =	vld [tilespmem:s11+$0x18A0];
	v5 =	vmul.f32 v5, v3  }
0x90: {  	v10 =	vld [tilespmem:s11+$0x18B0];
	v21 =	vbroadcast v2, $0x1;
	v20 =	vmul.f32 v11, v3;
	[tilespmem:s11+$0x1820] =	vst v4  }
0x91: {  	v9 =	vld [tilespmem:s11+$0x18D0];
	v12 =	vmul.f32 v12, v3;
	[tilespmem:s11+$0x1830] =	vst v5  }
0x92: {  	v7 =	vld [tilespmem:s11+$0x1D70];
	v13 =	vmul.f32 v13, v21;
	[tilespmem:s11+$0x1860] =	vst v20  }
0x93: {  	v23 =	vld [tilespmem:s11+$0x18F0];
	v14 =	vmul.f32 v14, v21;
	[tilespmem:s11+$0x1870] =	vst v12  }
0x94: {  	v24 =	vld [tilespmem:s11+$0x1900];
	v15 =	vmul.f32 v15, v21;
	[tilespmem:s11+$0x1880] =	vst v13  }
0x95: {  	v25 =	vld [tilespmem:s11+$0x1910];
	v10 =	vmul.f32 v10, v21;
	[tilespmem:s11+$0x1890] =	vst v14  }
0x96: {  	v22 =	vld [tilespmem:s11+$0x18E0];
	v8 =	vmul.f32 v8, v21;
	[tilespmem:s11+$0x18A0] =	vst v15  }
0x97: {  	v26 =	vld [tilespmem:s11+$0x1920];
	v16 =	vbroadcast v2, $0x2;
	v9 =	vmul.f32 v9, v21;
	[tilespmem:s11+$0x18B0] =	vst v10  }
0x98: {  	v27 =	vld [tilespmem:s11+$0x1930];
	v11 =	vmul.f32 v23, v21;
	[tilespmem:s11+$0x18C0] =	vst v8  }
0x99: {  	v28 =	vld [tilespmem:s11+$0x1940];
	v6 =	vbroadcast v2, $0xA;
	v30 =	vmul.f32 v24, v16;
	[tilespmem:s11+$0x18D0] =	vst v9  }
0x9a: {  	v29 =	vld [tilespmem:s11+$0x1950];
	v32 =	vmul.f32 v25, v16;
	[tilespmem:s11+$0x18F0] =	vst v11  }
0x9b: {  	v31 =	vld [tilespmem:s11+$0x1960];
	v4 =	vmul.f32 v7, v6;
	[tilespmem:s11+$0x1900] =	vst v30  }
0x9c: {  	v33 =	vld [tilespmem:s11+$0x1970];
	v12 =	vmul.f32 v22, v21;
	[tilespmem:s11+$0x1910] =	vst v32  }
0x9d: {  	v34 =	vld [tilespmem:s11+$0x1980];
	v10 =	vmul.f32 v26, v16;
	[tilespmem:s11+$0x1D70] =	vst v4  }
0x9e: {  	v35 =	vld [tilespmem:s11+$0x1990];
	v8 =	vmul.f32 v27, v16;
	[tilespmem:s11+$0x18E0] =	vst v12  }
0x9f: {  	v36 =	vld [tilespmem:s11+$0x19A0];
	v9 =	vmul.f32 v28, v16;
	[tilespmem:s11+$0x1920] =	vst v10  }
0xa0: {  	v37 =	vld [tilespmem:s11+$0x19B0];
	v39 =	vbroadcast v2, $0x3;
	v11 =	vmul.f32 v31, v16;
	[tilespmem:s11+$0x1930] =	vst v8  }
0xa1: {  	v38 =	vld [tilespmem:s11+$0x19C0];
	v13 =	vmul.f32 v33, v16;
	[tilespmem:s11+$0x1940] =	vst v9  }
0xa2: {  	v40 =	vld [tilespmem:s11+$0x19D0];
	v14 =	vmul.f32 v34, v39;
	[tilespmem:s11+$0x1960] =	vst v11  }
0xa3: {  	v41 =	vld [tilespmem:s11+$0x19E0];
	v12 =	vmul.f32 v29, v16;
	[tilespmem:s11+$0x1970] =	vst v13  }
0xa4: {  	v42 =	vld [tilespmem:s11+$0x19F0];
	v10 =	vmul.f32 v35, v39;
	[tilespmem:s11+$0x1980] =	vst v14  }
0xa5: {  	v43 =	vld [tilespmem:s11+$0x1A00];
	v8 =	vmul.f32 v36, v39;
	[tilespmem:s11+$0x1950] =	vst v12  }
0xa6: {  	v44 =	vld [tilespmem:s11+$0x1A10];
	v9 =	vmul.f32 v37, v39;
	[tilespmem:s11+$0x1990] =	vst v10  }
0xa7: {  	v45 =	vld [tilespmem:s11+$0x1A20];
	v11 =	vmul.f32 v40, v39;
	[tilespmem:s11+$0x19A0] =	vst v8  }
0xa8: {  	v46 =	vld [tilespmem:s11+$0x1A30];
	v13 =	vmul.f32 v41, v39;
	[tilespmem:s11+$0x19B0] =	vst v9  }
0xa9: {  	v47 =	vld [tilespmem:s11+$0x1A40];
	v48 =	vbroadcast v2, $0x4;
	v14 =	vmul.f32 v42, v39;
	[tilespmem:s11+$0x19D0] =	vst v11  }
0xaa: {  	v49 =	vld [tilespmem:s11+$0x1A50];
	v12 =	vmul.f32 v38, v39;
	[tilespmem:s11+$0x19E0] =	vst v13  }
0xab: {  	v50 =	vld [tilespmem:s11+$0x1A60];
	v10 =	vmul.f32 v43, v48;
	[tilespmem:s11+$0x19F0] =	vst v14  }
0xac: {  	v51 =	vld [tilespmem:s11+$0x1A70];
	v8 =	vmul.f32 v44, v48;
	[tilespmem:s11+$0x19C0] =	vst v12  }
0xad: {  	v52 =	vld [tilespmem:s11+$0x1A80];
	v9 =	vmul.f32 v45, v48;
	[tilespmem:s11+$0x1A00] =	vst v10  }
0xae: {  	v53 =	vld [tilespmem:s11+$0x1A90];
	v11 =	vmul.f32 v47, v48;
	[tilespmem:s11+$0x1A10] =	vst v8  }
0xaf: {  	v54 =	vld [tilespmem:s11+$0x1AA0];
	v13 =	vmul.f32 v49, v48;
	[tilespmem:s11+$0x1A20] =	vst v9  }
0xb0: {  	v55 =	vld [tilespmem:s11+$0x1AB0];
	v14 =	vmul.f32 v50, v48;
	[tilespmem:s11+$0x1A40] =	vst v11  }
0xb1: {  	v56 =	vld [tilespmem:s11+$0x1AC0];
	v57 =	vbroadcast v2, $0x5;
	v12 =	vmul.f32 v46, v48;
	[tilespmem:s11+$0x1A50] =	vst v13  }
0xb2: {  	v58 =	vld [tilespmem:s11+$0x1AD0];
	v10 =	vmul.f32 v51, v48;
	[tilespmem:s11+$0x1A60] =	vst v14  }
0xb3: {  	v59 =	vld [tilespmem:s11+$0x1AE0];
	v8 =	vmul.f32 v52, v57;
	[tilespmem:s11+$0x1A30] =	vst v12  }
0xb4: {  	v60 =	vld [tilespmem:s11+$0x1AF0];
	v9 =	vmul.f32 v53, v57;
	[tilespmem:s11+$0x1A70] =	vst v10  }
0xb5: {  	v61 =	vld [tilespmem:s11+$0x1B00];
	v11 =	vmul.f32 v55, v57;
	[tilespmem:s11+$0x1A80] =	vst v8  }
0xb6: {  	v62 =	vld [tilespmem:s11+$0x1B10];
	v13 =	vmul.f32 v56, v57;
	[tilespmem:s11+$0x1A90] =	vst v9  }
0xb7: {  	v63 =	vld [tilespmem:s11+$0x1B20];
	v14 =	vmul.f32 v58, v57;
	[tilespmem:s11+$0x1AB0] =	vst v11  }
0xb8: {  	v20 =	vld [tilespmem:s11+$0x1B30];
	v12 =	vmul.f32 v54, v57;
	[tilespmem:s11+$0x1AC0] =	vst v13  }
0xb9: {  	v21 =	vld [tilespmem:s11+$0x1B40];
	v22 =	vbroadcast v2, $0x6;
	v10 =	vmul.f32 v59, v57;
	[tilespmem:s11+$0x1AD0] =	vst v14  }
0xba: {  	v23 =	vld [tilespmem:s11+$0x1B50];
	v8 =	vmul.f32 v60, v57;
	[tilespmem:s11+$0x1AA0] =	vst v12  }
0xbb: {  	v24 =	vld [tilespmem:s11+$0x1B60];
	v9 =	vmul.f32 v61, v22;
	[tilespmem:s11+$0x1AE0] =	vst v10  }
0xbc: {  	v25 =	vld [tilespmem:s11+$0x1B70];
	v11 =	vmul.f32 v63, v22;
	[tilespmem:s11+$0x1AF0] =	vst v8  }
0xbd: {  	v5 =	vld [tilespmem:s11+$0x1D80];
	v13 =	vmul.f32 v20, v22;
	[tilespmem:s11+$0x1B00] =	vst v9  }
0xbe: {  	v27 =	vld [tilespmem:s11+$0x1B90];
	v14 =	vmul.f32 v21, v22;
	[tilespmem:s11+$0x1B20] =	vst v11  }
0xbf: {  	v28 =	vld [tilespmem:s11+$0x1BA0];
	v12 =	vmul.f32 v62, v22;
	[tilespmem:s11+$0x1B30] =	vst v13  }
0xc0: {  	v29 =	vld [tilespmem:s11+$0x1BB0];
	v10 =	vmul.f32 v23, v22;
	[tilespmem:s11+$0x1B40] =	vst v14  }
0xc1: {  	v31 =	vbroadcast v2, $0x7;
	v53 =	vld [tilespmem:s11+$0x1D00];
	v8 =	vmul.f32 v24, v22;
	[tilespmem:s11+$0x1B10] =	vst v12  }
0xc2: {  	v58 =	vld [tilespmem:s11+$0x1D50];
	v9 =	vmul.f32 v25, v22;
	[tilespmem:s11+$0x1B50] =	vst v10  }
0xc3: {  	v26 =	vld [tilespmem:s11+$0x1B80];
	v11 =	vmul.f32 v27, v31;
	[tilespmem:s11+$0x1B60] =	vst v8  }
0xc4: {  	v30 =	vld [tilespmem:s11+$0x1BC0];
	v13 =	vmul.f32 v28, v31;
	[tilespmem:s11+$0x1B70] =	vst v9  }
0xc5: {  	v32 =	vld [tilespmem:s11+$0x1BD0];
	v14 =	vmul.f32 v29, v31;
	[tilespmem:s11+$0x1B90] =	vst v11  }
0xc6: {  	v33 =	vld [tilespmem:s11+$0x1BE0];
	v59 =	vmul.f32 v53, v6;
	[tilespmem:s11+$0x1BA0] =	vst v13  }
0xc7: {  	v35 =	vld [tilespmem:s11+$0x1C00];
	v21 =	vmul.f32 v58, v6;
	[tilespmem:s11+$0x1BB0] =	vst v14  }
0xc8: {  	v36 =	vld [tilespmem:s11+$0x1C10];
	v12 =	vmul.f32 v26, v31;
	[tilespmem:s11+$0x1D00] =	vst v59  }
0xc9: {  	v37 =	vld [tilespmem:s11+$0x1C20];
	v10 =	vmul.f32 v30, v31;
	[tilespmem:s11+$0x1D50] =	vst v21  }
0xca: {  	v7 =	vld [tilespmem:s11+$0x1D90];
	v40 =	vbroadcast v2, $0x8;
	v8 =	vmul.f32 v32, v31;
	[tilespmem:s11+$0x1B80] =	vst v12  }
0xcb: {  	v34 =	vld [tilespmem:s11+$0x1BF0];
	v9 =	vmul.f32 v33, v31;
	[tilespmem:s11+$0x1BC0] =	vst v10  }
0xcc: {  	v57 =	vld [tilespmem:s11+$0x1D40];
	v11 =	vmul.f32 v35, v40;
	[tilespmem:s11+$0x1BD0] =	vst v8  }
0xcd: {  	v61 =	vld [tilespmem:s11+$0x1800];
	v24 =	vbroadcast v2, $0xB;
	v13 =	vmul.f32 v36, v40;
	[tilespmem:s11+$0x1BE0] =	vst v9  }
0xce: {  	v4 =	vld [tilespmem:s11+$0x1FD0];
	v14 =	vmul.f32 v37, v40;
	[tilespmem:s11+$0x1C00] =	vst v11  }
0xcf: {  	v38 =	vld [tilespmem:s11+$0x1C30];
	v5 =	vmul.f32 v5, v24;
	[tilespmem:s11+$0x1C10] =	vst v13  }
0xd0: {  	v39 =	vld [tilespmem:s11+$0x1C40];
	v7 =	vmul.f32 v7, v24;
	[tilespmem:s11+$0x1C20] =	vst v14  }
0xd1: {  	v41 =	vld [tilespmem:s11+$0x1C50];
	v19 =	vmul.f32 v57, v6;
	[tilespmem:s11+$0x1D80] =	vst v5  }
0xd2: {  	v43 =	vld [tilespmem:s11+$0x1C70];
	v25 =	vmul.f32 v3, v61;
	[tilespmem:s11+$0x1D90] =	vst v7  }
0xd3: {  	v44 =	vld [tilespmem:s11+$0x1C80];
	v12 =	vmul.f32 v34, v31;
	[tilespmem:s11+$0x1D40] =	vst v19  }
0xd4: {  	v45 =	vld [tilespmem:s11+$0x1C90];
	v10 =	vmul.f32 v38, v40;
	[tilespmem:s11+$0x1800] =	vst v25  }
0xd5: {  	v27 =	vld [tilespmem:s11+$0x1DD0];
	v8 =	vmul.f32 v39, v40;
	[tilespmem:s11+$0x1BF0] =	vst v12  }
0xd6: {  	v49 =	vbroadcast v2, $0x9;
	v29 =	vld [tilespmem:s11+$0x1DF0];
	v9 =	vmul.f32 v41, v40;
	[tilespmem:s11+$0x1C30] =	vst v10  }
0xd7: {  	v42 =	vld [tilespmem:s11+$0x1C60];
	v11 =	vmul.f32 v43, v40;
	[tilespmem:s11+$0x1C40] =	vst v8  }
0xd8: {  	v46 =	vld [tilespmem:s11+$0x1CA0];
	v13 =	vmul.f32 v44, v49;
	[tilespmem:s11+$0x1C50] =	vst v9  }
0xd9: {  	v47 =	vld [tilespmem:s11+$0x1CB0];
	v14 =	vmul.f32 v45, v49;
	[tilespmem:s11+$0x1C70] =	vst v11  }
0xda: {  	v48 =	vld [tilespmem:s11+$0x1CC0];
	v32 =	vmul.f32 v27, v24;
	[tilespmem:s11+$0x1C80] =	vst v13  }
0xdb: {  	v51 =	vld [tilespmem:s11+$0x1CE0];
	v7 =	vmul.f32 v29, v24;
	[tilespmem:s11+$0x1C90] =	vst v14  }
0xdc: {  	v52 =	vld [tilespmem:s11+$0x1CF0];
	v12 =	vmul.f32 v42, v40;
	[tilespmem:s11+$0x1DD0] =	vst v32  }
0xdd: {  	v10 =	vmul.f32 v46, v49;
	[tilespmem:s11+$0x1DF0] =	vst v7  }
0xde: {  	v28 =	vld [tilespmem:s11+$0x1DE0];
	v8 =	vmul.f32 v47, v49;
	[tilespmem:s11+$0x1C60] =	vst v12  }
0xdf: {  	v30 =	vld [tilespmem:s11+$0x1E00];
	v9 =	vmul.f32 v48, v49;
	[tilespmem:s11+$0x1CA0] =	vst v10  }
0xe0: {  	v50 =	vld [tilespmem:s11+$0x1CD0];
	v5 =	vbroadcast v2, $0xF;
	v11 =	vmul.f32 v51, v49;
	[tilespmem:s11+$0x1CB0] =	vst v8  }
0xe1: {  	v54 =	vld [tilespmem:s11+$0x1D10];
	v13 =	vmul.f32 v52, v49;
	[tilespmem:s11+$0x1CC0] =	vst v9  }
0xe2: {  	v55 =	vld [tilespmem:s11+$0x1D20];
	v35 =	vbroadcast v2, $0xC;
	v4 =	vmul.f32 v4, v5;
	[tilespmem:s11+$0x1CE0] =	vst v11  }
0xe3: {  	v56 =	vld [tilespmem:s11+$0x1D30];
	v40 =	vmul.f32 v28, v24;
	[tilespmem:s11+$0x1CF0] =	vst v13  }
0xe4: {  	v60 =	vld [tilespmem:s11+$0x1D60];
	v16 =	vmul.f32 v30, v35;
	[tilespmem:s11+$0x1FD0] =	vst v4  }
0xe5: {  	v62 =	vld [tilespmem:s11+$0x1810];
	v12 =	vmul.f32 v50, v49;
	[tilespmem:s11+$0x1DE0] =	vst v40  }
0xe6: {  	v63 =	vld [tilespmem:s11+$0x1840];
	v10 =	vmul.f32 v54, v6;
	[tilespmem:s11+$0x1E00] =	vst v16  }
0xe7: {  	v20 =	vld [tilespmem:s11+$0x1850];
	v8 =	vmul.f32 v55, v6;
	[tilespmem:s11+$0x1CD0] =	vst v12  }
0xe8: {  	v33 =	vld [tilespmem:s11+$0x1E30];
	v9 =	vmul.f32 v56, v6;
	[tilespmem:s11+$0x1D10] =	vst v10  }
0xe9: {  	v61 =	vld [tilespmem:s11+$0x1FF0];
	v6 =	vmul.f32 v60, v6;
	[tilespmem:s11+$0x1D20] =	vst v8  }
0xea: {  	v38 =	vld [tilespmem:s11+$0x1E70];
	v13 =	vmul.f32 v62, v3;
	[tilespmem:s11+$0x1D30] =	vst v9  }
0xeb: {  	v22 =	vld [tilespmem:s11+$0x1DA0];
	v4 =	vmul.f32 v63, v3;
	[tilespmem:s11+$0x1D60] =	vst v6  }
0xec: {  	v23 =	vld [tilespmem:s11+$0x1DB0];
	v3 =	vmul.f32 v20, v3;
	[tilespmem:s11+$0x1810] =	vst v13  }
0xed: {  	v26 =	vld [tilespmem:s11+$0x1DC0];
	v62 =	vmul.f32 v33, v35;
	[tilespmem:s11+$0x1840] =	vst v4  }
0xee: {  	v31 =	vld [tilespmem:s11+$0x1E10];
	v63 =	vmul.f32 v61, v5;
	[tilespmem:s11+$0x1850] =	vst v3  }
0xef: {  	v34 =	vld [tilespmem:s11+$0x1E40];
	v16 =	vmul.f32 v38, v35;
	[tilespmem:s11+$0x1E30] =	vst v62  }
0xf0: {  	v41 =	vld [tilespmem:s11+$0x1EA0];
	v8 =	vmul.f32 v22, v24;
	[tilespmem:s11+$0x1FF0] =	vst v63  }
0xf1: {  	v46 =	vld [tilespmem:s11+$0x1EE0];
	v9 =	vmul.f32 v23, v24;
	[tilespmem:s11+$0x1E70] =	vst v16  }
0xf2: {  	v6 =	vmul.f32 v26, v24;
	v3 =	vld [tilespmem:s11+$0x1E90];
	[tilespmem:s11+$0x1DA0] =	vst v8  }
0xf3: {  	v36 =	vld [tilespmem:s11+$0x1E50];
	v44 =	vbroadcast v2, $0xD;
	v10 =	vmul.f32 v31, v35;
	[tilespmem:s11+$0x1DB0] =	vst v9  }
0xf4: {  	v37 =	vld [tilespmem:s11+$0x1E60];
	v13 =	vmul.f32 v34, v35;
	[tilespmem:s11+$0x1DC0] =	vst v6  }
0xf5: {  	v39 =	vld [tilespmem:s11+$0x1E80];
	v12 =	vmul.f32 v41, v44;
	[tilespmem:s11+$0x1E10] =	vst v10  }
0xf6: {  	v42 =	vld [tilespmem:s11+$0x1EB0];
	v51 =	vmul.f32 v46, v44;
	[tilespmem:s11+$0x1E40] =	vst v13  }
0xf7: {  	v48 =	vld [tilespmem:s11+$0x1F10];
	[tilespmem:s11+$0x1EA0] =	vst v12;
	v3 =	vmul.f32 v3, v44  }
0xf8: {  	v49 =	vld [tilespmem:s11+$0x1F20];
	v9 =	vmul.f32 v36, v35;
	[tilespmem:s11+$0x1EE0] =	vst v51  }
0xf9: {  	v6 =	vmul.f32 v37, v35;
	[tilespmem:s11+$0x1E90] =	vst v3;
	v3 =	vld [tilespmem:s11+$0x1F00]  }
0xfa: {  	v2 =	vbroadcast v2, $0xE;
	v50 =	vld [tilespmem:s11+$0x1F30];
	v10 =	vmul.f32 v39, v44;
	[tilespmem:s11+$0x1E50] =	vst v9  }
0xfb: {  	v45 =	vld [tilespmem:s11+$0x1ED0];
	v13 =	vmul.f32 v42, v44;
	[tilespmem:s11+$0x1E60] =	vst v6  }
0xfc: {  	v47 =	vld [tilespmem:s11+$0x1EF0];
	v12 =	vmul.f32 v48, v2;
	[tilespmem:s11+$0x1E80] =	vst v10  }
0xfd: {  	v43 =	vld [tilespmem:s11+$0x1EC0];
	v11 =	vmul.f32 v49, v2;
	[tilespmem:s11+$0x1EB0] =	vst v13  }
0xfe: {  	v55 =	vld [tilespmem:s11+$0x1F80];
	[tilespmem:s11+$0x1F10] =	vst v12;
	v3 =	vmul.f32 v3, v2  }
0xff: {  	v57 =	vld [tilespmem:s11+$0x1FA0];
	v7 =	vmul.f32 v50, v2;
	[tilespmem:s11+$0x1F20] =	vst v11  }
0x100: {  	v6 =	vmul.f32 v45, v44;
	[tilespmem:s11+$0x1F00] =	vst v3;
	v3 =	vld [tilespmem:s11+$0x1F70]  }
0x101: {  	v52 =	vld [tilespmem:s11+$0x1F40];
	v10 =	vmul.f32 v47, v44;
	[tilespmem:s11+$0x1F30] =	vst v7  }
0x102: {  	v56 =	vld [tilespmem:s11+$0x1F90];
	v9 =	vmul.f32 v43, v44;
	[tilespmem:s11+$0x1ED0] =	vst v6  }
0x103: {  	v54 =	vld [tilespmem:s11+$0x1F60];
	v12 =	vmul.f32 v55, v5;
	[tilespmem:s11+$0x1EF0] =	vst v10  }
0x104: {  	v58 =	vld [tilespmem:s11+$0x1FB0];
	v7 =	vmul.f32 v57, v5;
	[tilespmem:s11+$0x1EC0] =	vst v9  }
0x105: {  	v53 =	vld [tilespmem:s11+$0x1F50];
	[tilespmem:s11+$0x1F80] =	vst v12;
	v3 =	vmul.f32 v3, v2  }
0x106: {  	v59 =	vld [tilespmem:s11+$0x1FC0];
	v6 =	vmul.f32 v52, v2;
	[tilespmem:s11+$0x1FA0] =	vst v7  }
0x107: {  	v60 =	vld [tilespmem:s11+$0x1FE0];
	[tilespmem:s11+$0x1F70] =	vst v3;
	v3 =	vmul.f32 v56, v5  }
0x108: {  	v10 =	vmul.f32 v54, v2;
	[tilespmem:s11+$0x1F40] =	vst v6  }
0x109: {  	v4 =	vld [tilespmem:s11+$0x1E20];
	[tilespmem:s11+$0x1F90] =	vst v3;
	v3 =	vmul.f32 v58, v5  }
0x10a: {  	[tilespmem:s11+$0x1F60] =	vst v10;
	v2 =	vmul.f32 v53, v2  }
0x10b: {  	[tilespmem:s11+$0x1FB0] =	vst v3;
	v3 =	vmul.f32 v59, v5  }
0x10c: {  	[tilespmem:s11+$0x1F50] =	vst v2;
	v5 =	vmul.f32 v60, v5  }
0x10d: {  	[tilespmem:s11+$0x1FC0] =	vst v3  }
0x10e: {  	s12 =	simm.s32 $0x1;
	v3 =	vmul.f32 v4, v35;
	[tilespmem:s11+$0x1FE0] =	vst v5  }
.LBB2_5:
0x10f: {  	s15 =	sshll.u32 s12, $0x4  }
0x110: {  	p1 =	sne.s32 s12, $0x7;
	[tilespmem:s11+$0x1E20] =	vst v3;
	s11 =	smov.u32 s12;
	s12 =	sadd.s32 $0x1, s12  }
0x111: {  	s15 =	sand.u32 $0x3FFFFFF0, s15  }
0x112: {  	v2 =	vld.idx.msk [tilespmem:v1+s15+$0x0 ss:$0x1], $0xffff  }
0x113: {  	s11 =	sshll.u32 s11, $0xB  }
0x114: {  	s11 =	sand.u32 $0x3FFFF800, s11  }
0x115: {  	v9 =	vld [tilespmem:s11+$0x18C0]  }
0x116: {  	v10 =	vld [tilespmem:s11+$0x18D0]  }
0x117: {  	v11 =	vld [tilespmem:s11+$0x18B0]  }
0x118: {  	v3 =	vbroadcast v2, $0x0;
	v8 =	vbroadcast v2, $0x4;
	v4 =	vld [tilespmem:s11+$0x1820]  }
0x119: {  	v6 =	vld [tilespmem:s11+$0x1830]  }
0x11a: {  	v7 =	vld [tilespmem:s11+$0x1D70]  }
0x11b: {  	v12 =	vld [tilespmem:s11+$0x1860]  }
0x11c: {  	v13 =	vld [tilespmem:s11+$0x1870]  }
0x11d: {  	v5 =	vbroadcast v2, $0xA;
	v4 =	vmul.f32 v4, v3;
	v14 =	vld [tilespmem:s11+$0x1880]  }
0x11e: {  	v6 =	vmul.f32 v6, v3;
	v15 =	vld [tilespmem:s11+$0x1890]  }
0x11f: {  	[tilespmem:s11+$0x1820] =	vst v4;
	v16 =	vld [tilespmem:s11+$0x18A0];
	v4 =	vmul.f32 v7, v5  }
0x120: {  	[tilespmem:s11+$0x1830] =	vst v6;
	v7 =	vmul.f32 v12, v3;
	v12 =	vbroadcast v2, $0x1;
	v6 =	vld [tilespmem:s11+$0x1D80]  }
0x121: {  	v13 =	vmul.f32 v13, v3;
	[tilespmem:s11+$0x1D70] =	vst v4;
	v4 =	vld [tilespmem:s11+$0x1FD0]  }
0x122: {  	[tilespmem:s11+$0x1860] =	vst v7;
	v14 =	vmul.f32 v14, v12;
	v7 =	vld [tilespmem:s11+$0x1D90]  }
0x123: {  	[tilespmem:s11+$0x1870] =	vst v13;
	v13 =	vmul.f32 v15, v12;
	v15 =	vld [tilespmem:s11+$0x18E0]  }
0x124: {  	[tilespmem:s11+$0x1880] =	vst v14;
	v14 =	vmul.f32 v16, v12;
	v16 =	vld [tilespmem:s11+$0x18F0]  }
0x125: {  	v11 =	vmul.f32 v11, v12;
	[tilespmem:s11+$0x1890] =	vst v13;
	v13 =	vld [tilespmem:s11+$0x1900]  }
0x126: {  	v9 =	vmul.f32 v9, v12;
	[tilespmem:s11+$0x18A0] =	vst v14;
	v14 =	vld [tilespmem:s11+$0x1910]  }
0x127: {  	v10 =	vmul.f32 v10, v12;
	[tilespmem:s11+$0x18B0] =	vst v11;
	v11 =	vld [tilespmem:s11+$0x1920]  }
0x128: {  	[tilespmem:s11+$0x18C0] =	vst v9;
	v9 =	vmul.f32 v15, v12;
	v15 =	vbroadcast v2, $0x2;
	v17 =	vld [tilespmem:s11+$0x1930]  }
0x129: {  	[tilespmem:s11+$0x18D0] =	vst v10;
	v10 =	vmul.f32 v16, v12;
	v12 =	vld [tilespmem:s11+$0x1940]  }
0x12a: {  	[tilespmem:s11+$0x18E0] =	vst v9;
	v9 =	vmul.f32 v13, v15;
	v13 =	vld [tilespmem:s11+$0x1950]  }
0x12b: {  	[tilespmem:s11+$0x18F0] =	vst v10;
	v10 =	vmul.f32 v14, v15;
	v14 =	vld [tilespmem:s11+$0x1960]  }
0x12c: {  	[tilespmem:s11+$0x1900] =	vst v9;
	v9 =	vmul.f32 v11, v15;
	v11 =	vld [tilespmem:s11+$0x1970]  }
0x12d: {  	[tilespmem:s11+$0x1910] =	vst v10;
	v10 =	vmul.f32 v17, v15;
	v16 =	vld [tilespmem:s11+$0x1980]  }
0x12e: {  	[tilespmem:s11+$0x1920] =	vst v9;
	v9 =	vmul.f32 v12, v15;
	v12 =	vld [tilespmem:s11+$0x1990]  }
0x12f: {  	[tilespmem:s11+$0x1930] =	vst v10;
	v10 =	vmul.f32 v13, v15;
	v13 =	vld [tilespmem:s11+$0x19A0]  }
0x130: {  	[tilespmem:s11+$0x1940] =	vst v9;
	v9 =	vmul.f32 v14, v15;
	v14 =	vbroadcast v2, $0x3;
	v17 =	vld [tilespmem:s11+$0x19B0]  }
0x131: {  	[tilespmem:s11+$0x1950] =	vst v10;
	v10 =	vmul.f32 v11, v15;
	v11 =	vld [tilespmem:s11+$0x19C0]  }
0x132: {  	[tilespmem:s11+$0x1960] =	vst v9;
	v9 =	vmul.f32 v16, v14;
	v15 =	vld [tilespmem:s11+$0x19D0]  }
0x133: {  	[tilespmem:s11+$0x1970] =	vst v10;
	v10 =	vmul.f32 v12, v14;
	v12 =	vld [tilespmem:s11+$0x19E0]  }
0x134: {  	[tilespmem:s11+$0x1980] =	vst v9;
	v9 =	vmul.f32 v13, v14;
	v13 =	vld [tilespmem:s11+$0x19F0]  }
0x135: {  	[tilespmem:s11+$0x1990] =	vst v10;
	v10 =	vmul.f32 v17, v14;
	v16 =	vld [tilespmem:s11+$0x1A00]  }
0x136: {  	[tilespmem:s11+$0x19A0] =	vst v9;
	v9 =	vmul.f32 v11, v14;
	v11 =	vld [tilespmem:s11+$0x1A10]  }
0x137: {  	[tilespmem:s11+$0x19B0] =	vst v10;
	v10 =	vmul.f32 v15, v14;
	v15 =	vld [tilespmem:s11+$0x1A20]  }
0x138: {  	[tilespmem:s11+$0x19C0] =	vst v9;
	v9 =	vmul.f32 v12, v14;
	v12 =	vld [tilespmem:s11+$0x1A30]  }
0x139: {  	[tilespmem:s11+$0x19D0] =	vst v10;
	v10 =	vmul.f32 v13, v14;
	v13 =	vld [tilespmem:s11+$0x1A40]  }
0x13a: {  	[tilespmem:s11+$0x19E0] =	vst v9;
	v9 =	vmul.f32 v16, v8;
	v14 =	vld [tilespmem:s11+$0x1A50]  }
0x13b: {  	[tilespmem:s11+$0x19F0] =	vst v10;
	v10 =	vmul.f32 v11, v8;
	v11 =	vld [tilespmem:s11+$0x1A60]  }
0x13c: {  	[tilespmem:s11+$0x1A00] =	vst v9;
	v9 =	vmul.f32 v15, v8;
	v15 =	vld [tilespmem:s11+$0x1A70]  }
0x13d: {  	[tilespmem:s11+$0x1A10] =	vst v10;
	v10 =	vmul.f32 v12, v8;
	v12 =	vld [tilespmem:s11+$0x1A80]  }
0x13e: {  	[tilespmem:s11+$0x1A20] =	vst v9;
	v9 =	vmul.f32 v13, v8;
	v13 =	vld [tilespmem:s11+$0x1A90]  }
0x13f: {  	[tilespmem:s11+$0x1A30] =	vst v10;
	v10 =	vmul.f32 v14, v8;
	v14 =	vld [tilespmem:s11+$0x1AA0]  }
0x140: {  	[tilespmem:s11+$0x1A40] =	vst v9;
	v9 =	vmul.f32 v11, v8;
	v11 =	vbroadcast v2, $0x5;
	v16 =	vld [tilespmem:s11+$0x1AB0]  }
0x141: {  	[tilespmem:s11+$0x1A50] =	vst v10;
	v8 =	vmul.f32 v15, v8;
	v10 =	vld [tilespmem:s11+$0x1AC0]  }
0x142: {  	[tilespmem:s11+$0x1A60] =	vst v9;
	v9 =	vmul.f32 v12, v11;
	v12 =	vld [tilespmem:s11+$0x1AD0]  }
0x143: {  	[tilespmem:s11+$0x1A70] =	vst v8;
	v8 =	vmul.f32 v13, v11;
	v13 =	vld [tilespmem:s11+$0x1AE0]  }
0x144: {  	[tilespmem:s11+$0x1A80] =	vst v9;
	v9 =	vmul.f32 v14, v11;
	v14 =	vld [tilespmem:s11+$0x1AF0]  }
0x145: {  	[tilespmem:s11+$0x1A90] =	vst v8;
	v8 =	vmul.f32 v16, v11;
	v15 =	vld [tilespmem:s11+$0x1B00]  }
0x146: {  	[tilespmem:s11+$0x1AA0] =	vst v9;
	v9 =	vmul.f32 v10, v11;
	v10 =	vld [tilespmem:s11+$0x1B10]  }
0x147: {  	[tilespmem:s11+$0x1AB0] =	vst v8;
	v8 =	vmul.f32 v12, v11;
	v12 =	vld [tilespmem:s11+$0x1B20]  }
0x148: {  	[tilespmem:s11+$0x1AC0] =	vst v9;
	v9 =	vmul.f32 v13, v11;
	v13 =	vbroadcast v2, $0x6;
	v16 =	vld [tilespmem:s11+$0x1B30]  }
0x149: {  	[tilespmem:s11+$0x1AD0] =	vst v8;
	v8 =	vmul.f32 v14, v11;
	v11 =	vld [tilespmem:s11+$0x1B40]  }
0x14a: {  	[tilespmem:s11+$0x1AE0] =	vst v9;
	v9 =	vmul.f32 v15, v13;
	v14 =	vld [tilespmem:s11+$0x1B50]  }
0x14b: {  	[tilespmem:s11+$0x1AF0] =	vst v8;
	v8 =	vmul.f32 v10, v13;
	v10 =	vld [tilespmem:s11+$0x1B60]  }
0x14c: {  	[tilespmem:s11+$0x1B00] =	vst v9;
	v9 =	vmul.f32 v12, v13;
	v12 =	vld [tilespmem:s11+$0x1B70]  }
0x14d: {  	[tilespmem:s11+$0x1B10] =	vst v8;
	v8 =	vmul.f32 v16, v13;
	v15 =	vld [tilespmem:s11+$0x1B80]  }
0x14e: {  	[tilespmem:s11+$0x1B20] =	vst v9;
	v9 =	vmul.f32 v11, v13;
	v11 =	vld [tilespmem:s11+$0x1B90]  }
0x14f: {  	[tilespmem:s11+$0x1B30] =	vst v8;
	v8 =	vmul.f32 v14, v13;
	v14 =	vld [tilespmem:s11+$0x1BA0]  }
0x150: {  	[tilespmem:s11+$0x1B40] =	vst v9;
	v9 =	vmul.f32 v10, v13;
	v10 =	vbroadcast v2, $0x7;
	v16 =	vld [tilespmem:s11+$0x1BB0]  }
0x151: {  	[tilespmem:s11+$0x1B50] =	vst v8;
	v8 =	vmul.f32 v12, v13;
	v12 =	vld [tilespmem:s11+$0x1BC0]  }
0x152: {  	[tilespmem:s11+$0x1B60] =	vst v9;
	v9 =	vmul.f32 v15, v10;
	v13 =	vld [tilespmem:s11+$0x1BD0]  }
0x153: {  	[tilespmem:s11+$0x1B70] =	vst v8;
	v8 =	vmul.f32 v11, v10;
	v11 =	vld [tilespmem:s11+$0x1BE0]  }
0x154: {  	[tilespmem:s11+$0x1B80] =	vst v9;
	v9 =	vmul.f32 v14, v10;
	v14 =	vld [tilespmem:s11+$0x1BF0]  }
0x155: {  	[tilespmem:s11+$0x1B90] =	vst v8;
	v8 =	vmul.f32 v16, v10;
	v15 =	vld [tilespmem:s11+$0x1C00]  }
0x156: {  	[tilespmem:s11+$0x1BA0] =	vst v9;
	v9 =	vmul.f32 v12, v10;
	v12 =	vld [tilespmem:s11+$0x1C10]  }
0x157: {  	[tilespmem:s11+$0x1BB0] =	vst v8;
	v8 =	vmul.f32 v13, v10;
	v13 =	vld [tilespmem:s11+$0x1C20]  }
0x158: {  	[tilespmem:s11+$0x1BC0] =	vst v9;
	v9 =	vmul.f32 v11, v10;
	v11 =	vbroadcast v2, $0x8;
	v16 =	vld [tilespmem:s11+$0x1C30]  }
0x159: {  	[tilespmem:s11+$0x1BD0] =	vst v8;
	v8 =	vmul.f32 v14, v10;
	v10 =	vld [tilespmem:s11+$0x1C40]  }
0x15a: {  	[tilespmem:s11+$0x1BE0] =	vst v9;
	v9 =	vmul.f32 v15, v11;
	v14 =	vld [tilespmem:s11+$0x1C50]  }
0x15b: {  	[tilespmem:s11+$0x1BF0] =	vst v8;
	v8 =	vmul.f32 v12, v11;
	v12 =	vld [tilespmem:s11+$0x1C60]  }
0x15c: {  	[tilespmem:s11+$0x1C00] =	vst v9;
	v9 =	vmul.f32 v13, v11;
	v13 =	vld [tilespmem:s11+$0x1C70]  }
0x15d: {  	[tilespmem:s11+$0x1C10] =	vst v8;
	v8 =	vmul.f32 v16, v11;
	v15 =	vld [tilespmem:s11+$0x1C80]  }
0x15e: {  	[tilespmem:s11+$0x1C20] =	vst v9;
	v9 =	vmul.f32 v10, v11;
	v10 =	vld [tilespmem:s11+$0x1C90]  }
0x15f: {  	[tilespmem:s11+$0x1C30] =	vst v8;
	v8 =	vmul.f32 v14, v11;
	v14 =	vld [tilespmem:s11+$0x1CA0]  }
0x160: {  	[tilespmem:s11+$0x1C40] =	vst v9;
	v9 =	vmul.f32 v12, v11;
	v12 =	vbroadcast v2, $0x9;
	v16 =	vld [tilespmem:s11+$0x1CB0]  }
0x161: {  	[tilespmem:s11+$0x1C50] =	vst v8;
	v8 =	vmul.f32 v13, v11;
	v11 =	vld [tilespmem:s11+$0x1CC0]  }
0x162: {  	[tilespmem:s11+$0x1C60] =	vst v9;
	v9 =	vmul.f32 v15, v12;
	v13 =	vld [tilespmem:s11+$0x1CD0]  }
0x163: {  	[tilespmem:s11+$0x1C70] =	vst v8;
	v8 =	vmul.f32 v10, v12;
	v10 =	vld [tilespmem:s11+$0x1CE0]  }
0x164: {  	[tilespmem:s11+$0x1C80] =	vst v9;
	v9 =	vmul.f32 v14, v12;
	v14 =	vld [tilespmem:s11+$0x1CF0]  }
0x165: {  	[tilespmem:s11+$0x1C90] =	vst v8;
	v8 =	vmul.f32 v16, v12;
	v15 =	vld [tilespmem:s11+$0x1D00]  }
0x166: {  	[tilespmem:s11+$0x1CA0] =	vst v9;
	v9 =	vmul.f32 v11, v12;
	v11 =	vld [tilespmem:s11+$0x1D10]  }
0x167: {  	[tilespmem:s11+$0x1CB0] =	vst v8;
	v8 =	vmul.f32 v13, v12;
	v13 =	vld [tilespmem:s11+$0x1D20]  }
0x168: {  	[tilespmem:s11+$0x1CC0] =	vst v9;
	v9 =	vmul.f32 v10, v12;
	v10 =	vld [tilespmem:s11+$0x1D30]  }
0x169: {  	[tilespmem:s11+$0x1CD0] =	vst v8;
	v8 =	vmul.f32 v14, v12;
	v12 =	vld [tilespmem:s11+$0x1D40]  }
0x16a: {  	[tilespmem:s11+$0x1CE0] =	vst v9;
	v9 =	vmul.f32 v15, v5;
	v14 =	vld [tilespmem:s11+$0x1D50]  }
0x16b: {  	[tilespmem:s11+$0x1CF0] =	vst v8;
	v8 =	vmul.f32 v11, v5;
	v11 =	vld [tilespmem:s11+$0x1D60]  }
0x16c: {  	v15 =	vld [tilespmem:s11+$0x1800];
	[tilespmem:s11+$0x1D00] =	vst v9;
	v9 =	vmul.f32 v13, v5  }
0x16d: {  	v13 =	vld [tilespmem:s11+$0x1810];
	[tilespmem:s11+$0x1D10] =	vst v8;
	v8 =	vmul.f32 v10, v5  }
0x16e: {  	v10 =	vld [tilespmem:s11+$0x1840];
	[tilespmem:s11+$0x1D20] =	vst v9;
	v9 =	vmul.f32 v12, v5  }
0x16f: {  	v12 =	vld [tilespmem:s11+$0x1850];
	[tilespmem:s11+$0x1D30] =	vst v8;
	v8 =	vmul.f32 v14, v5  }
0x170: {  	[tilespmem:s11+$0x1D40] =	vst v9;
	v9 =	vmul.f32 v11, v5;
	v11 =	vbroadcast v2, $0xB;
	v14 =	vld [tilespmem:s11+$0x1DA0]  }
0x171: {  	v5 =	vbroadcast v2, $0xF;
	v15 =	vmul.f32 v3, v15;
	[tilespmem:s11+$0x1D50] =	vst v8;
	v8 =	vld [tilespmem:s11+$0x1DB0]  }
0x172: {  	v13 =	vmul.f32 v13, v3;
	[tilespmem:s11+$0x1D60] =	vst v9;
	v6 =	vmul.f32 v6, v11;
	v9 =	vld [tilespmem:s11+$0x1DC0]  }
0x173: {  	v7 =	vmul.f32 v7, v11;
	[tilespmem:s11+$0x1800] =	vst v15;
	v10 =	vmul.f32 v10, v3;
	v15 =	vld [tilespmem:s11+$0x1DD0]  }
0x174: {  	v4 =	vmul.f32 v4, v5;
	v12 =	vmul.f32 v12, v3;
	[tilespmem:s11+$0x1D80] =	vst v6;
	v3 =	vld [tilespmem:s11+$0x1DE0]  }
0x175: {  	[tilespmem:s11+$0x1D90] =	vst v7;
	v6 =	vmul.f32 v14, v11;
	v7 =	vld [tilespmem:s11+$0x1DF0]  }
0x176: {  	v8 =	vmul.f32 v8, v11;
	v14 =	vld [tilespmem:s11+$0x1E00];
	[tilespmem:s11+$0x1FD0] =	vst v4  }
0x177: {  	[tilespmem:s11+$0x1810] =	vst v13;
	v4 =	vmul.f32 v9, v11;
	v9 =	vld [tilespmem:s11+$0x1E10]  }
0x178: {  	[tilespmem:s11+$0x1840] =	vst v10;
	v10 =	vmul.f32 v15, v11;
	v13 =	vld [tilespmem:s11+$0x1E20]  }
0x179: {  	v15 =	vbroadcast v2, $0xC;
	[tilespmem:s11+$0x1DA0] =	vst v6;
	v6 =	vmul.f32 v3, v11;
	v16 =	vld [tilespmem:s11+$0x1E30]  }
0x17a: {  	[tilespmem:s11+$0x1DD0] =	vst v10;
	v7 =	vmul.f32 v7, v11;
	v10 =	vld [tilespmem:s11+$0x1E40]  }
0x17b: {  	[tilespmem:s11+$0x1DB0] =	vst v8;
	v3 =	vmul.f32 v14, v15;
	v8 =	vld [tilespmem:s11+$0x1E50]  }
0x17c: {  	[tilespmem:s11+$0x1DC0] =	vst v4;
	v4 =	vmul.f32 v9, v15;
	v9 =	vld [tilespmem:s11+$0x1E60]  }
0x17d: {  	[tilespmem:s11+$0x1E00] =	vst v3;
	v3 =	vmul.f32 v13, v15;
	v11 =	vld [tilespmem:s11+$0x1E70]  }
0x17e: {  	[tilespmem:s11+$0x1E10] =	vst v4;
	v4 =	vld [tilespmem:s11+$0x1E80]  }
0x17f: {  	[tilespmem:s11+$0x1850] =	vst v12;
	v10 =	vmul.f32 v10, v15;
	v12 =	vld [tilespmem:s11+$0x1E90]  }
0x180: {  	[tilespmem:s11+$0x1DE0] =	vst v6;
	v6 =	vmul.f32 v8, v15;
	v8 =	vld [tilespmem:s11+$0x1EA0]  }
0x181: {  	[tilespmem:s11+$0x1E40] =	vst v10;
	v9 =	vmul.f32 v9, v15;
	v10 =	vbroadcast v2, $0xD;
	v13 =	vld [tilespmem:s11+$0x1EB0]  }
0x182: {  	[tilespmem:s11+$0x1E50] =	vst v6;
	v6 =	vmul.f32 v11, v15;
	v11 =	vld [tilespmem:s11+$0x1EC0]  }
0x183: {  	[tilespmem:s11+$0x1E60] =	vst v9;
	v4 =	vmul.f32 v4, v10;
	v9 =	vld [tilespmem:s11+$0x1ED0]  }
0x184: {  	[tilespmem:s11+$0x1E70] =	vst v6;
	v6 =	vmul.f32 v12, v10;
	v12 =	vld [tilespmem:s11+$0x1EE0]  }
0x185: {  	[tilespmem:s11+$0x1E80] =	vst v4;
	v4 =	vmul.f32 v8, v10;
	v8 =	vld [tilespmem:s11+$0x1EF0]  }
0x186: {  	[tilespmem:s11+$0x1E90] =	vst v6;
	v6 =	vmul.f32 v13, v10;
	v13 =	vld [tilespmem:s11+$0x1F00]  }
0x187: {  	[tilespmem:s11+$0x1EA0] =	vst v4;
	v4 =	vmul.f32 v11, v10;
	v11 =	vld [tilespmem:s11+$0x1F10]  }
0x188: {  	[tilespmem:s11+$0x1EB0] =	vst v6;
	v6 =	vmul.f32 v9, v10;
	v9 =	vld [tilespmem:s11+$0x1F20]  }
0x189: {  	v2 =	vbroadcast v2, $0xE;
	[tilespmem:s11+$0x1DF0] =	vst v7;
	v7 =	vmul.f32 v12, v10;
	v12 =	vld [tilespmem:s11+$0x1F30]  }
0x18a: {  	[tilespmem:s11+$0x1ED0] =	vst v6;
	v6 =	vmul.f32 v8, v10;
	v8 =	vld [tilespmem:s11+$0x1F40]  }
0x18b: {  	[tilespmem:s11+$0x1EE0] =	vst v7;
	v7 =	vmul.f32 v13, v2;
	v10 =	vld [tilespmem:s11+$0x1F50]  }
0x18c: {  	[tilespmem:s11+$0x1EF0] =	vst v6;
	v6 =	vmul.f32 v11, v2;
	v11 =	vld [tilespmem:s11+$0x1F60]  }
0x18d: {  	[tilespmem:s11+$0x1F00] =	vst v7;
	v7 =	vmul.f32 v9, v2;
	v9 =	vld [tilespmem:s11+$0x1F70]  }
0x18e: {  	[tilespmem:s11+$0x1F10] =	vst v6;
	v6 =	vmul.f32 v12, v2;
	v12 =	vld [tilespmem:s11+$0x1F80]  }
0x18f: {  	[tilespmem:s11+$0x1F20] =	vst v7;
	v7 =	vmul.f32 v8, v2;
	v8 =	vld [tilespmem:s11+$0x1F90]  }
0x190: {  	[tilespmem:s11+$0x1F30] =	vst v6;
	v6 =	vmul.f32 v10, v2;
	v10 =	vld [tilespmem:s11+$0x1FA0]  }
0x191: {  	[tilespmem:s11+$0x1F40] =	vst v7;
	v7 =	vmul.f32 v11, v2;
	v11 =	vld [tilespmem:s11+$0x1FB0]  }
0x192: {  	[tilespmem:s11+$0x1EC0] =	vst v4;
	v2 =	vmul.f32 v9, v2;
	v4 =	vld [tilespmem:s11+$0x1FC0]  }
0x193: {  	[tilespmem:s11+$0x1F60] =	vst v7;
	v7 =	vmul.f32 v12, v5;
	v9 =	vld [tilespmem:s11+$0x1FE0]  }
0x194: {  	[tilespmem:s11+$0x1F70] =	vst v2;
	v2 =	vmul.f32 v8, v5;
	v8 =	vld [tilespmem:s11+$0x1FF0]  }
0x195: {  	[tilespmem:s11+$0x1F80] =	vst v7;
	v7 =	vmul.f32 v10, v5  }
0x196: {  	[tilespmem:s11+$0x1F90] =	vst v2;
	v2 =	vmul.f32 v11, v5  }
0x197: {  	v10 =	vmul.f32 v16, v15;
	[tilespmem:s11+$0x1FA0] =	vst v7  }
0x198: {  	[tilespmem:s11+$0x1FB0] =	vst v2;
	v2 =	vmul.f32 v4, v5  }
.Ltmp1:
0x199: {  	[tilespmem:s11+$0x1E30] =	vst v10;
	v4 =	vmul.f32 v8, v5;
	(pc) =	sbr.rel @p1 .LBB2_5-.Ltmp1, $4  }
0x19a: {  	[tilespmem:s11+$0x1FC0] =	vst v2  }
0x19b: {  	v2 =	vmul.f32 v9, v5;
	[tilespmem:s11+$0x1FF0] =	vst v4  }
0x19c: {  	[tilespmem:s11+$0x1F50] =	vst v6  }
0x19d: {  	[tilespmem:s11+$0x1FE0] =	vst v2  }
0x19e: {  	s12 =	sshrl.u32 s26, $0x2  }
0x19f: {  	s15 =	sshrl.u32 s29, $0x2;
	[tilespmem:s11+$0x1E20] =	vst v3;
	s11 =	sadd.s32 $0x2, s25;
	p1 =	seq.s32 s4, $0x4F  }
0x1a0: {  	s16 =	sadd.s32 s15, s12;
	s12 =	simm.s32 @!p1 $0x3;
	s15 =	sand.u32 @!p1 $0x6, s11  }
0x1a1: {  	[spmem:s3] =	stream.indirect.scatter.add.f32 [tilespmem:s31], [sflag:$0x3], $0x80, s16, s7, $0xb8;
	[tilespmem:$0x1D080] =	vst v63  }
0x1a2: {  	p2 =	sne.s32 @!p1 s15, $0x0;
	_ =	swait.ge @!p1 [sflag:s12], $0x4000  }
0x1a3: {  	p2 =	por p2, p1;
	[sflag:s12] =	ssyncset.done @!p1 $0x0  }
0x1a4: {  	[sflag:s12] =	ssyncadd.s32 @!p1 $0xFFFFC000;
	s12 =	simm.s32 @!p2 $0x5  }
0x1a5: {  	_ =	swait.ge @!p2 [sflag:s12], $0x400  }
0x1a6: {  	s18 =	sshll.u32 s24, $0x9;
	[sflag:s12] =	ssyncset.done @!p2 $0x0  }
0x1a7: {  	s25 =	sand.u32 $0xE00, s18;
	[sflag:s12] =	ssyncadd.s32 @!p2 $0xFFFFFC00  }
0x1a8: {  	s11 =	sshll.u32 @!p1 s11, $0x7;
	s16 =	sshll.u32 s4, $0xA;
	_ =	swait.ge @!p2 [sflag:s12], $0x400  }
0x1a9: {  	s11 =	sand.u32 @!p1 $0x400, s11;
	s24 =	sand.u32 $0x1000, s16;
	[sflag:s12] =	ssyncset.done @!p2 $0x0  }
0x1aa: {  	s15 =	sshll.u32 @!p1 s15, $0x7;
	s16 =	sor.u32 s25, s24;
	[sflag:s12] =	ssyncadd.s32 @!p2 $0xFFFFFC00  }
0x1ab: {  	s11 =	sor.u32 @!p1 s15, s11;
	s16 =	sshrl.u32 s16, $0x2;
	_ =	swait.ge @!p2 [sflag:s12], $0x400  }
0x1ac: {  	s15 =	simm.s32 @!p1 $0x80;
	s18 =	sor.u32 $0x1000, s16;
	[sflag:s12] =	ssyncset.done @!p2 $0x0  }
0x1ad: {  	s11 =	sor.u32 @!p1 $0x800, s11;
	v1 =	vmov s18;
	[sflag:s12] =	ssyncadd.s32 @!p2 $0xFFFFFC00;
	s12 =	simm.s32 @!p1 $0x1800  }
0x1ae: {  	[tilespmem:s12], [sflag:$0x1] =	stream.indirect.gather @!p1 [hbm4b:s28+s15], $0x80, s11, s15, $0xb8;
	[tilespmem:$0x1D080] =	vst v63  }
0x1af: {  	_ =	swait.ge [sflag:s10], $0x4000  }
0x1b0: {  	s26 =	simm.s32 $0x0;
	[sflag:s10] =	ssyncset.done $0x0  }
0x1b1: {  	s29 =	simm.s32 $0x0;
	s11 =	sand.u32 $0x3FFFFFF0, s26;
	[sflag:s10] =	ssyncadd.s32 $0xFFFFC000  }
0x1b2: {  	v2 =	vld.idx.msk [tilespmem:v1+s11+$0x0 ss:$0x1], $0xffff;
	s11 =	sand.u32 $0x3FFFF800, s29  }
0x1b3: {  	v8 =	vld [tilespmem:s11+$0x58C0]  }
0x1b4: {  	v4 =	vld [tilespmem:s11+$0x5820]  }
0x1b5: {  	v5 =	vld [tilespmem:s11+$0x5830]  }
0x1b6: {  	v11 =	vld [tilespmem:s11+$0x5860]  }
0x1b7: {  	v12 =	vld [tilespmem:s11+$0x5870];
	v3 =	vbroadcast v2, $0x0  }
0x1b8: {  	v13 =	vld [tilespmem:s11+$0x5880]  }
0x1b9: {  	v14 =	vld [tilespmem:s11+$0x5890];
	v4 =	vmul.f32 v4, v3  }
0x1ba: {  	v15 =	vld [tilespmem:s11+$0x58A0];
	v5 =	vmul.f32 v5, v3  }
0x1bb: {  	v10 =	vld [tilespmem:s11+$0x58B0];
	v21 =	vbroadcast v2, $0x1;
	v20 =	vmul.f32 v11, v3;
	[tilespmem:s11+$0x5820] =	vst v4  }
0x1bc: {  	v9 =	vld [tilespmem:s11+$0x58D0];
	v12 =	vmul.f32 v12, v3;
	[tilespmem:s11+$0x5830] =	vst v5  }
0x1bd: {  	v7 =	vld [tilespmem:s11+$0x5D70];
	v13 =	vmul.f32 v13, v21;
	[tilespmem:s11+$0x5860] =	vst v20  }
0x1be: {  	v23 =	vld [tilespmem:s11+$0x58F0];
	v14 =	vmul.f32 v14, v21;
	[tilespmem:s11+$0x5870] =	vst v12  }
0x1bf: {  	v24 =	vld [tilespmem:s11+$0x5900];
	v15 =	vmul.f32 v15, v21;
	[tilespmem:s11+$0x5880] =	vst v13  }
0x1c0: {  	v25 =	vld [tilespmem:s11+$0x5910];
	v10 =	vmul.f32 v10, v21;
	[tilespmem:s11+$0x5890] =	vst v14  }
0x1c1: {  	v22 =	vld [tilespmem:s11+$0x58E0];
	v8 =	vmul.f32 v8, v21;
	[tilespmem:s11+$0x58A0] =	vst v15  }
0x1c2: {  	v26 =	vld [tilespmem:s11+$0x5920];
	v16 =	vbroadcast v2, $0x2;
	v9 =	vmul.f32 v9, v21;
	[tilespmem:s11+$0x58B0] =	vst v10  }
0x1c3: {  	v27 =	vld [tilespmem:s11+$0x5930];
	v11 =	vmul.f32 v23, v21;
	[tilespmem:s11+$0x58C0] =	vst v8  }
0x1c4: {  	v28 =	vld [tilespmem:s11+$0x5940];
	v6 =	vbroadcast v2, $0xA;
	v30 =	vmul.f32 v24, v16;
	[tilespmem:s11+$0x58D0] =	vst v9  }
0x1c5: {  	v29 =	vld [tilespmem:s11+$0x5950];
	v32 =	vmul.f32 v25, v16;
	[tilespmem:s11+$0x58F0] =	vst v11  }
0x1c6: {  	v31 =	vld [tilespmem:s11+$0x5960];
	v4 =	vmul.f32 v7, v6;
	[tilespmem:s11+$0x5900] =	vst v30  }
0x1c7: {  	v33 =	vld [tilespmem:s11+$0x5970];
	v12 =	vmul.f32 v22, v21;
	[tilespmem:s11+$0x5910] =	vst v32  }
0x1c8: {  	v34 =	vld [tilespmem:s11+$0x5980];
	v10 =	vmul.f32 v26, v16;
	[tilespmem:s11+$0x5D70] =	vst v4  }
0x1c9: {  	v35 =	vld [tilespmem:s11+$0x5990];
	v8 =	vmul.f32 v27, v16;
	[tilespmem:s11+$0x58E0] =	vst v12  }
0x1ca: {  	v36 =	vld [tilespmem:s11+$0x59A0];
	v9 =	vmul.f32 v28, v16;
	[tilespmem:s11+$0x5920] =	vst v10  }
0x1cb: {  	v37 =	vld [tilespmem:s11+$0x59B0];
	v39 =	vbroadcast v2, $0x3;
	v11 =	vmul.f32 v31, v16;
	[tilespmem:s11+$0x5930] =	vst v8  }
0x1cc: {  	v38 =	vld [tilespmem:s11+$0x59C0];
	v13 =	vmul.f32 v33, v16;
	[tilespmem:s11+$0x5940] =	vst v9  }
0x1cd: {  	v40 =	vld [tilespmem:s11+$0x59D0];
	v14 =	vmul.f32 v34, v39;
	[tilespmem:s11+$0x5960] =	vst v11  }
0x1ce: {  	v41 =	vld [tilespmem:s11+$0x59E0];
	v12 =	vmul.f32 v29, v16;
	[tilespmem:s11+$0x5970] =	vst v13  }
0x1cf: {  	v42 =	vld [tilespmem:s11+$0x59F0];
	v10 =	vmul.f32 v35, v39;
	[tilespmem:s11+$0x5980] =	vst v14  }
0x1d0: {  	v43 =	vld [tilespmem:s11+$0x5A00];
	v8 =	vmul.f32 v36, v39;
	[tilespmem:s11+$0x5950] =	vst v12  }
0x1d1: {  	v44 =	vld [tilespmem:s11+$0x5A10];
	v9 =	vmul.f32 v37, v39;
	[tilespmem:s11+$0x5990] =	vst v10  }
0x1d2: {  	v45 =	vld [tilespmem:s11+$0x5A20];
	v11 =	vmul.f32 v40, v39;
	[tilespmem:s11+$0x59A0] =	vst v8  }
0x1d3: {  	v46 =	vld [tilespmem:s11+$0x5A30];
	v13 =	vmul.f32 v41, v39;
	[tilespmem:s11+$0x59B0] =	vst v9  }
0x1d4: {  	v47 =	vld [tilespmem:s11+$0x5A40];
	v48 =	vbroadcast v2, $0x4;
	v14 =	vmul.f32 v42, v39;
	[tilespmem:s11+$0x59D0] =	vst v11  }
0x1d5: {  	v49 =	vld [tilespmem:s11+$0x5A50];
	v12 =	vmul.f32 v38, v39;
	[tilespmem:s11+$0x59E0] =	vst v13  }
0x1d6: {  	v50 =	vld [tilespmem:s11+$0x5A60];
	v10 =	vmul.f32 v43, v48;
	[tilespmem:s11+$0x59F0] =	vst v14  }
0x1d7: {  	v51 =	vld [tilespmem:s11+$0x5A70];
	v8 =	vmul.f32 v44, v48;
	[tilespmem:s11+$0x59C0] =	vst v12  }
0x1d8: {  	v52 =	vld [tilespmem:s11+$0x5A80];
	v9 =	vmul.f32 v45, v48;
	[tilespmem:s11+$0x5A00] =	vst v10  }
0x1d9: {  	v53 =	vld [tilespmem:s11+$0x5A90];
	v11 =	vmul.f32 v47, v48;
	[tilespmem:s11+$0x5A10] =	vst v8  }
0x1da: {  	v54 =	vld [tilespmem:s11+$0x5AA0];
	v13 =	vmul.f32 v49, v48;
	[tilespmem:s11+$0x5A20] =	vst v9  }
0x1db: {  	v55 =	vld [tilespmem:s11+$0x5AB0];
	v14 =	vmul.f32 v50, v48;
	[tilespmem:s11+$0x5A40] =	vst v11  }
0x1dc: {  	v56 =	vld [tilespmem:s11+$0x5AC0];
	v57 =	vbroadcast v2, $0x5;
	v12 =	vmul.f32 v46, v48;
	[tilespmem:s11+$0x5A50] =	vst v13  }
0x1dd: {  	v58 =	vld [tilespmem:s11+$0x5AD0];
	v10 =	vmul.f32 v51, v48;
	[tilespmem:s11+$0x5A60] =	vst v14  }
0x1de: {  	v59 =	vld [tilespmem:s11+$0x5AE0];
	v8 =	vmul.f32 v52, v57;
	[tilespmem:s11+$0x5A30] =	vst v12  }
0x1df: {  	v60 =	vld [tilespmem:s11+$0x5AF0];
	v9 =	vmul.f32 v53, v57;
	[tilespmem:s11+$0x5A70] =	vst v10  }
0x1e0: {  	v61 =	vld [tilespmem:s11+$0x5B00];
	v11 =	vmul.f32 v55, v57;
	[tilespmem:s11+$0x5A80] =	vst v8  }
0x1e1: {  	v62 =	vld [tilespmem:s11+$0x5B10];
	v13 =	vmul.f32 v56, v57;
	[tilespmem:s11+$0x5A90] =	vst v9  }
0x1e2: {  	v63 =	vld [tilespmem:s11+$0x5B20];
	v14 =	vmul.f32 v58, v57;
	[tilespmem:s11+$0x5AB0] =	vst v11  }
0x1e3: {  	v20 =	vld [tilespmem:s11+$0x5B30];
	v12 =	vmul.f32 v54, v57;
	[tilespmem:s11+$0x5AC0] =	vst v13  }
0x1e4: {  	v21 =	vld [tilespmem:s11+$0x5B40];
	v22 =	vbroadcast v2, $0x6;
	v10 =	vmul.f32 v59, v57;
	[tilespmem:s11+$0x5AD0] =	vst v14  }
0x1e5: {  	v23 =	vld [tilespmem:s11+$0x5B50];
	v8 =	vmul.f32 v60, v57;
	[tilespmem:s11+$0x5AA0] =	vst v12  }
0x1e6: {  	v24 =	vld [tilespmem:s11+$0x5B60];
	v9 =	vmul.f32 v61, v22;
	[tilespmem:s11+$0x5AE0] =	vst v10  }
0x1e7: {  	v25 =	vld [tilespmem:s11+$0x5B70];
	v11 =	vmul.f32 v63, v22;
	[tilespmem:s11+$0x5AF0] =	vst v8  }
0x1e8: {  	v5 =	vld [tilespmem:s11+$0x5D80];
	v13 =	vmul.f32 v20, v22;
	[tilespmem:s11+$0x5B00] =	vst v9  }
0x1e9: {  	v27 =	vld [tilespmem:s11+$0x5B90];
	v14 =	vmul.f32 v21, v22;
	[tilespmem:s11+$0x5B20] =	vst v11  }
0x1ea: {  	v28 =	vld [tilespmem:s11+$0x5BA0];
	v12 =	vmul.f32 v62, v22;
	[tilespmem:s11+$0x5B30] =	vst v13  }
0x1eb: {  	v29 =	vld [tilespmem:s11+$0x5BB0];
	v10 =	vmul.f32 v23, v22;
	[tilespmem:s11+$0x5B40] =	vst v14  }
0x1ec: {  	v31 =	vbroadcast v2, $0x7;
	v53 =	vld [tilespmem:s11+$0x5D00];
	v8 =	vmul.f32 v24, v22;
	[tilespmem:s11+$0x5B10] =	vst v12  }
0x1ed: {  	v58 =	vld [tilespmem:s11+$0x5D50];
	v9 =	vmul.f32 v25, v22;
	[tilespmem:s11+$0x5B50] =	vst v10  }
0x1ee: {  	v26 =	vld [tilespmem:s11+$0x5B80];
	v11 =	vmul.f32 v27, v31;
	[tilespmem:s11+$0x5B60] =	vst v8  }
0x1ef: {  	v30 =	vld [tilespmem:s11+$0x5BC0];
	v13 =	vmul.f32 v28, v31;
	[tilespmem:s11+$0x5B70] =	vst v9  }
0x1f0: {  	v32 =	vld [tilespmem:s11+$0x5BD0];
	v14 =	vmul.f32 v29, v31;
	[tilespmem:s11+$0x5B90] =	vst v11  }
0x1f1: {  	v33 =	vld [tilespmem:s11+$0x5BE0];
	v59 =	vmul.f32 v53, v6;
	[tilespmem:s11+$0x5BA0] =	vst v13  }
0x1f2: {  	v35 =	vld [tilespmem:s11+$0x5C00];
	v21 =	vmul.f32 v58, v6;
	[tilespmem:s11+$0x5BB0] =	vst v14  }
0x1f3: {  	v36 =	vld [tilespmem:s11+$0x5C10];
	v12 =	vmul.f32 v26, v31;
	[tilespmem:s11+$0x5D00] =	vst v59  }
0x1f4: {  	v37 =	vld [tilespmem:s11+$0x5C20];
	v10 =	vmul.f32 v30, v31;
	[tilespmem:s11+$0x5D50] =	vst v21  }
0x1f5: {  	v7 =	vld [tilespmem:s11+$0x5D90];
	v40 =	vbroadcast v2, $0x8;
	v8 =	vmul.f32 v32, v31;
	[tilespmem:s11+$0x5B80] =	vst v12  }
0x1f6: {  	v34 =	vld [tilespmem:s11+$0x5BF0];
	v9 =	vmul.f32 v33, v31;
	[tilespmem:s11+$0x5BC0] =	vst v10  }
0x1f7: {  	v57 =	vld [tilespmem:s11+$0x5D40];
	v11 =	vmul.f32 v35, v40;
	[tilespmem:s11+$0x5BD0] =	vst v8  }
0x1f8: {  	v61 =	vld [tilespmem:s11+$0x5800];
	v24 =	vbroadcast v2, $0xB;
	v13 =	vmul.f32 v36, v40;
	[tilespmem:s11+$0x5BE0] =	vst v9  }
0x1f9: {  	v4 =	vld [tilespmem:s11+$0x5FD0];
	v14 =	vmul.f32 v37, v40;
	[tilespmem:s11+$0x5C00] =	vst v11  }
0x1fa: {  	v38 =	vld [tilespmem:s11+$0x5C30];
	v5 =	vmul.f32 v5, v24;
	[tilespmem:s11+$0x5C10] =	vst v13  }
0x1fb: {  	v39 =	vld [tilespmem:s11+$0x5C40];
	v7 =	vmul.f32 v7, v24;
	[tilespmem:s11+$0x5C20] =	vst v14  }
0x1fc: {  	v41 =	vld [tilespmem:s11+$0x5C50];
	v19 =	vmul.f32 v57, v6;
	[tilespmem:s11+$0x5D80] =	vst v5  }
0x1fd: {  	v43 =	vld [tilespmem:s11+$0x5C70];
	v25 =	vmul.f32 v3, v61;
	[tilespmem:s11+$0x5D90] =	vst v7  }
0x1fe: {  	v44 =	vld [tilespmem:s11+$0x5C80];
	v12 =	vmul.f32 v34, v31;
	[tilespmem:s11+$0x5D40] =	vst v19  }
0x1ff: {  	v45 =	vld [tilespmem:s11+$0x5C90];
	v10 =	vmul.f32 v38, v40;
	[tilespmem:s11+$0x5800] =	vst v25  }
0x200: {  	v27 =	vld [tilespmem:s11+$0x5DD0];
	v8 =	vmul.f32 v39, v40;
	[tilespmem:s11+$0x5BF0] =	vst v12  }
0x201: {  	v49 =	vbroadcast v2, $0x9;
	v29 =	vld [tilespmem:s11+$0x5DF0];
	v9 =	vmul.f32 v41, v40;
	[tilespmem:s11+$0x5C30] =	vst v10  }
0x202: {  	v42 =	vld [tilespmem:s11+$0x5C60];
	v11 =	vmul.f32 v43, v40;
	[tilespmem:s11+$0x5C40] =	vst v8  }
0x203: {  	v46 =	vld [tilespmem:s11+$0x5CA0];
	v13 =	vmul.f32 v44, v49;
	[tilespmem:s11+$0x5C50] =	vst v9  }
0x204: {  	v47 =	vld [tilespmem:s11+$0x5CB0];
	v14 =	vmul.f32 v45, v49;
	[tilespmem:s11+$0x5C70] =	vst v11  }
0x205: {  	v48 =	vld [tilespmem:s11+$0x5CC0];
	v32 =	vmul.f32 v27, v24;
	[tilespmem:s11+$0x5C80] =	vst v13  }
0x206: {  	v51 =	vld [tilespmem:s11+$0x5CE0];
	v7 =	vmul.f32 v29, v24;
	[tilespmem:s11+$0x5C90] =	vst v14  }
0x207: {  	v52 =	vld [tilespmem:s11+$0x5CF0];
	v12 =	vmul.f32 v42, v40;
	[tilespmem:s11+$0x5DD0] =	vst v32  }
0x208: {  	v10 =	vmul.f32 v46, v49;
	[tilespmem:s11+$0x5DF0] =	vst v7  }
0x209: {  	v28 =	vld [tilespmem:s11+$0x5DE0];
	v8 =	vmul.f32 v47, v49;
	[tilespmem:s11+$0x5C60] =	vst v12  }
0x20a: {  	v30 =	vld [tilespmem:s11+$0x5E00];
	v9 =	vmul.f32 v48, v49;
	[tilespmem:s11+$0x5CA0] =	vst v10  }
0x20b: {  	v50 =	vld [tilespmem:s11+$0x5CD0];
	v5 =	vbroadcast v2, $0xF;
	v11 =	vmul.f32 v51, v49;
	[tilespmem:s11+$0x5CB0] =	vst v8  }
0x20c: {  	v54 =	vld [tilespmem:s11+$0x5D10];
	v13 =	vmul.f32 v52, v49;
	[tilespmem:s11+$0x5CC0] =	vst v9  }
0x20d: {  	v55 =	vld [tilespmem:s11+$0x5D20];
	v35 =	vbroadcast v2, $0xC;
	v4 =	vmul.f32 v4, v5;
	[tilespmem:s11+$0x5CE0] =	vst v11  }
0x20e: {  	v56 =	vld [tilespmem:s11+$0x5D30];
	v40 =	vmul.f32 v28, v24;
	[tilespmem:s11+$0x5CF0] =	vst v13  }
0x20f: {  	v60 =	vld [tilespmem:s11+$0x5D60];
	v16 =	vmul.f32 v30, v35;
	[tilespmem:s11+$0x5FD0] =	vst v4  }
0x210: {  	v62 =	vld [tilespmem:s11+$0x5810];
	v12 =	vmul.f32 v50, v49;
	[tilespmem:s11+$0x5DE0] =	vst v40  }
0x211: {  	v63 =	vld [tilespmem:s11+$0x5840];
	v10 =	vmul.f32 v54, v6;
	[tilespmem:s11+$0x5E00] =	vst v16  }
0x212: {  	v20 =	vld [tilespmem:s11+$0x5850];
	v8 =	vmul.f32 v55, v6;
	[tilespmem:s11+$0x5CD0] =	vst v12  }
0x213: {  	v33 =	vld [tilespmem:s11+$0x5E30];
	v9 =	vmul.f32 v56, v6;
	[tilespmem:s11+$0x5D10] =	vst v10  }
0x214: {  	v61 =	vld [tilespmem:s11+$0x5FF0];
	v6 =	vmul.f32 v60, v6;
	[tilespmem:s11+$0x5D20] =	vst v8  }
0x215: {  	v38 =	vld [tilespmem:s11+$0x5E70];
	v13 =	vmul.f32 v62, v3;
	[tilespmem:s11+$0x5D30] =	vst v9  }
0x216: {  	v22 =	vld [tilespmem:s11+$0x5DA0];
	v4 =	vmul.f32 v63, v3;
	[tilespmem:s11+$0x5D60] =	vst v6  }
0x217: {  	v23 =	vld [tilespmem:s11+$0x5DB0];
	v3 =	vmul.f32 v20, v3;
	[tilespmem:s11+$0x5810] =	vst v13  }
0x218: {  	v26 =	vld [tilespmem:s11+$0x5DC0];
	v62 =	vmul.f32 v33, v35;
	[tilespmem:s11+$0x5840] =	vst v4  }
0x219: {  	v31 =	vld [tilespmem:s11+$0x5E10];
	v63 =	vmul.f32 v61, v5;
	[tilespmem:s11+$0x5850] =	vst v3  }
0x21a: {  	v34 =	vld [tilespmem:s11+$0x5E40];
	v16 =	vmul.f32 v38, v35;
	[tilespmem:s11+$0x5E30] =	vst v62  }
0x21b: {  	v41 =	vld [tilespmem:s11+$0x5EA0];
	v8 =	vmul.f32 v22, v24;
	[tilespmem:s11+$0x5FF0] =	vst v63  }
0x21c: {  	v46 =	vld [tilespmem:s11+$0x5EE0];
	v9 =	vmul.f32 v23, v24;
	[tilespmem:s11+$0x5E70] =	vst v16  }
0x21d: {  	v6 =	vmul.f32 v26, v24;
	v3 =	vld [tilespmem:s11+$0x5E90];
	[tilespmem:s11+$0x5DA0] =	vst v8  }
0x21e: {  	v36 =	vld [tilespmem:s11+$0x5E50];
	v44 =	vbroadcast v2, $0xD;
	v10 =	vmul.f32 v31, v35;
	[tilespmem:s11+$0x5DB0] =	vst v9  }
0x21f: {  	v37 =	vld [tilespmem:s11+$0x5E60];
	v13 =	vmul.f32 v34, v35;
	[tilespmem:s11+$0x5DC0] =	vst v6  }
0x220: {  	v39 =	vld [tilespmem:s11+$0x5E80];
	v12 =	vmul.f32 v41, v44;
	[tilespmem:s11+$0x5E10] =	vst v10  }
0x221: {  	v42 =	vld [tilespmem:s11+$0x5EB0];
	v51 =	vmul.f32 v46, v44;
	[tilespmem:s11+$0x5E40] =	vst v13  }
0x222: {  	v48 =	vld [tilespmem:s11+$0x5F10];
	[tilespmem:s11+$0x5EA0] =	vst v12;
	v3 =	vmul.f32 v3, v44  }
0x223: {  	v49 =	vld [tilespmem:s11+$0x5F20];
	v9 =	vmul.f32 v36, v35;
	[tilespmem:s11+$0x5EE0] =	vst v51  }
0x224: {  	v6 =	vmul.f32 v37, v35;
	[tilespmem:s11+$0x5E90] =	vst v3;
	v3 =	vld [tilespmem:s11+$0x5F00]  }
0x225: {  	v2 =	vbroadcast v2, $0xE;
	v50 =	vld [tilespmem:s11+$0x5F30];
	v10 =	vmul.f32 v39, v44;
	[tilespmem:s11+$0x5E50] =	vst v9  }
0x226: {  	v45 =	vld [tilespmem:s11+$0x5ED0];
	v13 =	vmul.f32 v42, v44;
	[tilespmem:s11+$0x5E60] =	vst v6  }
0x227: {  	v47 =	vld [tilespmem:s11+$0x5EF0];
	v12 =	vmul.f32 v48, v2;
	[tilespmem:s11+$0x5E80] =	vst v10  }
0x228: {  	v43 =	vld [tilespmem:s11+$0x5EC0];
	v11 =	vmul.f32 v49, v2;
	[tilespmem:s11+$0x5EB0] =	vst v13  }
0x229: {  	v55 =	vld [tilespmem:s11+$0x5F80];
	[tilespmem:s11+$0x5F10] =	vst v12;
	v3 =	vmul.f32 v3, v2  }
0x22a: {  	v57 =	vld [tilespmem:s11+$0x5FA0];
	v7 =	vmul.f32 v50, v2;
	[tilespmem:s11+$0x5F20] =	vst v11  }
0x22b: {  	v6 =	vmul.f32 v45, v44;
	[tilespmem:s11+$0x5F00] =	vst v3;
	v3 =	vld [tilespmem:s11+$0x5F70]  }
0x22c: {  	v52 =	vld [tilespmem:s11+$0x5F40];
	v10 =	vmul.f32 v47, v44;
	[tilespmem:s11+$0x5F30] =	vst v7  }
0x22d: {  	v56 =	vld [tilespmem:s11+$0x5F90];
	v9 =	vmul.f32 v43, v44;
	[tilespmem:s11+$0x5ED0] =	vst v6  }
0x22e: {  	v54 =	vld [tilespmem:s11+$0x5F60];
	v12 =	vmul.f32 v55, v5;
	[tilespmem:s11+$0x5EF0] =	vst v10  }
0x22f: {  	v58 =	vld [tilespmem:s11+$0x5FB0];
	v7 =	vmul.f32 v57, v5;
	[tilespmem:s11+$0x5EC0] =	vst v9  }
0x230: {  	v53 =	vld [tilespmem:s11+$0x5F50];
	[tilespmem:s11+$0x5F80] =	vst v12;
	v3 =	vmul.f32 v3, v2  }
0x231: {  	v59 =	vld [tilespmem:s11+$0x5FC0];
	v6 =	vmul.f32 v52, v2;
	[tilespmem:s11+$0x5FA0] =	vst v7  }
0x232: {  	v60 =	vld [tilespmem:s11+$0x5FE0];
	[tilespmem:s11+$0x5F70] =	vst v3;
	v3 =	vmul.f32 v56, v5  }
0x233: {  	v10 =	vmul.f32 v54, v2;
	[tilespmem:s11+$0x5F40] =	vst v6  }
0x234: {  	v4 =	vld [tilespmem:s11+$0x5E20];
	[tilespmem:s11+$0x5F90] =	vst v3;
	v3 =	vmul.f32 v58, v5  }
0x235: {  	[tilespmem:s11+$0x5F60] =	vst v10;
	v2 =	vmul.f32 v53, v2  }
0x236: {  	[tilespmem:s11+$0x5FB0] =	vst v3;
	v3 =	vmul.f32 v59, v5  }
0x237: {  	[tilespmem:s11+$0x5F50] =	vst v2;
	v5 =	vmul.f32 v60, v5  }
0x238: {  	[tilespmem:s11+$0x5FC0] =	vst v3  }
0x239: {  	s12 =	simm.s32 $0x1;
	v3 =	vmul.f32 v4, v35;
	[tilespmem:s11+$0x5FE0] =	vst v5  }
.LBB2_7:
0x23a: {  	s15 =	sshll.u32 s12, $0x4  }
0x23b: {  	p1 =	sne.s32 s12, $0x7;
	[tilespmem:s11+$0x5E20] =	vst v3;
	s11 =	smov.u32 s12;
	s12 =	sadd.s32 $0x1, s12  }
0x23c: {  	s15 =	sand.u32 $0x3FFFFFF0, s15  }
0x23d: {  	v2 =	vld.idx.msk [tilespmem:v1+s15+$0x0 ss:$0x1], $0xffff  }
0x23e: {  	s11 =	sshll.u32 s11, $0xB  }
0x23f: {  	s11 =	sand.u32 $0x3FFFF800, s11  }
0x240: {  	v9 =	vld [tilespmem:s11+$0x58C0]  }
0x241: {  	v10 =	vld [tilespmem:s11+$0x58D0]  }
0x242: {  	v11 =	vld [tilespmem:s11+$0x58B0]  }
0x243: {  	v3 =	vbroadcast v2, $0x0;
	v8 =	vbroadcast v2, $0x4;
	v4 =	vld [tilespmem:s11+$0x5820]  }
0x244: {  	v6 =	vld [tilespmem:s11+$0x5830]  }
0x245: {  	v7 =	vld [tilespmem:s11+$0x5D70]  }
0x246: {  	v12 =	vld [tilespmem:s11+$0x5860]  }
0x247: {  	v13 =	vld [tilespmem:s11+$0x5870]  }
0x248: {  	v5 =	vbroadcast v2, $0xA;
	v4 =	vmul.f32 v4, v3;
	v14 =	vld [tilespmem:s11+$0x5880]  }
0x249: {  	v6 =	vmul.f32 v6, v3;
	v15 =	vld [tilespmem:s11+$0x5890]  }
0x24a: {  	[tilespmem:s11+$0x5820] =	vst v4;
	v16 =	vld [tilespmem:s11+$0x58A0];
	v4 =	vmul.f32 v7, v5  }
0x24b: {  	[tilespmem:s11+$0x5830] =	vst v6;
	v7 =	vmul.f32 v12, v3;
	v12 =	vbroadcast v2, $0x1;
	v6 =	vld [tilespmem:s11+$0x5D80]  }
0x24c: {  	v13 =	vmul.f32 v13, v3;
	[tilespmem:s11+$0x5D70] =	vst v4;
	v4 =	vld [tilespmem:s11+$0x5FD0]  }
0x24d: {  	[tilespmem:s11+$0x5860] =	vst v7;
	v14 =	vmul.f32 v14, v12;
	v7 =	vld [tilespmem:s11+$0x5D90]  }
0x24e: {  	[tilespmem:s11+$0x5870] =	vst v13;
	v13 =	vmul.f32 v15, v12;
	v15 =	vld [tilespmem:s11+$0x58E0]  }
0x24f: {  	[tilespmem:s11+$0x5880] =	vst v14;
	v14 =	vmul.f32 v16, v12;
	v16 =	vld [tilespmem:s11+$0x58F0]  }
0x250: {  	v11 =	vmul.f32 v11, v12;
	[tilespmem:s11+$0x5890] =	vst v13;
	v13 =	vld [tilespmem:s11+$0x5900]  }
0x251: {  	v9 =	vmul.f32 v9, v12;
	[tilespmem:s11+$0x58A0] =	vst v14;
	v14 =	vld [tilespmem:s11+$0x5910]  }
0x252: {  	v10 =	vmul.f32 v10, v12;
	[tilespmem:s11+$0x58B0] =	vst v11;
	v11 =	vld [tilespmem:s11+$0x5920]  }
0x253: {  	[tilespmem:s11+$0x58C0] =	vst v9;
	v9 =	vmul.f32 v15, v12;
	v15 =	vbroadcast v2, $0x2;
	v17 =	vld [tilespmem:s11+$0x5930]  }
0x254: {  	[tilespmem:s11+$0x58D0] =	vst v10;
	v10 =	vmul.f32 v16, v12;
	v12 =	vld [tilespmem:s11+$0x5940]  }
0x255: {  	[tilespmem:s11+$0x58E0] =	vst v9;
	v9 =	vmul.f32 v13, v15;
	v13 =	vld [tilespmem:s11+$0x5950]  }
0x256: {  	[tilespmem:s11+$0x58F0] =	vst v10;
	v10 =	vmul.f32 v14, v15;
	v14 =	vld [tilespmem:s11+$0x5960]  }
0x257: {  	[tilespmem:s11+$0x5900] =	vst v9;
	v9 =	vmul.f32 v11, v15;
	v11 =	vld [tilespmem:s11+$0x5970]  }
0x258: {  	[tilespmem:s11+$0x5910] =	vst v10;
	v10 =	vmul.f32 v17, v15;
	v16 =	vld [tilespmem:s11+$0x5980]  }
0x259: {  	[tilespmem:s11+$0x5920] =	vst v9;
	v9 =	vmul.f32 v12, v15;
	v12 =	vld [tilespmem:s11+$0x5990]  }
0x25a: {  	[tilespmem:s11+$0x5930] =	vst v10;
	v10 =	vmul.f32 v13, v15;
	v13 =	vld [tilespmem:s11+$0x59A0]  }
0x25b: {  	[tilespmem:s11+$0x5940] =	vst v9;
	v9 =	vmul.f32 v14, v15;
	v14 =	vbroadcast v2, $0x3;
	v17 =	vld [tilespmem:s11+$0x59B0]  }
0x25c: {  	[tilespmem:s11+$0x5950] =	vst v10;
	v10 =	vmul.f32 v11, v15;
	v11 =	vld [tilespmem:s11+$0x59C0]  }
0x25d: {  	[tilespmem:s11+$0x5960] =	vst v9;
	v9 =	vmul.f32 v16, v14;
	v15 =	vld [tilespmem:s11+$0x59D0]  }
0x25e: {  	[tilespmem:s11+$0x5970] =	vst v10;
	v10 =	vmul.f32 v12, v14;
	v12 =	vld [tilespmem:s11+$0x59E0]  }
0x25f: {  	[tilespmem:s11+$0x5980] =	vst v9;
	v9 =	vmul.f32 v13, v14;
	v13 =	vld [tilespmem:s11+$0x59F0]  }
0x260: {  	[tilespmem:s11+$0x5990] =	vst v10;
	v10 =	vmul.f32 v17, v14;
	v16 =	vld [tilespmem:s11+$0x5A00]  }
0x261: {  	[tilespmem:s11+$0x59A0] =	vst v9;
	v9 =	vmul.f32 v11, v14;
	v11 =	vld [tilespmem:s11+$0x5A10]  }
0x262: {  	[tilespmem:s11+$0x59B0] =	vst v10;
	v10 =	vmul.f32 v15, v14;
	v15 =	vld [tilespmem:s11+$0x5A20]  }
0x263: {  	[tilespmem:s11+$0x59C0] =	vst v9;
	v9 =	vmul.f32 v12, v14;
	v12 =	vld [tilespmem:s11+$0x5A30]  }
0x264: {  	[tilespmem:s11+$0x59D0] =	vst v10;
	v10 =	vmul.f32 v13, v14;
	v13 =	vld [tilespmem:s11+$0x5A40]  }
0x265: {  	[tilespmem:s11+$0x59E0] =	vst v9;
	v9 =	vmul.f32 v16, v8;
	v14 =	vld [tilespmem:s11+$0x5A50]  }
0x266: {  	[tilespmem:s11+$0x59F0] =	vst v10;
	v10 =	vmul.f32 v11, v8;
	v11 =	vld [tilespmem:s11+$0x5A60]  }
0x267: {  	[tilespmem:s11+$0x5A00] =	vst v9;
	v9 =	vmul.f32 v15, v8;
	v15 =	vld [tilespmem:s11+$0x5A70]  }
0x268: {  	[tilespmem:s11+$0x5A10] =	vst v10;
	v10 =	vmul.f32 v12, v8;
	v12 =	vld [tilespmem:s11+$0x5A80]  }
0x269: {  	[tilespmem:s11+$0x5A20] =	vst v9;
	v9 =	vmul.f32 v13, v8;
	v13 =	vld [tilespmem:s11+$0x5A90]  }
0x26a: {  	[tilespmem:s11+$0x5A30] =	vst v10;
	v10 =	vmul.f32 v14, v8;
	v14 =	vld [tilespmem:s11+$0x5AA0]  }
0x26b: {  	[tilespmem:s11+$0x5A40] =	vst v9;
	v9 =	vmul.f32 v11, v8;
	v11 =	vbroadcast v2, $0x5;
	v16 =	vld [tilespmem:s11+$0x5AB0]  }
0x26c: {  	[tilespmem:s11+$0x5A50] =	vst v10;
	v8 =	vmul.f32 v15, v8;
	v10 =	vld [tilespmem:s11+$0x5AC0]  }
0x26d: {  	[tilespmem:s11+$0x5A60] =	vst v9;
	v9 =	vmul.f32 v12, v11;
	v12 =	vld [tilespmem:s11+$0x5AD0]  }
0x26e: {  	[tilespmem:s11+$0x5A70] =	vst v8;
	v8 =	vmul.f32 v13, v11;
	v13 =	vld [tilespmem:s11+$0x5AE0]  }
0x26f: {  	[tilespmem:s11+$0x5A80] =	vst v9;
	v9 =	vmul.f32 v14, v11;
	v14 =	vld [tilespmem:s11+$0x5AF0]  }
0x270: {  	[tilespmem:s11+$0x5A90] =	vst v8;
	v8 =	vmul.f32 v16, v11;
	v15 =	vld [tilespmem:s11+$0x5B00]  }
0x271: {  	[tilespmem:s11+$0x5AA0] =	vst v9;
	v9 =	vmul.f32 v10, v11;
	v10 =	vld [tilespmem:s11+$0x5B10]  }
0x272: {  	[tilespmem:s11+$0x5AB0] =	vst v8;
	v8 =	vmul.f32 v12, v11;
	v12 =	vld [tilespmem:s11+$0x5B20]  }
0x273: {  	[tilespmem:s11+$0x5AC0] =	vst v9;
	v9 =	vmul.f32 v13, v11;
	v13 =	vbroadcast v2, $0x6;
	v16 =	vld [tilespmem:s11+$0x5B30]  }
0x274: {  	[tilespmem:s11+$0x5AD0] =	vst v8;
	v8 =	vmul.f32 v14, v11;
	v11 =	vld [tilespmem:s11+$0x5B40]  }
0x275: {  	[tilespmem:s11+$0x5AE0] =	vst v9;
	v9 =	vmul.f32 v15, v13;
	v14 =	vld [tilespmem:s11+$0x5B50]  }
0x276: {  	[tilespmem:s11+$0x5AF0] =	vst v8;
	v8 =	vmul.f32 v10, v13;
	v10 =	vld [tilespmem:s11+$0x5B60]  }
0x277: {  	[tilespmem:s11+$0x5B00] =	vst v9;
	v9 =	vmul.f32 v12, v13;
	v12 =	vld [tilespmem:s11+$0x5B70]  }
0x278: {  	[tilespmem:s11+$0x5B10] =	vst v8;
	v8 =	vmul.f32 v16, v13;
	v15 =	vld [tilespmem:s11+$0x5B80]  }
0x279: {  	[tilespmem:s11+$0x5B20] =	vst v9;
	v9 =	vmul.f32 v11, v13;
	v11 =	vld [tilespmem:s11+$0x5B90]  }
0x27a: {  	[tilespmem:s11+$0x5B30] =	vst v8;
	v8 =	vmul.f32 v14, v13;
	v14 =	vld [tilespmem:s11+$0x5BA0]  }
0x27b: {  	[tilespmem:s11+$0x5B40] =	vst v9;
	v9 =	vmul.f32 v10, v13;
	v10 =	vbroadcast v2, $0x7;
	v16 =	vld [tilespmem:s11+$0x5BB0]  }
0x27c: {  	[tilespmem:s11+$0x5B50] =	vst v8;
	v8 =	vmul.f32 v12, v13;
	v12 =	vld [tilespmem:s11+$0x5BC0]  }
0x27d: {  	[tilespmem:s11+$0x5B60] =	vst v9;
	v9 =	vmul.f32 v15, v10;
	v13 =	vld [tilespmem:s11+$0x5BD0]  }
0x27e: {  	[tilespmem:s11+$0x5B70] =	vst v8;
	v8 =	vmul.f32 v11, v10;
	v11 =	vld [tilespmem:s11+$0x5BE0]  }
0x27f: {  	[tilespmem:s11+$0x5B80] =	vst v9;
	v9 =	vmul.f32 v14, v10;
	v14 =	vld [tilespmem:s11+$0x5BF0]  }
0x280: {  	[tilespmem:s11+$0x5B90] =	vst v8;
	v8 =	vmul.f32 v16, v10;
	v15 =	vld [tilespmem:s11+$0x5C00]  }
0x281: {  	[tilespmem:s11+$0x5BA0] =	vst v9;
	v9 =	vmul.f32 v12, v10;
	v12 =	vld [tilespmem:s11+$0x5C10]  }
0x282: {  	[tilespmem:s11+$0x5BB0] =	vst v8;
	v8 =	vmul.f32 v13, v10;
	v13 =	vld [tilespmem:s11+$0x5C20]  }
0x283: {  	[tilespmem:s11+$0x5BC0] =	vst v9;
	v9 =	vmul.f32 v11, v10;
	v11 =	vbroadcast v2, $0x8;
	v16 =	vld [tilespmem:s11+$0x5C30]  }
0x284: {  	[tilespmem:s11+$0x5BD0] =	vst v8;
	v8 =	vmul.f32 v14, v10;
	v10 =	vld [tilespmem:s11+$0x5C40]  }
0x285: {  	[tilespmem:s11+$0x5BE0] =	vst v9;
	v9 =	vmul.f32 v15, v11;
	v14 =	vld [tilespmem:s11+$0x5C50]  }
0x286: {  	[tilespmem:s11+$0x5BF0] =	vst v8;
	v8 =	vmul.f32 v12, v11;
	v12 =	vld [tilespmem:s11+$0x5C60]  }
0x287: {  	[tilespmem:s11+$0x5C00] =	vst v9;
	v9 =	vmul.f32 v13, v11;
	v13 =	vld [tilespmem:s11+$0x5C70]  }
0x288: {  	[tilespmem:s11+$0x5C10] =	vst v8;
	v8 =	vmul.f32 v16, v11;
	v15 =	vld [tilespmem:s11+$0x5C80]  }
0x289: {  	[tilespmem:s11+$0x5C20] =	vst v9;
	v9 =	vmul.f32 v10, v11;
	v10 =	vld [tilespmem:s11+$0x5C90]  }
0x28a: {  	[tilespmem:s11+$0x5C30] =	vst v8;
	v8 =	vmul.f32 v14, v11;
	v14 =	vld [tilespmem:s11+$0x5CA0]  }
0x28b: {  	[tilespmem:s11+$0x5C40] =	vst v9;
	v9 =	vmul.f32 v12, v11;
	v12 =	vbroadcast v2, $0x9;
	v16 =	vld [tilespmem:s11+$0x5CB0]  }
0x28c: {  	[tilespmem:s11+$0x5C50] =	vst v8;
	v8 =	vmul.f32 v13, v11;
	v11 =	vld [tilespmem:s11+$0x5CC0]  }
0x28d: {  	[tilespmem:s11+$0x5C60] =	vst v9;
	v9 =	vmul.f32 v15, v12;
	v13 =	vld [tilespmem:s11+$0x5CD0]  }
0x28e: {  	[tilespmem:s11+$0x5C70] =	vst v8;
	v8 =	vmul.f32 v10, v12;
	v10 =	vld [tilespmem:s11+$0x5CE0]  }
0x28f: {  	[tilespmem:s11+$0x5C80] =	vst v9;
	v9 =	vmul.f32 v14, v12;
	v14 =	vld [tilespmem:s11+$0x5CF0]  }
0x290: {  	[tilespmem:s11+$0x5C90] =	vst v8;
	v8 =	vmul.f32 v16, v12;
	v15 =	vld [tilespmem:s11+$0x5D00]  }
0x291: {  	[tilespmem:s11+$0x5CA0] =	vst v9;
	v9 =	vmul.f32 v11, v12;
	v11 =	vld [tilespmem:s11+$0x5D10]  }
0x292: {  	[tilespmem:s11+$0x5CB0] =	vst v8;
	v8 =	vmul.f32 v13, v12;
	v13 =	vld [tilespmem:s11+$0x5D20]  }
0x293: {  	[tilespmem:s11+$0x5CC0] =	vst v9;
	v9 =	vmul.f32 v10, v12;
	v10 =	vld [tilespmem:s11+$0x5D30]  }
0x294: {  	[tilespmem:s11+$0x5CD0] =	vst v8;
	v8 =	vmul.f32 v14, v12;
	v12 =	vld [tilespmem:s11+$0x5D40]  }
0x295: {  	[tilespmem:s11+$0x5CE0] =	vst v9;
	v9 =	vmul.f32 v15, v5;
	v14 =	vld [tilespmem:s11+$0x5D50]  }
0x296: {  	[tilespmem:s11+$0x5CF0] =	vst v8;
	v8 =	vmul.f32 v11, v5;
	v11 =	vld [tilespmem:s11+$0x5D60]  }
0x297: {  	v15 =	vld [tilespmem:s11+$0x5800];
	[tilespmem:s11+$0x5D00] =	vst v9;
	v9 =	vmul.f32 v13, v5  }
0x298: {  	v13 =	vld [tilespmem:s11+$0x5810];
	[tilespmem:s11+$0x5D10] =	vst v8;
	v8 =	vmul.f32 v10, v5  }
0x299: {  	v10 =	vld [tilespmem:s11+$0x5840];
	[tilespmem:s11+$0x5D20] =	vst v9;
	v9 =	vmul.f32 v12, v5  }
0x29a: {  	v12 =	vld [tilespmem:s11+$0x5850];
	[tilespmem:s11+$0x5D30] =	vst v8;
	v8 =	vmul.f32 v14, v5  }
0x29b: {  	[tilespmem:s11+$0x5D40] =	vst v9;
	v9 =	vmul.f32 v11, v5;
	v11 =	vbroadcast v2, $0xB;
	v14 =	vld [tilespmem:s11+$0x5DA0]  }
0x29c: {  	v5 =	vbroadcast v2, $0xF;
	v15 =	vmul.f32 v3, v15;
	[tilespmem:s11+$0x5D50] =	vst v8;
	v8 =	vld [tilespmem:s11+$0x5DB0]  }
0x29d: {  	v13 =	vmul.f32 v13, v3;
	[tilespmem:s11+$0x5D60] =	vst v9;
	v6 =	vmul.f32 v6, v11;
	v9 =	vld [tilespmem:s11+$0x5DC0]  }
0x29e: {  	v7 =	vmul.f32 v7, v11;
	[tilespmem:s11+$0x5800] =	vst v15;
	v10 =	vmul.f32 v10, v3;
	v15 =	vld [tilespmem:s11+$0x5DD0]  }
0x29f: {  	v4 =	vmul.f32 v4, v5;
	v12 =	vmul.f32 v12, v3;
	[tilespmem:s11+$0x5D80] =	vst v6;
	v3 =	vld [tilespmem:s11+$0x5DE0]  }
0x2a0: {  	[tilespmem:s11+$0x5D90] =	vst v7;
	v6 =	vmul.f32 v14, v11;
	v7 =	vld [tilespmem:s11+$0x5DF0]  }
0x2a1: {  	v8 =	vmul.f32 v8, v11;
	v14 =	vld [tilespmem:s11+$0x5E00];
	[tilespmem:s11+$0x5FD0] =	vst v4  }
0x2a2: {  	[tilespmem:s11+$0x5810] =	vst v13;
	v4 =	vmul.f32 v9, v11;
	v9 =	vld [tilespmem:s11+$0x5E10]  }
0x2a3: {  	[tilespmem:s11+$0x5840] =	vst v10;
	v10 =	vmul.f32 v15, v11;
	v13 =	vld [tilespmem:s11+$0x5E20]  }
0x2a4: {  	v15 =	vbroadcast v2, $0xC;
	[tilespmem:s11+$0x5DA0] =	vst v6;
	v6 =	vmul.f32 v3, v11;
	v16 =	vld [tilespmem:s11+$0x5E30]  }
0x2a5: {  	[tilespmem:s11+$0x5DD0] =	vst v10;
	v7 =	vmul.f32 v7, v11;
	v10 =	vld [tilespmem:s11+$0x5E40]  }
0x2a6: {  	[tilespmem:s11+$0x5DB0] =	vst v8;
	v3 =	vmul.f32 v14, v15;
	v8 =	vld [tilespmem:s11+$0x5E50]  }
0x2a7: {  	[tilespmem:s11+$0x5DC0] =	vst v4;
	v4 =	vmul.f32 v9, v15;
	v9 =	vld [tilespmem:s11+$0x5E60]  }
0x2a8: {  	[tilespmem:s11+$0x5E00] =	vst v3;
	v3 =	vmul.f32 v13, v15;
	v11 =	vld [tilespmem:s11+$0x5E70]  }
0x2a9: {  	[tilespmem:s11+$0x5E10] =	vst v4;
	v4 =	vld [tilespmem:s11+$0x5E80]  }
0x2aa: {  	[tilespmem:s11+$0x5850] =	vst v12;
	v10 =	vmul.f32 v10, v15;
	v12 =	vld [tilespmem:s11+$0x5E90]  }
0x2ab: {  	[tilespmem:s11+$0x5DE0] =	vst v6;
	v6 =	vmul.f32 v8, v15;
	v8 =	vld [tilespmem:s11+$0x5EA0]  }
0x2ac: {  	[tilespmem:s11+$0x5E40] =	vst v10;
	v9 =	vmul.f32 v9, v15;
	v10 =	vbroadcast v2, $0xD;
	v13 =	vld [tilespmem:s11+$0x5EB0]  }
0x2ad: {  	[tilespmem:s11+$0x5E50] =	vst v6;
	v6 =	vmul.f32 v11, v15;
	v11 =	vld [tilespmem:s11+$0x5EC0]  }
0x2ae: {  	[tilespmem:s11+$0x5E60] =	vst v9;
	v4 =	vmul.f32 v4, v10;
	v9 =	vld [tilespmem:s11+$0x5ED0]  }
0x2af: {  	[tilespmem:s11+$0x5E70] =	vst v6;
	v6 =	vmul.f32 v12, v10;
	v12 =	vld [tilespmem:s11+$0x5EE0]  }
0x2b0: {  	[tilespmem:s11+$0x5E80] =	vst v4;
	v4 =	vmul.f32 v8, v10;
	v8 =	vld [tilespmem:s11+$0x5EF0]  }
0x2b1: {  	[tilespmem:s11+$0x5E90] =	vst v6;
	v6 =	vmul.f32 v13, v10;
	v13 =	vld [tilespmem:s11+$0x5F00]  }
0x2b2: {  	[tilespmem:s11+$0x5EA0] =	vst v4;
	v4 =	vmul.f32 v11, v10;
	v11 =	vld [tilespmem:s11+$0x5F10]  }
0x2b3: {  	[tilespmem:s11+$0x5EB0] =	vst v6;
	v6 =	vmul.f32 v9, v10;
	v9 =	vld [tilespmem:s11+$0x5F20]  }
0x2b4: {  	v2 =	vbroadcast v2, $0xE;
	[tilespmem:s11+$0x5DF0] =	vst v7;
	v7 =	vmul.f32 v12, v10;
	v12 =	vld [tilespmem:s11+$0x5F30]  }
0x2b5: {  	[tilespmem:s11+$0x5ED0] =	vst v6;
	v6 =	vmul.f32 v8, v10;
	v8 =	vld [tilespmem:s11+$0x5F40]  }
0x2b6: {  	[tilespmem:s11+$0x5EE0] =	vst v7;
	v7 =	vmul.f32 v13, v2;
	v10 =	vld [tilespmem:s11+$0x5F50]  }
0x2b7: {  	[tilespmem:s11+$0x5EF0] =	vst v6;
	v6 =	vmul.f32 v11, v2;
	v11 =	vld [tilespmem:s11+$0x5F60]  }
0x2b8: {  	[tilespmem:s11+$0x5F00] =	vst v7;
	v7 =	vmul.f32 v9, v2;
	v9 =	vld [tilespmem:s11+$0x5F70]  }
0x2b9: {  	[tilespmem:s11+$0x5F10] =	vst v6;
	v6 =	vmul.f32 v12, v2;
	v12 =	vld [tilespmem:s11+$0x5F80]  }
0x2ba: {  	[tilespmem:s11+$0x5F20] =	vst v7;
	v7 =	vmul.f32 v8, v2;
	v8 =	vld [tilespmem:s11+$0x5F90]  }
0x2bb: {  	[tilespmem:s11+$0x5F30] =	vst v6;
	v6 =	vmul.f32 v10, v2;
	v10 =	vld [tilespmem:s11+$0x5FA0]  }
0x2bc: {  	[tilespmem:s11+$0x5F40] =	vst v7;
	v7 =	vmul.f32 v11, v2;
	v11 =	vld [tilespmem:s11+$0x5FB0]  }
0x2bd: {  	[tilespmem:s11+$0x5EC0] =	vst v4;
	v2 =	vmul.f32 v9, v2;
	v4 =	vld [tilespmem:s11+$0x5FC0]  }
0x2be: {  	[tilespmem:s11+$0x5F60] =	vst v7;
	v7 =	vmul.f32 v12, v5;
	v9 =	vld [tilespmem:s11+$0x5FE0]  }
0x2bf: {  	[tilespmem:s11+$0x5F70] =	vst v2;
	v2 =	vmul.f32 v8, v5;
	v8 =	vld [tilespmem:s11+$0x5FF0]  }
0x2c0: {  	[tilespmem:s11+$0x5F80] =	vst v7;
	v7 =	vmul.f32 v10, v5  }
0x2c1: {  	[tilespmem:s11+$0x5F90] =	vst v2;
	v2 =	vmul.f32 v11, v5  }
0x2c2: {  	v10 =	vmul.f32 v16, v15;
	[tilespmem:s11+$0x5FA0] =	vst v7  }
0x2c3: {  	[tilespmem:s11+$0x5FB0] =	vst v2;
	v2 =	vmul.f32 v4, v5  }
.Ltmp2:
0x2c4: {  	[tilespmem:s11+$0x5E30] =	vst v10;
	v4 =	vmul.f32 v8, v5;
	(pc) =	sbr.rel @p1 .LBB2_7-.Ltmp2, $4  }
0x2c5: {  	[tilespmem:s11+$0x5FC0] =	vst v2  }
0x2c6: {  	v2 =	vmul.f32 v9, v5;
	[tilespmem:s11+$0x5FF0] =	vst v4  }
0x2c7: {  	[tilespmem:s11+$0x5F50] =	vst v6  }
0x2c8: {  	[tilespmem:s11+$0x5FE0] =	vst v2  }
0x2c9: {  	s4 =	sadd.s32 $0x1, s4  }
0x2ca: {  	p1 =	sne.s32 s4, $0x50  }
.Ltmp3:
0x2cb: {  	_ = 	snop;
	(pc) =	sbr.rel @p1 .LBB2_4-.Ltmp3, $4  }
0x2cc: {  	_ = 	snop  }
0x2cd: {  	s12 =	sshrl.u32 s24, $0x2;
	s15 =	sshrl.u32 s25, $0x2  }
0x2ce: {  	[tilespmem:s11+$0x5E20] =	vst v3;
	s29 =	sadd.s32 s15, s12  }
0x2cf: {  	[spmem:s3] =	stream.indirect.scatter.add.f32 [tilespmem:s8], [sflag:$0x4], $0x80, s29, s7, $0xb8;
	[tilespmem:$0x1D080] =	vst v63  }
0x2d0: {  	s4 =	simm.s32 $0x3  }
0x2d1: {  	_ =	swait.ge [sflag:s4], $0x4000  }
0x2d2: {  	[sflag:s4] =	ssyncset.done $0x0  }
0x2d3: {  	s25 =	simm.s32 $0x4;
	[sflag:s4] =	ssyncadd.s32 $0xFFFFC000  }
0x2d4: {  	_ =	swait.ge [sflag:s25], $0x4000  }
0x2d5: {  	[sflag:s25] =	ssyncset.done $0x0  }
0x2d6: {  	[sflag:s25] =	ssyncadd.s32 $0xFFFFC000  }
0x2d7: {  	[bflag:$0x0] =	sbarrier.arrive $0xFFFF  }
0x2d8: {  	[tilespmem:s31], [sflag:$0x6] =	stream.linear.gather [spmem:s19], $0x2800, $0x38;
	[tilespmem:$0x1D080] =	vst v63  }
0x2d9: {  	_ =	swait.ge [sflag:s0], $0x2800  }
0x2da: {  	[sflag:s0] =	ssyncset.done $0x0  }
0x2db: {  	s26 =	rddreg [dreg:$0x5];
	[sflag:s0] =	ssyncadd.s32 $0xFFFFD800  }
0x2dc: {  	[hbm4b:s26+s5] =	stream.linear.scatter [tilespmem:s31], [sflag:$0x6], $0x2800, $0x38;
	[tilespmem:$0x1D080] =	vst v63  }
0x2dd: {  	_ =	swait.ge [sflag:s0], $0x2800  }
0x2de: {  	[sflag:s0] =	ssyncset.done $0x0  }
0x2df: {  	[sflag:s0] =	ssyncadd.s32 $0xFFFFD800  }
0x2e0: {  	[tilespmem:s31], [sflag:$0x6] =	stream.linear.gather [spmem:s20], $0x2800, $0x38;
	[tilespmem:$0x1D080] =	vst v63  }
0x2e1: {  	_ =	swait.ge [sflag:s0], $0x2800  }
0x2e2: {  	[sflag:s0] =	ssyncset.done $0x0  }
0x2e3: {  	s11 =	rddreg [dreg:$0x6];
	[sflag:s0] =	ssyncadd.s32 $0xFFFFD800  }
0x2e4: {  	[hbm4b:s11+s5] =	stream.linear.scatter [tilespmem:s31], [sflag:$0x6], $0x2800, $0x38;
	[tilespmem:$0x1D080] =	vst v63  }
0x2e5: {  	_ =	swait.ge [sflag:s0], $0x2800  }
0x2e6: {  	[sflag:s0] =	ssyncset.done $0x0  }
0x2e7: {  	[sflag:s0] =	ssyncadd.s32 $0xFFFFD800  }
0x2e8: {  	[tilespmem:s31], [sflag:$0x6] =	stream.linear.gather [spmem:s21], $0x2800, $0x38;
	[tilespmem:$0x1D080] =	vst v63  }
0x2e9: {  	_ =	swait.ge [sflag:s0], $0x2800  }
0x2ea: {  	[sflag:s0] =	ssyncset.done $0x0  }
0x2eb: {  	s12 =	rddreg [dreg:$0x7];
	[sflag:s0] =	ssyncadd.s32 $0xFFFFD800  }
0x2ec: {  	[hbm4b:s12+s5] =	stream.linear.scatter [tilespmem:s31], [sflag:$0x6], $0x2800, $0x38;
	[tilespmem:$0x1D080] =	vst v63  }
0x2ed: {  	_ =	swait.ge [sflag:s0], $0x2800  }
0x2ee: {  	[sflag:s0] =	ssyncset.done $0x0  }
0x2ef: {  	[sflag:s0] =	ssyncadd.s32 $0xFFFFD800  }
0x2f0: {  	[tilespmem:s31], [sflag:$0x6] =	stream.linear.gather [spmem:s22], $0x2800, $0x38;
	[tilespmem:$0x1D080] =	vst v63  }
0x2f1: {  	_ =	swait.ge [sflag:s0], $0x2800  }
0x2f2: {  	[sflag:s0] =	ssyncset.done $0x0  }
0x2f3: {  	s15 =	rddreg [dreg:$0x8];
	[sflag:s0] =	ssyncadd.s32 $0xFFFFD800  }
0x2f4: {  	[hbm4b:s15+s5] =	stream.linear.scatter [tilespmem:s31], [sflag:$0x6], $0x2800, $0x38;
	[tilespmem:$0x1D080] =	vst v63  }
0x2f5: {  	_ =	swait.ge [sflag:s0], $0x2800  }
0x2f6: {  	[sflag:s0] =	ssyncset.done $0x0  }
0x2f7: {  	[sflag:s0] =	ssyncadd.s32 $0xFFFFD800  }
0x2f8: {  	[tilespmem:s31], [sflag:$0x6] =	stream.linear.gather [spmem:s23], $0x2800, $0x38;
	[tilespmem:$0x1D080] =	vst v63  }
0x2f9: {  	_ =	swait.ge [sflag:s0], $0x2800  }
0x2fa: {  	[sflag:s0] =	ssyncset.done $0x0  }
0x2fb: {  	s16 =	smov.u32 s19;
	s19 =	rddreg [dreg:$0x9];
	[sflag:s0] =	ssyncadd.s32 $0xFFFFD800  }
0x2fc: {  	[hbm4b:s19+s5] =	stream.linear.scatter [tilespmem:s31], [sflag:$0x6], $0x2800, $0x38;
	[tilespmem:$0x1D080] =	vst v63  }
0x2fd: {  	_ =	swait.ge [sflag:s0], $0x2800  }
0x2fe: {  	[sflag:s0] =	ssyncset.done $0x0  }
0x2ff: {  	s18 =	smov.u32 s20;
	s20 =	rddreg [dreg:$0xd];
	[sflag:s0] =	ssyncadd.s32 $0xFFFFD800  }
0x300: {  	[tilespmem:s31], [sflag:$0x6] =	stream.linear.gather [spmem:s20], $0x2800, $0x38;
	[tilespmem:$0x1D080] =	vst v63  }
0x301: {  	_ =	swait.ge [sflag:s0], $0x2800  }
0x302: {  	[sflag:s0] =	ssyncset.done $0x0  }
0x303: {  	s25 =	smov.u32 s21;
	s21 =	rddreg [dreg:$0xa];
	[sflag:s0] =	ssyncadd.s32 $0xFFFFD800  }
0x304: {  	[hbm4b:s21+s5] =	stream.linear.scatter [tilespmem:s31], [sflag:$0x6], $0x2800, $0x38;
	[tilespmem:$0x1D080] =	vst v63  }
0x305: {  	_ =	swait.ge [sflag:s0], $0x2800  }
0x306: {  	[sflag:s0] =	ssyncset.done $0x0  }
0x307: {  	s26 =	smov.u32 s22;
	s22 =	rddreg [dreg:$0xe];
	[sflag:s0] =	ssyncadd.s32 $0xFFFFD800  }
0x308: {  	[tilespmem:s31], [sflag:$0x6] =	stream.linear.gather [spmem:s22], $0x2800, $0x38;
	[tilespmem:$0x1D080] =	vst v63  }
0x309: {  	_ =	swait.ge [sflag:s0], $0x2800  }
0x30a: {  	[sflag:s0] =	ssyncset.done $0x0  }
0x30b: {  	s29 =	smov.u32 s23;
	s23 =	rddreg [dreg:$0xb];
	[sflag:s0] =	ssyncadd.s32 $0xFFFFD800  }
0x30c: {  	[hbm4b:s23+s5] =	stream.linear.scatter [tilespmem:s31], [sflag:$0x6], $0x2800, $0x38;
	[tilespmem:$0x1D080] =	vst v63  }
0x30d: {  	_ =	swait.ge [sflag:s0], $0x2800  }
0x30e: {  	[sflag:s0] =	ssyncset.done $0x0  }
0x30f: {  	s4 =	simm.s32 @!p0 $0x1800;
	s11 =	rddreg [dreg:$0xf];
	[sflag:s0] =	ssyncadd.s32 $0xFFFFD800  }
0x310: {  	[tilespmem:s4], [sflag:$0x6] =	stream.linear.gather @!p0 [spmem:s11], $0x2800, $0x38;
	[tilespmem:$0x1D080] =	vst v63  }
0x311: {  	s11 =	simm.s32 @!p0 $0x6  }
0x312: {  	_ =	swait.ge @!p0 [sflag:s11], $0x2800  }
0x313: {  	[sflag:s11] =	ssyncset.done @!p0 $0x0  }
0x314: {  	s12 =	simm.s32 @!p0 $0x0;
	s15 =	rddreg [dreg:$0xc];
	[sflag:s11] =	ssyncadd.s32 @!p0 $0xFFFFD800  }
0x315: {  	[hbm4b:s15+s12] =	stream.linear.scatter @!p0 [tilespmem:s4], [sflag:$0x6], $0x2800, $0x38;
	[tilespmem:$0x1D080] =	vst v63  }
0x316: {  	_ =	swait.ge @!p0 [sflag:s11], $0x2800  }
0x317: {  	s13 =	sadd.s32 $0x1, s13;
	s24 =	rddreg [dreg:$0x13]  }
0x318: {  	p1 =	sne.s32 s13, s24  }
.Ltmp4:
0x319: {  	_ = 	snop;
	(pc) =	sbr.rel @p1 .LBB2_1-.Ltmp4, $3  }
0x31a: {  	_ =	sdelay $0x1  }
0x31b: {  	[sflag:s11] =	ssyncset.done @!p0 $0x0  }
0x31c: {  	[sflag:s11] =	ssyncadd.s32 @!p0 $0xFFFFD800  }
0x31d: {  	_ =	sfence.sel $0x180000  }
0x31e: {  	[bflag:$0x0] =	sbarrier.arrive $0xFFFF  }
0x31f: {  	_ =	strace $0x9000004A  }
0x320: {  	s0 =	stileid.u32;
	[bflag:$0x2] =	sbarrier.arrive $0xFFFF  }
0x321: {  	p0 =	sne.s32 s0, $0x0;
	s0 =	rddreg [dreg:$0x4]  }
0x322: {  	s0 =	sadd.s32 @!p0 $0x100000, s0  }
0x323: {  	[sflag:s0] =	ssyncadd.tile.s32 @!p0 $0x1;
	_ =	shalt  }
.Lfunc_end2:
_tile_overlayer_lowered:
.L_overlay_start_2:
0x324: {  	(tag) =	ssettag $0x2  }
0x325: {  	s0 =	rddreg [dreg:$0x0];
	s2 =	stileid.u32  }
0x326: {  	s1 =	rddreg [dreg:$0x1];
	p0 =	sne.s32 s2, $0x0  }
0x327: {  	s3 =	rddreg [dreg:$0x2];
	[bflag:$0x3] =	sbarrier.arrive $0xFFFF;
	s2 =	simm.s32 @!p0 $0x1C06  }
0x328: {  	[timem:s3], [sflag:s2] =	dma.local @!p0 [hbm:s0], s1  }
0x329: {  	s0 =	simm.s32 @!p0 $0x6  }
0x32a: {  	_ =	swait.ge @!p0 [sflag:s0], s1  }
0x32b: {  	s1 =	ssub.s32 @!p0 $0x0, s1;
	[sflag:s0] =	ssyncset.done @!p0 $0x0  }
0x32c: {  	[sflag:s0] =	ssyncadd.s32 @!p0 s1  }
0x32d: {  	[bflag:$0x3] =	sbarrier.arrive $0xFFFF  }
0x32e: {  	_ =	shalt  }

</sc_bundles>
